<compile_context>
chip_gen: v7x
topology: tpu7x:2x2x1
jax: 0.10.2.dev20260603
libtpu: 0.0.44.dev20260713+nightly
codegen_flags: <defaults>
</compile_context>

<pallas_src>
import functools

import jax
import jax.numpy as jnp
from jax import lax
from jax.experimental import pallas as pl
from jax.experimental.pallas import tpu as pltpu
from jax.experimental.pallas import tpu_sc as plsc

B = 16384
D = 64
HALF = 32
NC, NS = 2, 16
NW = NC * NS
V = 1000000

C = 512
NFULL = 1953
TAIL_START = NFULL * C
TAIL_W = V - TAIL_START
RCAP = 128
DUMP = B
OUTROWS = B + 8
SENT = 0x7FFFFFFF

_mesh = plsc.VectorSubcoreMesh(core_axis_name="c", subcore_axis_name="s")


@functools.partial(
    pl.kernel,
    mesh=_mesh,
    out_type=jax.ShapeDtypeStruct((OUTROWS, 128), jnp.float32),
    scratch_types=[
        pltpu.VMEM((4096,), jnp.int32),
        pltpu.VMEM((16400,), jnp.int32),
        pltpu.VMEM((16400,), jnp.int32),
        pltpu.VMEM((D, C), jnp.float32),
        pltpu.VMEM((D, C), jnp.float32),
        pltpu.VMEM((D, TAIL_W), jnp.float32),
        pltpu.VMEM((RCAP, 128), jnp.float32),
        pltpu.VMEM((RCAP // 16, 16), jnp.int32),
        pltpu.SemaphoreType.DMA,
        pltpu.SemaphoreType.DMA,
        pltpu.SemaphoreType.DMA,
    ],
    compiler_params=pltpu.CompilerParams(use_tc_tiling_on_sc=True,
                                         needs_layout_passes=False),
)
def _sc_stream_select(ids_hbm, table_t_hbm, tail_hbm, out_hbm, idsbuf, idlist,
                      cwork, slab0, slab1, tailslab, staging,
                      plist, sem, sm0, sm1):
    wid = lax.axis_index("s") * NC + lax.axis_index("c")
    iota = lax.iota(jnp.int32, 16)
    sentv = jnp.full((16,), SENT, jnp.int32)
    dumpv = jnp.full((16,), jnp.int32(DUMP), jnp.int32)

    def reset_plist():
        for h in range(RCAP // 16):
            plist[h] = dumpv

    def issue(k, sl, sm):
        start = jnp.minimum((k * NW + wid) * C, jnp.int32((NFULL - 1) * C))
        pltpu.async_copy(table_t_hbm.at[:, pl.ds(start, C)], sl, sm)

    def wait_slab(sl, sm):
        pltpu.make_async_copy(table_t_hbm.at[:, pl.ds(0, C)], sl, sm).wait()

    ring = [(slab0, sm0), (slab1, sm1)]
    issue(jnp.int32(0), *ring[0])
    issue(jnp.int32(1), *ring[1])

    reset_plist()

    @pl.loop(0, 16400 // 16)
    def _(i):
        idlist[pl.ds(i * 16, 16)] = sentv

    off = jnp.int32(0)
    for p in range(4):
        pltpu.sync_copy(ids_hbm.at[pl.ds(p * 4096, 4096)], idsbuf)

        @pl.loop(0, 256, init_carry=off)
        def _collect(i, acc, _p=p):
            v = idsbuf[pl.ds(i * 16, 16)]
            m = ((v >> 9) & 31) == wid
            pos = iota + (_p * 4096 + i * 16)
            packed = (pos << 15) | ((v >> 14) << 9) | (v & 511)
            plsc.store_compressed(idlist.at[pl.ds(acc, 16)], packed, mask=m)
            return acc + plsc.all_reduce_population_count(m)[0]

        off = _collect

    n_w = off
    nv = (n_w + 15) >> 4

    def flush_effects():
        copies = [
            pltpu.async_copy(staging.at[pl.ds(h * 16, 16)],
                             out_hbm.at[plist.at[h]], sem)
            for h in range(RCAP // 16)
        ]
        for cph in copies:
            cph.wait()
        reset_plist()

    def scan_chunk(ck):
        @pl.loop(0, nv, init_carry=jnp.int32(0))
        def _scan(i, n2):
            e = idlist[pl.ds(i * 16, 16)]
            m2 = ((e >> 9) & 63) == ck
            plsc.store_compressed(cwork.at[pl.ds(n2, 16)], e, mask=m2)
            return n2 + plsc.all_reduce_population_count(m2)[0]

        return _scan

    def gather_chunk(n2, slot, sl):
        ngrp = (n2 + 15) >> 4

        @pl.loop(0, ngrp, init_carry=slot)
        def _grp(g, s):
            ev = cwork[pl.ds(g * 16, 16)]
            full = s > jnp.int32(RCAP - 16)

            @pl.when(full)
            def _():
                flush_effects()

            s = jnp.where(full, jnp.int32(0), s)
            cnt = jnp.minimum(jnp.int32(16), n2 - g * 16)

            @pl.loop(0, cnt, init_carry=s)
            def _one(i, s2):
                lane = (iota == i)
                e = jnp.sum(jnp.where(lane, ev, 0))
                cc = e & 511
                pos = e >> 15
                ccv = jnp.full((16,), cc, jnp.int32)
                for j in range(4):
                    vals = plsc.load_gather(sl, [iota + 16 * j, ccv])
                    staging[s2, pl.ds(16 * j, 16)] = vals
                row = s2 >> 4
                prow = plist[row]
                plist[row] = jnp.where(iota == (s2 & 15), pos, prow)
                return s2 + 1

            return _one

        return _grp

    def ck_eff(k):
        return jnp.where(k * NW + wid <= NFULL - 1, k, jnp.int32(62))

    @pl.loop(0, 31, init_carry=jnp.int32(0))
    def _main(k2, s):
        k = k2 * 2
        for r in range(2):
            n2 = scan_chunk(ck_eff(k + r))
            wait_slab(*ring[r])
            s = gather_chunk(n2, s, ring[r][0])
            issue(k + 2 + r, *ring[r])
        return s

    wait_slab(*ring[0])
    wait_slab(*ring[1])

    def _tail(slot):
        pltpu.sync_copy(tail_hbm, tailslab)
        n2 = scan_chunk(jnp.int32(NFULL >> 5))
        return gather_chunk(n2, slot, tailslab)

    slot = lax.cond(wid == (NFULL & 31), _tail, lambda s: s, _main)
    del slot
    flush_effects()


BLK = 2048
GRID = B // BLK


def _tc_body(g_ref, bktt_ref, wbkt_ref, bb_ref, we_ref, wb2_ref, bc_ref,
             out_ref):
    f_t = jnp.dot(wbkt_ref[...], bktt_ref[...],
                  preferred_element_type=jnp.float32) + bb_ref[...]
    emb = g_ref[...][:, :D]
    y = lax.dot_general(we_ref[...], emb, (((1,), (1,)), ((), ())),
                        preferred_element_type=jnp.float32)
    y = y + jnp.dot(wb2_ref[...], f_t, preferred_element_type=jnp.float32)
    out_ref[...] = jnp.tanh(y + bc_ref[...])


_tc_dense = pl.pallas_call(
    _tc_body,
    grid=(GRID,),
    in_specs=[
        pl.BlockSpec((BLK, 128), lambda i: (i, 0)),
        pl.BlockSpec((4, BLK), lambda i: (0, i)),
        pl.BlockSpec((HALF, 4), lambda i: (0, 0)),
        pl.BlockSpec((HALF, 1), lambda i: (0, 0)),
        pl.BlockSpec((D, D), lambda i: (0, 0)),
        pl.BlockSpec((D, HALF), lambda i: (0, 0)),
        pl.BlockSpec((D, 1), lambda i: (0, 0)),
    ],
    out_specs=pl.BlockSpec((D, BLK), lambda i: (0, i)),
    out_shape=jax.ShapeDtypeStruct((D, B), jnp.float32),
)


def kernel(skill_ids, bkt_params, table, W_bkt, b_bkt, W_comb, b_comb):
    ids = skill_ids.astype(jnp.int32)
    table_t = table.T
    gathered_pad = _sc_stream_select(ids, table_t,
                                     table_t[:, TAIL_START:])
    out_t = _tc_dense(
        gathered_pad,
        bkt_params.T,
        W_bkt,
        b_bkt.reshape(HALF, 1),
        W_comb[:, :D],
        W_comb[:, D:],
        b_comb.reshape(D, 1),
    )
    return out_t.T

# --- scband reference (transcript-rebuilt; emitter-appended) ---
"""Pipeline reference for scband-simplified-skill-embedding-54503134986703 (READ-ONLY COPY).

The authoritative reference and input builder live on the scoring server;
editing this copy changes nothing except your own understanding.
"""

import jax, jax.numpy as jnp
import numpy as np

NUM_SKILLS = 1000000
EMB_DIM = 64
BATCH = 16384

def setup_inputs(seed: int = 0) -> dict:
    key = jax.random.key(seed)
    k1, k2, k3, k4, k5, k6, k7 = jax.random.split(key, 7)
    skill_ids = jax.random.randint(k1, (BATCH,), 0, NUM_SKILLS, dtype=jnp.int64 if jax.config.read('jax_enable_x64') else jnp.int32)
    bkt_params = jax.random.uniform(k2, (BATCH, 4), dtype=jnp.float32)
    table = jax.random.normal(k3, (NUM_SKILLS, EMB_DIM), dtype=jnp.float32) * 0.02
    half = EMB_DIM // 2
    W_bkt = jax.random.normal(k4, (half, 4), dtype=jnp.float32) * (1.0 / np.sqrt(4))
    b_bkt = jnp.zeros((half,), dtype=jnp.float32)
    W_comb = jax.random.normal(k5, (EMB_DIM, EMB_DIM + half), dtype=jnp.float32) * (1.0 / np.sqrt(EMB_DIM + half))
    b_comb = jnp.zeros((EMB_DIM,), dtype=jnp.float32)
    return {"skill_ids": skill_ids, "bkt_params": bkt_params, "table": table,
            "W_bkt": W_bkt, "b_bkt": b_bkt, "W_comb": W_comb, "b_comb": b_comb}

def reference(skill_ids, bkt_params, table, W_bkt, b_bkt, W_comb, b_comb):
    skill_emb = jnp.take(table, skill_ids, axis=0)
    bkt_features = bkt_params @ W_bkt.T + b_bkt
    combined = jnp.concatenate([skill_emb, bkt_features], axis=-1)
    output = combined @ W_comb.T + b_comb
    return jnp.tanh(output)

if __name__ == "__main__":
    import jax
    _d = setup_inputs()
    print(jax.jit(kernel)(*tuple(_d.values())))

</pallas_src>

<mosaic_0001>
#map = affine_map<(d0, d1) -> (0)>
#map1 = affine_map<(d0, d1) -> (0, 0)>
module attributes {stable_mosaic.version = 14 : i64} {
  func.func @_sc_stream_select(%arg0: i32, %arg1: i32, %arg2: memref<16384xi32, #tpu.memory_space<hbm>>, %arg3: memref<64x1000000xf32, #tpu.memory_space<hbm>>, %arg4: memref<64x64xf32, #tpu.memory_space<hbm>>, %arg5: memref<16392x128xf32, #tpu.memory_space<hbm>>, %arg6: memref<4096xi32, #tpu.memory_space<vmem>>, %arg7: memref<16400xi32, #tpu.memory_space<vmem>>, %arg8: memref<16400xi32, #tpu.memory_space<vmem>>, %arg9: memref<64x512xf32, #tpu.memory_space<vmem>>, %arg10: memref<64x512xf32, #tpu.memory_space<vmem>>, %arg11: memref<64x64xf32, #tpu.memory_space<vmem>>, %arg12: memref<128x128xf32, #tpu.memory_space<vmem>>, %arg13: memref<8x16xi32, #tpu.memory_space<vmem>>, %arg14: memref<!tpu.dma_semaphore, #tpu.memory_space<semaphore_mem>>, %arg15: memref<!tpu.dma_semaphore, #tpu.memory_space<semaphore_mem>>, %arg16: memref<!tpu.dma_semaphore, #tpu.memory_space<semaphore_mem>>) attributes {dimension_semantics = [#tpu.dimension_semantics<core_parallel>, #tpu.dimension_semantics<subcore_parallel>], iteration_bounds = array<i64: 2, 16>, scalar_prefetch = 0 : i64, scratch_operands = 11 : i64, tpu.core_type = #tpu.core_type<sc_vector_subcore>, window_params = [{transform_indices = #map}, {transform_indices = #map1}, {transform_indices = #map1}, {transform_indices = #map1}]} {
    %mul3A = arith.constant 2 : i32
    %mul3A_0 = arith.muli %arg1, %mul3A : i32
    %add3A = arith.addi %mul3A_0, %arg0 : i32
    %iota3A = tpu.iota {dimensions = array<i32: 0>} : vector<16xi32>
    %broadcast_in_dim3A = arith.constant 2147483647 : i32
    %broadcast_in_dim3A_1 = vector.broadcast %broadcast_in_dim3A : i32 to vector<16xi32>
    %broadcast_in_dim3A_2 = arith.constant 16384 : i32
    %broadcast_in_dim3A_3 = vector.broadcast %broadcast_in_dim3A_2 : i32 to vector<16xi32>
    %mul3A_4 = arith.constant 0 : i32
    %mul3A_5 = arith.constant 32 : i32
    %mul3A_6 = arith.muli %mul3A_4, %mul3A_5 : i32
    %add3A_7 = arith.addi %mul3A_6, %add3A : i32
    %mul3A_8 = arith.constant 512 : i32
    %mul3A_9 = arith.muli %add3A_7, %mul3A_8 : i32
    %min3A = arith.constant 999424 : i32
    %min3A_10 = arith.minsi %mul3A_9, %min3A : i32
    %dma_start3A = arith.constant 0 : i32
    %dma_start3A_11 = tpu.memref_slice %arg3[%dma_start3A, %min3A_10] : memref<64x1000000xf32, #tpu.memory_space<hbm>> -> memref<64x512xf32, #tpu.memory_space<hbm>>
    %dma_start3A_12 = arith.constant 0 : i32
    %dma_start3A_13 = tpu.memref_slice %arg3[%dma_start3A_12, %min3A_10] : memref<64x1000000xf32, #tpu.memory_space<hbm>> -> memref<64x512xf32, #tpu.memory_space<hbm>>
    tpu.enqueue_dma source(%dma_start3A_13 : memref<64x512xf32, #tpu.memory_space<hbm>>) target(%arg9 : memref<64x512xf32, #tpu.memory_space<vmem>>) target_semaphore(%arg15 : memref<!tpu.dma_semaphore, #tpu.memory_space<semaphore_mem>>)
    %mul3A_14 = arith.constant 1 : i32
    %mul3A_15 = arith.constant 32 : i32
    %mul3A_16 = arith.muli %mul3A_14, %mul3A_15 : i32
    %add3A_17 = arith.addi %mul3A_16, %add3A : i32
    %mul3A_18 = arith.constant 512 : i32
    %mul3A_19 = arith.muli %add3A_17, %mul3A_18 : i32
    %min3A_20 = arith.constant 999424 : i32
    %min3A_21 = arith.minsi %mul3A_19, %min3A_20 : i32
    %dma_start3A_22 = arith.constant 0 : i32
    %dma_start3A_23 = tpu.memref_slice %arg3[%dma_start3A_22, %min3A_21] : memref<64x1000000xf32, #tpu.memory_space<hbm>> -> memref<64x512xf32, #tpu.memory_space<hbm>>
    %dma_start3A_24 = arith.constant 0 : i32
    %dma_start3A_25 = tpu.memref_slice %arg3[%dma_start3A_24, %min3A_21] : memref<64x1000000xf32, #tpu.memory_space<hbm>> -> memref<64x512xf32, #tpu.memory_space<hbm>>
    tpu.enqueue_dma source(%dma_start3A_25 : memref<64x512xf32, #tpu.memory_space<hbm>>) target(%arg10 : memref<64x512xf32, #tpu.memory_space<vmem>>) target_semaphore(%arg16 : memref<!tpu.dma_semaphore, #tpu.memory_space<semaphore_mem>>)
    %swap3A = arith.constant 0 : i32
    %swap3A_26 = arith.index_cast %swap3A : i32 to index
    %swap3A_27 = arith.constant 0 : index
    %swap3A_28 = tpu.vector_load %arg13[%swap3A_26, %swap3A_27] {strides = array<i32>} : memref<8x16xi32, #tpu.memory_space<vmem>>, vector<16xi32>,
    tpu.vector_store %arg13[%swap3A_26, %swap3A_27], %broadcast_in_dim3A_3 {strides = array<i32>} : memref<8x16xi32, #tpu.memory_space<vmem>>, vector<16xi32>,
    %swap3A_29 = arith.constant 1 : i32
    %swap3A_30 = arith.index_cast %swap3A_29 : i32 to index
    %swap3A_31 = arith.constant 0 : index
    %swap3A_32 = tpu.vector_load %arg13[%swap3A_30, %swap3A_31] {strides = array<i32>} : memref<8x16xi32, #tpu.memory_space<vmem>>, vector<16xi32>,
    tpu.vector_store %arg13[%swap3A_30, %swap3A_31], %broadcast_in_dim3A_3 {strides = array<i32>} : memref<8x16xi32, #tpu.memory_space<vmem>>, vector<16xi32>,
    %swap3A_33 = arith.constant 2 : i32
    %swap3A_34 = arith.index_cast %swap3A_33 : i32 to index
    %swap3A_35 = arith.constant 0 : index
    %swap3A_36 = tpu.vector_load %arg13[%swap3A_34, %swap3A_35] {strides = array<i32>} : memref<8x16xi32, #tpu.memory_space<vmem>>, vector<16xi32>,
    tpu.vector_store %arg13[%swap3A_34, %swap3A_35], %broadcast_in_dim3A_3 {strides = array<i32>} : memref<8x16xi32, #tpu.memory_space<vmem>>, vector<16xi32>,
    %swap3A_37 = arith.constant 3 : i32
    %swap3A_38 = arith.index_cast %swap3A_37 : i32 to index
    %swap3A_39 = arith.constant 0 : index
    %swap3A_40 = tpu.vector_load %arg13[%swap3A_38, %swap3A_39] {strides = array<i32>} : memref<8x16xi32, #tpu.memory_space<vmem>>, vector<16xi32>,
    tpu.vector_store %arg13[%swap3A_38, %swap3A_39], %broadcast_in_dim3A_3 {strides = array<i32>} : memref<8x16xi32, #tpu.memory_space<vmem>>, vector<16xi32>,
    %swap3A_41 = arith.constant 4 : i32
    %swap3A_42 = arith.index_cast %swap3A_41 : i32 to index
    %swap3A_43 = arith.constant 0 : index
    %swap3A_44 = tpu.vector_load %arg13[%swap3A_42, %swap3A_43] {strides = array<i32>} : memref<8x16xi32, #tpu.memory_space<vmem>>, vector<16xi32>,
    tpu.vector_store %arg13[%swap3A_42, %swap3A_43], %broadcast_in_dim3A_3 {strides = array<i32>} : memref<8x16xi32, #tpu.memory_space<vmem>>, vector<16xi32>,
    %swap3A_45 = arith.constant 5 : i32
    %swap3A_46 = arith.index_cast %swap3A_45 : i32 to index
    %swap3A_47 = arith.constant 0 : index
    %swap3A_48 = tpu.vector_load %arg13[%swap3A_46, %swap3A_47] {strides = array<i32>} : memref<8x16xi32, #tpu.memory_space<vmem>>, vector<16xi32>,
    tpu.vector_store %arg13[%swap3A_46, %swap3A_47], %broadcast_in_dim3A_3 {strides = array<i32>} : memref<8x16xi32, #tpu.memory_space<vmem>>, vector<16xi32>,
    %swap3A_49 = arith.constant 6 : i32
    %swap3A_50 = arith.index_cast %swap3A_49 : i32 to index
    %swap3A_51 = arith.constant 0 : index
    %swap3A_52 = tpu.vector_load %arg13[%swap3A_50, %swap3A_51] {strides = array<i32>} : memref<8x16xi32, #tpu.memory_space<vmem>>, vector<16xi32>,
    tpu.vector_store %arg13[%swap3A_50, %swap3A_51], %broadcast_in_dim3A_3 {strides = array<i32>} : memref<8x16xi32, #tpu.memory_space<vmem>>, vector<16xi32>,
    %swap3A_53 = arith.constant 7 : i32
    %swap3A_54 = arith.index_cast %swap3A_53 : i32 to index
    %swap3A_55 = arith.constant 0 : index
    %swap3A_56 = tpu.vector_load %arg13[%swap3A_54, %swap3A_55] {strides = array<i32>} : memref<8x16xi32, #tpu.memory_space<vmem>>, vector<16xi32>,
    tpu.vector_store %arg13[%swap3A_54, %swap3A_55], %broadcast_in_dim3A_3 {strides = array<i32>} : memref<8x16xi32, #tpu.memory_space<vmem>>, vector<16xi32>,
    %scan3A = arith.constant 0 : i32
    %scan3A_57 = arith.constant 1025 : i32
    %scan3A_58 = arith.addi %scan3A, %scan3A_57 : i32
    %scan3A_59 = arith.constant 1 : i32
    scf.for %scan3A_302 = %scan3A to %scan3A_58 step %scan3A_59  : i32 {
      %mul3A_303 = arith.constant 1 : i32
      %mul3A_304 = arith.muli %scan3A_302, %mul3A_303 : i32
      %add3A_305 = arith.constant 0 : i32
      %add3A_306 = arith.addi %add3A_305, %mul3A_304 : i32
      %mul3A_307 = arith.constant 16 : i32
      %mul3A_308 = arith.muli %add3A_306, %mul3A_307 : i32
      %swap3A_309 = arith.index_cast %mul3A_308 : i32 to index
      %swap3A_310 = tpu.vector_load %arg7[%swap3A_309] {strides = array<i32>} : memref<16400xi32, #tpu.memory_space<vmem>>, vector<16xi32>,
      tpu.vector_store %arg7[%swap3A_309], %broadcast_in_dim3A_1 {strides = array<i32>} : memref<16400xi32, #tpu.memory_space<vmem>>, vector<16xi32>,
    }
    %scan3A_60 = arith.constant 1025 : i32
    "tpu.region"() ({
      %run_scoped3A = tpu.sem_alloc : memref<!tpu.dma_semaphore, #tpu.memory_space<semaphore_mem>>
      %dma_start3A_302 = arith.constant 0 : i32
      %dma_start3A_303 = tpu.memref_slice %arg2[%dma_start3A_302] : memref<16384xi32, #tpu.memory_space<hbm>> -> memref<4096xi32, #tpu.memory_space<hbm>>
      %dma_start3A_304 = arith.constant 0 : i32
      %dma_start3A_305 = tpu.memref_slice %arg2[%dma_start3A_304] : memref<16384xi32, #tpu.memory_space<hbm>> -> memref<4096xi32, #tpu.memory_space<hbm>>
      tpu.enqueue_dma source(%dma_start3A_305 : memref<4096xi32, #tpu.memory_space<hbm>>) target(%arg6 : memref<4096xi32, #tpu.memory_space<vmem>>) target_semaphore(%run_scoped3A : memref<!tpu.dma_semaphore, #tpu.memory_space<semaphore_mem>>)
      %dma_wait3A_306 = arith.constant 0 : i32
      %dma_wait3A_307 = tpu.memref_slice %arg2[%dma_wait3A_306] : memref<16384xi32, #tpu.memory_space<hbm>> -> memref<4096xi32, #tpu.memory_space<hbm>>
      %dma_wait3A_308 = arith.constant 0 : i32
      %dma_wait3A_309 = tpu.memref_slice %arg2[%dma_wait3A_308] : memref<16384xi32, #tpu.memory_space<hbm>> -> memref<4096xi32, #tpu.memory_space<hbm>>
      tpu.wait_dma2 semaphore(%run_scoped3A : memref<!tpu.dma_semaphore, #tpu.memory_space<semaphore_mem>>) src(%dma_wait3A_309 : memref<4096xi32, #tpu.memory_space<hbm>>) dst(%arg6 : memref<4096xi32, #tpu.memory_space<vmem>>)
      tpu.yield
    }) : () -> ()
    %scan3A_61 = arith.constant 0 : i32
    %scan3A_62 = arith.constant 0 : i32
    %scan3A_63 = arith.constant 256 : i32
    %scan3A_64 = arith.addi %scan3A_62, %scan3A_63 : i32
    %scan3A_65 = arith.constant 1 : i32
    %scan3A_66 = scf.for %scan3A_302 = %scan3A_62 to %scan3A_64 step %scan3A_65 iter_args(%scan3A_303 = %scan3A_61) -> (i32)  : i32 {
      %mul3A_304 = arith.constant 1 : i32
      %mul3A_305 = arith.muli %scan3A_302, %mul3A_304 : i32
      %add3A_306 = arith.constant 0 : i32
      %add3A_307 = arith.addi %add3A_306, %mul3A_305 : i32
      %mul3A_308 = arith.constant 16 : i32
      %mul3A_309 = arith.muli %add3A_307, %mul3A_308 : i32
      %get3A = arith.index_cast %mul3A_309 : i32 to index
      %get3A_310 = tpu.vector_load %arg6[%get3A] {strides = array<i32>} : memref<4096xi32, #tpu.memory_space<vmem>>, vector<16xi32>,
      %shift_right_arithmetic3A_311 = arith.constant 9 : i32
      %shift_right_arithmetic3A_312 = vector.broadcast %shift_right_arithmetic3A_311 : i32 to vector<16xi32>
      %shift_right_arithmetic3A_313 = arith.shrsi %get3A_310, %shift_right_arithmetic3A_312 : vector<16xi32>
      %and3A = arith.constant 31 : i32
      %and3A_314 = vector.broadcast %and3A : i32 to vector<16xi32>
      %and3A_315 = arith.andi %shift_right_arithmetic3A_313, %and3A_314 : vector<16xi32>
      %eq3A_316 = vector.broadcast %add3A : i32 to vector<16xi32>
      %eq3A_317 = arith.cmpi eq, %and3A_315, %eq3A_316 : vector<16xi32>
      %mul3A_318 = arith.constant 16 : i32
      %mul3A_319 = arith.muli %add3A_307, %mul3A_318 : i32
      %add3A_320 = arith.constant 0 : i32
      %add3A_321 = arith.addi %add3A_320, %mul3A_319 : i32
      %add3A_322 = vector.broadcast %add3A_321 : i32 to vector<16xi32>
      %add3A_323 = arith.addi %iota3A, %add3A_322 : vector<16xi32>
      %shift_left3A = arith.constant 15 : i32
      %shift_left3A_324 = vector.broadcast %shift_left3A : i32 to vector<16xi32>
      %shift_left3A_325 = arith.shli %add3A_323, %shift_left3A_324 : vector<16xi32>
      %shift_right_arithmetic3A_326 = arith.constant 14 : i32
      %shift_right_arithmetic3A_327 = vector.broadcast %shift_right_arithmetic3A_326 : i32 to vector<16xi32>
      %shift_right_arithmetic3A_328 = arith.shrsi %get3A_310, %shift_right_arithmetic3A_327 : vector<16xi32>
      %shift_left3A_329 = arith.constant 9 : i32
      %shift_left3A_330 = vector.broadcast %shift_left3A_329 : i32 to vector<16xi32>
      %shift_left3A_331 = arith.shli %shift_right_arithmetic3A_328, %shift_left3A_330 : vector<16xi32>
      %or3A = arith.ori %shift_left3A_325, %shift_left3A_331 : vector<16xi32>
      %and3A_332 = arith.constant 511 : i32
      %and3A_333 = vector.broadcast %and3A_332 : i32 to vector<16xi32>
      %and3A_334 = arith.andi %get3A_310, %and3A_333 : vector<16xi32>
      %or3A_335 = arith.ori %or3A, %and3A_334 : vector<16xi32>
      %swap3A_336 = arith.index_cast %scan3A_303 : i32 to index
      %swap3A_337 = tpu.vector_load %arg7[%swap3A_336] masked %eq3A_317 {strides = array<i32>} : memref<16400xi32, #tpu.memory_space<vmem>>, vector<16xi32>, vector<16xi1>
      tpu.vector_store %arg7[%swap3A_336], %or3A_335 masked %eq3A_317 {strides = array<i32>} : memref<16400xi32, #tpu.memory_space<vmem>>, vector<16xi32>, vector<16xi1>
      %all_reduce_population_count3A = tpu.all_reduce %eq3A_317 {dim = 0 : i64, kind = #tpu.reduction_kind<sum>} : vector<16xi1> -> vector<16xi32>
      %slice3A = vector.extract_strided_slice %all_reduce_population_count3A {offsets = [0], sizes = [1], strides = [1]} : vector<16xi32> to vector<1xi32>
      %squeeze3A = vector.extract %slice3A[0] : i32 from vector<1xi32>
      %add3A_338 = arith.addi %scan3A_303, %squeeze3A : i32
      scf.yield %add3A_338 : i32
    }
    %scan3A_67 = arith.constant 256 : i32
    "tpu.region"() ({
      %run_scoped3A = tpu.sem_alloc : memref<!tpu.dma_semaphore, #tpu.memory_space<semaphore_mem>>
      %dma_start3A_302 = arith.constant 4096 : i32
      %dma_start3A_303 = tpu.memref_slice %arg2[%dma_start3A_302] : memref<16384xi32, #tpu.memory_space<hbm>> -> memref<4096xi32, #tpu.memory_space<hbm>>
      %dma_start3A_304 = arith.constant 4096 : i32
      %dma_start3A_305 = tpu.memref_slice %arg2[%dma_start3A_304] : memref<16384xi32, #tpu.memory_space<hbm>> -> memref<4096xi32, #tpu.memory_space<hbm>>
      tpu.enqueue_dma source(%dma_start3A_305 : memref<4096xi32, #tpu.memory_space<hbm>>) target(%arg6 : memref<4096xi32, #tpu.memory_space<vmem>>) target_semaphore(%run_scoped3A : memref<!tpu.dma_semaphore, #tpu.memory_space<semaphore_mem>>)
      %dma_wait3A_306 = arith.constant 4096 : i32
      %dma_wait3A_307 = tpu.memref_slice %arg2[%dma_wait3A_306] : memref<16384xi32, #tpu.memory_space<hbm>> -> memref<4096xi32, #tpu.memory_space<hbm>>
      %dma_wait3A_308 = arith.constant 4096 : i32
      %dma_wait3A_309 = tpu.memref_slice %arg2[%dma_wait3A_308] : memref<16384xi32, #tpu.memory_space<hbm>> -> memref<4096xi32, #tpu.memory_space<hbm>>
      tpu.wait_dma2 semaphore(%run_scoped3A : memref<!tpu.dma_semaphore, #tpu.memory_space<semaphore_mem>>) src(%dma_wait3A_309 : memref<4096xi32, #tpu.memory_space<hbm>>) dst(%arg6 : memref<4096xi32, #tpu.memory_space<vmem>>)
      tpu.yield
    }) : () -> ()
    %scan3A_68 = arith.constant 0 : i32
    %scan3A_69 = arith.constant 256 : i32
    %scan3A_70 = arith.addi %scan3A_68, %scan3A_69 : i32
    %scan3A_71 = arith.constant 1 : i32
    %scan3A_72 = scf.for %scan3A_302 = %scan3A_68 to %scan3A_70 step %scan3A_71 iter_args(%scan3A_303 = %scan3A_66) -> (i32)  : i32 {
      %mul3A_304 = arith.constant 1 : i32
      %mul3A_305 = arith.muli %scan3A_302, %mul3A_304 : i32
      %add3A_306 = arith.constant 0 : i32
      %add3A_307 = arith.addi %add3A_306, %mul3A_305 : i32
      %mul3A_308 = arith.constant 16 : i32
      %mul3A_309 = arith.muli %add3A_307, %mul3A_308 : i32
      %get3A = arith.index_cast %mul3A_309 : i32 to index
      %get3A_310 = tpu.vector_load %arg6[%get3A] {strides = array<i32>} : memref<4096xi32, #tpu.memory_space<vmem>>, vector<16xi32>,
      %shift_right_arithmetic3A_311 = arith.constant 9 : i32
      %shift_right_arithmetic3A_312 = vector.broadcast %shift_right_arithmetic3A_311 : i32 to vector<16xi32>
      %shift_right_arithmetic3A_313 = arith.shrsi %get3A_310, %shift_right_arithmetic3A_312 : vector<16xi32>
      %and3A = arith.constant 31 : i32
      %and3A_314 = vector.broadcast %and3A : i32 to vector<16xi32>
      %and3A_315 = arith.andi %shift_right_arithmetic3A_313, %and3A_314 : vector<16xi32>
      %eq3A_316 = vector.broadcast %add3A : i32 to vector<16xi32>
      %eq3A_317 = arith.cmpi eq, %and3A_315, %eq3A_316 : vector<16xi32>
      %mul3A_318 = arith.constant 16 : i32
      %mul3A_319 = arith.muli %add3A_307, %mul3A_318 : i32
      %add3A_320 = arith.constant 4096 : i32
      %add3A_321 = arith.addi %add3A_320, %mul3A_319 : i32
      %add3A_322 = vector.broadcast %add3A_321 : i32 to vector<16xi32>
      %add3A_323 = arith.addi %iota3A, %add3A_322 : vector<16xi32>
      %shift_left3A = arith.constant 15 : i32
      %shift_left3A_324 = vector.broadcast %shift_left3A : i32 to vector<16xi32>
      %shift_left3A_325 = arith.shli %add3A_323, %shift_left3A_324 : vector<16xi32>
      %shift_right_arithmetic3A_326 = arith.constant 14 : i32
      %shift_right_arithmetic3A_327 = vector.broadcast %shift_right_arithmetic3A_326 : i32 to vector<16xi32>
      %shift_right_arithmetic3A_328 = arith.shrsi %get3A_310, %shift_right_arithmetic3A_327 : vector<16xi32>
      %shift_left3A_329 = arith.constant 9 : i32
      %shift_left3A_330 = vector.broadcast %shift_left3A_329 : i32 to vector<16xi32>
      %shift_left3A_331 = arith.shli %shift_right_arithmetic3A_328, %shift_left3A_330 : vector<16xi32>
      %or3A = arith.ori %shift_left3A_325, %shift_left3A_331 : vector<16xi32>
      %and3A_332 = arith.constant 511 : i32
      %and3A_333 = vector.broadcast %and3A_332 : i32 to vector<16xi32>
      %and3A_334 = arith.andi %get3A_310, %and3A_333 : vector<16xi32>
      %or3A_335 = arith.ori %or3A, %and3A_334 : vector<16xi32>
      %swap3A_336 = arith.index_cast %scan3A_303 : i32 to index
      %swap3A_337 = tpu.vector_load %arg7[%swap3A_336] masked %eq3A_317 {strides = array<i32>} : memref<16400xi32, #tpu.memory_space<vmem>>, vector<16xi32>, vector<16xi1>
      tpu.vector_store %arg7[%swap3A_336], %or3A_335 masked %eq3A_317 {strides = array<i32>} : memref<16400xi32, #tpu.memory_space<vmem>>, vector<16xi32>, vector<16xi1>
      %all_reduce_population_count3A = tpu.all_reduce %eq3A_317 {dim = 0 : i64, kind = #tpu.reduction_kind<sum>} : vector<16xi1> -> vector<16xi32>
      %slice3A = vector.extract_strided_slice %all_reduce_population_count3A {offsets = [0], sizes = [1], strides = [1]} : vector<16xi32> to vector<1xi32>
      %squeeze3A = vector.extract %slice3A[0] : i32 from vector<1xi32>
      %add3A_338 = arith.addi %scan3A_303, %squeeze3A : i32
      scf.yield %add3A_338 : i32
    }
    %scan3A_73 = arith.constant 256 : i32
    "tpu.region"() ({
      %run_scoped3A = tpu.sem_alloc : memref<!tpu.dma_semaphore, #tpu.memory_space<semaphore_mem>>
      %dma_start3A_302 = arith.constant 8192 : i32
      %dma_start3A_303 = tpu.memref_slice %arg2[%dma_start3A_302] : memref<16384xi32, #tpu.memory_space<hbm>> -> memref<4096xi32, #tpu.memory_space<hbm>>
      %dma_start3A_304 = arith.constant 8192 : i32
      %dma_start3A_305 = tpu.memref_slice %arg2[%dma_start3A_304] : memref<16384xi32, #tpu.memory_space<hbm>> -> memref<4096xi32, #tpu.memory_space<hbm>>
      tpu.enqueue_dma source(%dma_start3A_305 : memref<4096xi32, #tpu.memory_space<hbm>>) target(%arg6 : memref<4096xi32, #tpu.memory_space<vmem>>) target_semaphore(%run_scoped3A : memref<!tpu.dma_semaphore, #tpu.memory_space<semaphore_mem>>)
      %dma_wait3A_306 = arith.constant 8192 : i32
      %dma_wait3A_307 = tpu.memref_slice %arg2[%dma_wait3A_306] : memref<16384xi32, #tpu.memory_space<hbm>> -> memref<4096xi32, #tpu.memory_space<hbm>>
      %dma_wait3A_308 = arith.constant 8192 : i32
      %dma_wait3A_309 = tpu.memref_slice %arg2[%dma_wait3A_308] : memref<16384xi32, #tpu.memory_space<hbm>> -> memref<4096xi32, #tpu.memory_space<hbm>>
      tpu.wait_dma2 semaphore(%run_scoped3A : memref<!tpu.dma_semaphore, #tpu.memory_space<semaphore_mem>>) src(%dma_wait3A_309 : memref<4096xi32, #tpu.memory_space<hbm>>) dst(%arg6 : memref<4096xi32, #tpu.memory_space<vmem>>)
      tpu.yield
    }) : () -> ()
    %scan3A_74 = arith.constant 0 : i32
    %scan3A_75 = arith.constant 256 : i32
    %scan3A_76 = arith.addi %scan3A_74, %scan3A_75 : i32
    %scan3A_77 = arith.constant 1 : i32
    %scan3A_78 = scf.for %scan3A_302 = %scan3A_74 to %scan3A_76 step %scan3A_77 iter_args(%scan3A_303 = %scan3A_72) -> (i32)  : i32 {
      %mul3A_304 = arith.constant 1 : i32
      %mul3A_305 = arith.muli %scan3A_302, %mul3A_304 : i32
      %add3A_306 = arith.constant 0 : i32
      %add3A_307 = arith.addi %add3A_306, %mul3A_305 : i32
      %mul3A_308 = arith.constant 16 : i32
      %mul3A_309 = arith.muli %add3A_307, %mul3A_308 : i32
      %get3A = arith.index_cast %mul3A_309 : i32 to index
      %get3A_310 = tpu.vector_load %arg6[%get3A] {strides = array<i32>} : memref<4096xi32, #tpu.memory_space<vmem>>, vector<16xi32>,
      %shift_right_arithmetic3A_311 = arith.constant 9 : i32
      %shift_right_arithmetic3A_312 = vector.broadcast %shift_right_arithmetic3A_311 : i32 to vector<16xi32>
      %shift_right_arithmetic3A_313 = arith.shrsi %get3A_310, %shift_right_arithmetic3A_312 : vector<16xi32>
      %and3A = arith.constant 31 : i32
      %and3A_314 = vector.broadcast %and3A : i32 to vector<16xi32>
      %and3A_315 = arith.andi %shift_right_arithmetic3A_313, %and3A_314 : vector<16xi32>
      %eq3A_316 = vector.broadcast %add3A : i32 to vector<16xi32>
      %eq3A_317 = arith.cmpi eq, %and3A_315, %eq3A_316 : vector<16xi32>
      %mul3A_318 = arith.constant 16 : i32
      %mul3A_319 = arith.muli %add3A_307, %mul3A_318 : i32
      %add3A_320 = arith.constant 8192 : i32
      %add3A_321 = arith.addi %add3A_320, %mul3A_319 : i32
      %add3A_322 = vector.broadcast %add3A_321 : i32 to vector<16xi32>
      %add3A_323 = arith.addi %iota3A, %add3A_322 : vector<16xi32>
      %shift_left3A = arith.constant 15 : i32
      %shift_left3A_324 = vector.broadcast %shift_left3A : i32 to vector<16xi32>
      %shift_left3A_325 = arith.shli %add3A_323, %shift_left3A_324 : vector<16xi32>
      %shift_right_arithmetic3A_326 = arith.constant 14 : i32
      %shift_right_arithmetic3A_327 = vector.broadcast %shift_right_arithmetic3A_326 : i32 to vector<16xi32>
      %shift_right_arithmetic3A_328 = arith.shrsi %get3A_310, %shift_right_arithmetic3A_327 : vector<16xi32>
      %shift_left3A_329 = arith.constant 9 : i32
      %shift_left3A_330 = vector.broadcast %shift_left3A_329 : i32 to vector<16xi32>
      %shift_left3A_331 = arith.shli %shift_right_arithmetic3A_328, %shift_left3A_330 : vector<16xi32>
      %or3A = arith.ori %shift_left3A_325, %shift_left3A_331 : vector<16xi32>
      %and3A_332 = arith.constant 511 : i32
      %and3A_333 = vector.broadcast %and3A_332 : i32 to vector<16xi32>
      %and3A_334 = arith.andi %get3A_310, %and3A_333 : vector<16xi32>
      %or3A_335 = arith.ori %or3A, %and3A_334 : vector<16xi32>
      %swap3A_336 = arith.index_cast %scan3A_303 : i32 to index
      %swap3A_337 = tpu.vector_load %arg7[%swap3A_336] masked %eq3A_317 {strides = array<i32>} : memref<16400xi32, #tpu.memory_space<vmem>>, vector<16xi32>, vector<16xi1>
      tpu.vector_store %arg7[%swap3A_336], %or3A_335 masked %eq3A_317 {strides = array<i32>} : memref<16400xi32, #tpu.memory_space<vmem>>, vector<16xi32>, vector<16xi1>
      %all_reduce_population_count3A = tpu.all_reduce %eq3A_317 {dim = 0 : i64, kind = #tpu.reduction_kind<sum>} : vector<16xi1> -> vector<16xi32>
      %slice3A = vector.extract_strided_slice %all_reduce_population_count3A {offsets = [0], sizes = [1], strides = [1]} : vector<16xi32> to vector<1xi32>
      %squeeze3A = vector.extract %slice3A[0] : i32 from vector<1xi32>
      %add3A_338 = arith.addi %scan3A_303, %squeeze3A : i32
      scf.yield %add3A_338 : i32
    }
    %scan3A_79 = arith.constant 256 : i32
    "tpu.region"() ({
      %run_scoped3A = tpu.sem_alloc : memref<!tpu.dma_semaphore, #tpu.memory_space<semaphore_mem>>
      %dma_start3A_302 = arith.constant 12288 : i32
      %dma_start3A_303 = tpu.memref_slice %arg2[%dma_start3A_302] : memref<16384xi32, #tpu.memory_space<hbm>> -> memref<4096xi32, #tpu.memory_space<hbm>>
      %dma_start3A_304 = arith.constant 12288 : i32
      %dma_start3A_305 = tpu.memref_slice %arg2[%dma_start3A_304] : memref<16384xi32, #tpu.memory_space<hbm>> -> memref<4096xi32, #tpu.memory_space<hbm>>
      tpu.enqueue_dma source(%dma_start3A_305 : memref<4096xi32, #tpu.memory_space<hbm>>) target(%arg6 : memref<4096xi32, #tpu.memory_space<vmem>>) target_semaphore(%run_scoped3A : memref<!tpu.dma_semaphore, #tpu.memory_space<semaphore_mem>>)
      %dma_wait3A_306 = arith.constant 12288 : i32
      %dma_wait3A_307 = tpu.memref_slice %arg2[%dma_wait3A_306] : memref<16384xi32, #tpu.memory_space<hbm>> -> memref<4096xi32, #tpu.memory_space<hbm>>
      %dma_wait3A_308 = arith.constant 12288 : i32
      %dma_wait3A_309 = tpu.memref_slice %arg2[%dma_wait3A_308] : memref<16384xi32, #tpu.memory_space<hbm>> -> memref<4096xi32, #tpu.memory_space<hbm>>
      tpu.wait_dma2 semaphore(%run_scoped3A : memref<!tpu.dma_semaphore, #tpu.memory_space<semaphore_mem>>) src(%dma_wait3A_309 : memref<4096xi32, #tpu.memory_space<hbm>>) dst(%arg6 : memref<4096xi32, #tpu.memory_space<vmem>>)
      tpu.yield
    }) : () -> ()
    %scan3A_80 = arith.constant 0 : i32
    %scan3A_81 = arith.constant 256 : i32
    %scan3A_82 = arith.addi %scan3A_80, %scan3A_81 : i32
    %scan3A_83 = arith.constant 1 : i32
    %scan3A_84 = scf.for %scan3A_302 = %scan3A_80 to %scan3A_82 step %scan3A_83 iter_args(%scan3A_303 = %scan3A_78) -> (i32)  : i32 {
      %mul3A_304 = arith.constant 1 : i32
      %mul3A_305 = arith.muli %scan3A_302, %mul3A_304 : i32
      %add3A_306 = arith.constant 0 : i32
      %add3A_307 = arith.addi %add3A_306, %mul3A_305 : i32
      %mul3A_308 = arith.constant 16 : i32
      %mul3A_309 = arith.muli %add3A_307, %mul3A_308 : i32
      %get3A = arith.index_cast %mul3A_309 : i32 to index
      %get3A_310 = tpu.vector_load %arg6[%get3A] {strides = array<i32>} : memref<4096xi32, #tpu.memory_space<vmem>>, vector<16xi32>,
      %shift_right_arithmetic3A_311 = arith.constant 9 : i32
      %shift_right_arithmetic3A_312 = vector.broadcast %shift_right_arithmetic3A_311 : i32 to vector<16xi32>
      %shift_right_arithmetic3A_313 = arith.shrsi %get3A_310, %shift_right_arithmetic3A_312 : vector<16xi32>
      %and3A = arith.constant 31 : i32
      %and3A_314 = vector.broadcast %and3A : i32 to vector<16xi32>
      %and3A_315 = arith.andi %shift_right_arithmetic3A_313, %and3A_314 : vector<16xi32>
      %eq3A_316 = vector.broadcast %add3A : i32 to vector<16xi32>
      %eq3A_317 = arith.cmpi eq, %and3A_315, %eq3A_316 : vector<16xi32>
      %mul3A_318 = arith.constant 16 : i32
      %mul3A_319 = arith.muli %add3A_307, %mul3A_318 : i32
      %add3A_320 = arith.constant 12288 : i32
      %add3A_321 = arith.addi %add3A_320, %mul3A_319 : i32
      %add3A_322 = vector.broadcast %add3A_321 : i32 to vector<16xi32>
      %add3A_323 = arith.addi %iota3A, %add3A_322 : vector<16xi32>
      %shift_left3A = arith.constant 15 : i32
      %shift_left3A_324 = vector.broadcast %shift_left3A : i32 to vector<16xi32>
      %shift_left3A_325 = arith.shli %add3A_323, %shift_left3A_324 : vector<16xi32>
      %shift_right_arithmetic3A_326 = arith.constant 14 : i32
      %shift_right_arithmetic3A_327 = vector.broadcast %shift_right_arithmetic3A_326 : i32 to vector<16xi32>
      %shift_right_arithmetic3A_328 = arith.shrsi %get3A_310, %shift_right_arithmetic3A_327 : vector<16xi32>
      %shift_left3A_329 = arith.constant 9 : i32
      %shift_left3A_330 = vector.broadcast %shift_left3A_329 : i32 to vector<16xi32>
      %shift_left3A_331 = arith.shli %shift_right_arithmetic3A_328, %shift_left3A_330 : vector<16xi32>
      %or3A = arith.ori %shift_left3A_325, %shift_left3A_331 : vector<16xi32>
      %and3A_332 = arith.constant 511 : i32
      %and3A_333 = vector.broadcast %and3A_332 : i32 to vector<16xi32>
      %and3A_334 = arith.andi %get3A_310, %and3A_333 : vector<16xi32>
      %or3A_335 = arith.ori %or3A, %and3A_334 : vector<16xi32>
      %swap3A_336 = arith.index_cast %scan3A_303 : i32 to index
      %swap3A_337 = tpu.vector_load %arg7[%swap3A_336] masked %eq3A_317 {strides = array<i32>} : memref<16400xi32, #tpu.memory_space<vmem>>, vector<16xi32>, vector<16xi1>
      tpu.vector_store %arg7[%swap3A_336], %or3A_335 masked %eq3A_317 {strides = array<i32>} : memref<16400xi32, #tpu.memory_space<vmem>>, vector<16xi32>, vector<16xi1>
      %all_reduce_population_count3A = tpu.all_reduce %eq3A_317 {dim = 0 : i64, kind = #tpu.reduction_kind<sum>} : vector<16xi1> -> vector<16xi32>
      %slice3A = vector.extract_strided_slice %all_reduce_population_count3A {offsets = [0], sizes = [1], strides = [1]} : vector<16xi32> to vector<1xi32>
      %squeeze3A = vector.extract %slice3A[0] : i32 from vector<1xi32>
      %add3A_338 = arith.addi %scan3A_303, %squeeze3A : i32
      scf.yield %add3A_338 : i32
    }
    %scan3A_85 = arith.constant 256 : i32
    %add3A_86 = arith.constant 15 : i32
    %add3A_87 = arith.addi %scan3A_84, %add3A_86 : i32
    %shift_right_arithmetic3A = arith.constant 4 : i32
    %shift_right_arithmetic3A_88 = arith.shrsi %add3A_87, %shift_right_arithmetic3A : i32
    %scan3A_89 = arith.constant 0 : i32
    %scan3A_90 = arith.constant 0 : i32
    %scan3A_91 = arith.constant 31 : i32
    %scan3A_92 = arith.addi %scan3A_90, %scan3A_91 : i32
    %scan3A_93 = arith.constant 1 : i32
    %scan3A_94 = scf.for %scan3A_302 = %scan3A_90 to %scan3A_92 step %scan3A_93 iter_args(%scan3A_303 = %scan3A_89) -> (i32)  : i32 {
      %mul3A_304 = arith.constant 1 : i32
      %mul3A_305 = arith.muli %scan3A_302, %mul3A_304 : i32
      %add3A_306 = arith.constant 0 : i32
      %add3A_307 = arith.addi %add3A_306, %mul3A_305 : i32
      %mul3A_308 = arith.constant 2 : i32
      %mul3A_309 = arith.muli %add3A_307, %mul3A_308 : i32
      %add3A_310 = arith.constant 0 : i32
      %add3A_311 = arith.addi %mul3A_309, %add3A_310 : i32
      %mul3A_312 = arith.constant 32 : i32
      %mul3A_313 = arith.muli %add3A_311, %mul3A_312 : i32
      %add3A_314 = arith.addi %mul3A_313, %add3A : i32
      %le3A = arith.constant 1952 : i32
      %le3A_315 = arith.cmpi sle, %add3A_314, %le3A : i32
      %jit3A = arith.constant 62 : i32
      %select_n3A = arith.select %le3A_315, %add3A_311, %jit3A : i32
      %sub3A = arith.constant 0 : i32
      %sub3A_316 = arith.subi %shift_right_arithmetic3A_88, %sub3A : i32
      %sub3A_317 = arith.constant 1 : i32
      %sub3A_318 = arith.constant 1 : i32
      %sub3A_319 = arith.subi %sub3A_317, %sub3A_318 : i32
      %add3A_320 = arith.addi %sub3A_316, %sub3A_319 : i32
      %div3A = arith.constant 1 : i32
      %div3A_321 = arith.divsi %add3A_320, %div3A : i32
      %while3A = arith.constant 1 : i32
      %while3A_322 = arith.constant 0 : i32
      %while3A_323 = arith.constant 0 : i32
      %while3A_324 = arith.constant 0 : i32
      %while3A_325 = arith.subi %div3A_321, %while3A_323 : i32
      %while3A_326 = arith.addi %while3A_323, %while3A_325 : i32
      %while3A_327 = arith.constant 1 : i32
      %while3A_328 = arith.divsi %while3A_325, %while3A_327 : i32
      %while3A_329 = arith.muli %while3A_328, %while3A_327 : i32
      %while3A_330 = arith.addi %while3A_323, %while3A_329 : i32
      %while3A_331 = arith.constant 1 : i32
      %while3A_332 = scf.for %while3A_458 = %while3A_323 to %while3A_330 step %while3A_331 iter_args(%while3A_459 = %while3A_324) -> (i32)  : i32 {
        %mul3A_460 = arith.muli %while3A_458, %while3A : i32
        %add3A_461 = arith.addi %while3A_322, %mul3A_460 : i32
        %mul3A_462 = arith.constant 16 : i32
        %mul3A_463 = arith.muli %add3A_461, %mul3A_462 : i32
        %get3A = arith.index_cast %mul3A_463 : i32 to index
        %get3A_464 = tpu.vector_load %arg7[%get3A] {strides = array<i32>} : memref<16400xi32, #tpu.memory_space<vmem>>, vector<16xi32>,
        %shift_right_arithmetic3A_465 = arith.constant 9 : i32
        %shift_right_arithmetic3A_466 = vector.broadcast %shift_right_arithmetic3A_465 : i32 to vector<16xi32>
        %shift_right_arithmetic3A_467 = arith.shrsi %get3A_464, %shift_right_arithmetic3A_466 : vector<16xi32>
        %and3A = arith.constant 63 : i32
        %and3A_468 = vector.broadcast %and3A : i32 to vector<16xi32>
        %and3A_469 = arith.andi %shift_right_arithmetic3A_467, %and3A_468 : vector<16xi32>
        %eq3A_470 = vector.broadcast %select_n3A : i32 to vector<16xi32>
        %eq3A_471 = arith.cmpi eq, %and3A_469, %eq3A_470 : vector<16xi32>
        %swap3A_472 = arith.index_cast %while3A_459 : i32 to index
        %swap3A_473 = tpu.vector_load %arg8[%swap3A_472] masked %eq3A_471 {strides = array<i32>} : memref<16400xi32, #tpu.memory_space<vmem>>, vector<16xi32>, vector<16xi1>
        tpu.vector_store %arg8[%swap3A_472], %get3A_464 masked %eq3A_471 {strides = array<i32>} : memref<16400xi32, #tpu.memory_space<vmem>>, vector<16xi32>, vector<16xi1>
        %all_reduce_population_count3A = tpu.all_reduce %eq3A_471 {dim = 0 : i64, kind = #tpu.reduction_kind<sum>} : vector<16xi1> -> vector<16xi32>
        %slice3A = vector.extract_strided_slice %all_reduce_population_count3A {offsets = [0], sizes = [1], strides = [1]} : vector<16xi32> to vector<1xi32>
        %squeeze3A = vector.extract %slice3A[0] : i32 from vector<1xi32>
        %add3A_474 = arith.addi %while3A_459, %squeeze3A : i32
        scf.yield %add3A_474 : i32
      }
      %while3A_333 = arith.constant 1 : i32
      %while3A_334 = scf.for %while3A_458 = %while3A_330 to %while3A_326 step %while3A_333 iter_args(%while3A_459 = %while3A_332) -> (i32)  : i32 {
        %mul3A_460 = arith.muli %while3A_458, %while3A : i32
        %add3A_461 = arith.addi %while3A_322, %mul3A_460 : i32
        %mul3A_462 = arith.constant 16 : i32
        %mul3A_463 = arith.muli %add3A_461, %mul3A_462 : i32
        %get3A = arith.index_cast %mul3A_463 : i32 to index
        %get3A_464 = tpu.vector_load %arg7[%get3A] {strides = array<i32>} : memref<16400xi32, #tpu.memory_space<vmem>>, vector<16xi32>,
        %shift_right_arithmetic3A_465 = arith.constant 9 : i32
        %shift_right_arithmetic3A_466 = vector.broadcast %shift_right_arithmetic3A_465 : i32 to vector<16xi32>
        %shift_right_arithmetic3A_467 = arith.shrsi %get3A_464, %shift_right_arithmetic3A_466 : vector<16xi32>
        %and3A = arith.constant 63 : i32
        %and3A_468 = vector.broadcast %and3A : i32 to vector<16xi32>
        %and3A_469 = arith.andi %shift_right_arithmetic3A_467, %and3A_468 : vector<16xi32>
        %eq3A_470 = vector.broadcast %select_n3A : i32 to vector<16xi32>
        %eq3A_471 = arith.cmpi eq, %and3A_469, %eq3A_470 : vector<16xi32>
        %swap3A_472 = arith.index_cast %while3A_459 : i32 to index
        %swap3A_473 = tpu.vector_load %arg8[%swap3A_472] masked %eq3A_471 {strides = array<i32>} : memref<16400xi32, #tpu.memory_space<vmem>>, vector<16xi32>, vector<16xi1>
        tpu.vector_store %arg8[%swap3A_472], %get3A_464 masked %eq3A_471 {strides = array<i32>} : memref<16400xi32, #tpu.memory_space<vmem>>, vector<16xi32>, vector<16xi1>
        %all_reduce_population_count3A = tpu.all_reduce %eq3A_471 {dim = 0 : i64, kind = #tpu.reduction_kind<sum>} : vector<16xi1> -> vector<16xi32>
        %slice3A = vector.extract_strided_slice %all_reduce_population_count3A {offsets = [0], sizes = [1], strides = [1]} : vector<16xi32> to vector<1xi32>
        %squeeze3A = vector.extract %slice3A[0] : i32 from vector<1xi32>
        %add3A_474 = arith.addi %while3A_459, %squeeze3A : i32
        scf.yield %add3A_474 : i32
      }
      %dma_wait3A_335 = arith.constant 0 : i32
      %dma_wait3A_336 = arith.constant 0 : i32
      %dma_wait3A_337 = tpu.memref_slice %arg3[%dma_wait3A_335, %dma_wait3A_336] : memref<64x1000000xf32, #tpu.memory_space<hbm>> -> memref<64x512xf32, #tpu.memory_space<hbm>>
      %dma_wait3A_338 = arith.constant 0 : i32
      %dma_wait3A_339 = arith.constant 0 : i32
      %dma_wait3A_340 = tpu.memref_slice %arg3[%dma_wait3A_338, %dma_wait3A_339] : memref<64x1000000xf32, #tpu.memory_space<hbm>> -> memref<64x512xf32, #tpu.memory_space<hbm>>
      tpu.wait_dma2 semaphore(%arg15 : memref<!tpu.dma_semaphore, #tpu.memory_space<semaphore_mem>>) src(%dma_wait3A_340 : memref<64x512xf32, #tpu.memory_space<hbm>>) dst(%arg9 : memref<64x512xf32, #tpu.memory_space<vmem>>)
      %add3A_341 = arith.constant 15 : i32
      %add3A_342 = arith.addi %while3A_334, %add3A_341 : i32
      %shift_right_arithmetic3A_343 = arith.constant 4 : i32
      %shift_right_arithmetic3A_344 = arith.shrsi %add3A_342, %shift_right_arithmetic3A_343 : i32
      %sub3A_345 = arith.constant 0 : i32
      %sub3A_346 = arith.subi %shift_right_arithmetic3A_344, %sub3A_345 : i32
      %sub3A_347 = arith.constant 1 : i32
      %sub3A_348 = arith.constant 1 : i32
      %sub3A_349 = arith.subi %sub3A_347, %sub3A_348 : i32
      %add3A_350 = arith.addi %sub3A_346, %sub3A_349 : i32
      %div3A_351 = arith.constant 1 : i32
      %div3A_352 = arith.divsi %add3A_350, %div3A_351 : i32
      %while3A_353 = arith.constant 1 : i32
      %while3A_354 = arith.constant 0 : i32
      %while3A_355 = arith.constant 0 : i32
      %while3A_356 = arith.subi %div3A_352, %while3A_355 : i32
      %while3A_357 = arith.addi %while3A_355, %while3A_356 : i32
      %while3A_358 = arith.constant 1 : i32
      %while3A_359 = arith.divsi %while3A_356, %while3A_358 : i32
      %while3A_360 = arith.muli %while3A_359, %while3A_358 : i32
      %while3A_361 = arith.addi %while3A_355, %while3A_360 : i32
      %while3A_362 = arith.constant 1 : i32
      %while3A_363 = scf.for %while3A_458 = %while3A_355 to %while3A_361 step %while3A_362 iter_args(%while3A_459 = %scan3A_303) -> (i32)  : i32 {
        %mul3A_460 = arith.muli %while3A_458, %while3A_353 : i32
        %add3A_461 = arith.addi %while3A_354, %mul3A_460 : i32
        %mul3A_462 = arith.constant 16 : i32
        %mul3A_463 = arith.muli %add3A_461, %mul3A_462 : i32
        %get3A = arith.index_cast %mul3A_463 : i32 to index
        %get3A_464 = tpu.vector_load %arg8[%get3A] {strides = array<i32>} : memref<16400xi32, #tpu.memory_space<vmem>>, vector<16xi32>,
        %gt3A = arith.constant 112 : i32
        %gt3A_465 = arith.cmpi sgt, %while3A_459, %gt3A : i32
        %convert_element_type3A_466 = arith.extui %gt3A_465 : i1 to i32
        %cond3A_467 = arith.constant 0 : i32
        %cond3A_468 = arith.cmpi ne, %convert_element_type3A_466, %cond3A_467 : i32
        scf.if %cond3A_468 {
          %dma_start3A_497 = arith.constant 0 : i32
          %dma_start3A_498 = arith.constant 0 : i32
          %dma_start3A_499 = arith.constant 0 : i32
          %dma_start3A_500 = tpu.memref_slice %arg12[%dma_start3A_498, %dma_start3A_499] : memref<128x128xf32, #tpu.memory_space<vmem>> -> memref<16x128xf32, #tpu.memory_space<vmem>>
          %dma_start3A_501 = arith.constant 0 : i32
          %dma_start3A_502 = tpu.memref_slice %arg13[%dma_start3A_497, %dma_start3A_501] : memref<8x16xi32, #tpu.memory_space<vmem>> -> memref<1x16xi32, #tpu.memory_space<vmem>>
          %dma_start3A_503 = tpu.memref_squeeze %dma_start3A_502 : memref<1x16xi32, #tpu.memory_space<vmem>> -> memref<16xi32, #tpu.memory_space<vmem>>
          %dma_start3A_504 = arith.constant 0 : i32
          %dma_start3A_505 = arith.constant 0 : i32
          %dma_start3A_506 = tpu.memref_slice %arg5[%dma_start3A_504, %dma_start3A_505] : memref<16392x128xf32, #tpu.memory_space<hbm>> -> memref<16392x128xf32, #tpu.memory_space<hbm>>
          tpu.enqueue_indirect_dma source(%dma_start3A_500 : memref<16x128xf32, #tpu.memory_space<vmem>>) target(%dma_start3A_506 : memref<16392x128xf32, #tpu.memory_space<hbm>>) offsets(%dma_start3A_503 : memref<16xi32, #tpu.memory_space<vmem>>) semaphore(%arg14 : memref<!tpu.dma_semaphore, #tpu.memory_space<semaphore_mem>>)
          %dma_start3A_507 = arith.constant 1 : i32
          %dma_start3A_508 = arith.constant 16 : i32
          %dma_start3A_509 = arith.constant 0 : i32
          %dma_start3A_510 = tpu.memref_slice %arg12[%dma_start3A_508, %dma_start3A_509] : memref<128x128xf32, #tpu.memory_space<vmem>> -> memref<16x128xf32, #tpu.memory_space<vmem>>
          %dma_start3A_511 = arith.constant 0 : i32
          %dma_start3A_512 = tpu.memref_slice %arg13[%dma_start3A_507, %dma_start3A_511] : memref<8x16xi32, #tpu.memory_space<vmem>> -> memref<1x16xi32, #tpu.memory_space<vmem>>
          %dma_start3A_513 = tpu.memref_squeeze %dma_start3A_512 : memref<1x16xi32, #tpu.memory_space<vmem>> -> memref<16xi32, #tpu.memory_space<vmem>>
          %dma_start3A_514 = arith.constant 0 : i32
          %dma_start3A_515 = arith.constant 0 : i32
          %dma_start3A_516 = tpu.memref_slice %arg5[%dma_start3A_514, %dma_start3A_515] : memref<16392x128xf32, #tpu.memory_space<hbm>> -> memref<16392x128xf32, #tpu.memory_space<hbm>>
          tpu.enqueue_indirect_dma source(%dma_start3A_510 : memref<16x128xf32, #tpu.memory_space<vmem>>) target(%dma_start3A_516 : memref<16392x128xf32, #tpu.memory_space<hbm>>) offsets(%dma_start3A_513 : memref<16xi32, #tpu.memory_space<vmem>>) semaphore(%arg14 : memref<!tpu.dma_semaphore, #tpu.memory_space<semaphore_mem>>)
          %dma_start3A_517 = arith.constant 2 : i32
          %dma_start3A_518 = arith.constant 32 : i32
          %dma_start3A_519 = arith.constant 0 : i32
          %dma_start3A_520 = tpu.memref_slice %arg12[%dma_start3A_518, %dma_start3A_519] : memref<128x128xf32, #tpu.memory_space<vmem>> -> memref<16x128xf32, #tpu.memory_space<vmem>>
          %dma_start3A_521 = arith.constant 0 : i32
          %dma_start3A_522 = tpu.memref_slice %arg13[%dma_start3A_517, %dma_start3A_521] : memref<8x16xi32, #tpu.memory_space<vmem>> -> memref<1x16xi32, #tpu.memory_space<vmem>>
          %dma_start3A_523 = tpu.memref_squeeze %dma_start3A_522 : memref<1x16xi32, #tpu.memory_space<vmem>> -> memref<16xi32, #tpu.memory_space<vmem>>
          %dma_start3A_524 = arith.constant 0 : i32
          %dma_start3A_525 = arith.constant 0 : i32
          %dma_start3A_526 = tpu.memref_slice %arg5[%dma_start3A_524, %dma_start3A_525] : memref<16392x128xf32, #tpu.memory_space<hbm>> -> memref<16392x128xf32, #tpu.memory_space<hbm>>
          tpu.enqueue_indirect_dma source(%dma_start3A_520 : memref<16x128xf32, #tpu.memory_space<vmem>>) target(%dma_start3A_526 : memref<16392x128xf32, #tpu.memory_space<hbm>>) offsets(%dma_start3A_523 : memref<16xi32, #tpu.memory_space<vmem>>) semaphore(%arg14 : memref<!tpu.dma_semaphore, #tpu.memory_space<semaphore_mem>>)
          %dma_start3A_527 = arith.constant 3 : i32
          %dma_start3A_528 = arith.constant 48 : i32
          %dma_start3A_529 = arith.constant 0 : i32
          %dma_start3A_530 = tpu.memref_slice %arg12[%dma_start3A_528, %dma_start3A_529] : memref<128x128xf32, #tpu.memory_space<vmem>> -> memref<16x128xf32, #tpu.memory_space<vmem>>
          %dma_start3A_531 = arith.constant 0 : i32
          %dma_start3A_532 = tpu.memref_slice %arg13[%dma_start3A_527, %dma_start3A_531] : memref<8x16xi32, #tpu.memory_space<vmem>> -> memref<1x16xi32, #tpu.memory_space<vmem>>
          %dma_start3A_533 = tpu.memref_squeeze %dma_start3A_532 : memref<1x16xi32, #tpu.memory_space<vmem>> -> memref<16xi32, #tpu.memory_space<vmem>>
          %dma_start3A_534 = arith.constant 0 : i32
          %dma_start3A_535 = arith.constant 0 : i32
          %dma_start3A_536 = tpu.memref_slice %arg5[%dma_start3A_534, %dma_start3A_535] : memref<16392x128xf32, #tpu.memory_space<hbm>> -> memref<16392x128xf32, #tpu.memory_space<hbm>>
          tpu.enqueue_indirect_dma source(%dma_start3A_530 : memref<16x128xf32, #tpu.memory_space<vmem>>) target(%dma_start3A_536 : memref<16392x128xf32, #tpu.memory_space<hbm>>) offsets(%dma_start3A_533 : memref<16xi32, #tpu.memory_space<vmem>>) semaphore(%arg14 : memref<!tpu.dma_semaphore, #tpu.memory_space<semaphore_mem>>)
          %dma_start3A_537 = arith.constant 4 : i32
          %dma_start3A_538 = arith.constant 64 : i32
          %dma_start3A_539 = arith.constant 0 : i32
          %dma_start3A_540 = tpu.memref_slice %arg12[%dma_start3A_538, %dma_start3A_539] : memref<128x128xf32, #tpu.memory_space<vmem>> -> memref<16x128xf32, #tpu.memory_space<vmem>>
          %dma_start3A_541 = arith.constant 0 : i32
          %dma_start3A_542 = tpu.memref_slice %arg13[%dma_start3A_537, %dma_start3A_541] : memref<8x16xi32, #tpu.memory_space<vmem>> -> memref<1x16xi32, #tpu.memory_space<vmem>>
          %dma_start3A_543 = tpu.memref_squeeze %dma_start3A_542 : memref<1x16xi32, #tpu.memory_space<vmem>> -> memref<16xi32, #tpu.memory_space<vmem>>
          %dma_start3A_544 = arith.constant 0 : i32
          %dma_start3A_545 = arith.constant 0 : i32
          %dma_start3A_546 = tpu.memref_slice %arg5[%dma_start3A_544, %dma_start3A_545] : memref<16392x128xf32, #tpu.memory_space<hbm>> -> memref<16392x128xf32, #tpu.memory_space<hbm>>
          tpu.enqueue_indirect_dma source(%dma_start3A_540 : memref<16x128xf32, #tpu.memory_space<vmem>>) target(%dma_start3A_546 : memref<16392x128xf32, #tpu.memory_space<hbm>>) offsets(%dma_start3A_543 : memref<16xi32, #tpu.memory_space<vmem>>) semaphore(%arg14 : memref<!tpu.dma_semaphore, #tpu.memory_space<semaphore_mem>>)
          %dma_start3A_547 = arith.constant 5 : i32
          %dma_start3A_548 = arith.constant 80 : i32
          %dma_start3A_549 = arith.constant 0 : i32
          %dma_start3A_550 = tpu.memref_slice %arg12[%dma_start3A_548, %dma_start3A_549] : memref<128x128xf32, #tpu.memory_space<vmem>> -> memref<16x128xf32, #tpu.memory_space<vmem>>
          %dma_start3A_551 = arith.constant 0 : i32
          %dma_start3A_552 = tpu.memref_slice %arg13[%dma_start3A_547, %dma_start3A_551] : memref<8x16xi32, #tpu.memory_space<vmem>> -> memref<1x16xi32, #tpu.memory_space<vmem>>
          %dma_start3A_553 = tpu.memref_squeeze %dma_start3A_552 : memref<1x16xi32, #tpu.memory_space<vmem>> -> memref<16xi32, #tpu.memory_space<vmem>>
          %dma_start3A_554 = arith.constant 0 : i32
          %dma_start3A_555 = arith.constant 0 : i32
          %dma_start3A_556 = tpu.memref_slice %arg5[%dma_start3A_554, %dma_start3A_555] : memref<16392x128xf32, #tpu.memory_space<hbm>> -> memref<16392x128xf32, #tpu.memory_space<hbm>>
          tpu.enqueue_indirect_dma source(%dma_start3A_550 : memref<16x128xf32, #tpu.memory_space<vmem>>) target(%dma_start3A_556 : memref<16392x128xf32, #tpu.memory_space<hbm>>) offsets(%dma_start3A_553 : memref<16xi32, #tpu.memory_space<vmem>>) semaphore(%arg14 : memref<!tpu.dma_semaphore, #tpu.memory_space<semaphore_mem>>)
          %dma_start3A_557 = arith.constant 6 : i32
          %dma_start3A_558 = arith.constant 96 : i32
          %dma_start3A_559 = arith.constant 0 : i32
          %dma_start3A_560 = tpu.memref_slice %arg12[%dma_start3A_558, %dma_start3A_559] : memref<128x128xf32, #tpu.memory_space<vmem>> -> memref<16x128xf32, #tpu.memory_space<vmem>>
          %dma_start3A_561 = arith.constant 0 : i32
          %dma_start3A_562 = tpu.memref_slice %arg13[%dma_start3A_557, %dma_start3A_561] : memref<8x16xi32, #tpu.memory_space<vmem>> -> memref<1x16xi32, #tpu.memory_space<vmem>>
          %dma_start3A_563 = tpu.memref_squeeze %dma_start3A_562 : memref<1x16xi32, #tpu.memory_space<vmem>> -> memref<16xi32, #tpu.memory_space<vmem>>
          %dma_start3A_564 = arith.constant 0 : i32
          %dma_start3A_565 = arith.constant 0 : i32
          %dma_start3A_566 = tpu.memref_slice %arg5[%dma_start3A_564, %dma_start3A_565] : memref<16392x128xf32, #tpu.memory_space<hbm>> -> memref<16392x128xf32, #tpu.memory_space<hbm>>
          tpu.enqueue_indirect_dma source(%dma_start3A_560 : memref<16x128xf32, #tpu.memory_space<vmem>>) target(%dma_start3A_566 : memref<16392x128xf32, #tpu.memory_space<hbm>>) offsets(%dma_start3A_563 : memref<16xi32, #tpu.memory_space<vmem>>) semaphore(%arg14 : memref<!tpu.dma_semaphore, #tpu.memory_space<semaphore_mem>>)
          %dma_start3A_567 = arith.constant 7 : i32
          %dma_start3A_568 = arith.constant 112 : i32
          %dma_start3A_569 = arith.constant 0 : i32
          %dma_start3A_570 = tpu.memref_slice %arg12[%dma_start3A_568, %dma_start3A_569] : memref<128x128xf32, #tpu.memory_space<vmem>> -> memref<16x128xf32, #tpu.memory_space<vmem>>
          %dma_start3A_571 = arith.constant 0 : i32
          %dma_start3A_572 = tpu.memref_slice %arg13[%dma_start3A_567, %dma_start3A_571] : memref<8x16xi32, #tpu.memory_space<vmem>> -> memref<1x16xi32, #tpu.memory_space<vmem>>
          %dma_start3A_573 = tpu.memref_squeeze %dma_start3A_572 : memref<1x16xi32, #tpu.memory_space<vmem>> -> memref<16xi32, #tpu.memory_space<vmem>>
          %dma_start3A_574 = arith.constant 0 : i32
          %dma_start3A_575 = arith.constant 0 : i32
          %dma_start3A_576 = tpu.memref_slice %arg5[%dma_start3A_574, %dma_start3A_575] : memref<16392x128xf32, #tpu.memory_space<hbm>> -> memref<16392x128xf32, #tpu.memory_space<hbm>>
          tpu.enqueue_indirect_dma source(%dma_start3A_570 : memref<16x128xf32, #tpu.memory_space<vmem>>) target(%dma_start3A_576 : memref<16392x128xf32, #tpu.memory_space<hbm>>) offsets(%dma_start3A_573 : memref<16xi32, #tpu.memory_space<vmem>>) semaphore(%arg14 : memref<!tpu.dma_semaphore, #tpu.memory_space<semaphore_mem>>)
          %dma_wait3A_577 = arith.constant 0 : i32
          %dma_wait3A_578 = arith.constant 0 : i32
          %dma_wait3A_579 = arith.constant 0 : i32
          %dma_wait3A_580 = tpu.memref_slice %arg12[%dma_wait3A_578, %dma_wait3A_579] : memref<128x128xf32, #tpu.memory_space<vmem>> -> memref<16x128xf32, #tpu.memory_space<vmem>>
          %dma_wait3A_581 = arith.constant 0 : i32
          %dma_wait3A_582 = tpu.memref_slice %arg13[%dma_wait3A_577, %dma_wait3A_581] : memref<8x16xi32, #tpu.memory_space<vmem>> -> memref<1x16xi32, #tpu.memory_space<vmem>>
          %dma_wait3A_583 = tpu.memref_squeeze %dma_wait3A_582 : memref<1x16xi32, #tpu.memory_space<vmem>> -> memref<16xi32, #tpu.memory_space<vmem>>
          %dma_wait3A_584 = arith.constant 0 : i32
          %dma_wait3A_585 = arith.constant 0 : i32
          %dma_wait3A_586 = tpu.memref_slice %arg5[%dma_wait3A_584, %dma_wait3A_585] : memref<16392x128xf32, #tpu.memory_space<hbm>> -> memref<16392x128xf32, #tpu.memory_space<hbm>>
          tpu.wait_indirect_dma semaphore(%arg14 : memref<!tpu.dma_semaphore, #tpu.memory_space<semaphore_mem>>) src(%dma_wait3A_580 : memref<16x128xf32, #tpu.memory_space<vmem>>) dst(%dma_wait3A_586 : memref<16392x128xf32, #tpu.memory_space<hbm>>)
          %dma_wait3A_587 = arith.constant 1 : i32
          %dma_wait3A_588 = arith.constant 16 : i32
          %dma_wait3A_589 = arith.constant 0 : i32
          %dma_wait3A_590 = tpu.memref_slice %arg12[%dma_wait3A_588, %dma_wait3A_589] : memref<128x128xf32, #tpu.memory_space<vmem>> -> memref<16x128xf32, #tpu.memory_space<vmem>>
          %dma_wait3A_591 = arith.constant 0 : i32
          %dma_wait3A_592 = tpu.memref_slice %arg13[%dma_wait3A_587, %dma_wait3A_591] : memref<8x16xi32, #tpu.memory_space<vmem>> -> memref<1x16xi32, #tpu.memory_space<vmem>>
          %dma_wait3A_593 = tpu.memref_squeeze %dma_wait3A_592 : memref<1x16xi32, #tpu.memory_space<vmem>> -> memref<16xi32, #tpu.memory_space<vmem>>
          %dma_wait3A_594 = arith.constant 0 : i32
          %dma_wait3A_595 = arith.constant 0 : i32
          %dma_wait3A_596 = tpu.memref_slice %arg5[%dma_wait3A_594, %dma_wait3A_595] : memref<16392x128xf32, #tpu.memory_space<hbm>> -> memref<16392x128xf32, #tpu.memory_space<hbm>>
          tpu.wait_indirect_dma semaphore(%arg14 : memref<!tpu.dma_semaphore, #tpu.memory_space<semaphore_mem>>) src(%dma_wait3A_590 : memref<16x128xf32, #tpu.memory_space<vmem>>) dst(%dma_wait3A_596 : memref<16392x128xf32, #tpu.memory_space<hbm>>)
          %dma_wait3A_597 = arith.constant 2 : i32
          %dma_wait3A_598 = arith.constant 32 : i32
          %dma_wait3A_599 = arith.constant 0 : i32
          %dma_wait3A_600 = tpu.memref_slice %arg12[%dma_wait3A_598, %dma_wait3A_599] : memref<128x128xf32, #tpu.memory_space<vmem>> -> memref<16x128xf32, #tpu.memory_space<vmem>>
          %dma_wait3A_601 = arith.constant 0 : i32
          %dma_wait3A_602 = tpu.memref_slice %arg13[%dma_wait3A_597, %dma_wait3A_601] : memref<8x16xi32, #tpu.memory_space<vmem>> -> memref<1x16xi32, #tpu.memory_space<vmem>>
          %dma_wait3A_603 = tpu.memref_squeeze %dma_wait3A_602 : memref<1x16xi32, #tpu.memory_space<vmem>> -> memref<16xi32, #tpu.memory_space<vmem>>
          %dma_wait3A_604 = arith.constant 0 : i32
          %dma_wait3A_605 = arith.constant 0 : i32
          %dma_wait3A_606 = tpu.memref_slice %arg5[%dma_wait3A_604, %dma_wait3A_605] : memref<16392x128xf32, #tpu.memory_space<hbm>> -> memref<16392x128xf32, #tpu.memory_space<hbm>>
          tpu.wait_indirect_dma semaphore(%arg14 : memref<!tpu.dma_semaphore, #tpu.memory_space<semaphore_mem>>) src(%dma_wait3A_600 : memref<16x128xf32, #tpu.memory_space<vmem>>) dst(%dma_wait3A_606 : memref<16392x128xf32, #tpu.memory_space<hbm>>)
          %dma_wait3A_607 = arith.constant 3 : i32
          %dma_wait3A_608 = arith.constant 48 : i32
          %dma_wait3A_609 = arith.constant 0 : i32
          %dma_wait3A_610 = tpu.memref_slice %arg12[%dma_wait3A_608, %dma_wait3A_609] : memref<128x128xf32, #tpu.memory_space<vmem>> -> memref<16x128xf32, #tpu.memory_space<vmem>>
          %dma_wait3A_611 = arith.constant 0 : i32
          %dma_wait3A_612 = tpu.memref_slice %arg13[%dma_wait3A_607, %dma_wait3A_611] : memref<8x16xi32, #tpu.memory_space<vmem>> -> memref<1x16xi32, #tpu.memory_space<vmem>>
          %dma_wait3A_613 = tpu.memref_squeeze %dma_wait3A_612 : memref<1x16xi32, #tpu.memory_space<vmem>> -> memref<16xi32, #tpu.memory_space<vmem>>
          %dma_wait3A_614 = arith.constant 0 : i32
          %dma_wait3A_615 = arith.constant 0 : i32
          %dma_wait3A_616 = tpu.memref_slice %arg5[%dma_wait3A_614, %dma_wait3A_615] : memref<16392x128xf32, #tpu.memory_space<hbm>> -> memref<16392x128xf32, #tpu.memory_space<hbm>>
          tpu.wait_indirect_dma semaphore(%arg14 : memref<!tpu.dma_semaphore, #tpu.memory_space<semaphore_mem>>) src(%dma_wait3A_610 : memref<16x128xf32, #tpu.memory_space<vmem>>) dst(%dma_wait3A_616 : memref<16392x128xf32, #tpu.memory_space<hbm>>)
          %dma_wait3A_617 = arith.constant 4 : i32
          %dma_wait3A_618 = arith.constant 64 : i32
          %dma_wait3A_619 = arith.constant 0 : i32
          %dma_wait3A_620 = tpu.memref_slice %arg12[%dma_wait3A_618, %dma_wait3A_619] : memref<128x128xf32, #tpu.memory_space<vmem>> -> memref<16x128xf32, #tpu.memory_space<vmem>>
          %dma_wait3A_621 = arith.constant 0 : i32
          %dma_wait3A_622 = tpu.memref_slice %arg13[%dma_wait3A_617, %dma_wait3A_621] : memref<8x16xi32, #tpu.memory_space<vmem>> -> memref<1x16xi32, #tpu.memory_space<vmem>>
          %dma_wait3A_623 = tpu.memref_squeeze %dma_wait3A_622 : memref<1x16xi32, #tpu.memory_space<vmem>> -> memref<16xi32, #tpu.memory_space<vmem>>
          %dma_wait3A_624 = arith.constant 0 : i32
          %dma_wait3A_625 = arith.constant 0 : i32
          %dma_wait3A_626 = tpu.memref_slice %arg5[%dma_wait3A_624, %dma_wait3A_625] : memref<16392x128xf32, #tpu.memory_space<hbm>> -> memref<16392x128xf32, #tpu.memory_space<hbm>>
          tpu.wait_indirect_dma semaphore(%arg14 : memref<!tpu.dma_semaphore, #tpu.memory_space<semaphore_mem>>) src(%dma_wait3A_620 : memref<16x128xf32, #tpu.memory_space<vmem>>) dst(%dma_wait3A_626 : memref<16392x128xf32, #tpu.memory_space<hbm>>)
          %dma_wait3A_627 = arith.constant 5 : i32
          %dma_wait3A_628 = arith.constant 80 : i32
          %dma_wait3A_629 = arith.constant 0 : i32
          %dma_wait3A_630 = tpu.memref_slice %arg12[%dma_wait3A_628, %dma_wait3A_629] : memref<128x128xf32, #tpu.memory_space<vmem>> -> memref<16x128xf32, #tpu.memory_space<vmem>>
          %dma_wait3A_631 = arith.constant 0 : i32
          %dma_wait3A_632 = tpu.memref_slice %arg13[%dma_wait3A_627, %dma_wait3A_631] : memref<8x16xi32, #tpu.memory_space<vmem>> -> memref<1x16xi32, #tpu.memory_space<vmem>>
          %dma_wait3A_633 = tpu.memref_squeeze %dma_wait3A_632 : memref<1x16xi32, #tpu.memory_space<vmem>> -> memref<16xi32, #tpu.memory_space<vmem>>
          %dma_wait3A_634 = arith.constant 0 : i32
          %dma_wait3A_635 = arith.constant 0 : i32
          %dma_wait3A_636 = tpu.memref_slice %arg5[%dma_wait3A_634, %dma_wait3A_635] : memref<16392x128xf32, #tpu.memory_space<hbm>> -> memref<16392x128xf32, #tpu.memory_space<hbm>>
          tpu.wait_indirect_dma semaphore(%arg14 : memref<!tpu.dma_semaphore, #tpu.memory_space<semaphore_mem>>) src(%dma_wait3A_630 : memref<16x128xf32, #tpu.memory_space<vmem>>) dst(%dma_wait3A_636 : memref<16392x128xf32, #tpu.memory_space<hbm>>)
          %dma_wait3A_637 = arith.constant 6 : i32
          %dma_wait3A_638 = arith.constant 96 : i32
          %dma_wait3A_639 = arith.constant 0 : i32
          %dma_wait3A_640 = tpu.memref_slice %arg12[%dma_wait3A_638, %dma_wait3A_639] : memref<128x128xf32, #tpu.memory_space<vmem>> -> memref<16x128xf32, #tpu.memory_space<vmem>>
          %dma_wait3A_641 = arith.constant 0 : i32
          %dma_wait3A_642 = tpu.memref_slice %arg13[%dma_wait3A_637, %dma_wait3A_641] : memref<8x16xi32, #tpu.memory_space<vmem>> -> memref<1x16xi32, #tpu.memory_space<vmem>>
          %dma_wait3A_643 = tpu.memref_squeeze %dma_wait3A_642 : memref<1x16xi32, #tpu.memory_space<vmem>> -> memref<16xi32, #tpu.memory_space<vmem>>
          %dma_wait3A_644 = arith.constant 0 : i32
          %dma_wait3A_645 = arith.constant 0 : i32
          %dma_wait3A_646 = tpu.memref_slice %arg5[%dma_wait3A_644, %dma_wait3A_645] : memref<16392x128xf32, #tpu.memory_space<hbm>> -> memref<16392x128xf32, #tpu.memory_space<hbm>>
          tpu.wait_indirect_dma semaphore(%arg14 : memref<!tpu.dma_semaphore, #tpu.memory_space<semaphore_mem>>) src(%dma_wait3A_640 : memref<16x128xf32, #tpu.memory_space<vmem>>) dst(%dma_wait3A_646 : memref<16392x128xf32, #tpu.memory_space<hbm>>)
          %dma_wait3A_647 = arith.constant 7 : i32
          %dma_wait3A_648 = arith.constant 112 : i32
          %dma_wait3A_649 = arith.constant 0 : i32
          %dma_wait3A_650 = tpu.memref_slice %arg12[%dma_wait3A_648, %dma_wait3A_649] : memref<128x128xf32, #tpu.memory_space<vmem>> -> memref<16x128xf32, #tpu.memory_space<vmem>>
          %dma_wait3A_651 = arith.constant 0 : i32
          %dma_wait3A_652 = tpu.memref_slice %arg13[%dma_wait3A_647, %dma_wait3A_651] : memref<8x16xi32, #tpu.memory_space<vmem>> -> memref<1x16xi32, #tpu.memory_space<vmem>>
          %dma_wait3A_653 = tpu.memref_squeeze %dma_wait3A_652 : memref<1x16xi32, #tpu.memory_space<vmem>> -> memref<16xi32, #tpu.memory_space<vmem>>
          %dma_wait3A_654 = arith.constant 0 : i32
          %dma_wait3A_655 = arith.constant 0 : i32
          %dma_wait3A_656 = tpu.memref_slice %arg5[%dma_wait3A_654, %dma_wait3A_655] : memref<16392x128xf32, #tpu.memory_space<hbm>> -> memref<16392x128xf32, #tpu.memory_space<hbm>>
          tpu.wait_indirect_dma semaphore(%arg14 : memref<!tpu.dma_semaphore, #tpu.memory_space<semaphore_mem>>) src(%dma_wait3A_650 : memref<16x128xf32, #tpu.memory_space<vmem>>) dst(%dma_wait3A_656 : memref<16392x128xf32, #tpu.memory_space<hbm>>)
          %swap3A_657 = arith.constant 0 : i32
          %swap3A_658 = arith.index_cast %swap3A_657 : i32 to index
          %swap3A_659 = arith.constant 0 : index
          %swap3A_660 = tpu.vector_load %arg13[%swap3A_658, %swap3A_659] {strides = array<i32>} : memref<8x16xi32, #tpu.memory_space<vmem>>, vector<16xi32>,
          tpu.vector_store %arg13[%swap3A_658, %swap3A_659], %broadcast_in_dim3A_3 {strides = array<i32>} : memref<8x16xi32, #tpu.memory_space<vmem>>, vector<16xi32>,
          %swap3A_661 = arith.constant 1 : i32
          %swap3A_662 = arith.index_cast %swap3A_661 : i32 to index
          %swap3A_663 = arith.constant 0 : index
          %swap3A_664 = tpu.vector_load %arg13[%swap3A_662, %swap3A_663] {strides = array<i32>} : memref<8x16xi32, #tpu.memory_space<vmem>>, vector<16xi32>,
          tpu.vector_store %arg13[%swap3A_662, %swap3A_663], %broadcast_in_dim3A_3 {strides = array<i32>} : memref<8x16xi32, #tpu.memory_space<vmem>>, vector<16xi32>,
          %swap3A_665 = arith.constant 2 : i32
          %swap3A_666 = arith.index_cast %swap3A_665 : i32 to index
          %swap3A_667 = arith.constant 0 : index
          %swap3A_668 = tpu.vector_load %arg13[%swap3A_666, %swap3A_667] {strides = array<i32>} : memref<8x16xi32, #tpu.memory_space<vmem>>, vector<16xi32>,
          tpu.vector_store %arg13[%swap3A_666, %swap3A_667], %broadcast_in_dim3A_3 {strides = array<i32>} : memref<8x16xi32, #tpu.memory_space<vmem>>, vector<16xi32>,
          %swap3A_669 = arith.constant 3 : i32
          %swap3A_670 = arith.index_cast %swap3A_669 : i32 to index
          %swap3A_671 = arith.constant 0 : index
          %swap3A_672 = tpu.vector_load %arg13[%swap3A_670, %swap3A_671] {strides = array<i32>} : memref<8x16xi32, #tpu.memory_space<vmem>>, vector<16xi32>,
          tpu.vector_store %arg13[%swap3A_670, %swap3A_671], %broadcast_in_dim3A_3 {strides = array<i32>} : memref<8x16xi32, #tpu.memory_space<vmem>>, vector<16xi32>,
          %swap3A_673 = arith.constant 4 : i32
          %swap3A_674 = arith.index_cast %swap3A_673 : i32 to index
          %swap3A_675 = arith.constant 0 : index
          %swap3A_676 = tpu.vector_load %arg13[%swap3A_674, %swap3A_675] {strides = array<i32>} : memref<8x16xi32, #tpu.memory_space<vmem>>, vector<16xi32>,
          tpu.vector_store %arg13[%swap3A_674, %swap3A_675], %broadcast_in_dim3A_3 {strides = array<i32>} : memref<8x16xi32, #tpu.memory_space<vmem>>, vector<16xi32>,
          %swap3A_677 = arith.constant 5 : i32
          %swap3A_678 = arith.index_cast %swap3A_677 : i32 to index
          %swap3A_679 = arith.constant 0 : index
          %swap3A_680 = tpu.vector_load %arg13[%swap3A_678, %swap3A_679] {strides = array<i32>} : memref<8x16xi32, #tpu.memory_space<vmem>>, vector<16xi32>,
          tpu.vector_store %arg13[%swap3A_678, %swap3A_679], %broadcast_in_dim3A_3 {strides = array<i32>} : memref<8x16xi32, #tpu.memory_space<vmem>>, vector<16xi32>,
          %swap3A_681 = arith.constant 6 : i32
          %swap3A_682 = arith.index_cast %swap3A_681 : i32 to index
          %swap3A_683 = arith.constant 0 : index
          %swap3A_684 = tpu.vector_load %arg13[%swap3A_682, %swap3A_683] {strides = array<i32>} : memref<8x16xi32, #tpu.memory_space<vmem>>, vector<16xi32>,
          tpu.vector_store %arg13[%swap3A_682, %swap3A_683], %broadcast_in_dim3A_3 {strides = array<i32>} : memref<8x16xi32, #tpu.memory_space<vmem>>, vector<16xi32>,
          %swap3A_685 = arith.constant 7 : i32
          %swap3A_686 = arith.index_cast %swap3A_685 : i32 to index
          %swap3A_687 = arith.constant 0 : index
          %swap3A_688 = tpu.vector_load %arg13[%swap3A_686, %swap3A_687] {strides = array<i32>} : memref<8x16xi32, #tpu.memory_space<vmem>>, vector<16xi32>,
          tpu.vector_store %arg13[%swap3A_686, %swap3A_687], %broadcast_in_dim3A_3 {strides = array<i32>} : memref<8x16xi32, #tpu.memory_space<vmem>>, vector<16xi32>,
        } else {
        }
        %jit3A_469 = arith.constant 0 : i32
        %select_n3A_470 = arith.select %gt3A_465, %jit3A_469, %while3A_459 : i32
        %mul3A_471 = arith.constant 16 : i32
        %mul3A_472 = arith.muli %add3A_461, %mul3A_471 : i32
        %sub3A_473 = arith.subi %while3A_334, %mul3A_472 : i32
        %min3A_474 = arith.constant 16 : i32
        %min3A_475 = arith.minsi %min3A_474, %sub3A_473 : i32
        %sub3A_476 = arith.constant 0 : i32
        %sub3A_477 = arith.subi %min3A_475, %sub3A_476 : i32
        %sub3A_478 = arith.constant 1 : i32
        %sub3A_479 = arith.constant 1 : i32
        %sub3A_480 = arith.subi %sub3A_478, %sub3A_479 : i32
        %add3A_481 = arith.addi %sub3A_477, %sub3A_480 : i32
        %div3A_482 = arith.constant 1 : i32
        %div3A_483 = arith.divsi %add3A_481, %div3A_482 : i32
        %while3A_484 = arith.constant 1 : i32
        %while3A_485 = arith.constant 0 : i32
        %while3A_486 = arith.constant 0 : i32
        %while3A_487 = arith.subi %div3A_483, %while3A_486 : i32
        %while3A_488 = arith.addi %while3A_486, %while3A_487 : i32
        %while3A_489 = arith.constant 1 : i32
        %while3A_490 = arith.divsi %while3A_487, %while3A_489 : i32
        %while3A_491 = arith.muli %while3A_490, %while3A_489 : i32
        %while3A_492 = arith.addi %while3A_486, %while3A_491 : i32
        %while3A_493 = arith.constant 1 : i32
        %while3A_494 = scf.for %while3A_497 = %while3A_486 to %while3A_492 step %while3A_493 iter_args(%while3A_498 = %select_n3A_470) -> (i32)  : i32 {
          %mul3A_499 = arith.muli %while3A_497, %while3A_484 : i32
          %add3A_500 = arith.addi %while3A_485, %mul3A_499 : i32
          %eq3A_501 = vector.broadcast %add3A_500 : i32 to vector<16xi32>
          %eq3A_502 = arith.cmpi eq, %iota3A, %eq3A_501 : vector<16xi32>
          %jit3A_503 = arith.constant 0 : i32
          %broadcast_in_dim3A_504 = vector.broadcast %jit3A_503 : i32 to vector<16xi32>
          %select_n3A_505 = arith.select %eq3A_502, %get3A_464, %broadcast_in_dim3A_504 : vector<16xi1>, vector<16xi32>
          %reduce_sum3A = arith.constant true
          %reduce_sum3A_506 = vector.broadcast %reduce_sum3A : i1 to vector<16xi1>
          %reduce_sum3A_507 = tpu.scan <sum>, %select_n3A_505 masked %reduce_sum3A_506 : vector<16xi32>, vector<16xi1> -> vector<16xi32>
          %reduce_sum3A_508 = vector.extract %reduce_sum3A_507[15] : i32 from vector<16xi32>
          %and3A = arith.constant 511 : i32
          %and3A_509 = arith.andi %reduce_sum3A_508, %and3A : i32
          %shift_right_arithmetic3A_510 = arith.constant 15 : i32
          %shift_right_arithmetic3A_511 = arith.shrsi %reduce_sum3A_508, %shift_right_arithmetic3A_510 : i32
          %broadcast_in_dim3A_512 = vector.broadcast %and3A_509 : i32 to vector<16xi32>
          %add3A_513 = arith.constant 0 : i32
          %add3A_514 = vector.broadcast %add3A_513 : i32 to vector<16xi32>
          %add3A_515 = arith.addi %iota3A, %add3A_514 : vector<16xi32>
          %gather3A = tpu.vector_load_idx %arg9[%add3A_515, %broadcast_in_dim3A_512] : memref<64x512xf32, #tpu.memory_space<vmem>>[vector<16xi32>, vector<16xi32>], vector<16xf32>,
          %swap3A_516 = arith.index_cast %while3A_498 : i32 to index
          %swap3A_517 = arith.constant 0 : index
          %swap3A_518 = tpu.vector_load %arg12[%swap3A_516, %swap3A_517] {strides = array<i32>} : memref<128x128xf32, #tpu.memory_space<vmem>>, vector<16xf32>,
          tpu.vector_store %arg12[%swap3A_516, %swap3A_517], %gather3A {strides = array<i32>} : memref<128x128xf32, #tpu.memory_space<vmem>>, vector<16xf32>,
          %add3A_519 = arith.constant 16 : i32
          %add3A_520 = vector.broadcast %add3A_519 : i32 to vector<16xi32>
          %add3A_521 = arith.addi %iota3A, %add3A_520 : vector<16xi32>
          %gather3A_522 = tpu.vector_load_idx %arg9[%add3A_521, %broadcast_in_dim3A_512] : memref<64x512xf32, #tpu.memory_space<vmem>>[vector<16xi32>, vector<16xi32>], vector<16xf32>,
          %swap3A_523 = arith.index_cast %while3A_498 : i32 to index
          %swap3A_524 = arith.constant 16 : index
          %swap3A_525 = tpu.vector_load %arg12[%swap3A_523, %swap3A_524] {strides = array<i32>} : memref<128x128xf32, #tpu.memory_space<vmem>>, vector<16xf32>,
          tpu.vector_store %arg12[%swap3A_523, %swap3A_524], %gather3A_522 {strides = array<i32>} : memref<128x128xf32, #tpu.memory_space<vmem>>, vector<16xf32>,
          %add3A_526 = arith.constant 32 : i32
          %add3A_527 = vector.broadcast %add3A_526 : i32 to vector<16xi32>
          %add3A_528 = arith.addi %iota3A, %add3A_527 : vector<16xi32>
          %gather3A_529 = tpu.vector_load_idx %arg9[%add3A_528, %broadcast_in_dim3A_512] : memref<64x512xf32, #tpu.memory_space<vmem>>[vector<16xi32>, vector<16xi32>], vector<16xf32>,
          %swap3A_530 = arith.index_cast %while3A_498 : i32 to index
          %swap3A_531 = arith.constant 32 : index
          %swap3A_532 = tpu.vector_load %arg12[%swap3A_530, %swap3A_531] {strides = array<i32>} : memref<128x128xf32, #tpu.memory_space<vmem>>, vector<16xf32>,
          tpu.vector_store %arg12[%swap3A_530, %swap3A_531], %gather3A_529 {strides = array<i32>} : memref<128x128xf32, #tpu.memory_space<vmem>>, vector<16xf32>,
          %add3A_533 = arith.constant 48 : i32
          %add3A_534 = vector.broadcast %add3A_533 : i32 to vector<16xi32>
          %add3A_535 = arith.addi %iota3A, %add3A_534 : vector<16xi32>
          %gather3A_536 = tpu.vector_load_idx %arg9[%add3A_535, %broadcast_in_dim3A_512] : memref<64x512xf32, #tpu.memory_space<vmem>>[vector<16xi32>, vector<16xi32>], vector<16xf32>,
          %swap3A_537 = arith.index_cast %while3A_498 : i32 to index
          %swap3A_538 = arith.constant 48 : index
          %swap3A_539 = tpu.vector_load %arg12[%swap3A_537, %swap3A_538] {strides = array<i32>} : memref<128x128xf32, #tpu.memory_space<vmem>>, vector<16xf32>,
          tpu.vector_store %arg12[%swap3A_537, %swap3A_538], %gather3A_536 {strides = array<i32>} : memref<128x128xf32, #tpu.memory_space<vmem>>, vector<16xf32>,
          %shift_right_arithmetic3A_540 = arith.constant 4 : i32
          %shift_right_arithmetic3A_541 = arith.shrsi %while3A_498, %shift_right_arithmetic3A_540 : i32
          %get3A_542 = arith.index_cast %shift_right_arithmetic3A_541 : i32 to index
          %get3A_543 = arith.constant 0 : index
          %get3A_544 = tpu.vector_load %arg13[%get3A_542, %get3A_543] {strides = array<i32>} : memref<8x16xi32, #tpu.memory_space<vmem>>, vector<16xi32>,
          %and3A_545 = arith.constant 15 : i32
          %and3A_546 = arith.andi %while3A_498, %and3A_545 : i32
          %eq3A_547 = vector.broadcast %and3A_546 : i32 to vector<16xi32>
          %eq3A_548 = arith.cmpi eq, %iota3A, %eq3A_547 : vector<16xi32>
          %broadcast_in_dim3A_549 = vector.broadcast %shift_right_arithmetic3A_511 : i32 to vector<16xi32>
          %select_n3A_550 = arith.select %eq3A_548, %broadcast_in_dim3A_549, %get3A_544 : vector<16xi1>, vector<16xi32>
          %swap3A_551 = arith.index_cast %shift_right_arithmetic3A_541 : i32 to index
          %swap3A_552 = arith.constant 0 : index
          %swap3A_553 = tpu.vector_load %arg13[%swap3A_551, %swap3A_552] {strides = array<i32>} : memref<8x16xi32, #tpu.memory_space<vmem>>, vector<16xi32>,
          tpu.vector_store %arg13[%swap3A_551, %swap3A_552], %select_n3A_550 {strides = array<i32>} : memref<8x16xi32, #tpu.memory_space<vmem>>, vector<16xi32>,
          %add3A_554 = arith.constant 1 : i32
          %add3A_555 = arith.addi %while3A_498, %add3A_554 : i32
          scf.yield %add3A_555 : i32
        }
        %while3A_495 = arith.constant 1 : i32
        %while3A_496 = scf.for %while3A_497 = %while3A_492 to %while3A_488 step %while3A_495 iter_args(%while3A_498 = %while3A_494) -> (i32)  : i32 {
          %mul3A_499 = arith.muli %while3A_497, %while3A_484 : i32
          %add3A_500 = arith.addi %while3A_485, %mul3A_499 : i32
          %eq3A_501 = vector.broadcast %add3A_500 : i32 to vector<16xi32>
          %eq3A_502 = arith.cmpi eq, %iota3A, %eq3A_501 : vector<16xi32>
          %jit3A_503 = arith.constant 0 : i32
          %broadcast_in_dim3A_504 = vector.broadcast %jit3A_503 : i32 to vector<16xi32>
          %select_n3A_505 = arith.select %eq3A_502, %get3A_464, %broadcast_in_dim3A_504 : vector<16xi1>, vector<16xi32>
          %reduce_sum3A = arith.constant true
          %reduce_sum3A_506 = vector.broadcast %reduce_sum3A : i1 to vector<16xi1>
          %reduce_sum3A_507 = tpu.scan <sum>, %select_n3A_505 masked %reduce_sum3A_506 : vector<16xi32>, vector<16xi1> -> vector<16xi32>
          %reduce_sum3A_508 = vector.extract %reduce_sum3A_507[15] : i32 from vector<16xi32>
          %and3A = arith.constant 511 : i32
          %and3A_509 = arith.andi %reduce_sum3A_508, %and3A : i32
          %shift_right_arithmetic3A_510 = arith.constant 15 : i32
          %shift_right_arithmetic3A_511 = arith.shrsi %reduce_sum3A_508, %shift_right_arithmetic3A_510 : i32
          %broadcast_in_dim3A_512 = vector.broadcast %and3A_509 : i32 to vector<16xi32>
          %add3A_513 = arith.constant 0 : i32
          %add3A_514 = vector.broadcast %add3A_513 : i32 to vector<16xi32>
          %add3A_515 = arith.addi %iota3A, %add3A_514 : vector<16xi32>
          %gather3A = tpu.vector_load_idx %arg9[%add3A_515, %broadcast_in_dim3A_512] : memref<64x512xf32, #tpu.memory_space<vmem>>[vector<16xi32>, vector<16xi32>], vector<16xf32>,
          %swap3A_516 = arith.index_cast %while3A_498 : i32 to index
          %swap3A_517 = arith.constant 0 : index
          %swap3A_518 = tpu.vector_load %arg12[%swap3A_516, %swap3A_517] {strides = array<i32>} : memref<128x128xf32, #tpu.memory_space<vmem>>, vector<16xf32>,
          tpu.vector_store %arg12[%swap3A_516, %swap3A_517], %gather3A {strides = array<i32>} : memref<128x128xf32, #tpu.memory_space<vmem>>, vector<16xf32>,
          %add3A_519 = arith.constant 16 : i32
          %add3A_520 = vector.broadcast %add3A_519 : i32 to vector<16xi32>
          %add3A_521 = arith.addi %iota3A, %add3A_520 : vector<16xi32>
          %gather3A_522 = tpu.vector_load_idx %arg9[%add3A_521, %broadcast_in_dim3A_512] : memref<64x512xf32, #tpu.memory_space<vmem>>[vector<16xi32>, vector<16xi32>], vector<16xf32>,
          %swap3A_523 = arith.index_cast %while3A_498 : i32 to index
          %swap3A_524 = arith.constant 16 : index
          %swap3A_525 = tpu.vector_load %arg12[%swap3A_523, %swap3A_524] {strides = array<i32>} : memref<128x128xf32, #tpu.memory_space<vmem>>, vector<16xf32>,
          tpu.vector_store %arg12[%swap3A_523, %swap3A_524], %gather3A_522 {strides = array<i32>} : memref<128x128xf32, #tpu.memory_space<vmem>>, vector<16xf32>,
          %add3A_526 = arith.constant 32 : i32
          %add3A_527 = vector.broadcast %add3A_526 : i32 to vector<16xi32>
          %add3A_528 = arith.addi %iota3A, %add3A_527 : vector<16xi32>
          %gather3A_529 = tpu.vector_load_idx %arg9[%add3A_528, %broadcast_in_dim3A_512] : memref<64x512xf32, #tpu.memory_space<vmem>>[vector<16xi32>, vector<16xi32>], vector<16xf32>,
          %swap3A_530 = arith.index_cast %while3A_498 : i32 to index
          %swap3A_531 = arith.constant 32 : index
          %swap3A_532 = tpu.vector_load %arg12[%swap3A_530, %swap3A_531] {strides = array<i32>} : memref<128x128xf32, #tpu.memory_space<vmem>>, vector<16xf32>,
          tpu.vector_store %arg12[%swap3A_530, %swap3A_531], %gather3A_529 {strides = array<i32>} : memref<128x128xf32, #tpu.memory_space<vmem>>, vector<16xf32>,
          %add3A_533 = arith.constant 48 : i32
          %add3A_534 = vector.broadcast %add3A_533 : i32 to vector<16xi32>
          %add3A_535 = arith.addi %iota3A, %add3A_534 : vector<16xi32>
          %gather3A_536 = tpu.vector_load_idx %arg9[%add3A_535, %broadcast_in_dim3A_512] : memref<64x512xf32, #tpu.memory_space<vmem>>[vector<16xi32>, vector<16xi32>], vector<16xf32>,
          %swap3A_537 = arith.index_cast %while3A_498 : i32 to index
          %swap3A_538 = arith.constant 48 : index
          %swap3A_539 = tpu.vector_load %arg12[%swap3A_537, %swap3A_538] {strides = array<i32>} : memref<128x128xf32, #tpu.memory_space<vmem>>, vector<16xf32>,
          tpu.vector_store %arg12[%swap3A_537, %swap3A_538], %gather3A_536 {strides = array<i32>} : memref<128x128xf32, #tpu.memory_space<vmem>>, vector<16xf32>,
          %shift_right_arithmetic3A_540 = arith.constant 4 : i32
          %shift_right_arithmetic3A_541 = arith.shrsi %while3A_498, %shift_right_arithmetic3A_540 : i32
          %get3A_542 = arith.index_cast %shift_right_arithmetic3A_541 : i32 to index
          %get3A_543 = arith.constant 0 : index
          %get3A_544 = tpu.vector_load %arg13[%get3A_542, %get3A_543] {strides = array<i32>} : memref<8x16xi32, #tpu.memory_space<vmem>>, vector<16xi32>,
          %and3A_545 = arith.constant 15 : i32
          %and3A_546 = arith.andi %while3A_498, %and3A_545 : i32
          %eq3A_547 = vector.broadcast %and3A_546 : i32 to vector<16xi32>
          %eq3A_548 = arith.cmpi eq, %iota3A, %eq3A_547 : vector<16xi32>
          %broadcast_in_dim3A_549 = vector.broadcast %shift_right_arithmetic3A_511 : i32 to vector<16xi32>
          %select_n3A_550 = arith.select %eq3A_548, %broadcast_in_dim3A_549, %get3A_544 : vector<16xi1>, vector<16xi32>
          %swap3A_551 = arith.index_cast %shift_right_arithmetic3A_541 : i32 to index
          %swap3A_552 = arith.constant 0 : index
          %swap3A_553 = tpu.vector_load %arg13[%swap3A_551, %swap3A_552] {strides = array<i32>} : memref<8x16xi32, #tpu.memory_space<vmem>>, vector<16xi32>,
          tpu.vector_store %arg13[%swap3A_551, %swap3A_552], %select_n3A_550 {strides = array<i32>} : memref<8x16xi32, #tpu.memory_space<vmem>>, vector<16xi32>,
          %add3A_554 = arith.constant 1 : i32
          %add3A_555 = arith.addi %while3A_498, %add3A_554 : i32
          scf.yield %add3A_555 : i32
        }
        scf.yield %while3A_496 : i32
      }
      %while3A_364 = arith.constant 1 : i32
      %while3A_365 = scf.for %while3A_458 = %while3A_361 to %while3A_357 step %while3A_364 iter_args(%while3A_459 = %while3A_363) -> (i32)  : i32 {
        %mul3A_460 = arith.muli %while3A_458, %while3A_353 : i32
        %add3A_461 = arith.addi %while3A_354, %mul3A_460 : i32
        %mul3A_462 = arith.constant 16 : i32
        %mul3A_463 = arith.muli %add3A_461, %mul3A_462 : i32
        %get3A = arith.index_cast %mul3A_463 : i32 to index
        %get3A_464 = tpu.vector_load %arg8[%get3A] {strides = array<i32>} : memref<16400xi32, #tpu.memory_space<vmem>>, vector<16xi32>,
        %gt3A = arith.constant 112 : i32
        %gt3A_465 = arith.cmpi sgt, %while3A_459, %gt3A : i32
        %convert_element_type3A_466 = arith.extui %gt3A_465 : i1 to i32
        %cond3A_467 = arith.constant 0 : i32
        %cond3A_468 = arith.cmpi ne, %convert_element_type3A_466, %cond3A_467 : i32
        scf.if %cond3A_468 {
          %dma_start3A_497 = arith.constant 0 : i32
          %dma_start3A_498 = arith.constant 0 : i32
          %dma_start3A_499 = arith.constant 0 : i32
          %dma_start3A_500 = tpu.memref_slice %arg12[%dma_start3A_498, %dma_start3A_499] : memref<128x128xf32, #tpu.memory_space<vmem>> -> memref<16x128xf32, #tpu.memory_space<vmem>>
          %dma_start3A_501 = arith.constant 0 : i32
          %dma_start3A_502 = tpu.memref_slice %arg13[%dma_start3A_497, %dma_start3A_501] : memref<8x16xi32, #tpu.memory_space<vmem>> -> memref<1x16xi32, #tpu.memory_space<vmem>>
          %dma_start3A_503 = tpu.memref_squeeze %dma_start3A_502 : memref<1x16xi32, #tpu.memory_space<vmem>> -> memref<16xi32, #tpu.memory_space<vmem>>
          %dma_start3A_504 = arith.constant 0 : i32
          %dma_start3A_505 = arith.constant 0 : i32
          %dma_start3A_506 = tpu.memref_slice %arg5[%dma_start3A_504, %dma_start3A_505] : memref<16392x128xf32, #tpu.memory_space<hbm>> -> memref<16392x128xf32, #tpu.memory_space<hbm>>
          tpu.enqueue_indirect_dma source(%dma_start3A_500 : memref<16x128xf32, #tpu.memory_space<vmem>>) target(%dma_start3A_506 : memref<16392x128xf32, #tpu.memory_space<hbm>>) offsets(%dma_start3A_503 : memref<16xi32, #tpu.memory_space<vmem>>) semaphore(%arg14 : memref<!tpu.dma_semaphore, #tpu.memory_space<semaphore_mem>>)
          %dma_start3A_507 = arith.constant 1 : i32
          %dma_start3A_508 = arith.constant 16 : i32
          %dma_start3A_509 = arith.constant 0 : i32
          %dma_start3A_510 = tpu.memref_slice %arg12[%dma_start3A_508, %dma_start3A_509] : memref<128x128xf32, #tpu.memory_space<vmem>> -> memref<16x128xf32, #tpu.memory_space<vmem>>
          %dma_start3A_511 = arith.constant 0 : i32
          %dma_start3A_512 = tpu.memref_slice %arg13[%dma_start3A_507, %dma_start3A_511] : memref<8x16xi32, #tpu.memory_space<vmem>> -> memref<1x16xi32, #tpu.memory_space<vmem>>
          %dma_start3A_513 = tpu.memref_squeeze %dma_start3A_512 : memref<1x16xi32, #tpu.memory_space<vmem>> -> memref<16xi32, #tpu.memory_space<vmem>>
          %dma_start3A_514 = arith.constant 0 : i32
          %dma_start3A_515 = arith.constant 0 : i32
          %dma_start3A_516 = tpu.memref_slice %arg5[%dma_start3A_514, %dma_start3A_515] : memref<16392x128xf32, #tpu.memory_space<hbm>> -> memref<16392x128xf32, #tpu.memory_space<hbm>>
          tpu.enqueue_indirect_dma source(%dma_start3A_510 : memref<16x128xf32, #tpu.memory_space<vmem>>) target(%dma_start3A_516 : memref<16392x128xf32, #tpu.memory_space<hbm>>) offsets(%dma_start3A_513 : memref<16xi32, #tpu.memory_space<vmem>>) semaphore(%arg14 : memref<!tpu.dma_semaphore, #tpu.memory_space<semaphore_mem>>)
          %dma_start3A_517 = arith.constant 2 : i32
          %dma_start3A_518 = arith.constant 32 : i32
          %dma_start3A_519 = arith.constant 0 : i32
          %dma_start3A_520 = tpu.memref_slice %arg12[%dma_start3A_518, %dma_start3A_519] : memref<128x128xf32, #tpu.memory_space<vmem>> -> memref<16x128xf32, #tpu.memory_space<vmem>>
          %dma_start3A_521 = arith.constant 0 : i32
          %dma_start3A_522 = tpu.memref_slice %arg13[%dma_start3A_517, %dma_start3A_521] : memref<8x16xi32, #tpu.memory_space<vmem>> -> memref<1x16xi32, #tpu.memory_space<vmem>>
          %dma_start3A_523 = tpu.memref_squeeze %dma_start3A_522 : memref<1x16xi32, #tpu.memory_space<vmem>> -> memref<16xi32, #tpu.memory_space<vmem>>
          %dma_start3A_524 = arith.constant 0 : i32
          %dma_start3A_525 = arith.constant 0 : i32
          %dma_start3A_526 = tpu.memref_slice %arg5[%dma_start3A_524, %dma_start3A_525] : memref<16392x128xf32, #tpu.memory_space<hbm>> -> memref<16392x128xf32, #tpu.memory_space<hbm>>
          tpu.enqueue_indirect_dma source(%dma_start3A_520 : memref<16x128xf32, #tpu.memory_space<vmem>>) target(%dma_start3A_526 : memref<16392x128xf32, #tpu.memory_space<hbm>>) offsets(%dma_start3A_523 : memref<16xi32, #tpu.memory_space<vmem>>) semaphore(%arg14 : memref<!tpu.dma_semaphore, #tpu.memory_space<semaphore_mem>>)
          %dma_start3A_527 = arith.constant 3 : i32
          %dma_start3A_528 = arith.constant 48 : i32
          %dma_start3A_529 = arith.constant 0 : i32
          %dma_start3A_530 = tpu.memref_slice %arg12[%dma_start3A_528, %dma_start3A_529] : memref<128x128xf32, #tpu.memory_space<vmem>> -> memref<16x128xf32, #tpu.memory_space<vmem>>
          %dma_start3A_531 = arith.constant 0 : i32
          %dma_start3A_532 = tpu.memref_slice %arg13[%dma_start3A_527, %dma_start3A_531] : memref<8x16xi32, #tpu.memory_space<vmem>> -> memref<1x16xi32, #tpu.memory_space<vmem>>
          %dma_start3A_533 = tpu.memref_squeeze %dma_start3A_532 : memref<1x16xi32, #tpu.memory_space<vmem>> -> memref<16xi32, #tpu.memory_space<vmem>>
          %dma_start3A_534 = arith.constant 0 : i32
          %dma_start3A_535 = arith.constant 0 : i32
          %dma_start3A_536 = tpu.memref_slice %arg5[%dma_start3A_534, %dma_start3A_535] : memref<16392x128xf32, #tpu.memory_space<hbm>> -> memref<16392x128xf32, #tpu.memory_space<hbm>>
          tpu.enqueue_indirect_dma source(%dma_start3A_530 : memref<16x128xf32, #tpu.memory_space<vmem>>) target(%dma_start3A_536 : memref<16392x128xf32, #tpu.memory_space<hbm>>) offsets(%dma_start3A_533 : memref<16xi32, #tpu.memory_space<vmem>>) semaphore(%arg14 : memref<!tpu.dma_semaphore, #tpu.memory_space<semaphore_mem>>)
          %dma_start3A_537 = arith.constant 4 : i32
          %dma_start3A_538 = arith.constant 64 : i32
          %dma_start3A_539 = arith.constant 0 : i32
          %dma_start3A_540 = tpu.memref_slice %arg12[%dma_start3A_538, %dma_start3A_539] : memref<128x128xf32, #tpu.memory_space<vmem>> -> memref<16x128xf32, #tpu.memory_space<vmem>>
          %dma_start3A_541 = arith.constant 0 : i32
          %dma_start3A_542 = tpu.memref_slice %arg13[%dma_start3A_537, %dma_start3A_541] : memref<8x16xi32, #tpu.memory_space<vmem>> -> memref<1x16xi32, #tpu.memory_space<vmem>>
          %dma_start3A_543 = tpu.memref_squeeze %dma_start3A_542 : memref<1x16xi32, #tpu.memory_space<vmem>> -> memref<16xi32, #tpu.memory_space<vmem>>
          %dma_start3A_544 = arith.constant 0 : i32
          %dma_start3A_545 = arith.constant 0 : i32
          %dma_start3A_546 = tpu.memref_slice %arg5[%dma_start3A_544, %dma_start3A_545] : memref<16392x128xf32, #tpu.memory_space<hbm>> -> memref<16392x128xf32, #tpu.memory_space<hbm>>
          tpu.enqueue_indirect_dma source(%dma_start3A_540 : memref<16x128xf32, #tpu.memory_space<vmem>>) target(%dma_start3A_546 : memref<16392x128xf32, #tpu.memory_space<hbm>>) offsets(%dma_start3A_543 : memref<16xi32, #tpu.memory_space<vmem>>) semaphore(%arg14 : memref<!tpu.dma_semaphore, #tpu.memory_space<semaphore_mem>>)
          %dma_start3A_547 = arith.constant 5 : i32
          %dma_start3A_548 = arith.constant 80 : i32
          %dma_start3A_549 = arith.constant 0 : i32
          %dma_start3A_550 = tpu.memref_slice %arg12[%dma_start3A_548, %dma_start3A_549] : memref<128x128xf32, #tpu.memory_space<vmem>> -> memref<16x128xf32, #tpu.memory_space<vmem>>
          %dma_start3A_551 = arith.constant 0 : i32
          %dma_start3A_552 = tpu.memref_slice %arg13[%dma_start3A_547, %dma_start3A_551] : memref<8x16xi32, #tpu.memory_space<vmem>> -> memref<1x16xi32, #tpu.memory_space<vmem>>
          %dma_start3A_553 = tpu.memref_squeeze %dma_start3A_552 : memref<1x16xi32, #tpu.memory_space<vmem>> -> memref<16xi32, #tpu.memory_space<vmem>>
          %dma_start3A_554 = arith.constant 0 : i32
          %dma_start3A_555 = arith.constant 0 : i32
          %dma_start3A_556 = tpu.memref_slice %arg5[%dma_start3A_554, %dma_start3A_555] : memref<16392x128xf32, #tpu.memory_space<hbm>> -> memref<16392x128xf32, #tpu.memory_space<hbm>>
          tpu.enqueue_indirect_dma source(%dma_start3A_550 : memref<16x128xf32, #tpu.memory_space<vmem>>) target(%dma_start3A_556 : memref<16392x128xf32, #tpu.memory_space<hbm>>) offsets(%dma_start3A_553 : memref<16xi32, #tpu.memory_space<vmem>>) semaphore(%arg14 : memref<!tpu.dma_semaphore, #tpu.memory_space<semaphore_mem>>)
          %dma_start3A_557 = arith.constant 6 : i32
          %dma_start3A_558 = arith.constant 96 : i32
          %dma_start3A_559 = arith.constant 0 : i32
          %dma_start3A_560 = tpu.memref_slice %arg12[%dma_start3A_558, %dma_start3A_559] : memref<128x128xf32, #tpu.memory_space<vmem>> -> memref<16x128xf32, #tpu.memory_space<vmem>>
          %dma_start3A_561 = arith.constant 0 : i32
          %dma_start3A_562 = tpu.memref_slice %arg13[%dma_start3A_557, %dma_start3A_561] : memref<8x16xi32, #tpu.memory_space<vmem>> -> memref<1x16xi32, #tpu.memory_space<vmem>>
          %dma_start3A_563 = tpu.memref_squeeze %dma_start3A_562 : memref<1x16xi32, #tpu.memory_space<vmem>> -> memref<16xi32, #tpu.memory_space<vmem>>
          %dma_start3A_564 = arith.constant 0 : i32
          %dma_start3A_565 = arith.constant 0 : i32
          %dma_start3A_566 = tpu.memref_slice %arg5[%dma_start3A_564, %dma_start3A_565] : memref<16392x128xf32, #tpu.memory_space<hbm>> -> memref<16392x128xf32, #tpu.memory_space<hbm>>
          tpu.enqueue_indirect_dma source(%dma_start3A_560 : memref<16x128xf32, #tpu.memory_space<vmem>>) target(%dma_start3A_566 : memref<16392x128xf32, #tpu.memory_space<hbm>>) offsets(%dma_start3A_563 : memref<16xi32, #tpu.memory_space<vmem>>) semaphore(%arg14 : memref<!tpu.dma_semaphore, #tpu.memory_space<semaphore_mem>>)
          %dma_start3A_567 = arith.constant 7 : i32
          %dma_start3A_568 = arith.constant 112 : i32
          %dma_start3A_569 = arith.constant 0 : i32
          %dma_start3A_570 = tpu.memref_slice %arg12[%dma_start3A_568, %dma_start3A_569] : memref<128x128xf32, #tpu.memory_space<vmem>> -> memref<16x128xf32, #tpu.memory_space<vmem>>
          %dma_start3A_571 = arith.constant 0 : i32
          %dma_start3A_572 = tpu.memref_slice %arg13[%dma_start3A_567, %dma_start3A_571] : memref<8x16xi32, #tpu.memory_space<vmem>> -> memref<1x16xi32, #tpu.memory_space<vmem>>
          %dma_start3A_573 = tpu.memref_squeeze %dma_start3A_572 : memref<1x16xi32, #tpu.memory_space<vmem>> -> memref<16xi32, #tpu.memory_space<vmem>>
          %dma_start3A_574 = arith.constant 0 : i32
          %dma_start3A_575 = arith.constant 0 : i32
          %dma_start3A_576 = tpu.memref_slice %arg5[%dma_start3A_574, %dma_start3A_575] : memref<16392x128xf32, #tpu.memory_space<hbm>> -> memref<16392x128xf32, #tpu.memory_space<hbm>>
          tpu.enqueue_indirect_dma source(%dma_start3A_570 : memref<16x128xf32, #tpu.memory_space<vmem>>) target(%dma_start3A_576 : memref<16392x128xf32, #tpu.memory_space<hbm>>) offsets(%dma_start3A_573 : memref<16xi32, #tpu.memory_space<vmem>>) semaphore(%arg14 : memref<!tpu.dma_semaphore, #tpu.memory_space<semaphore_mem>>)
          %dma_wait3A_577 = arith.constant 0 : i32
          %dma_wait3A_578 = arith.constant 0 : i32
          %dma_wait3A_579 = arith.constant 0 : i32
          %dma_wait3A_580 = tpu.memref_slice %arg12[%dma_wait3A_578, %dma_wait3A_579] : memref<128x128xf32, #tpu.memory_space<vmem>> -> memref<16x128xf32, #tpu.memory_space<vmem>>
          %dma_wait3A_581 = arith.constant 0 : i32
          %dma_wait3A_582 = tpu.memref_slice %arg13[%dma_wait3A_577, %dma_wait3A_581] : memref<8x16xi32, #tpu.memory_space<vmem>> -> memref<1x16xi32, #tpu.memory_space<vmem>>
          %dma_wait3A_583 = tpu.memref_squeeze %dma_wait3A_582 : memref<1x16xi32, #tpu.memory_space<vmem>> -> memref<16xi32, #tpu.memory_space<vmem>>
          %dma_wait3A_584 = arith.constant 0 : i32
          %dma_wait3A_585 = arith.constant 0 : i32
          %dma_wait3A_586 = tpu.memref_slice %arg5[%dma_wait3A_584, %dma_wait3A_585] : memref<16392x128xf32, #tpu.memory_space<hbm>> -> memref<16392x128xf32, #tpu.memory_space<hbm>>
          tpu.wait_indirect_dma semaphore(%arg14 : memref<!tpu.dma_semaphore, #tpu.memory_space<semaphore_mem>>) src(%dma_wait3A_580 : memref<16x128xf32, #tpu.memory_space<vmem>>) dst(%dma_wait3A_586 : memref<16392x128xf32, #tpu.memory_space<hbm>>)
          %dma_wait3A_587 = arith.constant 1 : i32
          %dma_wait3A_588 = arith.constant 16 : i32
          %dma_wait3A_589 = arith.constant 0 : i32
          %dma_wait3A_590 = tpu.memref_slice %arg12[%dma_wait3A_588, %dma_wait3A_589] : memref<128x128xf32, #tpu.memory_space<vmem>> -> memref<16x128xf32, #tpu.memory_space<vmem>>
          %dma_wait3A_591 = arith.constant 0 : i32
          %dma_wait3A_592 = tpu.memref_slice %arg13[%dma_wait3A_587, %dma_wait3A_591] : memref<8x16xi32, #tpu.memory_space<vmem>> -> memref<1x16xi32, #tpu.memory_space<vmem>>
          %dma_wait3A_593 = tpu.memref_squeeze %dma_wait3A_592 : memref<1x16xi32, #tpu.memory_space<vmem>> -> memref<16xi32, #tpu.memory_space<vmem>>
          %dma_wait3A_594 = arith.constant 0 : i32
          %dma_wait3A_595 = arith.constant 0 : i32
          %dma_wait3A_596 = tpu.memref_slice %arg5[%dma_wait3A_594, %dma_wait3A_595] : memref<16392x128xf32, #tpu.memory_space<hbm>> -> memref<16392x128xf32, #tpu.memory_space<hbm>>
          tpu.wait_indirect_dma semaphore(%arg14 : memref<!tpu.dma_semaphore, #tpu.memory_space<semaphore_mem>>) src(%dma_wait3A_590 : memref<16x128xf32, #tpu.memory_space<vmem>>) dst(%dma_wait3A_596 : memref<16392x128xf32, #tpu.memory_space<hbm>>)
          %dma_wait3A_597 = arith.constant 2 : i32
          %dma_wait3A_598 = arith.constant 32 : i32
          %dma_wait3A_599 = arith.constant 0 : i32
          %dma_wait3A_600 = tpu.memref_slice %arg12[%dma_wait3A_598, %dma_wait3A_599] : memref<128x128xf32, #tpu.memory_space<vmem>> -> memref<16x128xf32, #tpu.memory_space<vmem>>
          %dma_wait3A_601 = arith.constant 0 : i32
          %dma_wait3A_602 = tpu.memref_slice %arg13[%dma_wait3A_597, %dma_wait3A_601] : memref<8x16xi32, #tpu.memory_space<vmem>> -> memref<1x16xi32, #tpu.memory_space<vmem>>
          %dma_wait3A_603 = tpu.memref_squeeze %dma_wait3A_602 : memref<1x16xi32, #tpu.memory_space<vmem>> -> memref<16xi32, #tpu.memory_space<vmem>>
          %dma_wait3A_604 = arith.constant 0 : i32
          %dma_wait3A_605 = arith.constant 0 : i32
          %dma_wait3A_606 = tpu.memref_slice %arg5[%dma_wait3A_604, %dma_wait3A_605] : memref<16392x128xf32, #tpu.memory_space<hbm>> -> memref<16392x128xf32, #tpu.memory_space<hbm>>
          tpu.wait_indirect_dma semaphore(%arg14 : memref<!tpu.dma_semaphore, #tpu.memory_space<semaphore_mem>>) src(%dma_wait3A_600 : memref<16x128xf32, #tpu.memory_space<vmem>>) dst(%dma_wait3A_606 : memref<16392x128xf32, #tpu.memory_space<hbm>>)
          %dma_wait3A_607 = arith.constant 3 : i32
          %dma_wait3A_608 = arith.constant 48 : i32
          %dma_wait3A_609 = arith.constant 0 : i32
          %dma_wait3A_610 = tpu.memref_slice %arg12[%dma_wait3A_608, %dma_wait3A_609] : memref<128x128xf32, #tpu.memory_space<vmem>> -> memref<16x128xf32, #tpu.memory_space<vmem>>
          %dma_wait3A_611 = arith.constant 0 : i32
          %dma_wait3A_612 = tpu.memref_slice %arg13[%dma_wait3A_607, %dma_wait3A_611] : memref<8x16xi32, #tpu.memory_space<vmem>> -> memref<1x16xi32, #tpu.memory_space<vmem>>
          %dma_wait3A_613 = tpu.memref_squeeze %dma_wait3A_612 : memref<1x16xi32, #tpu.memory_space<vmem>> -> memref<16xi32, #tpu.memory_space<vmem>>
          %dma_wait3A_614 = arith.constant 0 : i32
          %dma_wait3A_615 = arith.constant 0 : i32
          %dma_wait3A_616 = tpu.memref_slice %arg5[%dma_wait3A_614, %dma_wait3A_615] : memref<16392x128xf32, #tpu.memory_space<hbm>> -> memref<16392x128xf32, #tpu.memory_space<hbm>>
          tpu.wait_indirect_dma semaphore(%arg14 : memref<!tpu.dma_semaphore, #tpu.memory_space<semaphore_mem>>) src(%dma_wait3A_610 : memref<16x128xf32, #tpu.memory_space<vmem>>) dst(%dma_wait3A_616 : memref<16392x128xf32, #tpu.memory_space<hbm>>)
          %dma_wait3A_617 = arith.constant 4 : i32
          %dma_wait3A_618 = arith.constant 64 : i32
          %dma_wait3A_619 = arith.constant 0 : i32
          %dma_wait3A_620 = tpu.memref_slice %arg12[%dma_wait3A_618, %dma_wait3A_619] : memref<128x128xf32, #tpu.memory_space<vmem>> -> memref<16x128xf32, #tpu.memory_space<vmem>>
          %dma_wait3A_621 = arith.constant 0 : i32
          %dma_wait3A_622 = tpu.memref_slice %arg13[%dma_wait3A_617, %dma_wait3A_621] : memref<8x16xi32, #tpu.memory_space<vmem>> -> memref<1x16xi32, #tpu.memory_space<vmem>>
          %dma_wait3A_623 = tpu.memref_squeeze %dma_wait3A_622 : memref<1x16xi32, #tpu.memory_space<vmem>> -> memref<16xi32, #tpu.memory_space<vmem>>
          %dma_wait3A_624 = arith.constant 0 : i32
          %dma_wait3A_625 = arith.constant 0 : i32
          %dma_wait3A_626 = tpu.memref_slice %arg5[%dma_wait3A_624, %dma_wait3A_625] : memref<16392x128xf32, #tpu.memory_space<hbm>> -> memref<16392x128xf32, #tpu.memory_space<hbm>>
          tpu.wait_indirect_dma semaphore(%arg14 : memref<!tpu.dma_semaphore, #tpu.memory_space<semaphore_mem>>) src(%dma_wait3A_620 : memref<16x128xf32, #tpu.memory_space<vmem>>) dst(%dma_wait3A_626 : memref<16392x128xf32, #tpu.memory_space<hbm>>)
          %dma_wait3A_627 = arith.constant 5 : i32
          %dma_wait3A_628 = arith.constant 80 : i32
          %dma_wait3A_629 = arith.constant 0 : i32
          %dma_wait3A_630 = tpu.memref_slice %arg12[%dma_wait3A_628, %dma_wait3A_629] : memref<128x128xf32, #tpu.memory_space<vmem>> -> memref<16x128xf32, #tpu.memory_space<vmem>>
          %dma_wait3A_631 = arith.constant 0 : i32
          %dma_wait3A_632 = tpu.memref_slice %arg13[%dma_wait3A_627, %dma_wait3A_631] : memref<8x16xi32, #tpu.memory_space<vmem>> -> memref<1x16xi32, #tpu.memory_space<vmem>>
          %dma_wait3A_633 = tpu.memref_squeeze %dma_wait3A_632 : memref<1x16xi32, #tpu.memory_space<vmem>> -> memref<16xi32, #tpu.memory_space<vmem>>
          %dma_wait3A_634 = arith.constant 0 : i32
          %dma_wait3A_635 = arith.constant 0 : i32
          %dma_wait3A_636 = tpu.memref_slice %arg5[%dma_wait3A_634, %dma_wait3A_635] : memref<16392x128xf32, #tpu.memory_space<hbm>> -> memref<16392x128xf32, #tpu.memory_space<hbm>>
          tpu.wait_indirect_dma semaphore(%arg14 : memref<!tpu.dma_semaphore, #tpu.memory_space<semaphore_mem>>) src(%dma_wait3A_630 : memref<16x128xf32, #tpu.memory_space<vmem>>) dst(%dma_wait3A_636 : memref<16392x128xf32, #tpu.memory_space<hbm>>)
          %dma_wait3A_637 = arith.constant 6 : i32
          %dma_wait3A_638 = arith.constant 96 : i32
          %dma_wait3A_639 = arith.constant 0 : i32
          %dma_wait3A_640 = tpu.memref_slice %arg12[%dma_wait3A_638, %dma_wait3A_639] : memref<128x128xf32, #tpu.memory_space<vmem>> -> memref<16x128xf32, #tpu.memory_space<vmem>>
          %dma_wait3A_641 = arith.constant 0 : i32
          %dma_wait3A_642 = tpu.memref_slice %arg13[%dma_wait3A_637, %dma_wait3A_641] : memref<8x16xi32, #tpu.memory_space<vmem>> -> memref<1x16xi32, #tpu.memory_space<vmem>>
          %dma_wait3A_643 = tpu.memref_squeeze %dma_wait3A_642 : memref<1x16xi32, #tpu.memory_space<vmem>> -> memref<16xi32, #tpu.memory_space<vmem>>
          %dma_wait3A_644 = arith.constant 0 : i32
          %dma_wait3A_645 = arith.constant 0 : i32
          %dma_wait3A_646 = tpu.memref_slice %arg5[%dma_wait3A_644, %dma_wait3A_645] : memref<16392x128xf32, #tpu.memory_space<hbm>> -> memref<16392x128xf32, #tpu.memory_space<hbm>>
          tpu.wait_indirect_dma semaphore(%arg14 : memref<!tpu.dma_semaphore, #tpu.memory_space<semaphore_mem>>) src(%dma_wait3A_640 : memref<16x128xf32, #tpu.memory_space<vmem>>) dst(%dma_wait3A_646 : memref<16392x128xf32, #tpu.memory_space<hbm>>)
          %dma_wait3A_647 = arith.constant 7 : i32
          %dma_wait3A_648 = arith.constant 112 : i32
          %dma_wait3A_649 = arith.constant 0 : i32
          %dma_wait3A_650 = tpu.memref_slice %arg12[%dma_wait3A_648, %dma_wait3A_649] : memref<128x128xf32, #tpu.memory_space<vmem>> -> memref<16x128xf32, #tpu.memory_space<vmem>>
          %dma_wait3A_651 = arith.constant 0 : i32
          %dma_wait3A_652 = tpu.memref_slice %arg13[%dma_wait3A_647, %dma_wait3A_651] : memref<8x16xi32, #tpu.memory_space<vmem>> -> memref<1x16xi32, #tpu.memory_space<vmem>>
          %dma_wait3A_653 = tpu.memref_squeeze %dma_wait3A_652 : memref<1x16xi32, #tpu.memory_space<vmem>> -> memref<16xi32, #tpu.memory_space<vmem>>
          %dma_wait3A_654 = arith.constant 0 : i32
          %dma_wait3A_655 = arith.constant 0 : i32
          %dma_wait3A_656 = tpu.memref_slice %arg5[%dma_wait3A_654, %dma_wait3A_655] : memref<16392x128xf32, #tpu.memory_space<hbm>> -> memref<16392x128xf32, #tpu.memory_space<hbm>>
          tpu.wait_indirect_dma semaphore(%arg14 : memref<!tpu.dma_semaphore, #tpu.memory_space<semaphore_mem>>) src(%dma_wait3A_650 : memref<16x128xf32, #tpu.memory_space<vmem>>) dst(%dma_wait3A_656 : memref<16392x128xf32, #tpu.memory_space<hbm>>)
          %swap3A_657 = arith.constant 0 : i32
          %swap3A_658 = arith.index_cast %swap3A_657 : i32 to index
          %swap3A_659 = arith.constant 0 : index
          %swap3A_660 = tpu.vector_load %arg13[%swap3A_658, %swap3A_659] {strides = array<i32>} : memref<8x16xi32, #tpu.memory_space<vmem>>, vector<16xi32>,
          tpu.vector_store %arg13[%swap3A_658, %swap3A_659], %broadcast_in_dim3A_3 {strides = array<i32>} : memref<8x16xi32, #tpu.memory_space<vmem>>, vector<16xi32>,
          %swap3A_661 = arith.constant 1 : i32
          %swap3A_662 = arith.index_cast %swap3A_661 : i32 to index
          %swap3A_663 = arith.constant 0 : index
          %swap3A_664 = tpu.vector_load %arg13[%swap3A_662, %swap3A_663] {strides = array<i32>} : memref<8x16xi32, #tpu.memory_space<vmem>>, vector<16xi32>,
          tpu.vector_store %arg13[%swap3A_662, %swap3A_663], %broadcast_in_dim3A_3 {strides = array<i32>} : memref<8x16xi32, #tpu.memory_space<vmem>>, vector<16xi32>,
          %swap3A_665 = arith.constant 2 : i32
          %swap3A_666 = arith.index_cast %swap3A_665 : i32 to index
          %swap3A_667 = arith.constant 0 : index
          %swap3A_668 = tpu.vector_load %arg13[%swap3A_666, %swap3A_667] {strides = array<i32>} : memref<8x16xi32, #tpu.memory_space<vmem>>, vector<16xi32>,
          tpu.vector_store %arg13[%swap3A_666, %swap3A_667], %broadcast_in_dim3A_3 {strides = array<i32>} : memref<8x16xi32, #tpu.memory_space<vmem>>, vector<16xi32>,
          %swap3A_669 = arith.constant 3 : i32
          %swap3A_670 = arith.index_cast %swap3A_669 : i32 to index
          %swap3A_671 = arith.constant 0 : index
          %swap3A_672 = tpu.vector_load %arg13[%swap3A_670, %swap3A_671] {strides = array<i32>} : memref<8x16xi32, #tpu.memory_space<vmem>>, vector<16xi32>,
          tpu.vector_store %arg13[%swap3A_670, %swap3A_671], %broadcast_in_dim3A_3 {strides = array<i32>} : memref<8x16xi32, #tpu.memory_space<vmem>>, vector<16xi32>,
          %swap3A_673 = arith.constant 4 : i32
          %swap3A_674 = arith.index_cast %swap3A_673 : i32 to index
          %swap3A_675 = arith.constant 0 : index
          %swap3A_676 = tpu.vector_load %arg13[%swap3A_674, %swap3A_675] {strides = array<i32>} : memref<8x16xi32, #tpu.memory_space<vmem>>, vector<16xi32>,
          tpu.vector_store %arg13[%swap3A_674, %swap3A_675], %broadcast_in_dim3A_3 {strides = array<i32>} : memref<8x16xi32, #tpu.memory_space<vmem>>, vector<16xi32>,
          %swap3A_677 = arith.constant 5 : i32
          %swap3A_678 = arith.index_cast %swap3A_677 : i32 to index
          %swap3A_679 = arith.constant 0 : index
          %swap3A_680 = tpu.vector_load %arg13[%swap3A_678, %swap3A_679] {strides = array<i32>} : memref<8x16xi32, #tpu.memory_space<vmem>>, vector<16xi32>,
          tpu.vector_store %arg13[%swap3A_678, %swap3A_679], %broadcast_in_dim3A_3 {strides = array<i32>} : memref<8x16xi32, #tpu.memory_space<vmem>>, vector<16xi32>,
          %swap3A_681 = arith.constant 6 : i32
          %swap3A_682 = arith.index_cast %swap3A_681 : i32 to index
          %swap3A_683 = arith.constant 0 : index
          %swap3A_684 = tpu.vector_load %arg13[%swap3A_682, %swap3A_683] {strides = array<i32>} : memref<8x16xi32, #tpu.memory_space<vmem>>, vector<16xi32>,
          tpu.vector_store %arg13[%swap3A_682, %swap3A_683], %broadcast_in_dim3A_3 {strides = array<i32>} : memref<8x16xi32, #tpu.memory_space<vmem>>, vector<16xi32>,
          %swap3A_685 = arith.constant 7 : i32
          %swap3A_686 = arith.index_cast %swap3A_685 : i32 to index
          %swap3A_687 = arith.constant 0 : index
          %swap3A_688 = tpu.vector_load %arg13[%swap3A_686, %swap3A_687] {strides = array<i32>} : memref<8x16xi32, #tpu.memory_space<vmem>>, vector<16xi32>,
          tpu.vector_store %arg13[%swap3A_686, %swap3A_687], %broadcast_in_dim3A_3 {strides = array<i32>} : memref<8x16xi32, #tpu.memory_space<vmem>>, vector<16xi32>,
        } else {
        }
        %jit3A_469 = arith.constant 0 : i32
        %select_n3A_470 = arith.select %gt3A_465, %jit3A_469, %while3A_459 : i32
        %mul3A_471 = arith.constant 16 : i32
        %mul3A_472 = arith.muli %add3A_461, %mul3A_471 : i32
        %sub3A_473 = arith.subi %while3A_334, %mul3A_472 : i32
        %min3A_474 = arith.constant 16 : i32
        %min3A_475 = arith.minsi %min3A_474, %sub3A_473 : i32
        %sub3A_476 = arith.constant 0 : i32
        %sub3A_477 = arith.subi %min3A_475, %sub3A_476 : i32
        %sub3A_478 = arith.constant 1 : i32
        %sub3A_479 = arith.constant 1 : i32
        %sub3A_480 = arith.subi %sub3A_478, %sub3A_479 : i32
        %add3A_481 = arith.addi %sub3A_477, %sub3A_480 : i32
        %div3A_482 = arith.constant 1 : i32
        %div3A_483 = arith.divsi %add3A_481, %div3A_482 : i32
        %while3A_484 = arith.constant 1 : i32
        %while3A_485 = arith.constant 0 : i32
        %while3A_486 = arith.constant 0 : i32
        %while3A_487 = arith.subi %div3A_483, %while3A_486 : i32
        %while3A_488 = arith.addi %while3A_486, %while3A_487 : i32
        %while3A_489 = arith.constant 1 : i32
        %while3A_490 = arith.divsi %while3A_487, %while3A_489 : i32
        %while3A_491 = arith.muli %while3A_490, %while3A_489 : i32
        %while3A_492 = arith.addi %while3A_486, %while3A_491 : i32
        %while3A_493 = arith.constant 1 : i32
        %while3A_494 = scf.for %while3A_497 = %while3A_486 to %while3A_492 step %while3A_493 iter_args(%while3A_498 = %select_n3A_470) -> (i32)  : i32 {
          %mul3A_499 = arith.muli %while3A_497, %while3A_484 : i32
          %add3A_500 = arith.addi %while3A_485, %mul3A_499 : i32
          %eq3A_501 = vector.broadcast %add3A_500 : i32 to vector<16xi32>
          %eq3A_502 = arith.cmpi eq, %iota3A, %eq3A_501 : vector<16xi32>
          %jit3A_503 = arith.constant 0 : i32
          %broadcast_in_dim3A_504 = vector.broadcast %jit3A_503 : i32 to vector<16xi32>
          %select_n3A_505 = arith.select %eq3A_502, %get3A_464, %broadcast_in_dim3A_504 : vector<16xi1>, vector<16xi32>
          %reduce_sum3A = arith.constant true
          %reduce_sum3A_506 = vector.broadcast %reduce_sum3A : i1 to vector<16xi1>
          %reduce_sum3A_507 = tpu.scan <sum>, %select_n3A_505 masked %reduce_sum3A_506 : vector<16xi32>, vector<16xi1> -> vector<16xi32>
          %reduce_sum3A_508 = vector.extract %reduce_sum3A_507[15] : i32 from vector<16xi32>
          %and3A = arith.constant 511 : i32
          %and3A_509 = arith.andi %reduce_sum3A_508, %and3A : i32
          %shift_right_arithmetic3A_510 = arith.constant 15 : i32
          %shift_right_arithmetic3A_511 = arith.shrsi %reduce_sum3A_508, %shift_right_arithmetic3A_510 : i32
          %broadcast_in_dim3A_512 = vector.broadcast %and3A_509 : i32 to vector<16xi32>
          %add3A_513 = arith.constant 0 : i32
          %add3A_514 = vector.broadcast %add3A_513 : i32 to vector<16xi32>
          %add3A_515 = arith.addi %iota3A, %add3A_514 : vector<16xi32>
          %gather3A = tpu.vector_load_idx %arg9[%add3A_515, %broadcast_in_dim3A_512] : memref<64x512xf32, #tpu.memory_space<vmem>>[vector<16xi32>, vector<16xi32>], vector<16xf32>,
          %swap3A_516 = arith.index_cast %while3A_498 : i32 to index
          %swap3A_517 = arith.constant 0 : index
          %swap3A_518 = tpu.vector_load %arg12[%swap3A_516, %swap3A_517] {strides = array<i32>} : memref<128x128xf32, #tpu.memory_space<vmem>>, vector<16xf32>,
          tpu.vector_store %arg12[%swap3A_516, %swap3A_517], %gather3A {strides = array<i32>} : memref<128x128xf32, #tpu.memory_space<vmem>>, vector<16xf32>,
          %add3A_519 = arith.constant 16 : i32
          %add3A_520 = vector.broadcast %add3A_519 : i32 to vector<16xi32>
          %add3A_521 = arith.addi %iota3A, %add3A_520 : vector<16xi32>
          %gather3A_522 = tpu.vector_load_idx %arg9[%add3A_521, %broadcast_in_dim3A_512] : memref<64x512xf32, #tpu.memory_space<vmem>>[vector<16xi32>, vector<16xi32>], vector<16xf32>,
          %swap3A_523 = arith.index_cast %while3A_498 : i32 to index
          %swap3A_524 = arith.constant 16 : index
          %swap3A_525 = tpu.vector_load %arg12[%swap3A_523, %swap3A_524] {strides = array<i32>} : memref<128x128xf32, #tpu.memory_space<vmem>>, vector<16xf32>,
          tpu.vector_store %arg12[%swap3A_523, %swap3A_524], %gather3A_522 {strides = array<i32>} : memref<128x128xf32, #tpu.memory_space<vmem>>, vector<16xf32>,
          %add3A_526 = arith.constant 32 : i32
          %add3A_527 = vector.broadcast %add3A_526 : i32 to vector<16xi32>
          %add3A_528 = arith.addi %iota3A, %add3A_527 : vector<16xi32>
          %gather3A_529 = tpu.vector_load_idx %arg9[%add3A_528, %broadcast_in_dim3A_512] : memref<64x512xf32, #tpu.memory_space<vmem>>[vector<16xi32>, vector<16xi32>], vector<16xf32>,
          %swap3A_530 = arith.index_cast %while3A_498 : i32 to index
          %swap3A_531 = arith.constant 32 : index
          %swap3A_532 = tpu.vector_load %arg12[%swap3A_530, %swap3A_531] {strides = array<i32>} : memref<128x128xf32, #tpu.memory_space<vmem>>, vector<16xf32>,
          tpu.vector_store %arg12[%swap3A_530, %swap3A_531], %gather3A_529 {strides = array<i32>} : memref<128x128xf32, #tpu.memory_space<vmem>>, vector<16xf32>,
          %add3A_533 = arith.constant 48 : i32
          %add3A_534 = vector.broadcast %add3A_533 : i32 to vector<16xi32>
          %add3A_535 = arith.addi %iota3A, %add3A_534 : vector<16xi32>
          %gather3A_536 = tpu.vector_load_idx %arg9[%add3A_535, %broadcast_in_dim3A_512] : memref<64x512xf32, #tpu.memory_space<vmem>>[vector<16xi32>, vector<16xi32>], vector<16xf32>,
          %swap3A_537 = arith.index_cast %while3A_498 : i32 to index
          %swap3A_538 = arith.constant 48 : index
          %swap3A_539 = tpu.vector_load %arg12[%swap3A_537, %swap3A_538] {strides = array<i32>} : memref<128x128xf32, #tpu.memory_space<vmem>>, vector<16xf32>,
          tpu.vector_store %arg12[%swap3A_537, %swap3A_538], %gather3A_536 {strides = array<i32>} : memref<128x128xf32, #tpu.memory_space<vmem>>, vector<16xf32>,
          %shift_right_arithmetic3A_540 = arith.constant 4 : i32
          %shift_right_arithmetic3A_541 = arith.shrsi %while3A_498, %shift_right_arithmetic3A_540 : i32
          %get3A_542 = arith.index_cast %shift_right_arithmetic3A_541 : i32 to index
          %get3A_543 = arith.constant 0 : index
          %get3A_544 = tpu.vector_load %arg13[%get3A_542, %get3A_543] {strides = array<i32>} : memref<8x16xi32, #tpu.memory_space<vmem>>, vector<16xi32>,
          %and3A_545 = arith.constant 15 : i32
          %and3A_546 = arith.andi %while3A_498, %and3A_545 : i32
          %eq3A_547 = vector.broadcast %and3A_546 : i32 to vector<16xi32>
          %eq3A_548 = arith.cmpi eq, %iota3A, %eq3A_547 : vector<16xi32>
          %broadcast_in_dim3A_549 = vector.broadcast %shift_right_arithmetic3A_511 : i32 to vector<16xi32>
          %select_n3A_550 = arith.select %eq3A_548, %broadcast_in_dim3A_549, %get3A_544 : vector<16xi1>, vector<16xi32>
          %swap3A_551 = arith.index_cast %shift_right_arithmetic3A_541 : i32 to index
          %swap3A_552 = arith.constant 0 : index
          %swap3A_553 = tpu.vector_load %arg13[%swap3A_551, %swap3A_552] {strides = array<i32>} : memref<8x16xi32, #tpu.memory_space<vmem>>, vector<16xi32>,
          tpu.vector_store %arg13[%swap3A_551, %swap3A_552], %select_n3A_550 {strides = array<i32>} : memref<8x16xi32, #tpu.memory_space<vmem>>, vector<16xi32>,
          %add3A_554 = arith.constant 1 : i32
          %add3A_555 = arith.addi %while3A_498, %add3A_554 : i32
          scf.yield %add3A_555 : i32
        }
        %while3A_495 = arith.constant 1 : i32
        %while3A_496 = scf.for %while3A_497 = %while3A_492 to %while3A_488 step %while3A_495 iter_args(%while3A_498 = %while3A_494) -> (i32)  : i32 {
          %mul3A_499 = arith.muli %while3A_497, %while3A_484 : i32
          %add3A_500 = arith.addi %while3A_485, %mul3A_499 : i32
          %eq3A_501 = vector.broadcast %add3A_500 : i32 to vector<16xi32>
          %eq3A_502 = arith.cmpi eq, %iota3A, %eq3A_501 : vector<16xi32>
          %jit3A_503 = arith.constant 0 : i32
          %broadcast_in_dim3A_504 = vector.broadcast %jit3A_503 : i32 to vector<16xi32>
          %select_n3A_505 = arith.select %eq3A_502, %get3A_464, %broadcast_in_dim3A_504 : vector<16xi1>, vector<16xi32>
          %reduce_sum3A = arith.constant true
          %reduce_sum3A_506 = vector.broadcast %reduce_sum3A : i1 to vector<16xi1>
          %reduce_sum3A_507 = tpu.scan <sum>, %select_n3A_505 masked %reduce_sum3A_506 : vector<16xi32>, vector<16xi1> -> vector<16xi32>
          %reduce_sum3A_508 = vector.extract %reduce_sum3A_507[15] : i32 from vector<16xi32>
          %and3A = arith.constant 511 : i32
          %and3A_509 = arith.andi %reduce_sum3A_508, %and3A : i32
          %shift_right_arithmetic3A_510 = arith.constant 15 : i32
          %shift_right_arithmetic3A_511 = arith.shrsi %reduce_sum3A_508, %shift_right_arithmetic3A_510 : i32
          %broadcast_in_dim3A_512 = vector.broadcast %and3A_509 : i32 to vector<16xi32>
          %add3A_513 = arith.constant 0 : i32
          %add3A_514 = vector.broadcast %add3A_513 : i32 to vector<16xi32>
          %add3A_515 = arith.addi %iota3A, %add3A_514 : vector<16xi32>
          %gather3A = tpu.vector_load_idx %arg9[%add3A_515, %broadcast_in_dim3A_512] : memref<64x512xf32, #tpu.memory_space<vmem>>[vector<16xi32>, vector<16xi32>], vector<16xf32>,
          %swap3A_516 = arith.index_cast %while3A_498 : i32 to index
          %swap3A_517 = arith.constant 0 : index
          %swap3A_518 = tpu.vector_load %arg12[%swap3A_516, %swap3A_517] {strides = array<i32>} : memref<128x128xf32, #tpu.memory_space<vmem>>, vector<16xf32>,
          tpu.vector_store %arg12[%swap3A_516, %swap3A_517], %gather3A {strides = array<i32>} : memref<128x128xf32, #tpu.memory_space<vmem>>, vector<16xf32>,
          %add3A_519 = arith.constant 16 : i32
          %add3A_520 = vector.broadcast %add3A_519 : i32 to vector<16xi32>
          %add3A_521 = arith.addi %iota3A, %add3A_520 : vector<16xi32>
          %gather3A_522 = tpu.vector_load_idx %arg9[%add3A_521, %broadcast_in_dim3A_512] : memref<64x512xf32, #tpu.memory_space<vmem>>[vector<16xi32>, vector<16xi32>], vector<16xf32>,
          %swap3A_523 = arith.index_cast %while3A_498 : i32 to index
          %swap3A_524 = arith.constant 16 : index
          %swap3A_525 = tpu.vector_load %arg12[%swap3A_523, %swap3A_524] {strides = array<i32>} : memref<128x128xf32, #tpu.memory_space<vmem>>, vector<16xf32>,
          tpu.vector_store %arg12[%swap3A_523, %swap3A_524], %gather3A_522 {strides = array<i32>} : memref<128x128xf32, #tpu.memory_space<vmem>>, vector<16xf32>,
          %add3A_526 = arith.constant 32 : i32
          %add3A_527 = vector.broadcast %add3A_526 : i32 to vector<16xi32>
          %add3A_528 = arith.addi %iota3A, %add3A_527 : vector<16xi32>
          %gather3A_529 = tpu.vector_load_idx %arg9[%add3A_528, %broadcast_in_dim3A_512] : memref<64x512xf32, #tpu.memory_space<vmem>>[vector<16xi32>, vector<16xi32>], vector<16xf32>,
          %swap3A_530 = arith.index_cast %while3A_498 : i32 to index
          %swap3A_531 = arith.constant 32 : index
          %swap3A_532 = tpu.vector_load %arg12[%swap3A_530, %swap3A_531] {strides = array<i32>} : memref<128x128xf32, #tpu.memory_space<vmem>>, vector<16xf32>,
          tpu.vector_store %arg12[%swap3A_530, %swap3A_531], %gather3A_529 {strides = array<i32>} : memref<128x128xf32, #tpu.memory_space<vmem>>, vector<16xf32>,
          %add3A_533 = arith.constant 48 : i32
          %add3A_534 = vector.broadcast %add3A_533 : i32 to vector<16xi32>
          %add3A_535 = arith.addi %iota3A, %add3A_534 : vector<16xi32>
          %gather3A_536 = tpu.vector_load_idx %arg9[%add3A_535, %broadcast_in_dim3A_512] : memref<64x512xf32, #tpu.memory_space<vmem>>[vector<16xi32>, vector<16xi32>], vector<16xf32>,
          %swap3A_537 = arith.index_cast %while3A_498 : i32 to index
          %swap3A_538 = arith.constant 48 : index
          %swap3A_539 = tpu.vector_load %arg12[%swap3A_537, %swap3A_538] {strides = array<i32>} : memref<128x128xf32, #tpu.memory_space<vmem>>, vector<16xf32>,
          tpu.vector_store %arg12[%swap3A_537, %swap3A_538], %gather3A_536 {strides = array<i32>} : memref<128x128xf32, #tpu.memory_space<vmem>>, vector<16xf32>,
          %shift_right_arithmetic3A_540 = arith.constant 4 : i32
          %shift_right_arithmetic3A_541 = arith.shrsi %while3A_498, %shift_right_arithmetic3A_540 : i32
          %get3A_542 = arith.index_cast %shift_right_arithmetic3A_541 : i32 to index
          %get3A_543 = arith.constant 0 : index
          %get3A_544 = tpu.vector_load %arg13[%get3A_542, %get3A_543] {strides = array<i32>} : memref<8x16xi32, #tpu.memory_space<vmem>>, vector<16xi32>,
          %and3A_545 = arith.constant 15 : i32
          %and3A_546 = arith.andi %while3A_498, %and3A_545 : i32
          %eq3A_547 = vector.broadcast %and3A_546 : i32 to vector<16xi32>
          %eq3A_548 = arith.cmpi eq, %iota3A, %eq3A_547 : vector<16xi32>
          %broadcast_in_dim3A_549 = vector.broadcast %shift_right_arithmetic3A_511 : i32 to vector<16xi32>
          %select_n3A_550 = arith.select %eq3A_548, %broadcast_in_dim3A_549, %get3A_544 : vector<16xi1>, vector<16xi32>
          %swap3A_551 = arith.index_cast %shift_right_arithmetic3A_541 : i32 to index
          %swap3A_552 = arith.constant 0 : index
          %swap3A_553 = tpu.vector_load %arg13[%swap3A_551, %swap3A_552] {strides = array<i32>} : memref<8x16xi32, #tpu.memory_space<vmem>>, vector<16xi32>,
          tpu.vector_store %arg13[%swap3A_551, %swap3A_552], %select_n3A_550 {strides = array<i32>} : memref<8x16xi32, #tpu.memory_space<vmem>>, vector<16xi32>,
          %add3A_554 = arith.constant 1 : i32
          %add3A_555 = arith.addi %while3A_498, %add3A_554 : i32
          scf.yield %add3A_555 : i32
        }
        scf.yield %while3A_496 : i32
      }
      %add3A_366 = arith.constant 2 : i32
      %add3A_367 = arith.addi %mul3A_309, %add3A_366 : i32
      %add3A_368 = arith.constant 0 : i32
      %add3A_369 = arith.addi %add3A_367, %add3A_368 : i32
      %mul3A_370 = arith.constant 32 : i32
      %mul3A_371 = arith.muli %add3A_369, %mul3A_370 : i32
      %add3A_372 = arith.addi %mul3A_371, %add3A : i32
      %mul3A_373 = arith.constant 512 : i32
      %mul3A_374 = arith.muli %add3A_372, %mul3A_373 : i32
      %min3A_375 = arith.constant 999424 : i32
      %min3A_376 = arith.minsi %mul3A_374, %min3A_375 : i32
      %dma_start3A_377 = arith.constant 0 : i32
      %dma_start3A_378 = tpu.memref_slice %arg3[%dma_start3A_377, %min3A_376] : memref<64x1000000xf32, #tpu.memory_space<hbm>> -> memref<64x512xf32, #tpu.memory_space<hbm>>
      %dma_start3A_379 = arith.constant 0 : i32
      %dma_start3A_380 = tpu.memref_slice %arg3[%dma_start3A_379, %min3A_376] : memref<64x1000000xf32, #tpu.memory_space<hbm>> -> memref<64x512xf32, #tpu.memory_space<hbm>>
      tpu.enqueue_dma source(%dma_start3A_380 : memref<64x512xf32, #tpu.memory_space<hbm>>) target(%arg9 : memref<64x512xf32, #tpu.memory_space<vmem>>) target_semaphore(%arg15 : memref<!tpu.dma_semaphore, #tpu.memory_space<semaphore_mem>>)
      %add3A_381 = arith.constant 1 : i32
      %add3A_382 = arith.addi %mul3A_309, %add3A_381 : i32
      %mul3A_383 = arith.constant 32 : i32
      %mul3A_384 = arith.muli %add3A_382, %mul3A_383 : i32
      %add3A_385 = arith.addi %mul3A_384, %add3A : i32
      %le3A_386 = arith.constant 1952 : i32
      %le3A_387 = arith.cmpi sle, %add3A_385, %le3A_386 : i32
      %jit3A_388 = arith.constant 62 : i32
      %select_n3A_389 = arith.select %le3A_387, %add3A_382, %jit3A_388 : i32
      %sub3A_390 = arith.constant 0 : i32
      %sub3A_391 = arith.subi %shift_right_arithmetic3A_88, %sub3A_390 : i32
      %sub3A_392 = arith.constant 1 : i32
      %sub3A_393 = arith.constant 1 : i32
      %sub3A_394 = arith.subi %sub3A_392, %sub3A_393 : i32
      %add3A_395 = arith.addi %sub3A_391, %sub3A_394 : i32
      %div3A_396 = arith.constant 1 : i32
      %div3A_397 = arith.divsi %add3A_395, %div3A_396 : i32
      %while3A_398 = arith.constant 1 : i32
      %while3A_399 = arith.constant 0 : i32
      %while3A_400 = arith.constant 0 : i32
      %while3A_401 = arith.constant 0 : i32
      %while3A_402 = arith.subi %div3A_397, %while3A_400 : i32
      %while3A_403 = arith.addi %while3A_400, %while3A_402 : i32
      %while3A_404 = arith.constant 1 : i32
      %while3A_405 = arith.divsi %while3A_402, %while3A_404 : i32
      %while3A_406 = arith.muli %while3A_405, %while3A_404 : i32
      %while3A_407 = arith.addi %while3A_400, %while3A_406 : i32
      %while3A_408 = arith.constant 1 : i32
      %while3A_409 = scf.for %while3A_458 = %while3A_400 to %while3A_407 step %while3A_408 iter_args(%while3A_459 = %while3A_401) -> (i32)  : i32 {
        %mul3A_460 = arith.muli %while3A_458, %while3A_398 : i32
        %add3A_461 = arith.addi %while3A_399, %mul3A_460 : i32
        %mul3A_462 = arith.constant 16 : i32
        %mul3A_463 = arith.muli %add3A_461, %mul3A_462 : i32
        %get3A = arith.index_cast %mul3A_463 : i32 to index
        %get3A_464 = tpu.vector_load %arg7[%get3A] {strides = array<i32>} : memref<16400xi32, #tpu.memory_space<vmem>>, vector<16xi32>,
        %shift_right_arithmetic3A_465 = arith.constant 9 : i32
        %shift_right_arithmetic3A_466 = vector.broadcast %shift_right_arithmetic3A_465 : i32 to vector<16xi32>
        %shift_right_arithmetic3A_467 = arith.shrsi %get3A_464, %shift_right_arithmetic3A_466 : vector<16xi32>
        %and3A = arith.constant 63 : i32
        %and3A_468 = vector.broadcast %and3A : i32 to vector<16xi32>
        %and3A_469 = arith.andi %shift_right_arithmetic3A_467, %and3A_468 : vector<16xi32>
        %eq3A_470 = vector.broadcast %select_n3A_389 : i32 to vector<16xi32>
        %eq3A_471 = arith.cmpi eq, %and3A_469, %eq3A_470 : vector<16xi32>
        %swap3A_472 = arith.index_cast %while3A_459 : i32 to index
        %swap3A_473 = tpu.vector_load %arg8[%swap3A_472] masked %eq3A_471 {strides = array<i32>} : memref<16400xi32, #tpu.memory_space<vmem>>, vector<16xi32>, vector<16xi1>
        tpu.vector_store %arg8[%swap3A_472], %get3A_464 masked %eq3A_471 {strides = array<i32>} : memref<16400xi32, #tpu.memory_space<vmem>>, vector<16xi32>, vector<16xi1>
        %all_reduce_population_count3A = tpu.all_reduce %eq3A_471 {dim = 0 : i64, kind = #tpu.reduction_kind<sum>} : vector<16xi1> -> vector<16xi32>
        %slice3A = vector.extract_strided_slice %all_reduce_population_count3A {offsets = [0], sizes = [1], strides = [1]} : vector<16xi32> to vector<1xi32>
        %squeeze3A = vector.extract %slice3A[0] : i32 from vector<1xi32>
        %add3A_474 = arith.addi %while3A_459, %squeeze3A : i32
        scf.yield %add3A_474 : i32
      }
      %while3A_410 = arith.constant 1 : i32
      %while3A_411 = scf.for %while3A_458 = %while3A_407 to %while3A_403 step %while3A_410 iter_args(%while3A_459 = %while3A_409) -> (i32)  : i32 {
        %mul3A_460 = arith.muli %while3A_458, %while3A_398 : i32
        %add3A_461 = arith.addi %while3A_399, %mul3A_460 : i32
        %mul3A_462 = arith.constant 16 : i32
        %mul3A_463 = arith.muli %add3A_461, %mul3A_462 : i32
        %get3A = arith.index_cast %mul3A_463 : i32 to index
        %get3A_464 = tpu.vector_load %arg7[%get3A] {strides = array<i32>} : memref<16400xi32, #tpu.memory_space<vmem>>, vector<16xi32>,
        %shift_right_arithmetic3A_465 = arith.constant 9 : i32
        %shift_right_arithmetic3A_466 = vector.broadcast %shift_right_arithmetic3A_465 : i32 to vector<16xi32>
        %shift_right_arithmetic3A_467 = arith.shrsi %get3A_464, %shift_right_arithmetic3A_466 : vector<16xi32>
        %and3A = arith.constant 63 : i32
        %and3A_468 = vector.broadcast %and3A : i32 to vector<16xi32>
        %and3A_469 = arith.andi %shift_right_arithmetic3A_467, %and3A_468 : vector<16xi32>
        %eq3A_470 = vector.broadcast %select_n3A_389 : i32 to vector<16xi32>
        %eq3A_471 = arith.cmpi eq, %and3A_469, %eq3A_470 : vector<16xi32>
        %swap3A_472 = arith.index_cast %while3A_459 : i32 to index
        %swap3A_473 = tpu.vector_load %arg8[%swap3A_472] masked %eq3A_471 {strides = array<i32>} : memref<16400xi32, #tpu.memory_space<vmem>>, vector<16xi32>, vector<16xi1>
        tpu.vector_store %arg8[%swap3A_472], %get3A_464 masked %eq3A_471 {strides = array<i32>} : memref<16400xi32, #tpu.memory_space<vmem>>, vector<16xi32>, vector<16xi1>
        %all_reduce_population_count3A = tpu.all_reduce %eq3A_471 {dim = 0 : i64, kind = #tpu.reduction_kind<sum>} : vector<16xi1> -> vector<16xi32>
        %slice3A = vector.extract_strided_slice %all_reduce_population_count3A {offsets = [0], sizes = [1], strides = [1]} : vector<16xi32> to vector<1xi32>
        %squeeze3A = vector.extract %slice3A[0] : i32 from vector<1xi32>
        %add3A_474 = arith.addi %while3A_459, %squeeze3A : i32
        scf.yield %add3A_474 : i32
      }
      %dma_wait3A_412 = arith.constant 0 : i32
      %dma_wait3A_413 = arith.constant 0 : i32
      %dma_wait3A_414 = tpu.memref_slice %arg3[%dma_wait3A_412, %dma_wait3A_413] : memref<64x1000000xf32, #tpu.memory_space<hbm>> -> memref<64x512xf32, #tpu.memory_space<hbm>>
      %dma_wait3A_415 = arith.constant 0 : i32
      %dma_wait3A_416 = arith.constant 0 : i32
      %dma_wait3A_417 = tpu.memref_slice %arg3[%dma_wait3A_415, %dma_wait3A_416] : memref<64x1000000xf32, #tpu.memory_space<hbm>> -> memref<64x512xf32, #tpu.memory_space<hbm>>
      tpu.wait_dma2 semaphore(%arg16 : memref<!tpu.dma_semaphore, #tpu.memory_space<semaphore_mem>>) src(%dma_wait3A_417 : memref<64x512xf32, #tpu.memory_space<hbm>>) dst(%arg10 : memref<64x512xf32, #tpu.memory_space<vmem>>)
      %add3A_418 = arith.constant 15 : i32
      %add3A_419 = arith.addi %while3A_411, %add3A_418 : i32
      %shift_right_arithmetic3A_420 = arith.constant 4 : i32
      %shift_right_arithmetic3A_421 = arith.shrsi %add3A_419, %shift_right_arithmetic3A_420 : i32
      %sub3A_422 = arith.constant 0 : i32
      %sub3A_423 = arith.subi %shift_right_arithmetic3A_421, %sub3A_422 : i32
      %sub3A_424 = arith.constant 1 : i32
      %sub3A_425 = arith.constant 1 : i32
      %sub3A_426 = arith.subi %sub3A_424, %sub3A_425 : i32
      %add3A_427 = arith.addi %sub3A_423, %sub3A_426 : i32
      %div3A_428 = arith.constant 1 : i32
      %div3A_429 = arith.divsi %add3A_427, %div3A_428 : i32
      %while3A_430 = arith.constant 1 : i32
      %while3A_431 = arith.constant 0 : i32
      %while3A_432 = arith.constant 0 : i32
      %while3A_433 = arith.subi %div3A_429, %while3A_432 : i32
      %while3A_434 = arith.addi %while3A_432, %while3A_433 : i32
      %while3A_435 = arith.constant 1 : i32
      %while3A_436 = arith.divsi %while3A_433, %while3A_435 : i32
      %while3A_437 = arith.muli %while3A_436, %while3A_435 : i32
      %while3A_438 = arith.addi %while3A_432, %while3A_437 : i32
      %while3A_439 = arith.constant 1 : i32
      %while3A_440 = scf.for %while3A_458 = %while3A_432 to %while3A_438 step %while3A_439 iter_args(%while3A_459 = %while3A_365) -> (i32)  : i32 {
        %mul3A_460 = arith.muli %while3A_458, %while3A_430 : i32
        %add3A_461 = arith.addi %while3A_431, %mul3A_460 : i32
        %mul3A_462 = arith.constant 16 : i32
        %mul3A_463 = arith.muli %add3A_461, %mul3A_462 : i32
        %get3A = arith.index_cast %mul3A_463 : i32 to index
        %get3A_464 = tpu.vector_load %arg8[%get3A] {strides = array<i32>} : memref<16400xi32, #tpu.memory_space<vmem>>, vector<16xi32>,
        %gt3A = arith.constant 112 : i32
        %gt3A_465 = arith.cmpi sgt, %while3A_459, %gt3A : i32
        %convert_element_type3A_466 = arith.extui %gt3A_465 : i1 to i32
        %cond3A_467 = arith.constant 0 : i32
        %cond3A_468 = arith.cmpi ne, %convert_element_type3A_466, %cond3A_467 : i32
        scf.if %cond3A_468 {
          %dma_start3A_497 = arith.constant 0 : i32
          %dma_start3A_498 = arith.constant 0 : i32
          %dma_start3A_499 = arith.constant 0 : i32
          %dma_start3A_500 = tpu.memref_slice %arg12[%dma_start3A_498, %dma_start3A_499] : memref<128x128xf32, #tpu.memory_space<vmem>> -> memref<16x128xf32, #tpu.memory_space<vmem>>
          %dma_start3A_501 = arith.constant 0 : i32
          %dma_start3A_502 = tpu.memref_slice %arg13[%dma_start3A_497, %dma_start3A_501] : memref<8x16xi32, #tpu.memory_space<vmem>> -> memref<1x16xi32, #tpu.memory_space<vmem>>
          %dma_start3A_503 = tpu.memref_squeeze %dma_start3A_502 : memref<1x16xi32, #tpu.memory_space<vmem>> -> memref<16xi32, #tpu.memory_space<vmem>>
          %dma_start3A_504 = arith.constant 0 : i32
          %dma_start3A_505 = arith.constant 0 : i32
          %dma_start3A_506 = tpu.memref_slice %arg5[%dma_start3A_504, %dma_start3A_505] : memref<16392x128xf32, #tpu.memory_space<hbm>> -> memref<16392x128xf32, #tpu.memory_space<hbm>>
          tpu.enqueue_indirect_dma source(%dma_start3A_500 : memref<16x128xf32, #tpu.memory_space<vmem>>) target(%dma_start3A_506 : memref<16392x128xf32, #tpu.memory_space<hbm>>) offsets(%dma_start3A_503 : memref<16xi32, #tpu.memory_space<vmem>>) semaphore(%arg14 : memref<!tpu.dma_semaphore, #tpu.memory_space<semaphore_mem>>)
          %dma_start3A_507 = arith.constant 1 : i32
          %dma_start3A_508 = arith.constant 16 : i32
          %dma_start3A_509 = arith.constant 0 : i32
          %dma_start3A_510 = tpu.memref_slice %arg12[%dma_start3A_508, %dma_start3A_509] : memref<128x128xf32, #tpu.memory_space<vmem>> -> memref<16x128xf32, #tpu.memory_space<vmem>>
          %dma_start3A_511 = arith.constant 0 : i32
          %dma_start3A_512 = tpu.memref_slice %arg13[%dma_start3A_507, %dma_start3A_511] : memref<8x16xi32, #tpu.memory_space<vmem>> -> memref<1x16xi32, #tpu.memory_space<vmem>>
          %dma_start3A_513 = tpu.memref_squeeze %dma_start3A_512 : memref<1x16xi32, #tpu.memory_space<vmem>> -> memref<16xi32, #tpu.memory_space<vmem>>
          %dma_start3A_514 = arith.constant 0 : i32
          %dma_start3A_515 = arith.constant 0 : i32
          %dma_start3A_516 = tpu.memref_slice %arg5[%dma_start3A_514, %dma_start3A_515] : memref<16392x128xf32, #tpu.memory_space<hbm>> -> memref<16392x128xf32, #tpu.memory_space<hbm>>
          tpu.enqueue_indirect_dma source(%dma_start3A_510 : memref<16x128xf32, #tpu.memory_space<vmem>>) target(%dma_start3A_516 : memref<16392x128xf32, #tpu.memory_space<hbm>>) offsets(%dma_start3A_513 : memref<16xi32, #tpu.memory_space<vmem>>) semaphore(%arg14 : memref<!tpu.dma_semaphore, #tpu.memory_space<semaphore_mem>>)
          %dma_start3A_517 = arith.constant 2 : i32
          %dma_start3A_518 = arith.constant 32 : i32
          %dma_start3A_519 = arith.constant 0 : i32
          %dma_start3A_520 = tpu.memref_slice %arg12[%dma_start3A_518, %dma_start3A_519] : memref<128x128xf32, #tpu.memory_space<vmem>> -> memref<16x128xf32, #tpu.memory_space<vmem>>
          %dma_start3A_521 = arith.constant 0 : i32
          %dma_start3A_522 = tpu.memref_slice %arg13[%dma_start3A_517, %dma_start3A_521] : memref<8x16xi32, #tpu.memory_space<vmem>> -> memref<1x16xi32, #tpu.memory_space<vmem>>
          %dma_start3A_523 = tpu.memref_squeeze %dma_start3A_522 : memref<1x16xi32, #tpu.memory_space<vmem>> -> memref<16xi32, #tpu.memory_space<vmem>>
          %dma_start3A_524 = arith.constant 0 : i32
          %dma_start3A_525 = arith.constant 0 : i32
          %dma_start3A_526 = tpu.memref_slice %arg5[%dma_start3A_524, %dma_start3A_525] : memref<16392x128xf32, #tpu.memory_space<hbm>> -> memref<16392x128xf32, #tpu.memory_space<hbm>>
          tpu.enqueue_indirect_dma source(%dma_start3A_520 : memref<16x128xf32, #tpu.memory_space<vmem>>) target(%dma_start3A_526 : memref<16392x128xf32, #tpu.memory_space<hbm>>) offsets(%dma_start3A_523 : memref<16xi32, #tpu.memory_space<vmem>>) semaphore(%arg14 : memref<!tpu.dma_semaphore, #tpu.memory_space<semaphore_mem>>)
          %dma_start3A_527 = arith.constant 3 : i32
          %dma_start3A_528 = arith.constant 48 : i32
          %dma_start3A_529 = arith.constant 0 : i32
          %dma_start3A_530 = tpu.memref_slice %arg12[%dma_start3A_528, %dma_start3A_529] : memref<128x128xf32, #tpu.memory_space<vmem>> -> memref<16x128xf32, #tpu.memory_space<vmem>>
          %dma_start3A_531 = arith.constant 0 : i32
          %dma_start3A_532 = tpu.memref_slice %arg13[%dma_start3A_527, %dma_start3A_531] : memref<8x16xi32, #tpu.memory_space<vmem>> -> memref<1x16xi32, #tpu.memory_space<vmem>>
          %dma_start3A_533 = tpu.memref_squeeze %dma_start3A_532 : memref<1x16xi32, #tpu.memory_space<vmem>> -> memref<16xi32, #tpu.memory_space<vmem>>
          %dma_start3A_534 = arith.constant 0 : i32
          %dma_start3A_535 = arith.constant 0 : i32
          %dma_start3A_536 = tpu.memref_slice %arg5[%dma_start3A_534, %dma_start3A_535] : memref<16392x128xf32, #tpu.memory_space<hbm>> -> memref<16392x128xf32, #tpu.memory_space<hbm>>
          tpu.enqueue_indirect_dma source(%dma_start3A_530 : memref<16x128xf32, #tpu.memory_space<vmem>>) target(%dma_start3A_536 : memref<16392x128xf32, #tpu.memory_space<hbm>>) offsets(%dma_start3A_533 : memref<16xi32, #tpu.memory_space<vmem>>) semaphore(%arg14 : memref<!tpu.dma_semaphore, #tpu.memory_space<semaphore_mem>>)
          %dma_start3A_537 = arith.constant 4 : i32
          %dma_start3A_538 = arith.constant 64 : i32
          %dma_start3A_539 = arith.constant 0 : i32
          %dma_start3A_540 = tpu.memref_slice %arg12[%dma_start3A_538, %dma_start3A_539] : memref<128x128xf32, #tpu.memory_space<vmem>> -> memref<16x128xf32, #tpu.memory_space<vmem>>
          %dma_start3A_541 = arith.constant 0 : i32
          %dma_start3A_542 = tpu.memref_slice %arg13[%dma_start3A_537, %dma_start3A_541] : memref<8x16xi32, #tpu.memory_space<vmem>> -> memref<1x16xi32, #tpu.memory_space<vmem>>
          %dma_start3A_543 = tpu.memref_squeeze %dma_start3A_542 : memref<1x16xi32, #tpu.memory_space<vmem>> -> memref<16xi32, #tpu.memory_space<vmem>>
          %dma_start3A_544 = arith.constant 0 : i32
          %dma_start3A_545 = arith.constant 0 : i32
          %dma_start3A_546 = tpu.memref_slice %arg5[%dma_start3A_544, %dma_start3A_545] : memref<16392x128xf32, #tpu.memory_space<hbm>> -> memref<16392x128xf32, #tpu.memory_space<hbm>>
          tpu.enqueue_indirect_dma source(%dma_start3A_540 : memref<16x128xf32, #tpu.memory_space<vmem>>) target(%dma_start3A_546 : memref<16392x128xf32, #tpu.memory_space<hbm>>) offsets(%dma_start3A_543 : memref<16xi32, #tpu.memory_space<vmem>>) semaphore(%arg14 : memref<!tpu.dma_semaphore, #tpu.memory_space<semaphore_mem>>)
          %dma_start3A_547 = arith.constant 5 : i32
          %dma_start3A_548 = arith.constant 80 : i32
          %dma_start3A_549 = arith.constant 0 : i32
          %dma_start3A_550 = tpu.memref_slice %arg12[%dma_start3A_548, %dma_start3A_549] : memref<128x128xf32, #tpu.memory_space<vmem>> -> memref<16x128xf32, #tpu.memory_space<vmem>>
          %dma_start3A_551 = arith.constant 0 : i32
          %dma_start3A_552 = tpu.memref_slice %arg13[%dma_start3A_547, %dma_start3A_551] : memref<8x16xi32, #tpu.memory_space<vmem>> -> memref<1x16xi32, #tpu.memory_space<vmem>>
          %dma_start3A_553 = tpu.memref_squeeze %dma_start3A_552 : memref<1x16xi32, #tpu.memory_space<vmem>> -> memref<16xi32, #tpu.memory_space<vmem>>
          %dma_start3A_554 = arith.constant 0 : i32
          %dma_start3A_555 = arith.constant 0 : i32
          %dma_start3A_556 = tpu.memref_slice %arg5[%dma_start3A_554, %dma_start3A_555] : memref<16392x128xf32, #tpu.memory_space<hbm>> -> memref<16392x128xf32, #tpu.memory_space<hbm>>
          tpu.enqueue_indirect_dma source(%dma_start3A_550 : memref<16x128xf32, #tpu.memory_space<vmem>>) target(%dma_start3A_556 : memref<16392x128xf32, #tpu.memory_space<hbm>>) offsets(%dma_start3A_553 : memref<16xi32, #tpu.memory_space<vmem>>) semaphore(%arg14 : memref<!tpu.dma_semaphore, #tpu.memory_space<semaphore_mem>>)
          %dma_start3A_557 = arith.constant 6 : i32
          %dma_start3A_558 = arith.constant 96 : i32
          %dma_start3A_559 = arith.constant 0 : i32
          %dma_start3A_560 = tpu.memref_slice %arg12[%dma_start3A_558, %dma_start3A_559] : memref<128x128xf32, #tpu.memory_space<vmem>> -> memref<16x128xf32, #tpu.memory_space<vmem>>
          %dma_start3A_561 = arith.constant 0 : i32
          %dma_start3A_562 = tpu.memref_slice %arg13[%dma_start3A_557, %dma_start3A_561] : memref<8x16xi32, #tpu.memory_space<vmem>> -> memref<1x16xi32, #tpu.memory_space<vmem>>
          %dma_start3A_563 = tpu.memref_squeeze %dma_start3A_562 : memref<1x16xi32, #tpu.memory_space<vmem>> -> memref<16xi32, #tpu.memory_space<vmem>>
          %dma_start3A_564 = arith.constant 0 : i32
          %dma_start3A_565 = arith.constant 0 : i32
          %dma_start3A_566 = tpu.memref_slice %arg5[%dma_start3A_564, %dma_start3A_565] : memref<16392x128xf32, #tpu.memory_space<hbm>> -> memref<16392x128xf32, #tpu.memory_space<hbm>>
          tpu.enqueue_indirect_dma source(%dma_start3A_560 : memref<16x128xf32, #tpu.memory_space<vmem>>) target(%dma_start3A_566 : memref<16392x128xf32, #tpu.memory_space<hbm>>) offsets(%dma_start3A_563 : memref<16xi32, #tpu.memory_space<vmem>>) semaphore(%arg14 : memref<!tpu.dma_semaphore, #tpu.memory_space<semaphore_mem>>)
          %dma_start3A_567 = arith.constant 7 : i32
          %dma_start3A_568 = arith.constant 112 : i32
          %dma_start3A_569 = arith.constant 0 : i32
          %dma_start3A_570 = tpu.memref_slice %arg12[%dma_start3A_568, %dma_start3A_569] : memref<128x128xf32, #tpu.memory_space<vmem>> -> memref<16x128xf32, #tpu.memory_space<vmem>>
          %dma_start3A_571 = arith.constant 0 : i32
          %dma_start3A_572 = tpu.memref_slice %arg13[%dma_start3A_567, %dma_start3A_571] : memref<8x16xi32, #tpu.memory_space<vmem>> -> memref<1x16xi32, #tpu.memory_space<vmem>>
          %dma_start3A_573 = tpu.memref_squeeze %dma_start3A_572 : memref<1x16xi32, #tpu.memory_space<vmem>> -> memref<16xi32, #tpu.memory_space<vmem>>
          %dma_start3A_574 = arith.constant 0 : i32
          %dma_start3A_575 = arith.constant 0 : i32
          %dma_start3A_576 = tpu.memref_slice %arg5[%dma_start3A_574, %dma_start3A_575] : memref<16392x128xf32, #tpu.memory_space<hbm>> -> memref<16392x128xf32, #tpu.memory_space<hbm>>
          tpu.enqueue_indirect_dma source(%dma_start3A_570 : memref<16x128xf32, #tpu.memory_space<vmem>>) target(%dma_start3A_576 : memref<16392x128xf32, #tpu.memory_space<hbm>>) offsets(%dma_start3A_573 : memref<16xi32, #tpu.memory_space<vmem>>) semaphore(%arg14 : memref<!tpu.dma_semaphore, #tpu.memory_space<semaphore_mem>>)
          %dma_wait3A_577 = arith.constant 0 : i32
          %dma_wait3A_578 = arith.constant 0 : i32
          %dma_wait3A_579 = arith.constant 0 : i32
          %dma_wait3A_580 = tpu.memref_slice %arg12[%dma_wait3A_578, %dma_wait3A_579] : memref<128x128xf32, #tpu.memory_space<vmem>> -> memref<16x128xf32, #tpu.memory_space<vmem>>
          %dma_wait3A_581 = arith.constant 0 : i32
          %dma_wait3A_582 = tpu.memref_slice %arg13[%dma_wait3A_577, %dma_wait3A_581] : memref<8x16xi32, #tpu.memory_space<vmem>> -> memref<1x16xi32, #tpu.memory_space<vmem>>
          %dma_wait3A_583 = tpu.memref_squeeze %dma_wait3A_582 : memref<1x16xi32, #tpu.memory_space<vmem>> -> memref<16xi32, #tpu.memory_space<vmem>>
          %dma_wait3A_584 = arith.constant 0 : i32
          %dma_wait3A_585 = arith.constant 0 : i32
          %dma_wait3A_586 = tpu.memref_slice %arg5[%dma_wait3A_584, %dma_wait3A_585] : memref<16392x128xf32, #tpu.memory_space<hbm>> -> memref<16392x128xf32, #tpu.memory_space<hbm>>
          tpu.wait_indirect_dma semaphore(%arg14 : memref<!tpu.dma_semaphore, #tpu.memory_space<semaphore_mem>>) src(%dma_wait3A_580 : memref<16x128xf32, #tpu.memory_space<vmem>>) dst(%dma_wait3A_586 : memref<16392x128xf32, #tpu.memory_space<hbm>>)
          %dma_wait3A_587 = arith.constant 1 : i32
          %dma_wait3A_588 = arith.constant 16 : i32
          %dma_wait3A_589 = arith.constant 0 : i32
          %dma_wait3A_590 = tpu.memref_slice %arg12[%dma_wait3A_588, %dma_wait3A_589] : memref<128x128xf32, #tpu.memory_space<vmem>> -> memref<16x128xf32, #tpu.memory_space<vmem>>
          %dma_wait3A_591 = arith.constant 0 : i32
          %dma_wait3A_592 = tpu.memref_slice %arg13[%dma_wait3A_587, %dma_wait3A_591] : memref<8x16xi32, #tpu.memory_space<vmem>> -> memref<1x16xi32, #tpu.memory_space<vmem>>
          %dma_wait3A_593 = tpu.memref_squeeze %dma_wait3A_592 : memref<1x16xi32, #tpu.memory_space<vmem>> -> memref<16xi32, #tpu.memory_space<vmem>>
          %dma_wait3A_594 = arith.constant 0 : i32
          %dma_wait3A_595 = arith.constant 0 : i32
          %dma_wait3A_596 = tpu.memref_slice %arg5[%dma_wait3A_594, %dma_wait3A_595] : memref<16392x128xf32, #tpu.memory_space<hbm>> -> memref<16392x128xf32, #tpu.memory_space<hbm>>
          tpu.wait_indirect_dma semaphore(%arg14 : memref<!tpu.dma_semaphore, #tpu.memory_space<semaphore_mem>>) src(%dma_wait3A_590 : memref<16x128xf32, #tpu.memory_space<vmem>>) dst(%dma_wait3A_596 : memref<16392x128xf32, #tpu.memory_space<hbm>>)
          %dma_wait3A_597 = arith.constant 2 : i32
          %dma_wait3A_598 = arith.constant 32 : i32
          %dma_wait3A_599 = arith.constant 0 : i32
          %dma_wait3A_600 = tpu.memref_slice %arg12[%dma_wait3A_598, %dma_wait3A_599] : memref<128x128xf32, #tpu.memory_space<vmem>> -> memref<16x128xf32, #tpu.memory_space<vmem>>
          %dma_wait3A_601 = arith.constant 0 : i32
          %dma_wait3A_602 = tpu.memref_slice %arg13[%dma_wait3A_597, %dma_wait3A_601] : memref<8x16xi32, #tpu.memory_space<vmem>> -> memref<1x16xi32, #tpu.memory_space<vmem>>
          %dma_wait3A_603 = tpu.memref_squeeze %dma_wait3A_602 : memref<1x16xi32, #tpu.memory_space<vmem>> -> memref<16xi32, #tpu.memory_space<vmem>>
          %dma_wait3A_604 = arith.constant 0 : i32
          %dma_wait3A_605 = arith.constant 0 : i32
          %dma_wait3A_606 = tpu.memref_slice %arg5[%dma_wait3A_604, %dma_wait3A_605] : memref<16392x128xf32, #tpu.memory_space<hbm>> -> memref<16392x128xf32, #tpu.memory_space<hbm>>
          tpu.wait_indirect_dma semaphore(%arg14 : memref<!tpu.dma_semaphore, #tpu.memory_space<semaphore_mem>>) src(%dma_wait3A_600 : memref<16x128xf32, #tpu.memory_space<vmem>>) dst(%dma_wait3A_606 : memref<16392x128xf32, #tpu.memory_space<hbm>>)
          %dma_wait3A_607 = arith.constant 3 : i32
          %dma_wait3A_608 = arith.constant 48 : i32
          %dma_wait3A_609 = arith.constant 0 : i32
          %dma_wait3A_610 = tpu.memref_slice %arg12[%dma_wait3A_608, %dma_wait3A_609] : memref<128x128xf32, #tpu.memory_space<vmem>> -> memref<16x128xf32, #tpu.memory_space<vmem>>
          %dma_wait3A_611 = arith.constant 0 : i32
          %dma_wait3A_612 = tpu.memref_slice %arg13[%dma_wait3A_607, %dma_wait3A_611] : memref<8x16xi32, #tpu.memory_space<vmem>> -> memref<1x16xi32, #tpu.memory_space<vmem>>
          %dma_wait3A_613 = tpu.memref_squeeze %dma_wait3A_612 : memref<1x16xi32, #tpu.memory_space<vmem>> -> memref<16xi32, #tpu.memory_space<vmem>>
          %dma_wait3A_614 = arith.constant 0 : i32
          %dma_wait3A_615 = arith.constant 0 : i32
          %dma_wait3A_616 = tpu.memref_slice %arg5[%dma_wait3A_614, %dma_wait3A_615] : memref<16392x128xf32, #tpu.memory_space<hbm>> -> memref<16392x128xf32, #tpu.memory_space<hbm>>
          tpu.wait_indirect_dma semaphore(%arg14 : memref<!tpu.dma_semaphore, #tpu.memory_space<semaphore_mem>>) src(%dma_wait3A_610 : memref<16x128xf32, #tpu.memory_space<vmem>>) dst(%dma_wait3A_616 : memref<16392x128xf32, #tpu.memory_space<hbm>>)
          %dma_wait3A_617 = arith.constant 4 : i32
          %dma_wait3A_618 = arith.constant 64 : i32
          %dma_wait3A_619 = arith.constant 0 : i32
          %dma_wait3A_620 = tpu.memref_slice %arg12[%dma_wait3A_618, %dma_wait3A_619] : memref<128x128xf32, #tpu.memory_space<vmem>> -> memref<16x128xf32, #tpu.memory_space<vmem>>
          %dma_wait3A_621 = arith.constant 0 : i32
          %dma_wait3A_622 = tpu.memref_slice %arg13[%dma_wait3A_617, %dma_wait3A_621] : memref<8x16xi32, #tpu.memory_space<vmem>> -> memref<1x16xi32, #tpu.memory_space<vmem>>
          %dma_wait3A_623 = tpu.memref_squeeze %dma_wait3A_622 : memref<1x16xi32, #tpu.memory_space<vmem>> -> memref<16xi32, #tpu.memory_space<vmem>>
          %dma_wait3A_624 = arith.constant 0 : i32
          %dma_wait3A_625 = arith.constant 0 : i32
          %dma_wait3A_626 = tpu.memref_slice %arg5[%dma_wait3A_624, %dma_wait3A_625] : memref<16392x128xf32, #tpu.memory_space<hbm>> -> memref<16392x128xf32, #tpu.memory_space<hbm>>
          tpu.wait_indirect_dma semaphore(%arg14 : memref<!tpu.dma_semaphore, #tpu.memory_space<semaphore_mem>>) src(%dma_wait3A_620 : memref<16x128xf32, #tpu.memory_space<vmem>>) dst(%dma_wait3A_626 : memref<16392x128xf32, #tpu.memory_space<hbm>>)
          %dma_wait3A_627 = arith.constant 5 : i32
          %dma_wait3A_628 = arith.constant 80 : i32
          %dma_wait3A_629 = arith.constant 0 : i32
          %dma_wait3A_630 = tpu.memref_slice %arg12[%dma_wait3A_628, %dma_wait3A_629] : memref<128x128xf32, #tpu.memory_space<vmem>> -> memref<16x128xf32, #tpu.memory_space<vmem>>
          %dma_wait3A_631 = arith.constant 0 : i32
          %dma_wait3A_632 = tpu.memref_slice %arg13[%dma_wait3A_627, %dma_wait3A_631] : memref<8x16xi32, #tpu.memory_space<vmem>> -> memref<1x16xi32, #tpu.memory_space<vmem>>
          %dma_wait3A_633 = tpu.memref_squeeze %dma_wait3A_632 : memref<1x16xi32, #tpu.memory_space<vmem>> -> memref<16xi32, #tpu.memory_space<vmem>>
          %dma_wait3A_634 = arith.constant 0 : i32
          %dma_wait3A_635 = arith.constant 0 : i32
          %dma_wait3A_636 = tpu.memref_slice %arg5[%dma_wait3A_634, %dma_wait3A_635] : memref<16392x128xf32, #tpu.memory_space<hbm>> -> memref<16392x128xf32, #tpu.memory_space<hbm>>
          tpu.wait_indirect_dma semaphore(%arg14 : memref<!tpu.dma_semaphore, #tpu.memory_space<semaphore_mem>>) src(%dma_wait3A_630 : memref<16x128xf32, #tpu.memory_space<vmem>>) dst(%dma_wait3A_636 : memref<16392x128xf32, #tpu.memory_space<hbm>>)
          %dma_wait3A_637 = arith.constant 6 : i32
          %dma_wait3A_638 = arith.constant 96 : i32
          %dma_wait3A_639 = arith.constant 0 : i32
          %dma_wait3A_640 = tpu.memref_slice %arg12[%dma_wait3A_638, %dma_wait3A_639] : memref<128x128xf32, #tpu.memory_space<vmem>> -> memref<16x128xf32, #tpu.memory_space<vmem>>
          %dma_wait3A_641 = arith.constant 0 : i32
          %dma_wait3A_642 = tpu.memref_slice %arg13[%dma_wait3A_637, %dma_wait3A_641] : memref<8x16xi32, #tpu.memory_space<vmem>> -> memref<1x16xi32, #tpu.memory_space<vmem>>
          %dma_wait3A_643 = tpu.memref_squeeze %dma_wait3A_642 : memref<1x16xi32, #tpu.memory_space<vmem>> -> memref<16xi32, #tpu.memory_space<vmem>>
          %dma_wait3A_644 = arith.constant 0 : i32
          %dma_wait3A_645 = arith.constant 0 : i32
          %dma_wait3A_646 = tpu.memref_slice %arg5[%dma_wait3A_644, %dma_wait3A_645] : memref<16392x128xf32, #tpu.memory_space<hbm>> -> memref<16392x128xf32, #tpu.memory_space<hbm>>
          tpu.wait_indirect_dma semaphore(%arg14 : memref<!tpu.dma_semaphore, #tpu.memory_space<semaphore_mem>>) src(%dma_wait3A_640 : memref<16x128xf32, #tpu.memory_space<vmem>>) dst(%dma_wait3A_646 : memref<16392x128xf32, #tpu.memory_space<hbm>>)
          %dma_wait3A_647 = arith.constant 7 : i32
          %dma_wait3A_648 = arith.constant 112 : i32
          %dma_wait3A_649 = arith.constant 0 : i32
          %dma_wait3A_650 = tpu.memref_slice %arg12[%dma_wait3A_648, %dma_wait3A_649] : memref<128x128xf32, #tpu.memory_space<vmem>> -> memref<16x128xf32, #tpu.memory_space<vmem>>
          %dma_wait3A_651 = arith.constant 0 : i32
          %dma_wait3A_652 = tpu.memref_slice %arg13[%dma_wait3A_647, %dma_wait3A_651] : memref<8x16xi32, #tpu.memory_space<vmem>> -> memref<1x16xi32, #tpu.memory_space<vmem>>
          %dma_wait3A_653 = tpu.memref_squeeze %dma_wait3A_652 : memref<1x16xi32, #tpu.memory_space<vmem>> -> memref<16xi32, #tpu.memory_space<vmem>>
          %dma_wait3A_654 = arith.constant 0 : i32
          %dma_wait3A_655 = arith.constant 0 : i32
          %dma_wait3A_656 = tpu.memref_slice %arg5[%dma_wait3A_654, %dma_wait3A_655] : memref<16392x128xf32, #tpu.memory_space<hbm>> -> memref<16392x128xf32, #tpu.memory_space<hbm>>
          tpu.wait_indirect_dma semaphore(%arg14 : memref<!tpu.dma_semaphore, #tpu.memory_space<semaphore_mem>>) src(%dma_wait3A_650 : memref<16x128xf32, #tpu.memory_space<vmem>>) dst(%dma_wait3A_656 : memref<16392x128xf32, #tpu.memory_space<hbm>>)
          %swap3A_657 = arith.constant 0 : i32
          %swap3A_658 = arith.index_cast %swap3A_657 : i32 to index
          %swap3A_659 = arith.constant 0 : index
          %swap3A_660 = tpu.vector_load %arg13[%swap3A_658, %swap3A_659] {strides = array<i32>} : memref<8x16xi32, #tpu.memory_space<vmem>>, vector<16xi32>,
          tpu.vector_store %arg13[%swap3A_658, %swap3A_659], %broadcast_in_dim3A_3 {strides = array<i32>} : memref<8x16xi32, #tpu.memory_space<vmem>>, vector<16xi32>,
          %swap3A_661 = arith.constant 1 : i32
          %swap3A_662 = arith.index_cast %swap3A_661 : i32 to index
          %swap3A_663 = arith.constant 0 : index
          %swap3A_664 = tpu.vector_load %arg13[%swap3A_662, %swap3A_663] {strides = array<i32>} : memref<8x16xi32, #tpu.memory_space<vmem>>, vector<16xi32>,
          tpu.vector_store %arg13[%swap3A_662, %swap3A_663], %broadcast_in_dim3A_3 {strides = array<i32>} : memref<8x16xi32, #tpu.memory_space<vmem>>, vector<16xi32>,
          %swap3A_665 = arith.constant 2 : i32
          %swap3A_666 = arith.index_cast %swap3A_665 : i32 to index
          %swap3A_667 = arith.constant 0 : index
          %swap3A_668 = tpu.vector_load %arg13[%swap3A_666, %swap3A_667] {strides = array<i32>} : memref<8x16xi32, #tpu.memory_space<vmem>>, vector<16xi32>,
          tpu.vector_store %arg13[%swap3A_666, %swap3A_667], %broadcast_in_dim3A_3 {strides = array<i32>} : memref<8x16xi32, #tpu.memory_space<vmem>>, vector<16xi32>,
          %swap3A_669 = arith.constant 3 : i32
          %swap3A_670 = arith.index_cast %swap3A_669 : i32 to index
          %swap3A_671 = arith.constant 0 : index
          %swap3A_672 = tpu.vector_load %arg13[%swap3A_670, %swap3A_671] {strides = array<i32>} : memref<8x16xi32, #tpu.memory_space<vmem>>, vector<16xi32>,
          tpu.vector_store %arg13[%swap3A_670, %swap3A_671], %broadcast_in_dim3A_3 {strides = array<i32>} : memref<8x16xi32, #tpu.memory_space<vmem>>, vector<16xi32>,
          %swap3A_673 = arith.constant 4 : i32
          %swap3A_674 = arith.index_cast %swap3A_673 : i32 to index
          %swap3A_675 = arith.constant 0 : index
          %swap3A_676 = tpu.vector_load %arg13[%swap3A_674, %swap3A_675] {strides = array<i32>} : memref<8x16xi32, #tpu.memory_space<vmem>>, vector<16xi32>,
          tpu.vector_store %arg13[%swap3A_674, %swap3A_675], %broadcast_in_dim3A_3 {strides = array<i32>} : memref<8x16xi32, #tpu.memory_space<vmem>>, vector<16xi32>,
          %swap3A_677 = arith.constant 5 : i32
          %swap3A_678 = arith.index_cast %swap3A_677 : i32 to index
          %swap3A_679 = arith.constant 0 : index
          %swap3A_680 = tpu.vector_load %arg13[%swap3A_678, %swap3A_679] {strides = array<i32>} : memref<8x16xi32, #tpu.memory_space<vmem>>, vector<16xi32>,
          tpu.vector_store %arg13[%swap3A_678, %swap3A_679], %broadcast_in_dim3A_3 {strides = array<i32>} : memref<8x16xi32, #tpu.memory_space<vmem>>, vector<16xi32>,
          %swap3A_681 = arith.constant 6 : i32
          %swap3A_682 = arith.index_cast %swap3A_681 : i32 to index
          %swap3A_683 = arith.constant 0 : index
          %swap3A_684 = tpu.vector_load %arg13[%swap3A_682, %swap3A_683] {strides = array<i32>} : memref<8x16xi32, #tpu.memory_space<vmem>>, vector<16xi32>,
          tpu.vector_store %arg13[%swap3A_682, %swap3A_683], %broadcast_in_dim3A_3 {strides = array<i32>} : memref<8x16xi32, #tpu.memory_space<vmem>>, vector<16xi32>,
          %swap3A_685 = arith.constant 7 : i32
          %swap3A_686 = arith.index_cast %swap3A_685 : i32 to index
          %swap3A_687 = arith.constant 0 : index
          %swap3A_688 = tpu.vector_load %arg13[%swap3A_686, %swap3A_687] {strides = array<i32>} : memref<8x16xi32, #tpu.memory_space<vmem>>, vector<16xi32>,
          tpu.vector_store %arg13[%swap3A_686, %swap3A_687], %broadcast_in_dim3A_3 {strides = array<i32>} : memref<8x16xi32, #tpu.memory_space<vmem>>, vector<16xi32>,
        } else {
        }
        %jit3A_469 = arith.constant 0 : i32
        %select_n3A_470 = arith.select %gt3A_465, %jit3A_469, %while3A_459 : i32
        %mul3A_471 = arith.constant 16 : i32
        %mul3A_472 = arith.muli %add3A_461, %mul3A_471 : i32
        %sub3A_473 = arith.subi %while3A_411, %mul3A_472 : i32
        %min3A_474 = arith.constant 16 : i32
        %min3A_475 = arith.minsi %min3A_474, %sub3A_473 : i32
        %sub3A_476 = arith.constant 0 : i32
        %sub3A_477 = arith.subi %min3A_475, %sub3A_476 : i32
        %sub3A_478 = arith.constant 1 : i32
        %sub3A_479 = arith.constant 1 : i32
        %sub3A_480 = arith.subi %sub3A_478, %sub3A_479 : i32
        %add3A_481 = arith.addi %sub3A_477, %sub3A_480 : i32
        %div3A_482 = arith.constant 1 : i32
        %div3A_483 = arith.divsi %add3A_481, %div3A_482 : i32
        %while3A_484 = arith.constant 1 : i32
        %while3A_485 = arith.constant 0 : i32
        %while3A_486 = arith.constant 0 : i32
        %while3A_487 = arith.subi %div3A_483, %while3A_486 : i32
        %while3A_488 = arith.addi %while3A_486, %while3A_487 : i32
        %while3A_489 = arith.constant 1 : i32
        %while3A_490 = arith.divsi %while3A_487, %while3A_489 : i32
        %while3A_491 = arith.muli %while3A_490, %while3A_489 : i32
        %while3A_492 = arith.addi %while3A_486, %while3A_491 : i32
        %while3A_493 = arith.constant 1 : i32
        %while3A_494 = scf.for %while3A_497 = %while3A_486 to %while3A_492 step %while3A_493 iter_args(%while3A_498 = %select_n3A_470) -> (i32)  : i32 {
          %mul3A_499 = arith.muli %while3A_497, %while3A_484 : i32
          %add3A_500 = arith.addi %while3A_485, %mul3A_499 : i32
          %eq3A_501 = vector.broadcast %add3A_500 : i32 to vector<16xi32>
          %eq3A_502 = arith.cmpi eq, %iota3A, %eq3A_501 : vector<16xi32>
          %jit3A_503 = arith.constant 0 : i32
          %broadcast_in_dim3A_504 = vector.broadcast %jit3A_503 : i32 to vector<16xi32>
          %select_n3A_505 = arith.select %eq3A_502, %get3A_464, %broadcast_in_dim3A_504 : vector<16xi1>, vector<16xi32>
          %reduce_sum3A = arith.constant true
          %reduce_sum3A_506 = vector.broadcast %reduce_sum3A : i1 to vector<16xi1>
          %reduce_sum3A_507 = tpu.scan <sum>, %select_n3A_505 masked %reduce_sum3A_506 : vector<16xi32>, vector<16xi1> -> vector<16xi32>
          %reduce_sum3A_508 = vector.extract %reduce_sum3A_507[15] : i32 from vector<16xi32>
          %and3A = arith.constant 511 : i32
          %and3A_509 = arith.andi %reduce_sum3A_508, %and3A : i32
          %shift_right_arithmetic3A_510 = arith.constant 15 : i32
          %shift_right_arithmetic3A_511 = arith.shrsi %reduce_sum3A_508, %shift_right_arithmetic3A_510 : i32
          %broadcast_in_dim3A_512 = vector.broadcast %and3A_509 : i32 to vector<16xi32>
          %add3A_513 = arith.constant 0 : i32
          %add3A_514 = vector.broadcast %add3A_513 : i32 to vector<16xi32>
          %add3A_515 = arith.addi %iota3A, %add3A_514 : vector<16xi32>
          %gather3A = tpu.vector_load_idx %arg10[%add3A_515, %broadcast_in_dim3A_512] : memref<64x512xf32, #tpu.memory_space<vmem>>[vector<16xi32>, vector<16xi32>], vector<16xf32>,
          %swap3A_516 = arith.index_cast %while3A_498 : i32 to index
          %swap3A_517 = arith.constant 0 : index
          %swap3A_518 = tpu.vector_load %arg12[%swap3A_516, %swap3A_517] {strides = array<i32>} : memref<128x128xf32, #tpu.memory_space<vmem>>, vector<16xf32>,
          tpu.vector_store %arg12[%swap3A_516, %swap3A_517], %gather3A {strides = array<i32>} : memref<128x128xf32, #tpu.memory_space<vmem>>, vector<16xf32>,
          %add3A_519 = arith.constant 16 : i32
          %add3A_520 = vector.broadcast %add3A_519 : i32 to vector<16xi32>
          %add3A_521 = arith.addi %iota3A, %add3A_520 : vector<16xi32>
          %gather3A_522 = tpu.vector_load_idx %arg10[%add3A_521, %broadcast_in_dim3A_512] : memref<64x512xf32, #tpu.memory_space<vmem>>[vector<16xi32>, vector<16xi32>], vector<16xf32>,
          %swap3A_523 = arith.index_cast %while3A_498 : i32 to index
          %swap3A_524 = arith.constant 16 : index
          %swap3A_525 = tpu.vector_load %arg12[%swap3A_523, %swap3A_524] {strides = array<i32>} : memref<128x128xf32, #tpu.memory_space<vmem>>, vector<16xf32>,
          tpu.vector_store %arg12[%swap3A_523, %swap3A_524], %gather3A_522 {strides = array<i32>} : memref<128x128xf32, #tpu.memory_space<vmem>>, vector<16xf32>,
          %add3A_526 = arith.constant 32 : i32
          %add3A_527 = vector.broadcast %add3A_526 : i32 to vector<16xi32>
          %add3A_528 = arith.addi %iota3A, %add3A_527 : vector<16xi32>
          %gather3A_529 = tpu.vector_load_idx %arg10[%add3A_528, %broadcast_in_dim3A_512] : memref<64x512xf32, #tpu.memory_space<vmem>>[vector<16xi32>, vector<16xi32>], vector<16xf32>,
          %swap3A_530 = arith.index_cast %while3A_498 : i32 to index
          %swap3A_531 = arith.constant 32 : index
          %swap3A_532 = tpu.vector_load %arg12[%swap3A_530, %swap3A_531] {strides = array<i32>} : memref<128x128xf32, #tpu.memory_space<vmem>>, vector<16xf32>,
          tpu.vector_store %arg12[%swap3A_530, %swap3A_531], %gather3A_529 {strides = array<i32>} : memref<128x128xf32, #tpu.memory_space<vmem>>, vector<16xf32>,
          %add3A_533 = arith.constant 48 : i32
          %add3A_534 = vector.broadcast %add3A_533 : i32 to vector<16xi32>
          %add3A_535 = arith.addi %iota3A, %add3A_534 : vector<16xi32>
          %gather3A_536 = tpu.vector_load_idx %arg10[%add3A_535, %broadcast_in_dim3A_512] : memref<64x512xf32, #tpu.memory_space<vmem>>[vector<16xi32>, vector<16xi32>], vector<16xf32>,
          %swap3A_537 = arith.index_cast %while3A_498 : i32 to index
          %swap3A_538 = arith.constant 48 : index
          %swap3A_539 = tpu.vector_load %arg12[%swap3A_537, %swap3A_538] {strides = array<i32>} : memref<128x128xf32, #tpu.memory_space<vmem>>, vector<16xf32>,
          tpu.vector_store %arg12[%swap3A_537, %swap3A_538], %gather3A_536 {strides = array<i32>} : memref<128x128xf32, #tpu.memory_space<vmem>>, vector<16xf32>,
          %shift_right_arithmetic3A_540 = arith.constant 4 : i32
          %shift_right_arithmetic3A_541 = arith.shrsi %while3A_498, %shift_right_arithmetic3A_540 : i32
          %get3A_542 = arith.index_cast %shift_right_arithmetic3A_541 : i32 to index
          %get3A_543 = arith.constant 0 : index
          %get3A_544 = tpu.vector_load %arg13[%get3A_542, %get3A_543] {strides = array<i32>} : memref<8x16xi32, #tpu.memory_space<vmem>>, vector<16xi32>,
          %and3A_545 = arith.constant 15 : i32
          %and3A_546 = arith.andi %while3A_498, %and3A_545 : i32
          %eq3A_547 = vector.broadcast %and3A_546 : i32 to vector<16xi32>
          %eq3A_548 = arith.cmpi eq, %iota3A, %eq3A_547 : vector<16xi32>
          %broadcast_in_dim3A_549 = vector.broadcast %shift_right_arithmetic3A_511 : i32 to vector<16xi32>
          %select_n3A_550 = arith.select %eq3A_548, %broadcast_in_dim3A_549, %get3A_544 : vector<16xi1>, vector<16xi32>
          %swap3A_551 = arith.index_cast %shift_right_arithmetic3A_541 : i32 to index
          %swap3A_552 = arith.constant 0 : index
          %swap3A_553 = tpu.vector_load %arg13[%swap3A_551, %swap3A_552] {strides = array<i32>} : memref<8x16xi32, #tpu.memory_space<vmem>>, vector<16xi32>,
          tpu.vector_store %arg13[%swap3A_551, %swap3A_552], %select_n3A_550 {strides = array<i32>} : memref<8x16xi32, #tpu.memory_space<vmem>>, vector<16xi32>,
          %add3A_554 = arith.constant 1 : i32
          %add3A_555 = arith.addi %while3A_498, %add3A_554 : i32
          scf.yield %add3A_555 : i32
        }
        %while3A_495 = arith.constant 1 : i32
        %while3A_496 = scf.for %while3A_497 = %while3A_492 to %while3A_488 step %while3A_495 iter_args(%while3A_498 = %while3A_494) -> (i32)  : i32 {
          %mul3A_499 = arith.muli %while3A_497, %while3A_484 : i32
          %add3A_500 = arith.addi %while3A_485, %mul3A_499 : i32
          %eq3A_501 = vector.broadcast %add3A_500 : i32 to vector<16xi32>
          %eq3A_502 = arith.cmpi eq, %iota3A, %eq3A_501 : vector<16xi32>
          %jit3A_503 = arith.constant 0 : i32
          %broadcast_in_dim3A_504 = vector.broadcast %jit3A_503 : i32 to vector<16xi32>
          %select_n3A_505 = arith.select %eq3A_502, %get3A_464, %broadcast_in_dim3A_504 : vector<16xi1>, vector<16xi32>
          %reduce_sum3A = arith.constant true
          %reduce_sum3A_506 = vector.broadcast %reduce_sum3A : i1 to vector<16xi1>
          %reduce_sum3A_507 = tpu.scan <sum>, %select_n3A_505 masked %reduce_sum3A_506 : vector<16xi32>, vector<16xi1> -> vector<16xi32>
          %reduce_sum3A_508 = vector.extract %reduce_sum3A_507[15] : i32 from vector<16xi32>
          %and3A = arith.constant 511 : i32
          %and3A_509 = arith.andi %reduce_sum3A_508, %and3A : i32
          %shift_right_arithmetic3A_510 = arith.constant 15 : i32
          %shift_right_arithmetic3A_511 = arith.shrsi %reduce_sum3A_508, %shift_right_arithmetic3A_510 : i32
          %broadcast_in_dim3A_512 = vector.broadcast %and3A_509 : i32 to vector<16xi32>
          %add3A_513 = arith.constant 0 : i32
          %add3A_514 = vector.broadcast %add3A_513 : i32 to vector<16xi32>
          %add3A_515 = arith.addi %iota3A, %add3A_514 : vector<16xi32>
          %gather3A = tpu.vector_load_idx %arg10[%add3A_515, %broadcast_in_dim3A_512] : memref<64x512xf32, #tpu.memory_space<vmem>>[vector<16xi32>, vector<16xi32>], vector<16xf32>,
          %swap3A_516 = arith.index_cast %while3A_498 : i32 to index
          %swap3A_517 = arith.constant 0 : index
          %swap3A_518 = tpu.vector_load %arg12[%swap3A_516, %swap3A_517] {strides = array<i32>} : memref<128x128xf32, #tpu.memory_space<vmem>>, vector<16xf32>,
          tpu.vector_store %arg12[%swap3A_516, %swap3A_517], %gather3A {strides = array<i32>} : memref<128x128xf32, #tpu.memory_space<vmem>>, vector<16xf32>,
          %add3A_519 = arith.constant 16 : i32
          %add3A_520 = vector.broadcast %add3A_519 : i32 to vector<16xi32>
          %add3A_521 = arith.addi %iota3A, %add3A_520 : vector<16xi32>
          %gather3A_522 = tpu.vector_load_idx %arg10[%add3A_521, %broadcast_in_dim3A_512] : memref<64x512xf32, #tpu.memory_space<vmem>>[vector<16xi32>, vector<16xi32>], vector<16xf32>,
          %swap3A_523 = arith.index_cast %while3A_498 : i32 to index
          %swap3A_524 = arith.constant 16 : index
          %swap3A_525 = tpu.vector_load %arg12[%swap3A_523, %swap3A_524] {strides = array<i32>} : memref<128x128xf32, #tpu.memory_space<vmem>>, vector<16xf32>,
          tpu.vector_store %arg12[%swap3A_523, %swap3A_524], %gather3A_522 {strides = array<i32>} : memref<128x128xf32, #tpu.memory_space<vmem>>, vector<16xf32>,
          %add3A_526 = arith.constant 32 : i32
          %add3A_527 = vector.broadcast %add3A_526 : i32 to vector<16xi32>
          %add3A_528 = arith.addi %iota3A, %add3A_527 : vector<16xi32>
          %gather3A_529 = tpu.vector_load_idx %arg10[%add3A_528, %broadcast_in_dim3A_512] : memref<64x512xf32, #tpu.memory_space<vmem>>[vector<16xi32>, vector<16xi32>], vector<16xf32>,
          %swap3A_530 = arith.index_cast %while3A_498 : i32 to index
          %swap3A_531 = arith.constant 32 : index
          %swap3A_532 = tpu.vector_load %arg12[%swap3A_530, %swap3A_531] {strides = array<i32>} : memref<128x128xf32, #tpu.memory_space<vmem>>, vector<16xf32>,
          tpu.vector_store %arg12[%swap3A_530, %swap3A_531], %gather3A_529 {strides = array<i32>} : memref<128x128xf32, #tpu.memory_space<vmem>>, vector<16xf32>,
          %add3A_533 = arith.constant 48 : i32
          %add3A_534 = vector.broadcast %add3A_533 : i32 to vector<16xi32>
          %add3A_535 = arith.addi %iota3A, %add3A_534 : vector<16xi32>
          %gather3A_536 = tpu.vector_load_idx %arg10[%add3A_535, %broadcast_in_dim3A_512] : memref<64x512xf32, #tpu.memory_space<vmem>>[vector<16xi32>, vector<16xi32>], vector<16xf32>,
          %swap3A_537 = arith.index_cast %while3A_498 : i32 to index
          %swap3A_538 = arith.constant 48 : index
          %swap3A_539 = tpu.vector_load %arg12[%swap3A_537, %swap3A_538] {strides = array<i32>} : memref<128x128xf32, #tpu.memory_space<vmem>>, vector<16xf32>,
          tpu.vector_store %arg12[%swap3A_537, %swap3A_538], %gather3A_536 {strides = array<i32>} : memref<128x128xf32, #tpu.memory_space<vmem>>, vector<16xf32>,
          %shift_right_arithmetic3A_540 = arith.constant 4 : i32
          %shift_right_arithmetic3A_541 = arith.shrsi %while3A_498, %shift_right_arithmetic3A_540 : i32
          %get3A_542 = arith.index_cast %shift_right_arithmetic3A_541 : i32 to index
          %get3A_543 = arith.constant 0 : index
          %get3A_544 = tpu.vector_load %arg13[%get3A_542, %get3A_543] {strides = array<i32>} : memref<8x16xi32, #tpu.memory_space<vmem>>, vector<16xi32>,
          %and3A_545 = arith.constant 15 : i32
          %and3A_546 = arith.andi %while3A_498, %and3A_545 : i32
          %eq3A_547 = vector.broadcast %and3A_546 : i32 to vector<16xi32>
          %eq3A_548 = arith.cmpi eq, %iota3A, %eq3A_547 : vector<16xi32>
          %broadcast_in_dim3A_549 = vector.broadcast %shift_right_arithmetic3A_511 : i32 to vector<16xi32>
          %select_n3A_550 = arith.select %eq3A_548, %broadcast_in_dim3A_549, %get3A_544 : vector<16xi1>, vector<16xi32>
          %swap3A_551 = arith.index_cast %shift_right_arithmetic3A_541 : i32 to index
          %swap3A_552 = arith.constant 0 : index
          %swap3A_553 = tpu.vector_load %arg13[%swap3A_551, %swap3A_552] {strides = array<i32>} : memref<8x16xi32, #tpu.memory_space<vmem>>, vector<16xi32>,
          tpu.vector_store %arg13[%swap3A_551, %swap3A_552], %select_n3A_550 {strides = array<i32>} : memref<8x16xi32, #tpu.memory_space<vmem>>, vector<16xi32>,
          %add3A_554 = arith.constant 1 : i32
          %add3A_555 = arith.addi %while3A_498, %add3A_554 : i32
          scf.yield %add3A_555 : i32
        }
        scf.yield %while3A_496 : i32
      }
      %while3A_441 = arith.constant 1 : i32
      %while3A_442 = scf.for %while3A_458 = %while3A_438 to %while3A_434 step %while3A_441 iter_args(%while3A_459 = %while3A_440) -> (i32)  : i32 {
        %mul3A_460 = arith.muli %while3A_458, %while3A_430 : i32
        %add3A_461 = arith.addi %while3A_431, %mul3A_460 : i32
        %mul3A_462 = arith.constant 16 : i32
        %mul3A_463 = arith.muli %add3A_461, %mul3A_462 : i32
        %get3A = arith.index_cast %mul3A_463 : i32 to index
        %get3A_464 = tpu.vector_load %arg8[%get3A] {strides = array<i32>} : memref<16400xi32, #tpu.memory_space<vmem>>, vector<16xi32>,
        %gt3A = arith.constant 112 : i32
        %gt3A_465 = arith.cmpi sgt, %while3A_459, %gt3A : i32
        %convert_element_type3A_466 = arith.extui %gt3A_465 : i1 to i32
        %cond3A_467 = arith.constant 0 : i32
        %cond3A_468 = arith.cmpi ne, %convert_element_type3A_466, %cond3A_467 : i32
        scf.if %cond3A_468 {
          %dma_start3A_497 = arith.constant 0 : i32
          %dma_start3A_498 = arith.constant 0 : i32
          %dma_start3A_499 = arith.constant 0 : i32
          %dma_start3A_500 = tpu.memref_slice %arg12[%dma_start3A_498, %dma_start3A_499] : memref<128x128xf32, #tpu.memory_space<vmem>> -> memref<16x128xf32, #tpu.memory_space<vmem>>
          %dma_start3A_501 = arith.constant 0 : i32
          %dma_start3A_502 = tpu.memref_slice %arg13[%dma_start3A_497, %dma_start3A_501] : memref<8x16xi32, #tpu.memory_space<vmem>> -> memref<1x16xi32, #tpu.memory_space<vmem>>
          %dma_start3A_503 = tpu.memref_squeeze %dma_start3A_502 : memref<1x16xi32, #tpu.memory_space<vmem>> -> memref<16xi32, #tpu.memory_space<vmem>>
          %dma_start3A_504 = arith.constant 0 : i32
          %dma_start3A_505 = arith.constant 0 : i32
          %dma_start3A_506 = tpu.memref_slice %arg5[%dma_start3A_504, %dma_start3A_505] : memref<16392x128xf32, #tpu.memory_space<hbm>> -> memref<16392x128xf32, #tpu.memory_space<hbm>>
          tpu.enqueue_indirect_dma source(%dma_start3A_500 : memref<16x128xf32, #tpu.memory_space<vmem>>) target(%dma_start3A_506 : memref<16392x128xf32, #tpu.memory_space<hbm>>) offsets(%dma_start3A_503 : memref<16xi32, #tpu.memory_space<vmem>>) semaphore(%arg14 : memref<!tpu.dma_semaphore, #tpu.memory_space<semaphore_mem>>)
          %dma_start3A_507 = arith.constant 1 : i32
          %dma_start3A_508 = arith.constant 16 : i32
          %dma_start3A_509 = arith.constant 0 : i32
          %dma_start3A_510 = tpu.memref_slice %arg12[%dma_start3A_508, %dma_start3A_509] : memref<128x128xf32, #tpu.memory_space<vmem>> -> memref<16x128xf32, #tpu.memory_space<vmem>>
          %dma_start3A_511 = arith.constant 0 : i32
          %dma_start3A_512 = tpu.memref_slice %arg13[%dma_start3A_507, %dma_start3A_511] : memref<8x16xi32, #tpu.memory_space<vmem>> -> memref<1x16xi32, #tpu.memory_space<vmem>>
          %dma_start3A_513 = tpu.memref_squeeze %dma_start3A_512 : memref<1x16xi32, #tpu.memory_space<vmem>> -> memref<16xi32, #tpu.memory_space<vmem>>
          %dma_start3A_514 = arith.constant 0 : i32
          %dma_start3A_515 = arith.constant 0 : i32
          %dma_start3A_516 = tpu.memref_slice %arg5[%dma_start3A_514, %dma_start3A_515] : memref<16392x128xf32, #tpu.memory_space<hbm>> -> memref<16392x128xf32, #tpu.memory_space<hbm>>
          tpu.enqueue_indirect_dma source(%dma_start3A_510 : memref<16x128xf32, #tpu.memory_space<vmem>>) target(%dma_start3A_516 : memref<16392x128xf32, #tpu.memory_space<hbm>>) offsets(%dma_start3A_513 : memref<16xi32, #tpu.memory_space<vmem>>) semaphore(%arg14 : memref<!tpu.dma_semaphore, #tpu.memory_space<semaphore_mem>>)
          %dma_start3A_517 = arith.constant 2 : i32
          %dma_start3A_518 = arith.constant 32 : i32
          %dma_start3A_519 = arith.constant 0 : i32
          %dma_start3A_520 = tpu.memref_slice %arg12[%dma_start3A_518, %dma_start3A_519] : memref<128x128xf32, #tpu.memory_space<vmem>> -> memref<16x128xf32, #tpu.memory_space<vmem>>
          %dma_start3A_521 = arith.constant 0 : i32
          %dma_start3A_522 = tpu.memref_slice %arg13[%dma_start3A_517, %dma_start3A_521] : memref<8x16xi32, #tpu.memory_space<vmem>> -> memref<1x16xi32, #tpu.memory_space<vmem>>
          %dma_start3A_523 = tpu.memref_squeeze %dma_start3A_522 : memref<1x16xi32, #tpu.memory_space<vmem>> -> memref<16xi32, #tpu.memory_space<vmem>>
          %dma_start3A_524 = arith.constant 0 : i32
          %dma_start3A_525 = arith.constant 0 : i32
          %dma_start3A_526 = tpu.memref_slice %arg5[%dma_start3A_524, %dma_start3A_525] : memref<16392x128xf32, #tpu.memory_space<hbm>> -> memref<16392x128xf32, #tpu.memory_space<hbm>>
          tpu.enqueue_indirect_dma source(%dma_start3A_520 : memref<16x128xf32, #tpu.memory_space<vmem>>) target(%dma_start3A_526 : memref<16392x128xf32, #tpu.memory_space<hbm>>) offsets(%dma_start3A_523 : memref<16xi32, #tpu.memory_space<vmem>>) semaphore(%arg14 : memref<!tpu.dma_semaphore, #tpu.memory_space<semaphore_mem>>)
          %dma_start3A_527 = arith.constant 3 : i32
          %dma_start3A_528 = arith.constant 48 : i32
          %dma_start3A_529 = arith.constant 0 : i32
          %dma_start3A_530 = tpu.memref_slice %arg12[%dma_start3A_528, %dma_start3A_529] : memref<128x128xf32, #tpu.memory_space<vmem>> -> memref<16x128xf32, #tpu.memory_space<vmem>>
          %dma_start3A_531 = arith.constant 0 : i32
          %dma_start3A_532 = tpu.memref_slice %arg13[%dma_start3A_527, %dma_start3A_531] : memref<8x16xi32, #tpu.memory_space<vmem>> -> memref<1x16xi32, #tpu.memory_space<vmem>>
          %dma_start3A_533 = tpu.memref_squeeze %dma_start3A_532 : memref<1x16xi32, #tpu.memory_space<vmem>> -> memref<16xi32, #tpu.memory_space<vmem>>
          %dma_start3A_534 = arith.constant 0 : i32
          %dma_start3A_535 = arith.constant 0 : i32
          %dma_start3A_536 = tpu.memref_slice %arg5[%dma_start3A_534, %dma_start3A_535] : memref<16392x128xf32, #tpu.memory_space<hbm>> -> memref<16392x128xf32, #tpu.memory_space<hbm>>
          tpu.enqueue_indirect_dma source(%dma_start3A_530 : memref<16x128xf32, #tpu.memory_space<vmem>>) target(%dma_start3A_536 : memref<16392x128xf32, #tpu.memory_space<hbm>>) offsets(%dma_start3A_533 : memref<16xi32, #tpu.memory_space<vmem>>) semaphore(%arg14 : memref<!tpu.dma_semaphore, #tpu.memory_space<semaphore_mem>>)
          %dma_start3A_537 = arith.constant 4 : i32
          %dma_start3A_538 = arith.constant 64 : i32
          %dma_start3A_539 = arith.constant 0 : i32
          %dma_start3A_540 = tpu.memref_slice %arg12[%dma_start3A_538, %dma_start3A_539] : memref<128x128xf32, #tpu.memory_space<vmem>> -> memref<16x128xf32, #tpu.memory_space<vmem>>
          %dma_start3A_541 = arith.constant 0 : i32
          %dma_start3A_542 = tpu.memref_slice %arg13[%dma_start3A_537, %dma_start3A_541] : memref<8x16xi32, #tpu.memory_space<vmem>> -> memref<1x16xi32, #tpu.memory_space<vmem>>
          %dma_start3A_543 = tpu.memref_squeeze %dma_start3A_542 : memref<1x16xi32, #tpu.memory_space<vmem>> -> memref<16xi32, #tpu.memory_space<vmem>>
          %dma_start3A_544 = arith.constant 0 : i32
          %dma_start3A_545 = arith.constant 0 : i32
          %dma_start3A_546 = tpu.memref_slice %arg5[%dma_start3A_544, %dma_start3A_545] : memref<16392x128xf32, #tpu.memory_space<hbm>> -> memref<16392x128xf32, #tpu.memory_space<hbm>>
          tpu.enqueue_indirect_dma source(%dma_start3A_540 : memref<16x128xf32, #tpu.memory_space<vmem>>) target(%dma_start3A_546 : memref<16392x128xf32, #tpu.memory_space<hbm>>) offsets(%dma_start3A_543 : memref<16xi32, #tpu.memory_space<vmem>>) semaphore(%arg14 : memref<!tpu.dma_semaphore, #tpu.memory_space<semaphore_mem>>)
          %dma_start3A_547 = arith.constant 5 : i32
          %dma_start3A_548 = arith.constant 80 : i32
          %dma_start3A_549 = arith.constant 0 : i32
          %dma_start3A_550 = tpu.memref_slice %arg12[%dma_start3A_548, %dma_start3A_549] : memref<128x128xf32, #tpu.memory_space<vmem>> -> memref<16x128xf32, #tpu.memory_space<vmem>>
          %dma_start3A_551 = arith.constant 0 : i32
          %dma_start3A_552 = tpu.memref_slice %arg13[%dma_start3A_547, %dma_start3A_551] : memref<8x16xi32, #tpu.memory_space<vmem>> -> memref<1x16xi32, #tpu.memory_space<vmem>>
          %dma_start3A_553 = tpu.memref_squeeze %dma_start3A_552 : memref<1x16xi32, #tpu.memory_space<vmem>> -> memref<16xi32, #tpu.memory_space<vmem>>
          %dma_start3A_554 = arith.constant 0 : i32
          %dma_start3A_555 = arith.constant 0 : i32
          %dma_start3A_556 = tpu.memref_slice %arg5[%dma_start3A_554, %dma_start3A_555] : memref<16392x128xf32, #tpu.memory_space<hbm>> -> memref<16392x128xf32, #tpu.memory_space<hbm>>
          tpu.enqueue_indirect_dma source(%dma_start3A_550 : memref<16x128xf32, #tpu.memory_space<vmem>>) target(%dma_start3A_556 : memref<16392x128xf32, #tpu.memory_space<hbm>>) offsets(%dma_start3A_553 : memref<16xi32, #tpu.memory_space<vmem>>) semaphore(%arg14 : memref<!tpu.dma_semaphore, #tpu.memory_space<semaphore_mem>>)
          %dma_start3A_557 = arith.constant 6 : i32
          %dma_start3A_558 = arith.constant 96 : i32
          %dma_start3A_559 = arith.constant 0 : i32
          %dma_start3A_560 = tpu.memref_slice %arg12[%dma_start3A_558, %dma_start3A_559] : memref<128x128xf32, #tpu.memory_space<vmem>> -> memref<16x128xf32, #tpu.memory_space<vmem>>
          %dma_start3A_561 = arith.constant 0 : i32
          %dma_start3A_562 = tpu.memref_slice %arg13[%dma_start3A_557, %dma_start3A_561] : memref<8x16xi32, #tpu.memory_space<vmem>> -> memref<1x16xi32, #tpu.memory_space<vmem>>
          %dma_start3A_563 = tpu.memref_squeeze %dma_start3A_562 : memref<1x16xi32, #tpu.memory_space<vmem>> -> memref<16xi32, #tpu.memory_space<vmem>>
          %dma_start3A_564 = arith.constant 0 : i32
          %dma_start3A_565 = arith.constant 0 : i32
          %dma_start3A_566 = tpu.memref_slice %arg5[%dma_start3A_564, %dma_start3A_565] : memref<16392x128xf32, #tpu.memory_space<hbm>> -> memref<16392x128xf32, #tpu.memory_space<hbm>>
          tpu.enqueue_indirect_dma source(%dma_start3A_560 : memref<16x128xf32, #tpu.memory_space<vmem>>) target(%dma_start3A_566 : memref<16392x128xf32, #tpu.memory_space<hbm>>) offsets(%dma_start3A_563 : memref<16xi32, #tpu.memory_space<vmem>>) semaphore(%arg14 : memref<!tpu.dma_semaphore, #tpu.memory_space<semaphore_mem>>)
          %dma_start3A_567 = arith.constant 7 : i32
          %dma_start3A_568 = arith.constant 112 : i32
          %dma_start3A_569 = arith.constant 0 : i32
          %dma_start3A_570 = tpu.memref_slice %arg12[%dma_start3A_568, %dma_start3A_569] : memref<128x128xf32, #tpu.memory_space<vmem>> -> memref<16x128xf32, #tpu.memory_space<vmem>>
          %dma_start3A_571 = arith.constant 0 : i32
          %dma_start3A_572 = tpu.memref_slice %arg13[%dma_start3A_567, %dma_start3A_571] : memref<8x16xi32, #tpu.memory_space<vmem>> -> memref<1x16xi32, #tpu.memory_space<vmem>>
          %dma_start3A_573 = tpu.memref_squeeze %dma_start3A_572 : memref<1x16xi32, #tpu.memory_space<vmem>> -> memref<16xi32, #tpu.memory_space<vmem>>
          %dma_start3A_574 = arith.constant 0 : i32
          %dma_start3A_575 = arith.constant 0 : i32
          %dma_start3A_576 = tpu.memref_slice %arg5[%dma_start3A_574, %dma_start3A_575] : memref<16392x128xf32, #tpu.memory_space<hbm>> -> memref<16392x128xf32, #tpu.memory_space<hbm>>
          tpu.enqueue_indirect_dma source(%dma_start3A_570 : memref<16x128xf32, #tpu.memory_space<vmem>>) target(%dma_start3A_576 : memref<16392x128xf32, #tpu.memory_space<hbm>>) offsets(%dma_start3A_573 : memref<16xi32, #tpu.memory_space<vmem>>) semaphore(%arg14 : memref<!tpu.dma_semaphore, #tpu.memory_space<semaphore_mem>>)
          %dma_wait3A_577 = arith.constant 0 : i32
          %dma_wait3A_578 = arith.constant 0 : i32
          %dma_wait3A_579 = arith.constant 0 : i32
          %dma_wait3A_580 = tpu.memref_slice %arg12[%dma_wait3A_578, %dma_wait3A_579] : memref<128x128xf32, #tpu.memory_space<vmem>> -> memref<16x128xf32, #tpu.memory_space<vmem>>
          %dma_wait3A_581 = arith.constant 0 : i32
          %dma_wait3A_582 = tpu.memref_slice %arg13[%dma_wait3A_577, %dma_wait3A_581] : memref<8x16xi32, #tpu.memory_space<vmem>> -> memref<1x16xi32, #tpu.memory_space<vmem>>
          %dma_wait3A_583 = tpu.memref_squeeze %dma_wait3A_582 : memref<1x16xi32, #tpu.memory_space<vmem>> -> memref<16xi32, #tpu.memory_space<vmem>>
          %dma_wait3A_584 = arith.constant 0 : i32
          %dma_wait3A_585 = arith.constant 0 : i32
          %dma_wait3A_586 = tpu.memref_slice %arg5[%dma_wait3A_584, %dma_wait3A_585] : memref<16392x128xf32, #tpu.memory_space<hbm>> -> memref<16392x128xf32, #tpu.memory_space<hbm>>
          tpu.wait_indirect_dma semaphore(%arg14 : memref<!tpu.dma_semaphore, #tpu.memory_space<semaphore_mem>>) src(%dma_wait3A_580 : memref<16x128xf32, #tpu.memory_space<vmem>>) dst(%dma_wait3A_586 : memref<16392x128xf32, #tpu.memory_space<hbm>>)
          %dma_wait3A_587 = arith.constant 1 : i32
          %dma_wait3A_588 = arith.constant 16 : i32
          %dma_wait3A_589 = arith.constant 0 : i32
          %dma_wait3A_590 = tpu.memref_slice %arg12[%dma_wait3A_588, %dma_wait3A_589] : memref<128x128xf32, #tpu.memory_space<vmem>> -> memref<16x128xf32, #tpu.memory_space<vmem>>
          %dma_wait3A_591 = arith.constant 0 : i32
          %dma_wait3A_592 = tpu.memref_slice %arg13[%dma_wait3A_587, %dma_wait3A_591] : memref<8x16xi32, #tpu.memory_space<vmem>> -> memref<1x16xi32, #tpu.memory_space<vmem>>
          %dma_wait3A_593 = tpu.memref_squeeze %dma_wait3A_592 : memref<1x16xi32, #tpu.memory_space<vmem>> -> memref<16xi32, #tpu.memory_space<vmem>>
          %dma_wait3A_594 = arith.constant 0 : i32
          %dma_wait3A_595 = arith.constant 0 : i32
          %dma_wait3A_596 = tpu.memref_slice %arg5[%dma_wait3A_594, %dma_wait3A_595] : memref<16392x128xf32, #tpu.memory_space<hbm>> -> memref<16392x128xf32, #tpu.memory_space<hbm>>
          tpu.wait_indirect_dma semaphore(%arg14 : memref<!tpu.dma_semaphore, #tpu.memory_space<semaphore_mem>>) src(%dma_wait3A_590 : memref<16x128xf32, #tpu.memory_space<vmem>>) dst(%dma_wait3A_596 : memref<16392x128xf32, #tpu.memory_space<hbm>>)
          %dma_wait3A_597 = arith.constant 2 : i32
          %dma_wait3A_598 = arith.constant 32 : i32
          %dma_wait3A_599 = arith.constant 0 : i32
          %dma_wait3A_600 = tpu.memref_slice %arg12[%dma_wait3A_598, %dma_wait3A_599] : memref<128x128xf32, #tpu.memory_space<vmem>> -> memref<16x128xf32, #tpu.memory_space<vmem>>
          %dma_wait3A_601 = arith.constant 0 : i32
          %dma_wait3A_602 = tpu.memref_slice %arg13[%dma_wait3A_597, %dma_wait3A_601] : memref<8x16xi32, #tpu.memory_space<vmem>> -> memref<1x16xi32, #tpu.memory_space<vmem>>
          %dma_wait3A_603 = tpu.memref_squeeze %dma_wait3A_602 : memref<1x16xi32, #tpu.memory_space<vmem>> -> memref<16xi32, #tpu.memory_space<vmem>>
          %dma_wait3A_604 = arith.constant 0 : i32
          %dma_wait3A_605 = arith.constant 0 : i32
          %dma_wait3A_606 = tpu.memref_slice %arg5[%dma_wait3A_604, %dma_wait3A_605] : memref<16392x128xf32, #tpu.memory_space<hbm>> -> memref<16392x128xf32, #tpu.memory_space<hbm>>
          tpu.wait_indirect_dma semaphore(%arg14 : memref<!tpu.dma_semaphore, #tpu.memory_space<semaphore_mem>>) src(%dma_wait3A_600 : memref<16x128xf32, #tpu.memory_space<vmem>>) dst(%dma_wait3A_606 : memref<16392x128xf32, #tpu.memory_space<hbm>>)
          %dma_wait3A_607 = arith.constant 3 : i32
          %dma_wait3A_608 = arith.constant 48 : i32
          %dma_wait3A_609 = arith.constant 0 : i32
          %dma_wait3A_610 = tpu.memref_slice %arg12[%dma_wait3A_608, %dma_wait3A_609] : memref<128x128xf32, #tpu.memory_space<vmem>> -> memref<16x128xf32, #tpu.memory_space<vmem>>
          %dma_wait3A_611 = arith.constant 0 : i32
          %dma_wait3A_612 = tpu.memref_slice %arg13[%dma_wait3A_607, %dma_wait3A_611] : memref<8x16xi32, #tpu.memory_space<vmem>> -> memref<1x16xi32, #tpu.memory_space<vmem>>
          %dma_wait3A_613 = tpu.memref_squeeze %dma_wait3A_612 : memref<1x16xi32, #tpu.memory_space<vmem>> -> memref<16xi32, #tpu.memory_space<vmem>>
          %dma_wait3A_614 = arith.constant 0 : i32
          %dma_wait3A_615 = arith.constant 0 : i32
          %dma_wait3A_616 = tpu.memref_slice %arg5[%dma_wait3A_614, %dma_wait3A_615] : memref<16392x128xf32, #tpu.memory_space<hbm>> -> memref<16392x128xf32, #tpu.memory_space<hbm>>
          tpu.wait_indirect_dma semaphore(%arg14 : memref<!tpu.dma_semaphore, #tpu.memory_space<semaphore_mem>>) src(%dma_wait3A_610 : memref<16x128xf32, #tpu.memory_space<vmem>>) dst(%dma_wait3A_616 : memref<16392x128xf32, #tpu.memory_space<hbm>>)
          %dma_wait3A_617 = arith.constant 4 : i32
          %dma_wait3A_618 = arith.constant 64 : i32
          %dma_wait3A_619 = arith.constant 0 : i32
          %dma_wait3A_620 = tpu.memref_slice %arg12[%dma_wait3A_618, %dma_wait3A_619] : memref<128x128xf32, #tpu.memory_space<vmem>> -> memref<16x128xf32, #tpu.memory_space<vmem>>
          %dma_wait3A_621 = arith.constant 0 : i32
          %dma_wait3A_622 = tpu.memref_slice %arg13[%dma_wait3A_617, %dma_wait3A_621] : memref<8x16xi32, #tpu.memory_space<vmem>> -> memref<1x16xi32, #tpu.memory_space<vmem>>
          %dma_wait3A_623 = tpu.memref_squeeze %dma_wait3A_622 : memref<1x16xi32, #tpu.memory_space<vmem>> -> memref<16xi32, #tpu.memory_space<vmem>>
          %dma_wait3A_624 = arith.constant 0 : i32
          %dma_wait3A_625 = arith.constant 0 : i32
          %dma_wait3A_626 = tpu.memref_slice %arg5[%dma_wait3A_624, %dma_wait3A_625] : memref<16392x128xf32, #tpu.memory_space<hbm>> -> memref<16392x128xf32, #tpu.memory_space<hbm>>
          tpu.wait_indirect_dma semaphore(%arg14 : memref<!tpu.dma_semaphore, #tpu.memory_space<semaphore_mem>>) src(%dma_wait3A_620 : memref<16x128xf32, #tpu.memory_space<vmem>>) dst(%dma_wait3A_626 : memref<16392x128xf32, #tpu.memory_space<hbm>>)
          %dma_wait3A_627 = arith.constant 5 : i32
          %dma_wait3A_628 = arith.constant 80 : i32
          %dma_wait3A_629 = arith.constant 0 : i32
          %dma_wait3A_630 = tpu.memref_slice %arg12[%dma_wait3A_628, %dma_wait3A_629] : memref<128x128xf32, #tpu.memory_space<vmem>> -> memref<16x128xf32, #tpu.memory_space<vmem>>
          %dma_wait3A_631 = arith.constant 0 : i32
          %dma_wait3A_632 = tpu.memref_slice %arg13[%dma_wait3A_627, %dma_wait3A_631] : memref<8x16xi32, #tpu.memory_space<vmem>> -> memref<1x16xi32, #tpu.memory_space<vmem>>
          %dma_wait3A_633 = tpu.memref_squeeze %dma_wait3A_632 : memref<1x16xi32, #tpu.memory_space<vmem>> -> memref<16xi32, #tpu.memory_space<vmem>>
          %dma_wait3A_634 = arith.constant 0 : i32
          %dma_wait3A_635 = arith.constant 0 : i32
          %dma_wait3A_636 = tpu.memref_slice %arg5[%dma_wait3A_634, %dma_wait3A_635] : memref<16392x128xf32, #tpu.memory_space<hbm>> -> memref<16392x128xf32, #tpu.memory_space<hbm>>
          tpu.wait_indirect_dma semaphore(%arg14 : memref<!tpu.dma_semaphore, #tpu.memory_space<semaphore_mem>>) src(%dma_wait3A_630 : memref<16x128xf32, #tpu.memory_space<vmem>>) dst(%dma_wait3A_636 : memref<16392x128xf32, #tpu.memory_space<hbm>>)
          %dma_wait3A_637 = arith.constant 6 : i32
          %dma_wait3A_638 = arith.constant 96 : i32
          %dma_wait3A_639 = arith.constant 0 : i32
          %dma_wait3A_640 = tpu.memref_slice %arg12[%dma_wait3A_638, %dma_wait3A_639] : memref<128x128xf32, #tpu.memory_space<vmem>> -> memref<16x128xf32, #tpu.memory_space<vmem>>
          %dma_wait3A_641 = arith.constant 0 : i32
          %dma_wait3A_642 = tpu.memref_slice %arg13[%dma_wait3A_637, %dma_wait3A_641] : memref<8x16xi32, #tpu.memory_space<vmem>> -> memref<1x16xi32, #tpu.memory_space<vmem>>
          %dma_wait3A_643 = tpu.memref_squeeze %dma_wait3A_642 : memref<1x16xi32, #tpu.memory_space<vmem>> -> memref<16xi32, #tpu.memory_space<vmem>>
          %dma_wait3A_644 = arith.constant 0 : i32
          %dma_wait3A_645 = arith.constant 0 : i32
          %dma_wait3A_646 = tpu.memref_slice %arg5[%dma_wait3A_644, %dma_wait3A_645] : memref<16392x128xf32, #tpu.memory_space<hbm>> -> memref<16392x128xf32, #tpu.memory_space<hbm>>
          tpu.wait_indirect_dma semaphore(%arg14 : memref<!tpu.dma_semaphore, #tpu.memory_space<semaphore_mem>>) src(%dma_wait3A_640 : memref<16x128xf32, #tpu.memory_space<vmem>>) dst(%dma_wait3A_646 : memref<16392x128xf32, #tpu.memory_space<hbm>>)
          %dma_wait3A_647 = arith.constant 7 : i32
          %dma_wait3A_648 = arith.constant 112 : i32
          %dma_wait3A_649 = arith.constant 0 : i32
          %dma_wait3A_650 = tpu.memref_slice %arg12[%dma_wait3A_648, %dma_wait3A_649] : memref<128x128xf32, #tpu.memory_space<vmem>> -> memref<16x128xf32, #tpu.memory_space<vmem>>
          %dma_wait3A_651 = arith.constant 0 : i32
          %dma_wait3A_652 = tpu.memref_slice %arg13[%dma_wait3A_647, %dma_wait3A_651] : memref<8x16xi32, #tpu.memory_space<vmem>> -> memref<1x16xi32, #tpu.memory_space<vmem>>
          %dma_wait3A_653 = tpu.memref_squeeze %dma_wait3A_652 : memref<1x16xi32, #tpu.memory_space<vmem>> -> memref<16xi32, #tpu.memory_space<vmem>>
          %dma_wait3A_654 = arith.constant 0 : i32
          %dma_wait3A_655 = arith.constant 0 : i32
          %dma_wait3A_656 = tpu.memref_slice %arg5[%dma_wait3A_654, %dma_wait3A_655] : memref<16392x128xf32, #tpu.memory_space<hbm>> -> memref<16392x128xf32, #tpu.memory_space<hbm>>
          tpu.wait_indirect_dma semaphore(%arg14 : memref<!tpu.dma_semaphore, #tpu.memory_space<semaphore_mem>>) src(%dma_wait3A_650 : memref<16x128xf32, #tpu.memory_space<vmem>>) dst(%dma_wait3A_656 : memref<16392x128xf32, #tpu.memory_space<hbm>>)
          %swap3A_657 = arith.constant 0 : i32
          %swap3A_658 = arith.index_cast %swap3A_657 : i32 to index
          %swap3A_659 = arith.constant 0 : index
          %swap3A_660 = tpu.vector_load %arg13[%swap3A_658, %swap3A_659] {strides = array<i32>} : memref<8x16xi32, #tpu.memory_space<vmem>>, vector<16xi32>,
          tpu.vector_store %arg13[%swap3A_658, %swap3A_659], %broadcast_in_dim3A_3 {strides = array<i32>} : memref<8x16xi32, #tpu.memory_space<vmem>>, vector<16xi32>,
          %swap3A_661 = arith.constant 1 : i32
          %swap3A_662 = arith.index_cast %swap3A_661 : i32 to index
          %swap3A_663 = arith.constant 0 : index
          %swap3A_664 = tpu.vector_load %arg13[%swap3A_662, %swap3A_663] {strides = array<i32>} : memref<8x16xi32, #tpu.memory_space<vmem>>, vector<16xi32>,
          tpu.vector_store %arg13[%swap3A_662, %swap3A_663], %broadcast_in_dim3A_3 {strides = array<i32>} : memref<8x16xi32, #tpu.memory_space<vmem>>, vector<16xi32>,
          %swap3A_665 = arith.constant 2 : i32
          %swap3A_666 = arith.index_cast %swap3A_665 : i32 to index
          %swap3A_667 = arith.constant 0 : index
          %swap3A_668 = tpu.vector_load %arg13[%swap3A_666, %swap3A_667] {strides = array<i32>} : memref<8x16xi32, #tpu.memory_space<vmem>>, vector<16xi32>,
          tpu.vector_store %arg13[%swap3A_666, %swap3A_667], %broadcast_in_dim3A_3 {strides = array<i32>} : memref<8x16xi32, #tpu.memory_space<vmem>>, vector<16xi32>,
          %swap3A_669 = arith.constant 3 : i32
          %swap3A_670 = arith.index_cast %swap3A_669 : i32 to index
          %swap3A_671 = arith.constant 0 : index
          %swap3A_672 = tpu.vector_load %arg13[%swap3A_670, %swap3A_671] {strides = array<i32>} : memref<8x16xi32, #tpu.memory_space<vmem>>, vector<16xi32>,
          tpu.vector_store %arg13[%swap3A_670, %swap3A_671], %broadcast_in_dim3A_3 {strides = array<i32>} : memref<8x16xi32, #tpu.memory_space<vmem>>, vector<16xi32>,
          %swap3A_673 = arith.constant 4 : i32
          %swap3A_674 = arith.index_cast %swap3A_673 : i32 to index
          %swap3A_675 = arith.constant 0 : index
          %swap3A_676 = tpu.vector_load %arg13[%swap3A_674, %swap3A_675] {strides = array<i32>} : memref<8x16xi32, #tpu.memory_space<vmem>>, vector<16xi32>,
          tpu.vector_store %arg13[%swap3A_674, %swap3A_675], %broadcast_in_dim3A_3 {strides = array<i32>} : memref<8x16xi32, #tpu.memory_space<vmem>>, vector<16xi32>,
          %swap3A_677 = arith.constant 5 : i32
          %swap3A_678 = arith.index_cast %swap3A_677 : i32 to index
          %swap3A_679 = arith.constant 0 : index
          %swap3A_680 = tpu.vector_load %arg13[%swap3A_678, %swap3A_679] {strides = array<i32>} : memref<8x16xi32, #tpu.memory_space<vmem>>, vector<16xi32>,
          tpu.vector_store %arg13[%swap3A_678, %swap3A_679], %broadcast_in_dim3A_3 {strides = array<i32>} : memref<8x16xi32, #tpu.memory_space<vmem>>, vector<16xi32>,
          %swap3A_681 = arith.constant 6 : i32
          %swap3A_682 = arith.index_cast %swap3A_681 : i32 to index
          %swap3A_683 = arith.constant 0 : index
          %swap3A_684 = tpu.vector_load %arg13[%swap3A_682, %swap3A_683] {strides = array<i32>} : memref<8x16xi32, #tpu.memory_space<vmem>>, vector<16xi32>,
          tpu.vector_store %arg13[%swap3A_682, %swap3A_683], %broadcast_in_dim3A_3 {strides = array<i32>} : memref<8x16xi32, #tpu.memory_space<vmem>>, vector<16xi32>,
          %swap3A_685 = arith.constant 7 : i32
          %swap3A_686 = arith.index_cast %swap3A_685 : i32 to index
          %swap3A_687 = arith.constant 0 : index
          %swap3A_688 = tpu.vector_load %arg13[%swap3A_686, %swap3A_687] {strides = array<i32>} : memref<8x16xi32, #tpu.memory_space<vmem>>, vector<16xi32>,
          tpu.vector_store %arg13[%swap3A_686, %swap3A_687], %broadcast_in_dim3A_3 {strides = array<i32>} : memref<8x16xi32, #tpu.memory_space<vmem>>, vector<16xi32>,
        } else {
        }
        %jit3A_469 = arith.constant 0 : i32
        %select_n3A_470 = arith.select %gt3A_465, %jit3A_469, %while3A_459 : i32
        %mul3A_471 = arith.constant 16 : i32
        %mul3A_472 = arith.muli %add3A_461, %mul3A_471 : i32
        %sub3A_473 = arith.subi %while3A_411, %mul3A_472 : i32
        %min3A_474 = arith.constant 16 : i32
        %min3A_475 = arith.minsi %min3A_474, %sub3A_473 : i32
        %sub3A_476 = arith.constant 0 : i32
        %sub3A_477 = arith.subi %min3A_475, %sub3A_476 : i32
        %sub3A_478 = arith.constant 1 : i32
        %sub3A_479 = arith.constant 1 : i32
        %sub3A_480 = arith.subi %sub3A_478, %sub3A_479 : i32
        %add3A_481 = arith.addi %sub3A_477, %sub3A_480 : i32
        %div3A_482 = arith.constant 1 : i32
        %div3A_483 = arith.divsi %add3A_481, %div3A_482 : i32
        %while3A_484 = arith.constant 1 : i32
        %while3A_485 = arith.constant 0 : i32
        %while3A_486 = arith.constant 0 : i32
        %while3A_487 = arith.subi %div3A_483, %while3A_486 : i32
        %while3A_488 = arith.addi %while3A_486, %while3A_487 : i32
        %while3A_489 = arith.constant 1 : i32
        %while3A_490 = arith.divsi %while3A_487, %while3A_489 : i32
        %while3A_491 = arith.muli %while3A_490, %while3A_489 : i32
        %while3A_492 = arith.addi %while3A_486, %while3A_491 : i32
        %while3A_493 = arith.constant 1 : i32
        %while3A_494 = scf.for %while3A_497 = %while3A_486 to %while3A_492 step %while3A_493 iter_args(%while3A_498 = %select_n3A_470) -> (i32)  : i32 {
          %mul3A_499 = arith.muli %while3A_497, %while3A_484 : i32
          %add3A_500 = arith.addi %while3A_485, %mul3A_499 : i32
          %eq3A_501 = vector.broadcast %add3A_500 : i32 to vector<16xi32>
          %eq3A_502 = arith.cmpi eq, %iota3A, %eq3A_501 : vector<16xi32>
          %jit3A_503 = arith.constant 0 : i32
          %broadcast_in_dim3A_504 = vector.broadcast %jit3A_503 : i32 to vector<16xi32>
          %select_n3A_505 = arith.select %eq3A_502, %get3A_464, %broadcast_in_dim3A_504 : vector<16xi1>, vector<16xi32>
          %reduce_sum3A = arith.constant true
          %reduce_sum3A_506 = vector.broadcast %reduce_sum3A : i1 to vector<16xi1>
          %reduce_sum3A_507 = tpu.scan <sum>, %select_n3A_505 masked %reduce_sum3A_506 : vector<16xi32>, vector<16xi1> -> vector<16xi32>
          %reduce_sum3A_508 = vector.extract %reduce_sum3A_507[15] : i32 from vector<16xi32>
          %and3A = arith.constant 511 : i32
          %and3A_509 = arith.andi %reduce_sum3A_508, %and3A : i32
          %shift_right_arithmetic3A_510 = arith.constant 15 : i32
          %shift_right_arithmetic3A_511 = arith.shrsi %reduce_sum3A_508, %shift_right_arithmetic3A_510 : i32
          %broadcast_in_dim3A_512 = vector.broadcast %and3A_509 : i32 to vector<16xi32>
          %add3A_513 = arith.constant 0 : i32
          %add3A_514 = vector.broadcast %add3A_513 : i32 to vector<16xi32>
          %add3A_515 = arith.addi %iota3A, %add3A_514 : vector<16xi32>
          %gather3A = tpu.vector_load_idx %arg10[%add3A_515, %broadcast_in_dim3A_512] : memref<64x512xf32, #tpu.memory_space<vmem>>[vector<16xi32>, vector<16xi32>], vector<16xf32>,
          %swap3A_516 = arith.index_cast %while3A_498 : i32 to index
          %swap3A_517 = arith.constant 0 : index
          %swap3A_518 = tpu.vector_load %arg12[%swap3A_516, %swap3A_517] {strides = array<i32>} : memref<128x128xf32, #tpu.memory_space<vmem>>, vector<16xf32>,
          tpu.vector_store %arg12[%swap3A_516, %swap3A_517], %gather3A {strides = array<i32>} : memref<128x128xf32, #tpu.memory_space<vmem>>, vector<16xf32>,
          %add3A_519 = arith.constant 16 : i32
          %add3A_520 = vector.broadcast %add3A_519 : i32 to vector<16xi32>
          %add3A_521 = arith.addi %iota3A, %add3A_520 : vector<16xi32>
          %gather3A_522 = tpu.vector_load_idx %arg10[%add3A_521, %broadcast_in_dim3A_512] : memref<64x512xf32, #tpu.memory_space<vmem>>[vector<16xi32>, vector<16xi32>], vector<16xf32>,
          %swap3A_523 = arith.index_cast %while3A_498 : i32 to index
          %swap3A_524 = arith.constant 16 : index
          %swap3A_525 = tpu.vector_load %arg12[%swap3A_523, %swap3A_524] {strides = array<i32>} : memref<128x128xf32, #tpu.memory_space<vmem>>, vector<16xf32>,
          tpu.vector_store %arg12[%swap3A_523, %swap3A_524], %gather3A_522 {strides = array<i32>} : memref<128x128xf32, #tpu.memory_space<vmem>>, vector<16xf32>,
          %add3A_526 = arith.constant 32 : i32
          %add3A_527 = vector.broadcast %add3A_526 : i32 to vector<16xi32>
          %add3A_528 = arith.addi %iota3A, %add3A_527 : vector<16xi32>
          %gather3A_529 = tpu.vector_load_idx %arg10[%add3A_528, %broadcast_in_dim3A_512] : memref<64x512xf32, #tpu.memory_space<vmem>>[vector<16xi32>, vector<16xi32>], vector<16xf32>,
          %swap3A_530 = arith.index_cast %while3A_498 : i32 to index
          %swap3A_531 = arith.constant 32 : index
          %swap3A_532 = tpu.vector_load %arg12[%swap3A_530, %swap3A_531] {strides = array<i32>} : memref<128x128xf32, #tpu.memory_space<vmem>>, vector<16xf32>,
          tpu.vector_store %arg12[%swap3A_530, %swap3A_531], %gather3A_529 {strides = array<i32>} : memref<128x128xf32, #tpu.memory_space<vmem>>, vector<16xf32>,
          %add3A_533 = arith.constant 48 : i32
          %add3A_534 = vector.broadcast %add3A_533 : i32 to vector<16xi32>
          %add3A_535 = arith.addi %iota3A, %add3A_534 : vector<16xi32>
          %gather3A_536 = tpu.vector_load_idx %arg10[%add3A_535, %broadcast_in_dim3A_512] : memref<64x512xf32, #tpu.memory_space<vmem>>[vector<16xi32>, vector<16xi32>], vector<16xf32>,
          %swap3A_537 = arith.index_cast %while3A_498 : i32 to index
          %swap3A_538 = arith.constant 48 : index
          %swap3A_539 = tpu.vector_load %arg12[%swap3A_537, %swap3A_538] {strides = array<i32>} : memref<128x128xf32, #tpu.memory_space<vmem>>, vector<16xf32>,
          tpu.vector_store %arg12[%swap3A_537, %swap3A_538], %gather3A_536 {strides = array<i32>} : memref<128x128xf32, #tpu.memory_space<vmem>>, vector<16xf32>,
          %shift_right_arithmetic3A_540 = arith.constant 4 : i32
          %shift_right_arithmetic3A_541 = arith.shrsi %while3A_498, %shift_right_arithmetic3A_540 : i32
          %get3A_542 = arith.index_cast %shift_right_arithmetic3A_541 : i32 to index
          %get3A_543 = arith.constant 0 : index
          %get3A_544 = tpu.vector_load %arg13[%get3A_542, %get3A_543] {strides = array<i32>} : memref<8x16xi32, #tpu.memory_space<vmem>>, vector<16xi32>,
          %and3A_545 = arith.constant 15 : i32
          %and3A_546 = arith.andi %while3A_498, %and3A_545 : i32
          %eq3A_547 = vector.broadcast %and3A_546 : i32 to vector<16xi32>
          %eq3A_548 = arith.cmpi eq, %iota3A, %eq3A_547 : vector<16xi32>
          %broadcast_in_dim3A_549 = vector.broadcast %shift_right_arithmetic3A_511 : i32 to vector<16xi32>
          %select_n3A_550 = arith.select %eq3A_548, %broadcast_in_dim3A_549, %get3A_544 : vector<16xi1>, vector<16xi32>
          %swap3A_551 = arith.index_cast %shift_right_arithmetic3A_541 : i32 to index
          %swap3A_552 = arith.constant 0 : index
          %swap3A_553 = tpu.vector_load %arg13[%swap3A_551, %swap3A_552] {strides = array<i32>} : memref<8x16xi32, #tpu.memory_space<vmem>>, vector<16xi32>,
          tpu.vector_store %arg13[%swap3A_551, %swap3A_552], %select_n3A_550 {strides = array<i32>} : memref<8x16xi32, #tpu.memory_space<vmem>>, vector<16xi32>,
          %add3A_554 = arith.constant 1 : i32
          %add3A_555 = arith.addi %while3A_498, %add3A_554 : i32
          scf.yield %add3A_555 : i32
        }
        %while3A_495 = arith.constant 1 : i32
        %while3A_496 = scf.for %while3A_497 = %while3A_492 to %while3A_488 step %while3A_495 iter_args(%while3A_498 = %while3A_494) -> (i32)  : i32 {
          %mul3A_499 = arith.muli %while3A_497, %while3A_484 : i32
          %add3A_500 = arith.addi %while3A_485, %mul3A_499 : i32
          %eq3A_501 = vector.broadcast %add3A_500 : i32 to vector<16xi32>
          %eq3A_502 = arith.cmpi eq, %iota3A, %eq3A_501 : vector<16xi32>
          %jit3A_503 = arith.constant 0 : i32
          %broadcast_in_dim3A_504 = vector.broadcast %jit3A_503 : i32 to vector<16xi32>
          %select_n3A_505 = arith.select %eq3A_502, %get3A_464, %broadcast_in_dim3A_504 : vector<16xi1>, vector<16xi32>
          %reduce_sum3A = arith.constant true
          %reduce_sum3A_506 = vector.broadcast %reduce_sum3A : i1 to vector<16xi1>
          %reduce_sum3A_507 = tpu.scan <sum>, %select_n3A_505 masked %reduce_sum3A_506 : vector<16xi32>, vector<16xi1> -> vector<16xi32>
          %reduce_sum3A_508 = vector.extract %reduce_sum3A_507[15] : i32 from vector<16xi32>
          %and3A = arith.constant 511 : i32
          %and3A_509 = arith.andi %reduce_sum3A_508, %and3A : i32
          %shift_right_arithmetic3A_510 = arith.constant 15 : i32
          %shift_right_arithmetic3A_511 = arith.shrsi %reduce_sum3A_508, %shift_right_arithmetic3A_510 : i32
          %broadcast_in_dim3A_512 = vector.broadcast %and3A_509 : i32 to vector<16xi32>
          %add3A_513 = arith.constant 0 : i32
          %add3A_514 = vector.broadcast %add3A_513 : i32 to vector<16xi32>
          %add3A_515 = arith.addi %iota3A, %add3A_514 : vector<16xi32>
          %gather3A = tpu.vector_load_idx %arg10[%add3A_515, %broadcast_in_dim3A_512] : memref<64x512xf32, #tpu.memory_space<vmem>>[vector<16xi32>, vector<16xi32>], vector<16xf32>,
          %swap3A_516 = arith.index_cast %while3A_498 : i32 to index
          %swap3A_517 = arith.constant 0 : index
          %swap3A_518 = tpu.vector_load %arg12[%swap3A_516, %swap3A_517] {strides = array<i32>} : memref<128x128xf32, #tpu.memory_space<vmem>>, vector<16xf32>,
          tpu.vector_store %arg12[%swap3A_516, %swap3A_517], %gather3A {strides = array<i32>} : memref<128x128xf32, #tpu.memory_space<vmem>>, vector<16xf32>,
          %add3A_519 = arith.constant 16 : i32
          %add3A_520 = vector.broadcast %add3A_519 : i32 to vector<16xi32>
          %add3A_521 = arith.addi %iota3A, %add3A_520 : vector<16xi32>
          %gather3A_522 = tpu.vector_load_idx %arg10[%add3A_521, %broadcast_in_dim3A_512] : memref<64x512xf32, #tpu.memory_space<vmem>>[vector<16xi32>, vector<16xi32>], vector<16xf32>,
          %swap3A_523 = arith.index_cast %while3A_498 : i32 to index
          %swap3A_524 = arith.constant 16 : index
          %swap3A_525 = tpu.vector_load %arg12[%swap3A_523, %swap3A_524] {strides = array<i32>} : memref<128x128xf32, #tpu.memory_space<vmem>>, vector<16xf32>,
          tpu.vector_store %arg12[%swap3A_523, %swap3A_524], %gather3A_522 {strides = array<i32>} : memref<128x128xf32, #tpu.memory_space<vmem>>, vector<16xf32>,
          %add3A_526 = arith.constant 32 : i32
          %add3A_527 = vector.broadcast %add3A_526 : i32 to vector<16xi32>
          %add3A_528 = arith.addi %iota3A, %add3A_527 : vector<16xi32>
          %gather3A_529 = tpu.vector_load_idx %arg10[%add3A_528, %broadcast_in_dim3A_512] : memref<64x512xf32, #tpu.memory_space<vmem>>[vector<16xi32>, vector<16xi32>], vector<16xf32>,
          %swap3A_530 = arith.index_cast %while3A_498 : i32 to index
          %swap3A_531 = arith.constant 32 : index
          %swap3A_532 = tpu.vector_load %arg12[%swap3A_530, %swap3A_531] {strides = array<i32>} : memref<128x128xf32, #tpu.memory_space<vmem>>, vector<16xf32>,
          tpu.vector_store %arg12[%swap3A_530, %swap3A_531], %gather3A_529 {strides = array<i32>} : memref<128x128xf32, #tpu.memory_space<vmem>>, vector<16xf32>,
          %add3A_533 = arith.constant 48 : i32
          %add3A_534 = vector.broadcast %add3A_533 : i32 to vector<16xi32>
          %add3A_535 = arith.addi %iota3A, %add3A_534 : vector<16xi32>
          %gather3A_536 = tpu.vector_load_idx %arg10[%add3A_535, %broadcast_in_dim3A_512] : memref<64x512xf32, #tpu.memory_space<vmem>>[vector<16xi32>, vector<16xi32>], vector<16xf32>,
          %swap3A_537 = arith.index_cast %while3A_498 : i32 to index
          %swap3A_538 = arith.constant 48 : index
          %swap3A_539 = tpu.vector_load %arg12[%swap3A_537, %swap3A_538] {strides = array<i32>} : memref<128x128xf32, #tpu.memory_space<vmem>>, vector<16xf32>,
          tpu.vector_store %arg12[%swap3A_537, %swap3A_538], %gather3A_536 {strides = array<i32>} : memref<128x128xf32, #tpu.memory_space<vmem>>, vector<16xf32>,
          %shift_right_arithmetic3A_540 = arith.constant 4 : i32
          %shift_right_arithmetic3A_541 = arith.shrsi %while3A_498, %shift_right_arithmetic3A_540 : i32
          %get3A_542 = arith.index_cast %shift_right_arithmetic3A_541 : i32 to index
          %get3A_543 = arith.constant 0 : index
          %get3A_544 = tpu.vector_load %arg13[%get3A_542, %get3A_543] {strides = array<i32>} : memref<8x16xi32, #tpu.memory_space<vmem>>, vector<16xi32>,
          %and3A_545 = arith.constant 15 : i32
          %and3A_546 = arith.andi %while3A_498, %and3A_545 : i32
          %eq3A_547 = vector.broadcast %and3A_546 : i32 to vector<16xi32>
          %eq3A_548 = arith.cmpi eq, %iota3A, %eq3A_547 : vector<16xi32>
          %broadcast_in_dim3A_549 = vector.broadcast %shift_right_arithmetic3A_511 : i32 to vector<16xi32>
          %select_n3A_550 = arith.select %eq3A_548, %broadcast_in_dim3A_549, %get3A_544 : vector<16xi1>, vector<16xi32>
          %swap3A_551 = arith.index_cast %shift_right_arithmetic3A_541 : i32 to index
          %swap3A_552 = arith.constant 0 : index
          %swap3A_553 = tpu.vector_load %arg13[%swap3A_551, %swap3A_552] {strides = array<i32>} : memref<8x16xi32, #tpu.memory_space<vmem>>, vector<16xi32>,
          tpu.vector_store %arg13[%swap3A_551, %swap3A_552], %select_n3A_550 {strides = array<i32>} : memref<8x16xi32, #tpu.memory_space<vmem>>, vector<16xi32>,
          %add3A_554 = arith.constant 1 : i32
          %add3A_555 = arith.addi %while3A_498, %add3A_554 : i32
          scf.yield %add3A_555 : i32
        }
        scf.yield %while3A_496 : i32
      }
      %add3A_443 = arith.constant 2 : i32
      %add3A_444 = arith.addi %mul3A_309, %add3A_443 : i32
      %add3A_445 = arith.constant 1 : i32
      %add3A_446 = arith.addi %add3A_444, %add3A_445 : i32
      %mul3A_447 = arith.constant 32 : i32
      %mul3A_448 = arith.muli %add3A_446, %mul3A_447 : i32
      %add3A_449 = arith.addi %mul3A_448, %add3A : i32
      %mul3A_450 = arith.constant 512 : i32
      %mul3A_451 = arith.muli %add3A_449, %mul3A_450 : i32
      %min3A_452 = arith.constant 999424 : i32
      %min3A_453 = arith.minsi %mul3A_451, %min3A_452 : i32
      %dma_start3A_454 = arith.constant 0 : i32
      %dma_start3A_455 = tpu.memref_slice %arg3[%dma_start3A_454, %min3A_453] : memref<64x1000000xf32, #tpu.memory_space<hbm>> -> memref<64x512xf32, #tpu.memory_space<hbm>>
      %dma_start3A_456 = arith.constant 0 : i32
      %dma_start3A_457 = tpu.memref_slice %arg3[%dma_start3A_456, %min3A_453] : memref<64x1000000xf32, #tpu.memory_space<hbm>> -> memref<64x512xf32, #tpu.memory_space<hbm>>
      tpu.enqueue_dma source(%dma_start3A_457 : memref<64x512xf32, #tpu.memory_space<hbm>>) target(%arg10 : memref<64x512xf32, #tpu.memory_space<vmem>>) target_semaphore(%arg16 : memref<!tpu.dma_semaphore, #tpu.memory_space<semaphore_mem>>)
      scf.yield %while3A_442 : i32
    }
    %scan3A_95 = arith.constant 31 : i32
    %dma_wait3A = arith.constant 0 : i32
    %dma_wait3A_96 = arith.constant 0 : i32
    %dma_wait3A_97 = tpu.memref_slice %arg3[%dma_wait3A, %dma_wait3A_96] : memref<64x1000000xf32, #tpu.memory_space<hbm>> -> memref<64x512xf32, #tpu.memory_space<hbm>>
    %dma_wait3A_98 = arith.constant 0 : i32
    %dma_wait3A_99 = arith.constant 0 : i32
    %dma_wait3A_100 = tpu.memref_slice %arg3[%dma_wait3A_98, %dma_wait3A_99] : memref<64x1000000xf32, #tpu.memory_space<hbm>> -> memref<64x512xf32, #tpu.memory_space<hbm>>
    tpu.wait_dma2 semaphore(%arg15 : memref<!tpu.dma_semaphore, #tpu.memory_space<semaphore_mem>>) src(%dma_wait3A_100 : memref<64x512xf32, #tpu.memory_space<hbm>>) dst(%arg9 : memref<64x512xf32, #tpu.memory_space<vmem>>)
    %dma_wait3A_101 = arith.constant 0 : i32
    %dma_wait3A_102 = arith.constant 0 : i32
    %dma_wait3A_103 = tpu.memref_slice %arg3[%dma_wait3A_101, %dma_wait3A_102] : memref<64x1000000xf32, #tpu.memory_space<hbm>> -> memref<64x512xf32, #tpu.memory_space<hbm>>
    %dma_wait3A_104 = arith.constant 0 : i32
    %dma_wait3A_105 = arith.constant 0 : i32
    %dma_wait3A_106 = tpu.memref_slice %arg3[%dma_wait3A_104, %dma_wait3A_105] : memref<64x1000000xf32, #tpu.memory_space<hbm>> -> memref<64x512xf32, #tpu.memory_space<hbm>>
    tpu.wait_dma2 semaphore(%arg16 : memref<!tpu.dma_semaphore, #tpu.memory_space<semaphore_mem>>) src(%dma_wait3A_106 : memref<64x512xf32, #tpu.memory_space<hbm>>) dst(%arg10 : memref<64x512xf32, #tpu.memory_space<vmem>>)
    %eq3A = arith.constant 1 : i32
    %eq3A_107 = arith.cmpi eq, %add3A, %eq3A : i32
    %convert_element_type3A = arith.extui %eq3A_107 : i1 to i32
    %cond3A = arith.constant 0 : i32
    %cond3A_108 = arith.cmpi ne, %convert_element_type3A, %cond3A : i32
    %cond3A_109 = scf.if %cond3A_108 -> (i32) {
      "tpu.region"() ({
        %run_scoped3A = tpu.sem_alloc : memref<!tpu.dma_semaphore, #tpu.memory_space<semaphore_mem>>
        tpu.enqueue_dma source(%arg4 : memref<64x64xf32, #tpu.memory_space<hbm>>) target(%arg11 : memref<64x64xf32, #tpu.memory_space<vmem>>) target_semaphore(%run_scoped3A : memref<!tpu.dma_semaphore, #tpu.memory_space<semaphore_mem>>)
        tpu.wait_dma2 semaphore(%run_scoped3A : memref<!tpu.dma_semaphore, #tpu.memory_space<semaphore_mem>>) src(%arg4 : memref<64x64xf32, #tpu.memory_space<hbm>>) dst(%arg11 : memref<64x64xf32, #tpu.memory_space<vmem>>)
        tpu.yield
      }) : () -> ()
      %sub3A = arith.constant 0 : i32
      %sub3A_302 = arith.subi %shift_right_arithmetic3A_88, %sub3A : i32
      %sub3A_303 = arith.constant 1 : i32
      %sub3A_304 = arith.constant 1 : i32
      %sub3A_305 = arith.subi %sub3A_303, %sub3A_304 : i32
      %add3A_306 = arith.addi %sub3A_302, %sub3A_305 : i32
      %div3A = arith.constant 1 : i32
      %div3A_307 = arith.divsi %add3A_306, %div3A : i32
      %while3A = arith.constant 1 : i32
      %while3A_308 = arith.constant 0 : i32
      %while3A_309 = arith.constant 61 : i32
      %while3A_310 = arith.constant 0 : i32
      %while3A_311 = arith.constant 0 : i32
      %while3A_312 = arith.subi %div3A_307, %while3A_310 : i32
      %while3A_313 = arith.addi %while3A_310, %while3A_312 : i32
      %while3A_314 = arith.constant 1 : i32
      %while3A_315 = arith.divsi %while3A_312, %while3A_314 : i32
      %while3A_316 = arith.muli %while3A_315, %while3A_314 : i32
      %while3A_317 = arith.addi %while3A_310, %while3A_316 : i32
      %while3A_318 = arith.constant 1 : i32
      %while3A_319 = scf.for %while3A_347 = %while3A_310 to %while3A_317 step %while3A_318 iter_args(%while3A_348 = %while3A_311) -> (i32)  : i32 {
        %mul3A_349 = arith.muli %while3A_347, %while3A : i32
        %add3A_350 = arith.addi %while3A_308, %mul3A_349 : i32
        %mul3A_351 = arith.constant 16 : i32
        %mul3A_352 = arith.muli %add3A_350, %mul3A_351 : i32
        %get3A = arith.index_cast %mul3A_352 : i32 to index
        %get3A_353 = tpu.vector_load %arg7[%get3A] {strides = array<i32>} : memref<16400xi32, #tpu.memory_space<vmem>>, vector<16xi32>,
        %shift_right_arithmetic3A_354 = arith.constant 9 : i32
        %shift_right_arithmetic3A_355 = vector.broadcast %shift_right_arithmetic3A_354 : i32 to vector<16xi32>
        %shift_right_arithmetic3A_356 = arith.shrsi %get3A_353, %shift_right_arithmetic3A_355 : vector<16xi32>
        %and3A = arith.constant 63 : i32
        %and3A_357 = vector.broadcast %and3A : i32 to vector<16xi32>
        %and3A_358 = arith.andi %shift_right_arithmetic3A_356, %and3A_357 : vector<16xi32>
        %eq3A_359 = vector.broadcast %while3A_309 : i32 to vector<16xi32>
        %eq3A_360 = arith.cmpi eq, %and3A_358, %eq3A_359 : vector<16xi32>
        %swap3A_361 = arith.index_cast %while3A_348 : i32 to index
        %swap3A_362 = tpu.vector_load %arg8[%swap3A_361] masked %eq3A_360 {strides = array<i32>} : memref<16400xi32, #tpu.memory_space<vmem>>, vector<16xi32>, vector<16xi1>
        tpu.vector_store %arg8[%swap3A_361], %get3A_353 masked %eq3A_360 {strides = array<i32>} : memref<16400xi32, #tpu.memory_space<vmem>>, vector<16xi32>, vector<16xi1>
        %all_reduce_population_count3A = tpu.all_reduce %eq3A_360 {dim = 0 : i64, kind = #tpu.reduction_kind<sum>} : vector<16xi1> -> vector<16xi32>
        %slice3A = vector.extract_strided_slice %all_reduce_population_count3A {offsets = [0], sizes = [1], strides = [1]} : vector<16xi32> to vector<1xi32>
        %squeeze3A = vector.extract %slice3A[0] : i32 from vector<1xi32>
        %add3A_363 = arith.addi %while3A_348, %squeeze3A : i32
        scf.yield %add3A_363 : i32
      }
      %while3A_320 = arith.constant 1 : i32
      %while3A_321 = scf.for %while3A_347 = %while3A_317 to %while3A_313 step %while3A_320 iter_args(%while3A_348 = %while3A_319) -> (i32)  : i32 {
        %mul3A_349 = arith.muli %while3A_347, %while3A : i32
        %add3A_350 = arith.addi %while3A_308, %mul3A_349 : i32
        %mul3A_351 = arith.constant 16 : i32
        %mul3A_352 = arith.muli %add3A_350, %mul3A_351 : i32
        %get3A = arith.index_cast %mul3A_352 : i32 to index
        %get3A_353 = tpu.vector_load %arg7[%get3A] {strides = array<i32>} : memref<16400xi32, #tpu.memory_space<vmem>>, vector<16xi32>,
        %shift_right_arithmetic3A_354 = arith.constant 9 : i32
        %shift_right_arithmetic3A_355 = vector.broadcast %shift_right_arithmetic3A_354 : i32 to vector<16xi32>
        %shift_right_arithmetic3A_356 = arith.shrsi %get3A_353, %shift_right_arithmetic3A_355 : vector<16xi32>
        %and3A = arith.constant 63 : i32
        %and3A_357 = vector.broadcast %and3A : i32 to vector<16xi32>
        %and3A_358 = arith.andi %shift_right_arithmetic3A_356, %and3A_357 : vector<16xi32>
        %eq3A_359 = vector.broadcast %while3A_309 : i32 to vector<16xi32>
        %eq3A_360 = arith.cmpi eq, %and3A_358, %eq3A_359 : vector<16xi32>
        %swap3A_361 = arith.index_cast %while3A_348 : i32 to index
        %swap3A_362 = tpu.vector_load %arg8[%swap3A_361] masked %eq3A_360 {strides = array<i32>} : memref<16400xi32, #tpu.memory_space<vmem>>, vector<16xi32>, vector<16xi1>
        tpu.vector_store %arg8[%swap3A_361], %get3A_353 masked %eq3A_360 {strides = array<i32>} : memref<16400xi32, #tpu.memory_space<vmem>>, vector<16xi32>, vector<16xi1>
        %all_reduce_population_count3A = tpu.all_reduce %eq3A_360 {dim = 0 : i64, kind = #tpu.reduction_kind<sum>} : vector<16xi1> -> vector<16xi32>
        %slice3A = vector.extract_strided_slice %all_reduce_population_count3A {offsets = [0], sizes = [1], strides = [1]} : vector<16xi32> to vector<1xi32>
        %squeeze3A = vector.extract %slice3A[0] : i32 from vector<1xi32>
        %add3A_363 = arith.addi %while3A_348, %squeeze3A : i32
        scf.yield %add3A_363 : i32
      }
      %add3A_322 = arith.constant 15 : i32
      %add3A_323 = arith.addi %while3A_321, %add3A_322 : i32
      %shift_right_arithmetic3A_324 = arith.constant 4 : i32
      %shift_right_arithmetic3A_325 = arith.shrsi %add3A_323, %shift_right_arithmetic3A_324 : i32
      %sub3A_326 = arith.constant 0 : i32
      %sub3A_327 = arith.subi %shift_right_arithmetic3A_325, %sub3A_326 : i32
      %sub3A_328 = arith.constant 1 : i32
      %sub3A_329 = arith.constant 1 : i32
      %sub3A_330 = arith.subi %sub3A_328, %sub3A_329 : i32
      %add3A_331 = arith.addi %sub3A_327, %sub3A_330 : i32
      %div3A_332 = arith.constant 1 : i32
      %div3A_333 = arith.divsi %add3A_331, %div3A_332 : i32
      %while3A_334 = arith.constant 1 : i32
      %while3A_335 = arith.constant 0 : i32
      %while3A_336 = arith.constant 0 : i32
      %while3A_337 = arith.subi %div3A_333, %while3A_336 : i32
      %while3A_338 = arith.addi %while3A_336, %while3A_337 : i32
      %while3A_339 = arith.constant 1 : i32
      %while3A_340 = arith.divsi %while3A_337, %while3A_339 : i32
      %while3A_341 = arith.muli %while3A_340, %while3A_339 : i32
      %while3A_342 = arith.addi %while3A_336, %while3A_341 : i32
      %while3A_343 = arith.constant 1 : i32
      %while3A_344 = scf.for %while3A_347 = %while3A_336 to %while3A_342 step %while3A_343 iter_args(%while3A_348 = %scan3A_94) -> (i32)  : i32 {
        %mul3A_349 = arith.muli %while3A_347, %while3A_334 : i32
        %add3A_350 = arith.addi %while3A_335, %mul3A_349 : i32
        %mul3A_351 = arith.constant 16 : i32
        %mul3A_352 = arith.muli %add3A_350, %mul3A_351 : i32
        %get3A = arith.index_cast %mul3A_352 : i32 to index
        %get3A_353 = tpu.vector_load %arg8[%get3A] {strides = array<i32>} : memref<16400xi32, #tpu.memory_space<vmem>>, vector<16xi32>,
        %gt3A = arith.constant 112 : i32
        %gt3A_354 = arith.cmpi sgt, %while3A_348, %gt3A : i32
        %convert_element_type3A_355 = arith.extui %gt3A_354 : i1 to i32
        %cond3A_356 = arith.constant 0 : i32
        %cond3A_357 = arith.cmpi ne, %convert_element_type3A_355, %cond3A_356 : i32
        scf.if %cond3A_357 {
          %dma_start3A_384 = arith.constant 0 : i32
          %dma_start3A_385 = arith.constant 0 : i32
          %dma_start3A_386 = arith.constant 0 : i32
          %dma_start3A_387 = tpu.memref_slice %arg12[%dma_start3A_385, %dma_start3A_386] : memref<128x128xf32, #tpu.memory_space<vmem>> -> memref<16x128xf32, #tpu.memory_space<vmem>>
          %dma_start3A_388 = arith.constant 0 : i32
          %dma_start3A_389 = tpu.memref_slice %arg13[%dma_start3A_384, %dma_start3A_388] : memref<8x16xi32, #tpu.memory_space<vmem>> -> memref<1x16xi32, #tpu.memory_space<vmem>>
          %dma_start3A_390 = tpu.memref_squeeze %dma_start3A_389 : memref<1x16xi32, #tpu.memory_space<vmem>> -> memref<16xi32, #tpu.memory_space<vmem>>
          %dma_start3A_391 = arith.constant 0 : i32
          %dma_start3A_392 = arith.constant 0 : i32
          %dma_start3A_393 = tpu.memref_slice %arg5[%dma_start3A_391, %dma_start3A_392] : memref<16392x128xf32, #tpu.memory_space<hbm>> -> memref<16392x128xf32, #tpu.memory_space<hbm>>
          tpu.enqueue_indirect_dma source(%dma_start3A_387 : memref<16x128xf32, #tpu.memory_space<vmem>>) target(%dma_start3A_393 : memref<16392x128xf32, #tpu.memory_space<hbm>>) offsets(%dma_start3A_390 : memref<16xi32, #tpu.memory_space<vmem>>) semaphore(%arg14 : memref<!tpu.dma_semaphore, #tpu.memory_space<semaphore_mem>>)
          %dma_start3A_394 = arith.constant 1 : i32
          %dma_start3A_395 = arith.constant 16 : i32
          %dma_start3A_396 = arith.constant 0 : i32
          %dma_start3A_397 = tpu.memref_slice %arg12[%dma_start3A_395, %dma_start3A_396] : memref<128x128xf32, #tpu.memory_space<vmem>> -> memref<16x128xf32, #tpu.memory_space<vmem>>
          %dma_start3A_398 = arith.constant 0 : i32
          %dma_start3A_399 = tpu.memref_slice %arg13[%dma_start3A_394, %dma_start3A_398] : memref<8x16xi32, #tpu.memory_space<vmem>> -> memref<1x16xi32, #tpu.memory_space<vmem>>
          %dma_start3A_400 = tpu.memref_squeeze %dma_start3A_399 : memref<1x16xi32, #tpu.memory_space<vmem>> -> memref<16xi32, #tpu.memory_space<vmem>>
          %dma_start3A_401 = arith.constant 0 : i32
          %dma_start3A_402 = arith.constant 0 : i32
          %dma_start3A_403 = tpu.memref_slice %arg5[%dma_start3A_401, %dma_start3A_402] : memref<16392x128xf32, #tpu.memory_space<hbm>> -> memref<16392x128xf32, #tpu.memory_space<hbm>>
          tpu.enqueue_indirect_dma source(%dma_start3A_397 : memref<16x128xf32, #tpu.memory_space<vmem>>) target(%dma_start3A_403 : memref<16392x128xf32, #tpu.memory_space<hbm>>) offsets(%dma_start3A_400 : memref<16xi32, #tpu.memory_space<vmem>>) semaphore(%arg14 : memref<!tpu.dma_semaphore, #tpu.memory_space<semaphore_mem>>)
          %dma_start3A_404 = arith.constant 2 : i32
          %dma_start3A_405 = arith.constant 32 : i32
          %dma_start3A_406 = arith.constant 0 : i32
          %dma_start3A_407 = tpu.memref_slice %arg12[%dma_start3A_405, %dma_start3A_406] : memref<128x128xf32, #tpu.memory_space<vmem>> -> memref<16x128xf32, #tpu.memory_space<vmem>>
          %dma_start3A_408 = arith.constant 0 : i32
          %dma_start3A_409 = tpu.memref_slice %arg13[%dma_start3A_404, %dma_start3A_408] : memref<8x16xi32, #tpu.memory_space<vmem>> -> memref<1x16xi32, #tpu.memory_space<vmem>>
          %dma_start3A_410 = tpu.memref_squeeze %dma_start3A_409 : memref<1x16xi32, #tpu.memory_space<vmem>> -> memref<16xi32, #tpu.memory_space<vmem>>
          %dma_start3A_411 = arith.constant 0 : i32
          %dma_start3A_412 = arith.constant 0 : i32
          %dma_start3A_413 = tpu.memref_slice %arg5[%dma_start3A_411, %dma_start3A_412] : memref<16392x128xf32, #tpu.memory_space<hbm>> -> memref<16392x128xf32, #tpu.memory_space<hbm>>
          tpu.enqueue_indirect_dma source(%dma_start3A_407 : memref<16x128xf32, #tpu.memory_space<vmem>>) target(%dma_start3A_413 : memref<16392x128xf32, #tpu.memory_space<hbm>>) offsets(%dma_start3A_410 : memref<16xi32, #tpu.memory_space<vmem>>) semaphore(%arg14 : memref<!tpu.dma_semaphore, #tpu.memory_space<semaphore_mem>>)
          %dma_start3A_414 = arith.constant 3 : i32
          %dma_start3A_415 = arith.constant 48 : i32
          %dma_start3A_416 = arith.constant 0 : i32
          %dma_start3A_417 = tpu.memref_slice %arg12[%dma_start3A_415, %dma_start3A_416] : memref<128x128xf32, #tpu.memory_space<vmem>> -> memref<16x128xf32, #tpu.memory_space<vmem>>
          %dma_start3A_418 = arith.constant 0 : i32
          %dma_start3A_419 = tpu.memref_slice %arg13[%dma_start3A_414, %dma_start3A_418] : memref<8x16xi32, #tpu.memory_space<vmem>> -> memref<1x16xi32, #tpu.memory_space<vmem>>
          %dma_start3A_420 = tpu.memref_squeeze %dma_start3A_419 : memref<1x16xi32, #tpu.memory_space<vmem>> -> memref<16xi32, #tpu.memory_space<vmem>>
          %dma_start3A_421 = arith.constant 0 : i32
          %dma_start3A_422 = arith.constant 0 : i32
          %dma_start3A_423 = tpu.memref_slice %arg5[%dma_start3A_421, %dma_start3A_422] : memref<16392x128xf32, #tpu.memory_space<hbm>> -> memref<16392x128xf32, #tpu.memory_space<hbm>>
          tpu.enqueue_indirect_dma source(%dma_start3A_417 : memref<16x128xf32, #tpu.memory_space<vmem>>) target(%dma_start3A_423 : memref<16392x128xf32, #tpu.memory_space<hbm>>) offsets(%dma_start3A_420 : memref<16xi32, #tpu.memory_space<vmem>>) semaphore(%arg14 : memref<!tpu.dma_semaphore, #tpu.memory_space<semaphore_mem>>)
          %dma_start3A_424 = arith.constant 4 : i32
          %dma_start3A_425 = arith.constant 64 : i32
          %dma_start3A_426 = arith.constant 0 : i32
          %dma_start3A_427 = tpu.memref_slice %arg12[%dma_start3A_425, %dma_start3A_426] : memref<128x128xf32, #tpu.memory_space<vmem>> -> memref<16x128xf32, #tpu.memory_space<vmem>>
          %dma_start3A_428 = arith.constant 0 : i32
          %dma_start3A_429 = tpu.memref_slice %arg13[%dma_start3A_424, %dma_start3A_428] : memref<8x16xi32, #tpu.memory_space<vmem>> -> memref<1x16xi32, #tpu.memory_space<vmem>>
          %dma_start3A_430 = tpu.memref_squeeze %dma_start3A_429 : memref<1x16xi32, #tpu.memory_space<vmem>> -> memref<16xi32, #tpu.memory_space<vmem>>
          %dma_start3A_431 = arith.constant 0 : i32
          %dma_start3A_432 = arith.constant 0 : i32
          %dma_start3A_433 = tpu.memref_slice %arg5[%dma_start3A_431, %dma_start3A_432] : memref<16392x128xf32, #tpu.memory_space<hbm>> -> memref<16392x128xf32, #tpu.memory_space<hbm>>
          tpu.enqueue_indirect_dma source(%dma_start3A_427 : memref<16x128xf32, #tpu.memory_space<vmem>>) target(%dma_start3A_433 : memref<16392x128xf32, #tpu.memory_space<hbm>>) offsets(%dma_start3A_430 : memref<16xi32, #tpu.memory_space<vmem>>) semaphore(%arg14 : memref<!tpu.dma_semaphore, #tpu.memory_space<semaphore_mem>>)
          %dma_start3A_434 = arith.constant 5 : i32
          %dma_start3A_435 = arith.constant 80 : i32
          %dma_start3A_436 = arith.constant 0 : i32
          %dma_start3A_437 = tpu.memref_slice %arg12[%dma_start3A_435, %dma_start3A_436] : memref<128x128xf32, #tpu.memory_space<vmem>> -> memref<16x128xf32, #tpu.memory_space<vmem>>
          %dma_start3A_438 = arith.constant 0 : i32
          %dma_start3A_439 = tpu.memref_slice %arg13[%dma_start3A_434, %dma_start3A_438] : memref<8x16xi32, #tpu.memory_space<vmem>> -> memref<1x16xi32, #tpu.memory_space<vmem>>
          %dma_start3A_440 = tpu.memref_squeeze %dma_start3A_439 : memref<1x16xi32, #tpu.memory_space<vmem>> -> memref<16xi32, #tpu.memory_space<vmem>>
          %dma_start3A_441 = arith.constant 0 : i32
          %dma_start3A_442 = arith.constant 0 : i32
          %dma_start3A_443 = tpu.memref_slice %arg5[%dma_start3A_441, %dma_start3A_442] : memref<16392x128xf32, #tpu.memory_space<hbm>> -> memref<16392x128xf32, #tpu.memory_space<hbm>>
          tpu.enqueue_indirect_dma source(%dma_start3A_437 : memref<16x128xf32, #tpu.memory_space<vmem>>) target(%dma_start3A_443 : memref<16392x128xf32, #tpu.memory_space<hbm>>) offsets(%dma_start3A_440 : memref<16xi32, #tpu.memory_space<vmem>>) semaphore(%arg14 : memref<!tpu.dma_semaphore, #tpu.memory_space<semaphore_mem>>)
          %dma_start3A_444 = arith.constant 6 : i32
          %dma_start3A_445 = arith.constant 96 : i32
          %dma_start3A_446 = arith.constant 0 : i32
          %dma_start3A_447 = tpu.memref_slice %arg12[%dma_start3A_445, %dma_start3A_446] : memref<128x128xf32, #tpu.memory_space<vmem>> -> memref<16x128xf32, #tpu.memory_space<vmem>>
          %dma_start3A_448 = arith.constant 0 : i32
          %dma_start3A_449 = tpu.memref_slice %arg13[%dma_start3A_444, %dma_start3A_448] : memref<8x16xi32, #tpu.memory_space<vmem>> -> memref<1x16xi32, #tpu.memory_space<vmem>>
          %dma_start3A_450 = tpu.memref_squeeze %dma_start3A_449 : memref<1x16xi32, #tpu.memory_space<vmem>> -> memref<16xi32, #tpu.memory_space<vmem>>
          %dma_start3A_451 = arith.constant 0 : i32
          %dma_start3A_452 = arith.constant 0 : i32
          %dma_start3A_453 = tpu.memref_slice %arg5[%dma_start3A_451, %dma_start3A_452] : memref<16392x128xf32, #tpu.memory_space<hbm>> -> memref<16392x128xf32, #tpu.memory_space<hbm>>
          tpu.enqueue_indirect_dma source(%dma_start3A_447 : memref<16x128xf32, #tpu.memory_space<vmem>>) target(%dma_start3A_453 : memref<16392x128xf32, #tpu.memory_space<hbm>>) offsets(%dma_start3A_450 : memref<16xi32, #tpu.memory_space<vmem>>) semaphore(%arg14 : memref<!tpu.dma_semaphore, #tpu.memory_space<semaphore_mem>>)
          %dma_start3A_454 = arith.constant 7 : i32
          %dma_start3A_455 = arith.constant 112 : i32
          %dma_start3A_456 = arith.constant 0 : i32
          %dma_start3A_457 = tpu.memref_slice %arg12[%dma_start3A_455, %dma_start3A_456] : memref<128x128xf32, #tpu.memory_space<vmem>> -> memref<16x128xf32, #tpu.memory_space<vmem>>
          %dma_start3A_458 = arith.constant 0 : i32
          %dma_start3A_459 = tpu.memref_slice %arg13[%dma_start3A_454, %dma_start3A_458] : memref<8x16xi32, #tpu.memory_space<vmem>> -> memref<1x16xi32, #tpu.memory_space<vmem>>
          %dma_start3A_460 = tpu.memref_squeeze %dma_start3A_459 : memref<1x16xi32, #tpu.memory_space<vmem>> -> memref<16xi32, #tpu.memory_space<vmem>>
          %dma_start3A_461 = arith.constant 0 : i32
          %dma_start3A_462 = arith.constant 0 : i32
          %dma_start3A_463 = tpu.memref_slice %arg5[%dma_start3A_461, %dma_start3A_462] : memref<16392x128xf32, #tpu.memory_space<hbm>> -> memref<16392x128xf32, #tpu.memory_space<hbm>>
          tpu.enqueue_indirect_dma source(%dma_start3A_457 : memref<16x128xf32, #tpu.memory_space<vmem>>) target(%dma_start3A_463 : memref<16392x128xf32, #tpu.memory_space<hbm>>) offsets(%dma_start3A_460 : memref<16xi32, #tpu.memory_space<vmem>>) semaphore(%arg14 : memref<!tpu.dma_semaphore, #tpu.memory_space<semaphore_mem>>)
          %dma_wait3A_464 = arith.constant 0 : i32
          %dma_wait3A_465 = arith.constant 0 : i32
          %dma_wait3A_466 = arith.constant 0 : i32
          %dma_wait3A_467 = tpu.memref_slice %arg12[%dma_wait3A_465, %dma_wait3A_466] : memref<128x128xf32, #tpu.memory_space<vmem>> -> memref<16x128xf32, #tpu.memory_space<vmem>>
          %dma_wait3A_468 = arith.constant 0 : i32
          %dma_wait3A_469 = tpu.memref_slice %arg13[%dma_wait3A_464, %dma_wait3A_468] : memref<8x16xi32, #tpu.memory_space<vmem>> -> memref<1x16xi32, #tpu.memory_space<vmem>>
          %dma_wait3A_470 = tpu.memref_squeeze %dma_wait3A_469 : memref<1x16xi32, #tpu.memory_space<vmem>> -> memref<16xi32, #tpu.memory_space<vmem>>
          %dma_wait3A_471 = arith.constant 0 : i32
          %dma_wait3A_472 = arith.constant 0 : i32
          %dma_wait3A_473 = tpu.memref_slice %arg5[%dma_wait3A_471, %dma_wait3A_472] : memref<16392x128xf32, #tpu.memory_space<hbm>> -> memref<16392x128xf32, #tpu.memory_space<hbm>>
          tpu.wait_indirect_dma semaphore(%arg14 : memref<!tpu.dma_semaphore, #tpu.memory_space<semaphore_mem>>) src(%dma_wait3A_467 : memref<16x128xf32, #tpu.memory_space<vmem>>) dst(%dma_wait3A_473 : memref<16392x128xf32, #tpu.memory_space<hbm>>)
          %dma_wait3A_474 = arith.constant 1 : i32
          %dma_wait3A_475 = arith.constant 16 : i32
          %dma_wait3A_476 = arith.constant 0 : i32
          %dma_wait3A_477 = tpu.memref_slice %arg12[%dma_wait3A_475, %dma_wait3A_476] : memref<128x128xf32, #tpu.memory_space<vmem>> -> memref<16x128xf32, #tpu.memory_space<vmem>>
          %dma_wait3A_478 = arith.constant 0 : i32
          %dma_wait3A_479 = tpu.memref_slice %arg13[%dma_wait3A_474, %dma_wait3A_478] : memref<8x16xi32, #tpu.memory_space<vmem>> -> memref<1x16xi32, #tpu.memory_space<vmem>>
          %dma_wait3A_480 = tpu.memref_squeeze %dma_wait3A_479 : memref<1x16xi32, #tpu.memory_space<vmem>> -> memref<16xi32, #tpu.memory_space<vmem>>
          %dma_wait3A_481 = arith.constant 0 : i32
          %dma_wait3A_482 = arith.constant 0 : i32
          %dma_wait3A_483 = tpu.memref_slice %arg5[%dma_wait3A_481, %dma_wait3A_482] : memref<16392x128xf32, #tpu.memory_space<hbm>> -> memref<16392x128xf32, #tpu.memory_space<hbm>>
          tpu.wait_indirect_dma semaphore(%arg14 : memref<!tpu.dma_semaphore, #tpu.memory_space<semaphore_mem>>) src(%dma_wait3A_477 : memref<16x128xf32, #tpu.memory_space<vmem>>) dst(%dma_wait3A_483 : memref<16392x128xf32, #tpu.memory_space<hbm>>)
          %dma_wait3A_484 = arith.constant 2 : i32
          %dma_wait3A_485 = arith.constant 32 : i32
          %dma_wait3A_486 = arith.constant 0 : i32
          %dma_wait3A_487 = tpu.memref_slice %arg12[%dma_wait3A_485, %dma_wait3A_486] : memref<128x128xf32, #tpu.memory_space<vmem>> -> memref<16x128xf32, #tpu.memory_space<vmem>>
          %dma_wait3A_488 = arith.constant 0 : i32
          %dma_wait3A_489 = tpu.memref_slice %arg13[%dma_wait3A_484, %dma_wait3A_488] : memref<8x16xi32, #tpu.memory_space<vmem>> -> memref<1x16xi32, #tpu.memory_space<vmem>>
          %dma_wait3A_490 = tpu.memref_squeeze %dma_wait3A_489 : memref<1x16xi32, #tpu.memory_space<vmem>> -> memref<16xi32, #tpu.memory_space<vmem>>
          %dma_wait3A_491 = arith.constant 0 : i32
          %dma_wait3A_492 = arith.constant 0 : i32
          %dma_wait3A_493 = tpu.memref_slice %arg5[%dma_wait3A_491, %dma_wait3A_492] : memref<16392x128xf32, #tpu.memory_space<hbm>> -> memref<16392x128xf32, #tpu.memory_space<hbm>>
          tpu.wait_indirect_dma semaphore(%arg14 : memref<!tpu.dma_semaphore, #tpu.memory_space<semaphore_mem>>) src(%dma_wait3A_487 : memref<16x128xf32, #tpu.memory_space<vmem>>) dst(%dma_wait3A_493 : memref<16392x128xf32, #tpu.memory_space<hbm>>)
          %dma_wait3A_494 = arith.constant 3 : i32
          %dma_wait3A_495 = arith.constant 48 : i32
          %dma_wait3A_496 = arith.constant 0 : i32
          %dma_wait3A_497 = tpu.memref_slice %arg12[%dma_wait3A_495, %dma_wait3A_496] : memref<128x128xf32, #tpu.memory_space<vmem>> -> memref<16x128xf32, #tpu.memory_space<vmem>>
          %dma_wait3A_498 = arith.constant 0 : i32
          %dma_wait3A_499 = tpu.memref_slice %arg13[%dma_wait3A_494, %dma_wait3A_498] : memref<8x16xi32, #tpu.memory_space<vmem>> -> memref<1x16xi32, #tpu.memory_space<vmem>>
          %dma_wait3A_500 = tpu.memref_squeeze %dma_wait3A_499 : memref<1x16xi32, #tpu.memory_space<vmem>> -> memref<16xi32, #tpu.memory_space<vmem>>
          %dma_wait3A_501 = arith.constant 0 : i32
          %dma_wait3A_502 = arith.constant 0 : i32
          %dma_wait3A_503 = tpu.memref_slice %arg5[%dma_wait3A_501, %dma_wait3A_502] : memref<16392x128xf32, #tpu.memory_space<hbm>> -> memref<16392x128xf32, #tpu.memory_space<hbm>>
          tpu.wait_indirect_dma semaphore(%arg14 : memref<!tpu.dma_semaphore, #tpu.memory_space<semaphore_mem>>) src(%dma_wait3A_497 : memref<16x128xf32, #tpu.memory_space<vmem>>) dst(%dma_wait3A_503 : memref<16392x128xf32, #tpu.memory_space<hbm>>)
          %dma_wait3A_504 = arith.constant 4 : i32
          %dma_wait3A_505 = arith.constant 64 : i32
          %dma_wait3A_506 = arith.constant 0 : i32
          %dma_wait3A_507 = tpu.memref_slice %arg12[%dma_wait3A_505, %dma_wait3A_506] : memref<128x128xf32, #tpu.memory_space<vmem>> -> memref<16x128xf32, #tpu.memory_space<vmem>>
          %dma_wait3A_508 = arith.constant 0 : i32
          %dma_wait3A_509 = tpu.memref_slice %arg13[%dma_wait3A_504, %dma_wait3A_508] : memref<8x16xi32, #tpu.memory_space<vmem>> -> memref<1x16xi32, #tpu.memory_space<vmem>>
          %dma_wait3A_510 = tpu.memref_squeeze %dma_wait3A_509 : memref<1x16xi32, #tpu.memory_space<vmem>> -> memref<16xi32, #tpu.memory_space<vmem>>
          %dma_wait3A_511 = arith.constant 0 : i32
          %dma_wait3A_512 = arith.constant 0 : i32
          %dma_wait3A_513 = tpu.memref_slice %arg5[%dma_wait3A_511, %dma_wait3A_512] : memref<16392x128xf32, #tpu.memory_space<hbm>> -> memref<16392x128xf32, #tpu.memory_space<hbm>>
          tpu.wait_indirect_dma semaphore(%arg14 : memref<!tpu.dma_semaphore, #tpu.memory_space<semaphore_mem>>) src(%dma_wait3A_507 : memref<16x128xf32, #tpu.memory_space<vmem>>) dst(%dma_wait3A_513 : memref<16392x128xf32, #tpu.memory_space<hbm>>)
          %dma_wait3A_514 = arith.constant 5 : i32
          %dma_wait3A_515 = arith.constant 80 : i32
          %dma_wait3A_516 = arith.constant 0 : i32
          %dma_wait3A_517 = tpu.memref_slice %arg12[%dma_wait3A_515, %dma_wait3A_516] : memref<128x128xf32, #tpu.memory_space<vmem>> -> memref<16x128xf32, #tpu.memory_space<vmem>>
          %dma_wait3A_518 = arith.constant 0 : i32
          %dma_wait3A_519 = tpu.memref_slice %arg13[%dma_wait3A_514, %dma_wait3A_518] : memref<8x16xi32, #tpu.memory_space<vmem>> -> memref<1x16xi32, #tpu.memory_space<vmem>>
          %dma_wait3A_520 = tpu.memref_squeeze %dma_wait3A_519 : memref<1x16xi32, #tpu.memory_space<vmem>> -> memref<16xi32, #tpu.memory_space<vmem>>
          %dma_wait3A_521 = arith.constant 0 : i32
          %dma_wait3A_522 = arith.constant 0 : i32
          %dma_wait3A_523 = tpu.memref_slice %arg5[%dma_wait3A_521, %dma_wait3A_522] : memref<16392x128xf32, #tpu.memory_space<hbm>> -> memref<16392x128xf32, #tpu.memory_space<hbm>>
          tpu.wait_indirect_dma semaphore(%arg14 : memref<!tpu.dma_semaphore, #tpu.memory_space<semaphore_mem>>) src(%dma_wait3A_517 : memref<16x128xf32, #tpu.memory_space<vmem>>) dst(%dma_wait3A_523 : memref<16392x128xf32, #tpu.memory_space<hbm>>)
          %dma_wait3A_524 = arith.constant 6 : i32
          %dma_wait3A_525 = arith.constant 96 : i32
          %dma_wait3A_526 = arith.constant 0 : i32
          %dma_wait3A_527 = tpu.memref_slice %arg12[%dma_wait3A_525, %dma_wait3A_526] : memref<128x128xf32, #tpu.memory_space<vmem>> -> memref<16x128xf32, #tpu.memory_space<vmem>>
          %dma_wait3A_528 = arith.constant 0 : i32
          %dma_wait3A_529 = tpu.memref_slice %arg13[%dma_wait3A_524, %dma_wait3A_528] : memref<8x16xi32, #tpu.memory_space<vmem>> -> memref<1x16xi32, #tpu.memory_space<vmem>>
          %dma_wait3A_530 = tpu.memref_squeeze %dma_wait3A_529 : memref<1x16xi32, #tpu.memory_space<vmem>> -> memref<16xi32, #tpu.memory_space<vmem>>
          %dma_wait3A_531 = arith.constant 0 : i32
          %dma_wait3A_532 = arith.constant 0 : i32
          %dma_wait3A_533 = tpu.memref_slice %arg5[%dma_wait3A_531, %dma_wait3A_532] : memref<16392x128xf32, #tpu.memory_space<hbm>> -> memref<16392x128xf32, #tpu.memory_space<hbm>>
          tpu.wait_indirect_dma semaphore(%arg14 : memref<!tpu.dma_semaphore, #tpu.memory_space<semaphore_mem>>) src(%dma_wait3A_527 : memref<16x128xf32, #tpu.memory_space<vmem>>) dst(%dma_wait3A_533 : memref<16392x128xf32, #tpu.memory_space<hbm>>)
          %dma_wait3A_534 = arith.constant 7 : i32
          %dma_wait3A_535 = arith.constant 112 : i32
          %dma_wait3A_536 = arith.constant 0 : i32
          %dma_wait3A_537 = tpu.memref_slice %arg12[%dma_wait3A_535, %dma_wait3A_536] : memref<128x128xf32, #tpu.memory_space<vmem>> -> memref<16x128xf32, #tpu.memory_space<vmem>>
          %dma_wait3A_538 = arith.constant 0 : i32
          %dma_wait3A_539 = tpu.memref_slice %arg13[%dma_wait3A_534, %dma_wait3A_538] : memref<8x16xi32, #tpu.memory_space<vmem>> -> memref<1x16xi32, #tpu.memory_space<vmem>>
          %dma_wait3A_540 = tpu.memref_squeeze %dma_wait3A_539 : memref<1x16xi32, #tpu.memory_space<vmem>> -> memref<16xi32, #tpu.memory_space<vmem>>
          %dma_wait3A_541 = arith.constant 0 : i32
          %dma_wait3A_542 = arith.constant 0 : i32
          %dma_wait3A_543 = tpu.memref_slice %arg5[%dma_wait3A_541, %dma_wait3A_542] : memref<16392x128xf32, #tpu.memory_space<hbm>> -> memref<16392x128xf32, #tpu.memory_space<hbm>>
          tpu.wait_indirect_dma semaphore(%arg14 : memref<!tpu.dma_semaphore, #tpu.memory_space<semaphore_mem>>) src(%dma_wait3A_537 : memref<16x128xf32, #tpu.memory_space<vmem>>) dst(%dma_wait3A_543 : memref<16392x128xf32, #tpu.memory_space<hbm>>)
          %swap3A_544 = arith.constant 0 : i32
          %swap3A_545 = arith.index_cast %swap3A_544 : i32 to index
          %swap3A_546 = arith.constant 0 : index
          %swap3A_547 = tpu.vector_load %arg13[%swap3A_545, %swap3A_546] {strides = array<i32>} : memref<8x16xi32, #tpu.memory_space<vmem>>, vector<16xi32>,
          tpu.vector_store %arg13[%swap3A_545, %swap3A_546], %broadcast_in_dim3A_3 {strides = array<i32>} : memref<8x16xi32, #tpu.memory_space<vmem>>, vector<16xi32>,
          %swap3A_548 = arith.constant 1 : i32
          %swap3A_549 = arith.index_cast %swap3A_548 : i32 to index
          %swap3A_550 = arith.constant 0 : index
          %swap3A_551 = tpu.vector_load %arg13[%swap3A_549, %swap3A_550] {strides = array<i32>} : memref<8x16xi32, #tpu.memory_space<vmem>>, vector<16xi32>,
          tpu.vector_store %arg13[%swap3A_549, %swap3A_550], %broadcast_in_dim3A_3 {strides = array<i32>} : memref<8x16xi32, #tpu.memory_space<vmem>>, vector<16xi32>,
          %swap3A_552 = arith.constant 2 : i32
          %swap3A_553 = arith.index_cast %swap3A_552 : i32 to index
          %swap3A_554 = arith.constant 0 : index
          %swap3A_555 = tpu.vector_load %arg13[%swap3A_553, %swap3A_554] {strides = array<i32>} : memref<8x16xi32, #tpu.memory_space<vmem>>, vector<16xi32>,
          tpu.vector_store %arg13[%swap3A_553, %swap3A_554], %broadcast_in_dim3A_3 {strides = array<i32>} : memref<8x16xi32, #tpu.memory_space<vmem>>, vector<16xi32>,
          %swap3A_556 = arith.constant 3 : i32
          %swap3A_557 = arith.index_cast %swap3A_556 : i32 to index
          %swap3A_558 = arith.constant 0 : index
          %swap3A_559 = tpu.vector_load %arg13[%swap3A_557, %swap3A_558] {strides = array<i32>} : memref<8x16xi32, #tpu.memory_space<vmem>>, vector<16xi32>,
          tpu.vector_store %arg13[%swap3A_557, %swap3A_558], %broadcast_in_dim3A_3 {strides = array<i32>} : memref<8x16xi32, #tpu.memory_space<vmem>>, vector<16xi32>,
          %swap3A_560 = arith.constant 4 : i32
          %swap3A_561 = arith.index_cast %swap3A_560 : i32 to index
          %swap3A_562 = arith.constant 0 : index
          %swap3A_563 = tpu.vector_load %arg13[%swap3A_561, %swap3A_562] {strides = array<i32>} : memref<8x16xi32, #tpu.memory_space<vmem>>, vector<16xi32>,
          tpu.vector_store %arg13[%swap3A_561, %swap3A_562], %broadcast_in_dim3A_3 {strides = array<i32>} : memref<8x16xi32, #tpu.memory_space<vmem>>, vector<16xi32>,
          %swap3A_564 = arith.constant 5 : i32
          %swap3A_565 = arith.index_cast %swap3A_564 : i32 to index
          %swap3A_566 = arith.constant 0 : index
          %swap3A_567 = tpu.vector_load %arg13[%swap3A_565, %swap3A_566] {strides = array<i32>} : memref<8x16xi32, #tpu.memory_space<vmem>>, vector<16xi32>,
          tpu.vector_store %arg13[%swap3A_565, %swap3A_566], %broadcast_in_dim3A_3 {strides = array<i32>} : memref<8x16xi32, #tpu.memory_space<vmem>>, vector<16xi32>,
          %swap3A_568 = arith.constant 6 : i32
          %swap3A_569 = arith.index_cast %swap3A_568 : i32 to index
          %swap3A_570 = arith.constant 0 : index
          %swap3A_571 = tpu.vector_load %arg13[%swap3A_569, %swap3A_570] {strides = array<i32>} : memref<8x16xi32, #tpu.memory_space<vmem>>, vector<16xi32>,
          tpu.vector_store %arg13[%swap3A_569, %swap3A_570], %broadcast_in_dim3A_3 {strides = array<i32>} : memref<8x16xi32, #tpu.memory_space<vmem>>, vector<16xi32>,
          %swap3A_572 = arith.constant 7 : i32
          %swap3A_573 = arith.index_cast %swap3A_572 : i32 to index
          %swap3A_574 = arith.constant 0 : index
          %swap3A_575 = tpu.vector_load %arg13[%swap3A_573, %swap3A_574] {strides = array<i32>} : memref<8x16xi32, #tpu.memory_space<vmem>>, vector<16xi32>,
          tpu.vector_store %arg13[%swap3A_573, %swap3A_574], %broadcast_in_dim3A_3 {strides = array<i32>} : memref<8x16xi32, #tpu.memory_space<vmem>>, vector<16xi32>,
        } else {
        }
        %jit3A = arith.constant 0 : i32
        %select_n3A = arith.select %gt3A_354, %jit3A, %while3A_348 : i32
        %mul3A_358 = arith.constant 16 : i32
        %mul3A_359 = arith.muli %add3A_350, %mul3A_358 : i32
        %sub3A_360 = arith.subi %while3A_321, %mul3A_359 : i32
        %min3A_361 = arith.constant 16 : i32
        %min3A_362 = arith.minsi %min3A_361, %sub3A_360 : i32
        %sub3A_363 = arith.constant 0 : i32
        %sub3A_364 = arith.subi %min3A_362, %sub3A_363 : i32
        %sub3A_365 = arith.constant 1 : i32
        %sub3A_366 = arith.constant 1 : i32
        %sub3A_367 = arith.subi %sub3A_365, %sub3A_366 : i32
        %add3A_368 = arith.addi %sub3A_364, %sub3A_367 : i32
        %div3A_369 = arith.constant 1 : i32
        %div3A_370 = arith.divsi %add3A_368, %div3A_369 : i32
        %while3A_371 = arith.constant 1 : i32
        %while3A_372 = arith.constant 0 : i32
        %while3A_373 = arith.constant 0 : i32
        %while3A_374 = arith.subi %div3A_370, %while3A_373 : i32
        %while3A_375 = arith.addi %while3A_373, %while3A_374 : i32
        %while3A_376 = arith.constant 1 : i32
        %while3A_377 = arith.divsi %while3A_374, %while3A_376 : i32
        %while3A_378 = arith.muli %while3A_377, %while3A_376 : i32
        %while3A_379 = arith.addi %while3A_373, %while3A_378 : i32
        %while3A_380 = arith.constant 1 : i32
        %while3A_381 = scf.for %while3A_384 = %while3A_373 to %while3A_379 step %while3A_380 iter_args(%while3A_385 = %select_n3A) -> (i32)  : i32 {
          %mul3A_386 = arith.muli %while3A_384, %while3A_371 : i32
          %add3A_387 = arith.addi %while3A_372, %mul3A_386 : i32
          %eq3A_388 = vector.broadcast %add3A_387 : i32 to vector<16xi32>
          %eq3A_389 = arith.cmpi eq, %iota3A, %eq3A_388 : vector<16xi32>
          %jit3A_390 = arith.constant 0 : i32
          %broadcast_in_dim3A_391 = vector.broadcast %jit3A_390 : i32 to vector<16xi32>
          %select_n3A_392 = arith.select %eq3A_389, %get3A_353, %broadcast_in_dim3A_391 : vector<16xi1>, vector<16xi32>
          %reduce_sum3A = arith.constant true
          %reduce_sum3A_393 = vector.broadcast %reduce_sum3A : i1 to vector<16xi1>
          %reduce_sum3A_394 = tpu.scan <sum>, %select_n3A_392 masked %reduce_sum3A_393 : vector<16xi32>, vector<16xi1> -> vector<16xi32>
          %reduce_sum3A_395 = vector.extract %reduce_sum3A_394[15] : i32 from vector<16xi32>
          %and3A = arith.constant 511 : i32
          %and3A_396 = arith.andi %reduce_sum3A_395, %and3A : i32
          %shift_right_arithmetic3A_397 = arith.constant 15 : i32
          %shift_right_arithmetic3A_398 = arith.shrsi %reduce_sum3A_395, %shift_right_arithmetic3A_397 : i32
          %broadcast_in_dim3A_399 = vector.broadcast %and3A_396 : i32 to vector<16xi32>
          %add3A_400 = arith.constant 0 : i32
          %add3A_401 = vector.broadcast %add3A_400 : i32 to vector<16xi32>
          %add3A_402 = arith.addi %iota3A, %add3A_401 : vector<16xi32>
          %gather3A = tpu.vector_load_idx %arg11[%add3A_402, %broadcast_in_dim3A_399] : memref<64x64xf32, #tpu.memory_space<vmem>>[vector<16xi32>, vector<16xi32>], vector<16xf32>,
          %swap3A_403 = arith.index_cast %while3A_385 : i32 to index
          %swap3A_404 = arith.constant 0 : index
          %swap3A_405 = tpu.vector_load %arg12[%swap3A_403, %swap3A_404] {strides = array<i32>} : memref<128x128xf32, #tpu.memory_space<vmem>>, vector<16xf32>,
          tpu.vector_store %arg12[%swap3A_403, %swap3A_404], %gather3A {strides = array<i32>} : memref<128x128xf32, #tpu.memory_space<vmem>>, vector<16xf32>,
          %add3A_406 = arith.constant 16 : i32
          %add3A_407 = vector.broadcast %add3A_406 : i32 to vector<16xi32>
          %add3A_408 = arith.addi %iota3A, %add3A_407 : vector<16xi32>
          %gather3A_409 = tpu.vector_load_idx %arg11[%add3A_408, %broadcast_in_dim3A_399] : memref<64x64xf32, #tpu.memory_space<vmem>>[vector<16xi32>, vector<16xi32>], vector<16xf32>,
          %swap3A_410 = arith.index_cast %while3A_385 : i32 to index
          %swap3A_411 = arith.constant 16 : index
          %swap3A_412 = tpu.vector_load %arg12[%swap3A_410, %swap3A_411] {strides = array<i32>} : memref<128x128xf32, #tpu.memory_space<vmem>>, vector<16xf32>,
          tpu.vector_store %arg12[%swap3A_410, %swap3A_411], %gather3A_409 {strides = array<i32>} : memref<128x128xf32, #tpu.memory_space<vmem>>, vector<16xf32>,
          %add3A_413 = arith.constant 32 : i32
          %add3A_414 = vector.broadcast %add3A_413 : i32 to vector<16xi32>
          %add3A_415 = arith.addi %iota3A, %add3A_414 : vector<16xi32>
          %gather3A_416 = tpu.vector_load_idx %arg11[%add3A_415, %broadcast_in_dim3A_399] : memref<64x64xf32, #tpu.memory_space<vmem>>[vector<16xi32>, vector<16xi32>], vector<16xf32>,
          %swap3A_417 = arith.index_cast %while3A_385 : i32 to index
          %swap3A_418 = arith.constant 32 : index
          %swap3A_419 = tpu.vector_load %arg12[%swap3A_417, %swap3A_418] {strides = array<i32>} : memref<128x128xf32, #tpu.memory_space<vmem>>, vector<16xf32>,
          tpu.vector_store %arg12[%swap3A_417, %swap3A_418], %gather3A_416 {strides = array<i32>} : memref<128x128xf32, #tpu.memory_space<vmem>>, vector<16xf32>,
          %add3A_420 = arith.constant 48 : i32
          %add3A_421 = vector.broadcast %add3A_420 : i32 to vector<16xi32>
          %add3A_422 = arith.addi %iota3A, %add3A_421 : vector<16xi32>
          %gather3A_423 = tpu.vector_load_idx %arg11[%add3A_422, %broadcast_in_dim3A_399] : memref<64x64xf32, #tpu.memory_space<vmem>>[vector<16xi32>, vector<16xi32>], vector<16xf32>,
          %swap3A_424 = arith.index_cast %while3A_385 : i32 to index
          %swap3A_425 = arith.constant 48 : index
          %swap3A_426 = tpu.vector_load %arg12[%swap3A_424, %swap3A_425] {strides = array<i32>} : memref<128x128xf32, #tpu.memory_space<vmem>>, vector<16xf32>,
          tpu.vector_store %arg12[%swap3A_424, %swap3A_425], %gather3A_423 {strides = array<i32>} : memref<128x128xf32, #tpu.memory_space<vmem>>, vector<16xf32>,
          %shift_right_arithmetic3A_427 = arith.constant 4 : i32
          %shift_right_arithmetic3A_428 = arith.shrsi %while3A_385, %shift_right_arithmetic3A_427 : i32
          %get3A_429 = arith.index_cast %shift_right_arithmetic3A_428 : i32 to index
          %get3A_430 = arith.constant 0 : index
          %get3A_431 = tpu.vector_load %arg13[%get3A_429, %get3A_430] {strides = array<i32>} : memref<8x16xi32, #tpu.memory_space<vmem>>, vector<16xi32>,
          %and3A_432 = arith.constant 15 : i32
          %and3A_433 = arith.andi %while3A_385, %and3A_432 : i32
          %eq3A_434 = vector.broadcast %and3A_433 : i32 to vector<16xi32>
          %eq3A_435 = arith.cmpi eq, %iota3A, %eq3A_434 : vector<16xi32>
          %broadcast_in_dim3A_436 = vector.broadcast %shift_right_arithmetic3A_398 : i32 to vector<16xi32>
          %select_n3A_437 = arith.select %eq3A_435, %broadcast_in_dim3A_436, %get3A_431 : vector<16xi1>, vector<16xi32>
          %swap3A_438 = arith.index_cast %shift_right_arithmetic3A_428 : i32 to index
          %swap3A_439 = arith.constant 0 : index
          %swap3A_440 = tpu.vector_load %arg13[%swap3A_438, %swap3A_439] {strides = array<i32>} : memref<8x16xi32, #tpu.memory_space<vmem>>, vector<16xi32>,
          tpu.vector_store %arg13[%swap3A_438, %swap3A_439], %select_n3A_437 {strides = array<i32>} : memref<8x16xi32, #tpu.memory_space<vmem>>, vector<16xi32>,
          %add3A_441 = arith.constant 1 : i32
          %add3A_442 = arith.addi %while3A_385, %add3A_441 : i32
          scf.yield %add3A_442 : i32
        }
        %while3A_382 = arith.constant 1 : i32
        %while3A_383 = scf.for %while3A_384 = %while3A_379 to %while3A_375 step %while3A_382 iter_args(%while3A_385 = %while3A_381) -> (i32)  : i32 {
          %mul3A_386 = arith.muli %while3A_384, %while3A_371 : i32
          %add3A_387 = arith.addi %while3A_372, %mul3A_386 : i32
          %eq3A_388 = vector.broadcast %add3A_387 : i32 to vector<16xi32>
          %eq3A_389 = arith.cmpi eq, %iota3A, %eq3A_388 : vector<16xi32>
          %jit3A_390 = arith.constant 0 : i32
          %broadcast_in_dim3A_391 = vector.broadcast %jit3A_390 : i32 to vector<16xi32>
          %select_n3A_392 = arith.select %eq3A_389, %get3A_353, %broadcast_in_dim3A_391 : vector<16xi1>, vector<16xi32>
          %reduce_sum3A = arith.constant true
          %reduce_sum3A_393 = vector.broadcast %reduce_sum3A : i1 to vector<16xi1>
          %reduce_sum3A_394 = tpu.scan <sum>, %select_n3A_392 masked %reduce_sum3A_393 : vector<16xi32>, vector<16xi1> -> vector<16xi32>
          %reduce_sum3A_395 = vector.extract %reduce_sum3A_394[15] : i32 from vector<16xi32>
          %and3A = arith.constant 511 : i32
          %and3A_396 = arith.andi %reduce_sum3A_395, %and3A : i32
          %shift_right_arithmetic3A_397 = arith.constant 15 : i32
          %shift_right_arithmetic3A_398 = arith.shrsi %reduce_sum3A_395, %shift_right_arithmetic3A_397 : i32
          %broadcast_in_dim3A_399 = vector.broadcast %and3A_396 : i32 to vector<16xi32>
          %add3A_400 = arith.constant 0 : i32
          %add3A_401 = vector.broadcast %add3A_400 : i32 to vector<16xi32>
          %add3A_402 = arith.addi %iota3A, %add3A_401 : vector<16xi32>
          %gather3A = tpu.vector_load_idx %arg11[%add3A_402, %broadcast_in_dim3A_399] : memref<64x64xf32, #tpu.memory_space<vmem>>[vector<16xi32>, vector<16xi32>], vector<16xf32>,
          %swap3A_403 = arith.index_cast %while3A_385 : i32 to index
          %swap3A_404 = arith.constant 0 : index
          %swap3A_405 = tpu.vector_load %arg12[%swap3A_403, %swap3A_404] {strides = array<i32>} : memref<128x128xf32, #tpu.memory_space<vmem>>, vector<16xf32>,
          tpu.vector_store %arg12[%swap3A_403, %swap3A_404], %gather3A {strides = array<i32>} : memref<128x128xf32, #tpu.memory_space<vmem>>, vector<16xf32>,
          %add3A_406 = arith.constant 16 : i32
          %add3A_407 = vector.broadcast %add3A_406 : i32 to vector<16xi32>
          %add3A_408 = arith.addi %iota3A, %add3A_407 : vector<16xi32>
          %gather3A_409 = tpu.vector_load_idx %arg11[%add3A_408, %broadcast_in_dim3A_399] : memref<64x64xf32, #tpu.memory_space<vmem>>[vector<16xi32>, vector<16xi32>], vector<16xf32>,
          %swap3A_410 = arith.index_cast %while3A_385 : i32 to index
          %swap3A_411 = arith.constant 16 : index
          %swap3A_412 = tpu.vector_load %arg12[%swap3A_410, %swap3A_411] {strides = array<i32>} : memref<128x128xf32, #tpu.memory_space<vmem>>, vector<16xf32>,
          tpu.vector_store %arg12[%swap3A_410, %swap3A_411], %gather3A_409 {strides = array<i32>} : memref<128x128xf32, #tpu.memory_space<vmem>>, vector<16xf32>,
          %add3A_413 = arith.constant 32 : i32
          %add3A_414 = vector.broadcast %add3A_413 : i32 to vector<16xi32>
          %add3A_415 = arith.addi %iota3A, %add3A_414 : vector<16xi32>
          %gather3A_416 = tpu.vector_load_idx %arg11[%add3A_415, %broadcast_in_dim3A_399] : memref<64x64xf32, #tpu.memory_space<vmem>>[vector<16xi32>, vector<16xi32>], vector<16xf32>,
          %swap3A_417 = arith.index_cast %while3A_385 : i32 to index
          %swap3A_418 = arith.constant 32 : index
          %swap3A_419 = tpu.vector_load %arg12[%swap3A_417, %swap3A_418] {strides = array<i32>} : memref<128x128xf32, #tpu.memory_space<vmem>>, vector<16xf32>,
          tpu.vector_store %arg12[%swap3A_417, %swap3A_418], %gather3A_416 {strides = array<i32>} : memref<128x128xf32, #tpu.memory_space<vmem>>, vector<16xf32>,
          %add3A_420 = arith.constant 48 : i32
          %add3A_421 = vector.broadcast %add3A_420 : i32 to vector<16xi32>
          %add3A_422 = arith.addi %iota3A, %add3A_421 : vector<16xi32>
          %gather3A_423 = tpu.vector_load_idx %arg11[%add3A_422, %broadcast_in_dim3A_399] : memref<64x64xf32, #tpu.memory_space<vmem>>[vector<16xi32>, vector<16xi32>], vector<16xf32>,
          %swap3A_424 = arith.index_cast %while3A_385 : i32 to index
          %swap3A_425 = arith.constant 48 : index
          %swap3A_426 = tpu.vector_load %arg12[%swap3A_424, %swap3A_425] {strides = array<i32>} : memref<128x128xf32, #tpu.memory_space<vmem>>, vector<16xf32>,
          tpu.vector_store %arg12[%swap3A_424, %swap3A_425], %gather3A_423 {strides = array<i32>} : memref<128x128xf32, #tpu.memory_space<vmem>>, vector<16xf32>,
          %shift_right_arithmetic3A_427 = arith.constant 4 : i32
          %shift_right_arithmetic3A_428 = arith.shrsi %while3A_385, %shift_right_arithmetic3A_427 : i32
          %get3A_429 = arith.index_cast %shift_right_arithmetic3A_428 : i32 to index
          %get3A_430 = arith.constant 0 : index
          %get3A_431 = tpu.vector_load %arg13[%get3A_429, %get3A_430] {strides = array<i32>} : memref<8x16xi32, #tpu.memory_space<vmem>>, vector<16xi32>,
          %and3A_432 = arith.constant 15 : i32
          %and3A_433 = arith.andi %while3A_385, %and3A_432 : i32
          %eq3A_434 = vector.broadcast %and3A_433 : i32 to vector<16xi32>
          %eq3A_435 = arith.cmpi eq, %iota3A, %eq3A_434 : vector<16xi32>
          %broadcast_in_dim3A_436 = vector.broadcast %shift_right_arithmetic3A_398 : i32 to vector<16xi32>
          %select_n3A_437 = arith.select %eq3A_435, %broadcast_in_dim3A_436, %get3A_431 : vector<16xi1>, vector<16xi32>
          %swap3A_438 = arith.index_cast %shift_right_arithmetic3A_428 : i32 to index
          %swap3A_439 = arith.constant 0 : index
          %swap3A_440 = tpu.vector_load %arg13[%swap3A_438, %swap3A_439] {strides = array<i32>} : memref<8x16xi32, #tpu.memory_space<vmem>>, vector<16xi32>,
          tpu.vector_store %arg13[%swap3A_438, %swap3A_439], %select_n3A_437 {strides = array<i32>} : memref<8x16xi32, #tpu.memory_space<vmem>>, vector<16xi32>,
          %add3A_441 = arith.constant 1 : i32
          %add3A_442 = arith.addi %while3A_385, %add3A_441 : i32
          scf.yield %add3A_442 : i32
        }
        scf.yield %while3A_383 : i32
      }
      %while3A_345 = arith.constant 1 : i32
      %while3A_346 = scf.for %while3A_347 = %while3A_342 to %while3A_338 step %while3A_345 iter_args(%while3A_348 = %while3A_344) -> (i32)  : i32 {
        %mul3A_349 = arith.muli %while3A_347, %while3A_334 : i32
        %add3A_350 = arith.addi %while3A_335, %mul3A_349 : i32
        %mul3A_351 = arith.constant 16 : i32
        %mul3A_352 = arith.muli %add3A_350, %mul3A_351 : i32
        %get3A = arith.index_cast %mul3A_352 : i32 to index
        %get3A_353 = tpu.vector_load %arg8[%get3A] {strides = array<i32>} : memref<16400xi32, #tpu.memory_space<vmem>>, vector<16xi32>,
        %gt3A = arith.constant 112 : i32
        %gt3A_354 = arith.cmpi sgt, %while3A_348, %gt3A : i32
        %convert_element_type3A_355 = arith.extui %gt3A_354 : i1 to i32
        %cond3A_356 = arith.constant 0 : i32
        %cond3A_357 = arith.cmpi ne, %convert_element_type3A_355, %cond3A_356 : i32
        scf.if %cond3A_357 {
          %dma_start3A_384 = arith.constant 0 : i32
          %dma_start3A_385 = arith.constant 0 : i32
          %dma_start3A_386 = arith.constant 0 : i32
          %dma_start3A_387 = tpu.memref_slice %arg12[%dma_start3A_385, %dma_start3A_386] : memref<128x128xf32, #tpu.memory_space<vmem>> -> memref<16x128xf32, #tpu.memory_space<vmem>>
          %dma_start3A_388 = arith.constant 0 : i32
          %dma_start3A_389 = tpu.memref_slice %arg13[%dma_start3A_384, %dma_start3A_388] : memref<8x16xi32, #tpu.memory_space<vmem>> -> memref<1x16xi32, #tpu.memory_space<vmem>>
          %dma_start3A_390 = tpu.memref_squeeze %dma_start3A_389 : memref<1x16xi32, #tpu.memory_space<vmem>> -> memref<16xi32, #tpu.memory_space<vmem>>
          %dma_start3A_391 = arith.constant 0 : i32
          %dma_start3A_392 = arith.constant 0 : i32
          %dma_start3A_393 = tpu.memref_slice %arg5[%dma_start3A_391, %dma_start3A_392] : memref<16392x128xf32, #tpu.memory_space<hbm>> -> memref<16392x128xf32, #tpu.memory_space<hbm>>
          tpu.enqueue_indirect_dma source(%dma_start3A_387 : memref<16x128xf32, #tpu.memory_space<vmem>>) target(%dma_start3A_393 : memref<16392x128xf32, #tpu.memory_space<hbm>>) offsets(%dma_start3A_390 : memref<16xi32, #tpu.memory_space<vmem>>) semaphore(%arg14 : memref<!tpu.dma_semaphore, #tpu.memory_space<semaphore_mem>>)
          %dma_start3A_394 = arith.constant 1 : i32
          %dma_start3A_395 = arith.constant 16 : i32
          %dma_start3A_396 = arith.constant 0 : i32
          %dma_start3A_397 = tpu.memref_slice %arg12[%dma_start3A_395, %dma_start3A_396] : memref<128x128xf32, #tpu.memory_space<vmem>> -> memref<16x128xf32, #tpu.memory_space<vmem>>
          %dma_start3A_398 = arith.constant 0 : i32
          %dma_start3A_399 = tpu.memref_slice %arg13[%dma_start3A_394, %dma_start3A_398] : memref<8x16xi32, #tpu.memory_space<vmem>> -> memref<1x16xi32, #tpu.memory_space<vmem>>
          %dma_start3A_400 = tpu.memref_squeeze %dma_start3A_399 : memref<1x16xi32, #tpu.memory_space<vmem>> -> memref<16xi32, #tpu.memory_space<vmem>>
          %dma_start3A_401 = arith.constant 0 : i32
          %dma_start3A_402 = arith.constant 0 : i32
          %dma_start3A_403 = tpu.memref_slice %arg5[%dma_start3A_401, %dma_start3A_402] : memref<16392x128xf32, #tpu.memory_space<hbm>> -> memref<16392x128xf32, #tpu.memory_space<hbm>>
          tpu.enqueue_indirect_dma source(%dma_start3A_397 : memref<16x128xf32, #tpu.memory_space<vmem>>) target(%dma_start3A_403 : memref<16392x128xf32, #tpu.memory_space<hbm>>) offsets(%dma_start3A_400 : memref<16xi32, #tpu.memory_space<vmem>>) semaphore(%arg14 : memref<!tpu.dma_semaphore, #tpu.memory_space<semaphore_mem>>)
          %dma_start3A_404 = arith.constant 2 : i32
          %dma_start3A_405 = arith.constant 32 : i32
          %dma_start3A_406 = arith.constant 0 : i32
          %dma_start3A_407 = tpu.memref_slice %arg12[%dma_start3A_405, %dma_start3A_406] : memref<128x128xf32, #tpu.memory_space<vmem>> -> memref<16x128xf32, #tpu.memory_space<vmem>>
          %dma_start3A_408 = arith.constant 0 : i32
          %dma_start3A_409 = tpu.memref_slice %arg13[%dma_start3A_404, %dma_start3A_408] : memref<8x16xi32, #tpu.memory_space<vmem>> -> memref<1x16xi32, #tpu.memory_space<vmem>>
          %dma_start3A_410 = tpu.memref_squeeze %dma_start3A_409 : memref<1x16xi32, #tpu.memory_space<vmem>> -> memref<16xi32, #tpu.memory_space<vmem>>
          %dma_start3A_411 = arith.constant 0 : i32
          %dma_start3A_412 = arith.constant 0 : i32
          %dma_start3A_413 = tpu.memref_slice %arg5[%dma_start3A_411, %dma_start3A_412] : memref<16392x128xf32, #tpu.memory_space<hbm>> -> memref<16392x128xf32, #tpu.memory_space<hbm>>
          tpu.enqueue_indirect_dma source(%dma_start3A_407 : memref<16x128xf32, #tpu.memory_space<vmem>>) target(%dma_start3A_413 : memref<16392x128xf32, #tpu.memory_space<hbm>>) offsets(%dma_start3A_410 : memref<16xi32, #tpu.memory_space<vmem>>) semaphore(%arg14 : memref<!tpu.dma_semaphore, #tpu.memory_space<semaphore_mem>>)
          %dma_start3A_414 = arith.constant 3 : i32
          %dma_start3A_415 = arith.constant 48 : i32
          %dma_start3A_416 = arith.constant 0 : i32
          %dma_start3A_417 = tpu.memref_slice %arg12[%dma_start3A_415, %dma_start3A_416] : memref<128x128xf32, #tpu.memory_space<vmem>> -> memref<16x128xf32, #tpu.memory_space<vmem>>
          %dma_start3A_418 = arith.constant 0 : i32
          %dma_start3A_419 = tpu.memref_slice %arg13[%dma_start3A_414, %dma_start3A_418] : memref<8x16xi32, #tpu.memory_space<vmem>> -> memref<1x16xi32, #tpu.memory_space<vmem>>
          %dma_start3A_420 = tpu.memref_squeeze %dma_start3A_419 : memref<1x16xi32, #tpu.memory_space<vmem>> -> memref<16xi32, #tpu.memory_space<vmem>>
          %dma_start3A_421 = arith.constant 0 : i32
          %dma_start3A_422 = arith.constant 0 : i32
          %dma_start3A_423 = tpu.memref_slice %arg5[%dma_start3A_421, %dma_start3A_422] : memref<16392x128xf32, #tpu.memory_space<hbm>> -> memref<16392x128xf32, #tpu.memory_space<hbm>>
          tpu.enqueue_indirect_dma source(%dma_start3A_417 : memref<16x128xf32, #tpu.memory_space<vmem>>) target(%dma_start3A_423 : memref<16392x128xf32, #tpu.memory_space<hbm>>) offsets(%dma_start3A_420 : memref<16xi32, #tpu.memory_space<vmem>>) semaphore(%arg14 : memref<!tpu.dma_semaphore, #tpu.memory_space<semaphore_mem>>)
          %dma_start3A_424 = arith.constant 4 : i32
          %dma_start3A_425 = arith.constant 64 : i32
          %dma_start3A_426 = arith.constant 0 : i32
          %dma_start3A_427 = tpu.memref_slice %arg12[%dma_start3A_425, %dma_start3A_426] : memref<128x128xf32, #tpu.memory_space<vmem>> -> memref<16x128xf32, #tpu.memory_space<vmem>>
          %dma_start3A_428 = arith.constant 0 : i32
          %dma_start3A_429 = tpu.memref_slice %arg13[%dma_start3A_424, %dma_start3A_428] : memref<8x16xi32, #tpu.memory_space<vmem>> -> memref<1x16xi32, #tpu.memory_space<vmem>>
          %dma_start3A_430 = tpu.memref_squeeze %dma_start3A_429 : memref<1x16xi32, #tpu.memory_space<vmem>> -> memref<16xi32, #tpu.memory_space<vmem>>
          %dma_start3A_431 = arith.constant 0 : i32
          %dma_start3A_432 = arith.constant 0 : i32
          %dma_start3A_433 = tpu.memref_slice %arg5[%dma_start3A_431, %dma_start3A_432] : memref<16392x128xf32, #tpu.memory_space<hbm>> -> memref<16392x128xf32, #tpu.memory_space<hbm>>
          tpu.enqueue_indirect_dma source(%dma_start3A_427 : memref<16x128xf32, #tpu.memory_space<vmem>>) target(%dma_start3A_433 : memref<16392x128xf32, #tpu.memory_space<hbm>>) offsets(%dma_start3A_430 : memref<16xi32, #tpu.memory_space<vmem>>) semaphore(%arg14 : memref<!tpu.dma_semaphore, #tpu.memory_space<semaphore_mem>>)
          %dma_start3A_434 = arith.constant 5 : i32
          %dma_start3A_435 = arith.constant 80 : i32
          %dma_start3A_436 = arith.constant 0 : i32
          %dma_start3A_437 = tpu.memref_slice %arg12[%dma_start3A_435, %dma_start3A_436] : memref<128x128xf32, #tpu.memory_space<vmem>> -> memref<16x128xf32, #tpu.memory_space<vmem>>
          %dma_start3A_438 = arith.constant 0 : i32
          %dma_start3A_439 = tpu.memref_slice %arg13[%dma_start3A_434, %dma_start3A_438] : memref<8x16xi32, #tpu.memory_space<vmem>> -> memref<1x16xi32, #tpu.memory_space<vmem>>
          %dma_start3A_440 = tpu.memref_squeeze %dma_start3A_439 : memref<1x16xi32, #tpu.memory_space<vmem>> -> memref<16xi32, #tpu.memory_space<vmem>>
          %dma_start3A_441 = arith.constant 0 : i32
          %dma_start3A_442 = arith.constant 0 : i32
          %dma_start3A_443 = tpu.memref_slice %arg5[%dma_start3A_441, %dma_start3A_442] : memref<16392x128xf32, #tpu.memory_space<hbm>> -> memref<16392x128xf32, #tpu.memory_space<hbm>>
          tpu.enqueue_indirect_dma source(%dma_start3A_437 : memref<16x128xf32, #tpu.memory_space<vmem>>) target(%dma_start3A_443 : memref<16392x128xf32, #tpu.memory_space<hbm>>) offsets(%dma_start3A_440 : memref<16xi32, #tpu.memory_space<vmem>>) semaphore(%arg14 : memref<!tpu.dma_semaphore, #tpu.memory_space<semaphore_mem>>)
          %dma_start3A_444 = arith.constant 6 : i32
          %dma_start3A_445 = arith.constant 96 : i32
          %dma_start3A_446 = arith.constant 0 : i32
          %dma_start3A_447 = tpu.memref_slice %arg12[%dma_start3A_445, %dma_start3A_446] : memref<128x128xf32, #tpu.memory_space<vmem>> -> memref<16x128xf32, #tpu.memory_space<vmem>>
          %dma_start3A_448 = arith.constant 0 : i32
          %dma_start3A_449 = tpu.memref_slice %arg13[%dma_start3A_444, %dma_start3A_448] : memref<8x16xi32, #tpu.memory_space<vmem>> -> memref<1x16xi32, #tpu.memory_space<vmem>>
          %dma_start3A_450 = tpu.memref_squeeze %dma_start3A_449 : memref<1x16xi32, #tpu.memory_space<vmem>> -> memref<16xi32, #tpu.memory_space<vmem>>
          %dma_start3A_451 = arith.constant 0 : i32
          %dma_start3A_452 = arith.constant 0 : i32
          %dma_start3A_453 = tpu.memref_slice %arg5[%dma_start3A_451, %dma_start3A_452] : memref<16392x128xf32, #tpu.memory_space<hbm>> -> memref<16392x128xf32, #tpu.memory_space<hbm>>
          tpu.enqueue_indirect_dma source(%dma_start3A_447 : memref<16x128xf32, #tpu.memory_space<vmem>>) target(%dma_start3A_453 : memref<16392x128xf32, #tpu.memory_space<hbm>>) offsets(%dma_start3A_450 : memref<16xi32, #tpu.memory_space<vmem>>) semaphore(%arg14 : memref<!tpu.dma_semaphore, #tpu.memory_space<semaphore_mem>>)
          %dma_start3A_454 = arith.constant 7 : i32
          %dma_start3A_455 = arith.constant 112 : i32
          %dma_start3A_456 = arith.constant 0 : i32
          %dma_start3A_457 = tpu.memref_slice %arg12[%dma_start3A_455, %dma_start3A_456] : memref<128x128xf32, #tpu.memory_space<vmem>> -> memref<16x128xf32, #tpu.memory_space<vmem>>
          %dma_start3A_458 = arith.constant 0 : i32
          %dma_start3A_459 = tpu.memref_slice %arg13[%dma_start3A_454, %dma_start3A_458] : memref<8x16xi32, #tpu.memory_space<vmem>> -> memref<1x16xi32, #tpu.memory_space<vmem>>
          %dma_start3A_460 = tpu.memref_squeeze %dma_start3A_459 : memref<1x16xi32, #tpu.memory_space<vmem>> -> memref<16xi32, #tpu.memory_space<vmem>>
          %dma_start3A_461 = arith.constant 0 : i32
          %dma_start3A_462 = arith.constant 0 : i32
          %dma_start3A_463 = tpu.memref_slice %arg5[%dma_start3A_461, %dma_start3A_462] : memref<16392x128xf32, #tpu.memory_space<hbm>> -> memref<16392x128xf32, #tpu.memory_space<hbm>>
          tpu.enqueue_indirect_dma source(%dma_start3A_457 : memref<16x128xf32, #tpu.memory_space<vmem>>) target(%dma_start3A_463 : memref<16392x128xf32, #tpu.memory_space<hbm>>) offsets(%dma_start3A_460 : memref<16xi32, #tpu.memory_space<vmem>>) semaphore(%arg14 : memref<!tpu.dma_semaphore, #tpu.memory_space<semaphore_mem>>)
          %dma_wait3A_464 = arith.constant 0 : i32
          %dma_wait3A_465 = arith.constant 0 : i32
          %dma_wait3A_466 = arith.constant 0 : i32
          %dma_wait3A_467 = tpu.memref_slice %arg12[%dma_wait3A_465, %dma_wait3A_466] : memref<128x128xf32, #tpu.memory_space<vmem>> -> memref<16x128xf32, #tpu.memory_space<vmem>>
          %dma_wait3A_468 = arith.constant 0 : i32
          %dma_wait3A_469 = tpu.memref_slice %arg13[%dma_wait3A_464, %dma_wait3A_468] : memref<8x16xi32, #tpu.memory_space<vmem>> -> memref<1x16xi32, #tpu.memory_space<vmem>>
          %dma_wait3A_470 = tpu.memref_squeeze %dma_wait3A_469 : memref<1x16xi32, #tpu.memory_space<vmem>> -> memref<16xi32, #tpu.memory_space<vmem>>
          %dma_wait3A_471 = arith.constant 0 : i32
          %dma_wait3A_472 = arith.constant 0 : i32
          %dma_wait3A_473 = tpu.memref_slice %arg5[%dma_wait3A_471, %dma_wait3A_472] : memref<16392x128xf32, #tpu.memory_space<hbm>> -> memref<16392x128xf32, #tpu.memory_space<hbm>>
          tpu.wait_indirect_dma semaphore(%arg14 : memref<!tpu.dma_semaphore, #tpu.memory_space<semaphore_mem>>) src(%dma_wait3A_467 : memref<16x128xf32, #tpu.memory_space<vmem>>) dst(%dma_wait3A_473 : memref<16392x128xf32, #tpu.memory_space<hbm>>)
          %dma_wait3A_474 = arith.constant 1 : i32
          %dma_wait3A_475 = arith.constant 16 : i32
          %dma_wait3A_476 = arith.constant 0 : i32
          %dma_wait3A_477 = tpu.memref_slice %arg12[%dma_wait3A_475, %dma_wait3A_476] : memref<128x128xf32, #tpu.memory_space<vmem>> -> memref<16x128xf32, #tpu.memory_space<vmem>>
          %dma_wait3A_478 = arith.constant 0 : i32
          %dma_wait3A_479 = tpu.memref_slice %arg13[%dma_wait3A_474, %dma_wait3A_478] : memref<8x16xi32, #tpu.memory_space<vmem>> -> memref<1x16xi32, #tpu.memory_space<vmem>>
          %dma_wait3A_480 = tpu.memref_squeeze %dma_wait3A_479 : memref<1x16xi32, #tpu.memory_space<vmem>> -> memref<16xi32, #tpu.memory_space<vmem>>
          %dma_wait3A_481 = arith.constant 0 : i32
          %dma_wait3A_482 = arith.constant 0 : i32
          %dma_wait3A_483 = tpu.memref_slice %arg5[%dma_wait3A_481, %dma_wait3A_482] : memref<16392x128xf32, #tpu.memory_space<hbm>> -> memref<16392x128xf32, #tpu.memory_space<hbm>>
          tpu.wait_indirect_dma semaphore(%arg14 : memref<!tpu.dma_semaphore, #tpu.memory_space<semaphore_mem>>) src(%dma_wait3A_477 : memref<16x128xf32, #tpu.memory_space<vmem>>) dst(%dma_wait3A_483 : memref<16392x128xf32, #tpu.memory_space<hbm>>)
          %dma_wait3A_484 = arith.constant 2 : i32
          %dma_wait3A_485 = arith.constant 32 : i32
          %dma_wait3A_486 = arith.constant 0 : i32
          %dma_wait3A_487 = tpu.memref_slice %arg12[%dma_wait3A_485, %dma_wait3A_486] : memref<128x128xf32, #tpu.memory_space<vmem>> -> memref<16x128xf32, #tpu.memory_space<vmem>>
          %dma_wait3A_488 = arith.constant 0 : i32
          %dma_wait3A_489 = tpu.memref_slice %arg13[%dma_wait3A_484, %dma_wait3A_488] : memref<8x16xi32, #tpu.memory_space<vmem>> -> memref<1x16xi32, #tpu.memory_space<vmem>>
          %dma_wait3A_490 = tpu.memref_squeeze %dma_wait3A_489 : memref<1x16xi32, #tpu.memory_space<vmem>> -> memref<16xi32, #tpu.memory_space<vmem>>
          %dma_wait3A_491 = arith.constant 0 : i32
          %dma_wait3A_492 = arith.constant 0 : i32
          %dma_wait3A_493 = tpu.memref_slice %arg5[%dma_wait3A_491, %dma_wait3A_492] : memref<16392x128xf32, #tpu.memory_space<hbm>> -> memref<16392x128xf32, #tpu.memory_space<hbm>>
          tpu.wait_indirect_dma semaphore(%arg14 : memref<!tpu.dma_semaphore, #tpu.memory_space<semaphore_mem>>) src(%dma_wait3A_487 : memref<16x128xf32, #tpu.memory_space<vmem>>) dst(%dma_wait3A_493 : memref<16392x128xf32, #tpu.memory_space<hbm>>)
          %dma_wait3A_494 = arith.constant 3 : i32
          %dma_wait3A_495 = arith.constant 48 : i32
          %dma_wait3A_496 = arith.constant 0 : i32
          %dma_wait3A_497 = tpu.memref_slice %arg12[%dma_wait3A_495, %dma_wait3A_496] : memref<128x128xf32, #tpu.memory_space<vmem>> -> memref<16x128xf32, #tpu.memory_space<vmem>>
          %dma_wait3A_498 = arith.constant 0 : i32
          %dma_wait3A_499 = tpu.memref_slice %arg13[%dma_wait3A_494, %dma_wait3A_498] : memref<8x16xi32, #tpu.memory_space<vmem>> -> memref<1x16xi32, #tpu.memory_space<vmem>>
          %dma_wait3A_500 = tpu.memref_squeeze %dma_wait3A_499 : memref<1x16xi32, #tpu.memory_space<vmem>> -> memref<16xi32, #tpu.memory_space<vmem>>
          %dma_wait3A_501 = arith.constant 0 : i32
          %dma_wait3A_502 = arith.constant 0 : i32
          %dma_wait3A_503 = tpu.memref_slice %arg5[%dma_wait3A_501, %dma_wait3A_502] : memref<16392x128xf32, #tpu.memory_space<hbm>> -> memref<16392x128xf32, #tpu.memory_space<hbm>>
          tpu.wait_indirect_dma semaphore(%arg14 : memref<!tpu.dma_semaphore, #tpu.memory_space<semaphore_mem>>) src(%dma_wait3A_497 : memref<16x128xf32, #tpu.memory_space<vmem>>) dst(%dma_wait3A_503 : memref<16392x128xf32, #tpu.memory_space<hbm>>)
          %dma_wait3A_504 = arith.constant 4 : i32
          %dma_wait3A_505 = arith.constant 64 : i32
          %dma_wait3A_506 = arith.constant 0 : i32
          %dma_wait3A_507 = tpu.memref_slice %arg12[%dma_wait3A_505, %dma_wait3A_506] : memref<128x128xf32, #tpu.memory_space<vmem>> -> memref<16x128xf32, #tpu.memory_space<vmem>>
          %dma_wait3A_508 = arith.constant 0 : i32
          %dma_wait3A_509 = tpu.memref_slice %arg13[%dma_wait3A_504, %dma_wait3A_508] : memref<8x16xi32, #tpu.memory_space<vmem>> -> memref<1x16xi32, #tpu.memory_space<vmem>>
          %dma_wait3A_510 = tpu.memref_squeeze %dma_wait3A_509 : memref<1x16xi32, #tpu.memory_space<vmem>> -> memref<16xi32, #tpu.memory_space<vmem>>
          %dma_wait3A_511 = arith.constant 0 : i32
          %dma_wait3A_512 = arith.constant 0 : i32
          %dma_wait3A_513 = tpu.memref_slice %arg5[%dma_wait3A_511, %dma_wait3A_512] : memref<16392x128xf32, #tpu.memory_space<hbm>> -> memref<16392x128xf32, #tpu.memory_space<hbm>>
          tpu.wait_indirect_dma semaphore(%arg14 : memref<!tpu.dma_semaphore, #tpu.memory_space<semaphore_mem>>) src(%dma_wait3A_507 : memref<16x128xf32, #tpu.memory_space<vmem>>) dst(%dma_wait3A_513 : memref<16392x128xf32, #tpu.memory_space<hbm>>)
          %dma_wait3A_514 = arith.constant 5 : i32
          %dma_wait3A_515 = arith.constant 80 : i32
          %dma_wait3A_516 = arith.constant 0 : i32
          %dma_wait3A_517 = tpu.memref_slice %arg12[%dma_wait3A_515, %dma_wait3A_516] : memref<128x128xf32, #tpu.memory_space<vmem>> -> memref<16x128xf32, #tpu.memory_space<vmem>>
          %dma_wait3A_518 = arith.constant 0 : i32
          %dma_wait3A_519 = tpu.memref_slice %arg13[%dma_wait3A_514, %dma_wait3A_518] : memref<8x16xi32, #tpu.memory_space<vmem>> -> memref<1x16xi32, #tpu.memory_space<vmem>>
          %dma_wait3A_520 = tpu.memref_squeeze %dma_wait3A_519 : memref<1x16xi32, #tpu.memory_space<vmem>> -> memref<16xi32, #tpu.memory_space<vmem>>
          %dma_wait3A_521 = arith.constant 0 : i32
          %dma_wait3A_522 = arith.constant 0 : i32
          %dma_wait3A_523 = tpu.memref_slice %arg5[%dma_wait3A_521, %dma_wait3A_522] : memref<16392x128xf32, #tpu.memory_space<hbm>> -> memref<16392x128xf32, #tpu.memory_space<hbm>>
          tpu.wait_indirect_dma semaphore(%arg14 : memref<!tpu.dma_semaphore, #tpu.memory_space<semaphore_mem>>) src(%dma_wait3A_517 : memref<16x128xf32, #tpu.memory_space<vmem>>) dst(%dma_wait3A_523 : memref<16392x128xf32, #tpu.memory_space<hbm>>)
          %dma_wait3A_524 = arith.constant 6 : i32
          %dma_wait3A_525 = arith.constant 96 : i32
          %dma_wait3A_526 = arith.constant 0 : i32
          %dma_wait3A_527 = tpu.memref_slice %arg12[%dma_wait3A_525, %dma_wait3A_526] : memref<128x128xf32, #tpu.memory_space<vmem>> -> memref<16x128xf32, #tpu.memory_space<vmem>>
          %dma_wait3A_528 = arith.constant 0 : i32
          %dma_wait3A_529 = tpu.memref_slice %arg13[%dma_wait3A_524, %dma_wait3A_528] : memref<8x16xi32, #tpu.memory_space<vmem>> -> memref<1x16xi32, #tpu.memory_space<vmem>>
          %dma_wait3A_530 = tpu.memref_squeeze %dma_wait3A_529 : memref<1x16xi32, #tpu.memory_space<vmem>> -> memref<16xi32, #tpu.memory_space<vmem>>
          %dma_wait3A_531 = arith.constant 0 : i32
          %dma_wait3A_532 = arith.constant 0 : i32
          %dma_wait3A_533 = tpu.memref_slice %arg5[%dma_wait3A_531, %dma_wait3A_532] : memref<16392x128xf32, #tpu.memory_space<hbm>> -> memref<16392x128xf32, #tpu.memory_space<hbm>>
          tpu.wait_indirect_dma semaphore(%arg14 : memref<!tpu.dma_semaphore, #tpu.memory_space<semaphore_mem>>) src(%dma_wait3A_527 : memref<16x128xf32, #tpu.memory_space<vmem>>) dst(%dma_wait3A_533 : memref<16392x128xf32, #tpu.memory_space<hbm>>)
          %dma_wait3A_534 = arith.constant 7 : i32
          %dma_wait3A_535 = arith.constant 112 : i32
          %dma_wait3A_536 = arith.constant 0 : i32
          %dma_wait3A_537 = tpu.memref_slice %arg12[%dma_wait3A_535, %dma_wait3A_536] : memref<128x128xf32, #tpu.memory_space<vmem>> -> memref<16x128xf32, #tpu.memory_space<vmem>>
          %dma_wait3A_538 = arith.constant 0 : i32
          %dma_wait3A_539 = tpu.memref_slice %arg13[%dma_wait3A_534, %dma_wait3A_538] : memref<8x16xi32, #tpu.memory_space<vmem>> -> memref<1x16xi32, #tpu.memory_space<vmem>>
          %dma_wait3A_540 = tpu.memref_squeeze %dma_wait3A_539 : memref<1x16xi32, #tpu.memory_space<vmem>> -> memref<16xi32, #tpu.memory_space<vmem>>
          %dma_wait3A_541 = arith.constant 0 : i32
          %dma_wait3A_542 = arith.constant 0 : i32
          %dma_wait3A_543 = tpu.memref_slice %arg5[%dma_wait3A_541, %dma_wait3A_542] : memref<16392x128xf32, #tpu.memory_space<hbm>> -> memref<16392x128xf32, #tpu.memory_space<hbm>>
          tpu.wait_indirect_dma semaphore(%arg14 : memref<!tpu.dma_semaphore, #tpu.memory_space<semaphore_mem>>) src(%dma_wait3A_537 : memref<16x128xf32, #tpu.memory_space<vmem>>) dst(%dma_wait3A_543 : memref<16392x128xf32, #tpu.memory_space<hbm>>)
          %swap3A_544 = arith.constant 0 : i32
          %swap3A_545 = arith.index_cast %swap3A_544 : i32 to index
          %swap3A_546 = arith.constant 0 : index
          %swap3A_547 = tpu.vector_load %arg13[%swap3A_545, %swap3A_546] {strides = array<i32>} : memref<8x16xi32, #tpu.memory_space<vmem>>, vector<16xi32>,
          tpu.vector_store %arg13[%swap3A_545, %swap3A_546], %broadcast_in_dim3A_3 {strides = array<i32>} : memref<8x16xi32, #tpu.memory_space<vmem>>, vector<16xi32>,
          %swap3A_548 = arith.constant 1 : i32
          %swap3A_549 = arith.index_cast %swap3A_548 : i32 to index
          %swap3A_550 = arith.constant 0 : index
          %swap3A_551 = tpu.vector_load %arg13[%swap3A_549, %swap3A_550] {strides = array<i32>} : memref<8x16xi32, #tpu.memory_space<vmem>>, vector<16xi32>,
          tpu.vector_store %arg13[%swap3A_549, %swap3A_550], %broadcast_in_dim3A_3 {strides = array<i32>} : memref<8x16xi32, #tpu.memory_space<vmem>>, vector<16xi32>,
          %swap3A_552 = arith.constant 2 : i32
          %swap3A_553 = arith.index_cast %swap3A_552 : i32 to index
          %swap3A_554 = arith.constant 0 : index
          %swap3A_555 = tpu.vector_load %arg13[%swap3A_553, %swap3A_554] {strides = array<i32>} : memref<8x16xi32, #tpu.memory_space<vmem>>, vector<16xi32>,
          tpu.vector_store %arg13[%swap3A_553, %swap3A_554], %broadcast_in_dim3A_3 {strides = array<i32>} : memref<8x16xi32, #tpu.memory_space<vmem>>, vector<16xi32>,
          %swap3A_556 = arith.constant 3 : i32
          %swap3A_557 = arith.index_cast %swap3A_556 : i32 to index
          %swap3A_558 = arith.constant 0 : index
          %swap3A_559 = tpu.vector_load %arg13[%swap3A_557, %swap3A_558] {strides = array<i32>} : memref<8x16xi32, #tpu.memory_space<vmem>>, vector<16xi32>,
          tpu.vector_store %arg13[%swap3A_557, %swap3A_558], %broadcast_in_dim3A_3 {strides = array<i32>} : memref<8x16xi32, #tpu.memory_space<vmem>>, vector<16xi32>,
          %swap3A_560 = arith.constant 4 : i32
          %swap3A_561 = arith.index_cast %swap3A_560 : i32 to index
          %swap3A_562 = arith.constant 0 : index
          %swap3A_563 = tpu.vector_load %arg13[%swap3A_561, %swap3A_562] {strides = array<i32>} : memref<8x16xi32, #tpu.memory_space<vmem>>, vector<16xi32>,
          tpu.vector_store %arg13[%swap3A_561, %swap3A_562], %broadcast_in_dim3A_3 {strides = array<i32>} : memref<8x16xi32, #tpu.memory_space<vmem>>, vector<16xi32>,
          %swap3A_564 = arith.constant 5 : i32
          %swap3A_565 = arith.index_cast %swap3A_564 : i32 to index
          %swap3A_566 = arith.constant 0 : index
          %swap3A_567 = tpu.vector_load %arg13[%swap3A_565, %swap3A_566] {strides = array<i32>} : memref<8x16xi32, #tpu.memory_space<vmem>>, vector<16xi32>,
          tpu.vector_store %arg13[%swap3A_565, %swap3A_566], %broadcast_in_dim3A_3 {strides = array<i32>} : memref<8x16xi32, #tpu.memory_space<vmem>>, vector<16xi32>,
          %swap3A_568 = arith.constant 6 : i32
          %swap3A_569 = arith.index_cast %swap3A_568 : i32 to index
          %swap3A_570 = arith.constant 0 : index
          %swap3A_571 = tpu.vector_load %arg13[%swap3A_569, %swap3A_570] {strides = array<i32>} : memref<8x16xi32, #tpu.memory_space<vmem>>, vector<16xi32>,
          tpu.vector_store %arg13[%swap3A_569, %swap3A_570], %broadcast_in_dim3A_3 {strides = array<i32>} : memref<8x16xi32, #tpu.memory_space<vmem>>, vector<16xi32>,
          %swap3A_572 = arith.constant 7 : i32
          %swap3A_573 = arith.index_cast %swap3A_572 : i32 to index
          %swap3A_574 = arith.constant 0 : index
          %swap3A_575 = tpu.vector_load %arg13[%swap3A_573, %swap3A_574] {strides = array<i32>} : memref<8x16xi32, #tpu.memory_space<vmem>>, vector<16xi32>,
          tpu.vector_store %arg13[%swap3A_573, %swap3A_574], %broadcast_in_dim3A_3 {strides = array<i32>} : memref<8x16xi32, #tpu.memory_space<vmem>>, vector<16xi32>,
        } else {
        }
        %jit3A = arith.constant 0 : i32
        %select_n3A = arith.select %gt3A_354, %jit3A, %while3A_348 : i32
        %mul3A_358 = arith.constant 16 : i32
        %mul3A_359 = arith.muli %add3A_350, %mul3A_358 : i32
        %sub3A_360 = arith.subi %while3A_321, %mul3A_359 : i32
        %min3A_361 = arith.constant 16 : i32
        %min3A_362 = arith.minsi %min3A_361, %sub3A_360 : i32
        %sub3A_363 = arith.constant 0 : i32
        %sub3A_364 = arith.subi %min3A_362, %sub3A_363 : i32
        %sub3A_365 = arith.constant 1 : i32
        %sub3A_366 = arith.constant 1 : i32
        %sub3A_367 = arith.subi %sub3A_365, %sub3A_366 : i32
        %add3A_368 = arith.addi %sub3A_364, %sub3A_367 : i32
        %div3A_369 = arith.constant 1 : i32
        %div3A_370 = arith.divsi %add3A_368, %div3A_369 : i32
        %while3A_371 = arith.constant 1 : i32
        %while3A_372 = arith.constant 0 : i32
        %while3A_373 = arith.constant 0 : i32
        %while3A_374 = arith.subi %div3A_370, %while3A_373 : i32
        %while3A_375 = arith.addi %while3A_373, %while3A_374 : i32
        %while3A_376 = arith.constant 1 : i32
        %while3A_377 = arith.divsi %while3A_374, %while3A_376 : i32
        %while3A_378 = arith.muli %while3A_377, %while3A_376 : i32
        %while3A_379 = arith.addi %while3A_373, %while3A_378 : i32
        %while3A_380 = arith.constant 1 : i32
        %while3A_381 = scf.for %while3A_384 = %while3A_373 to %while3A_379 step %while3A_380 iter_args(%while3A_385 = %select_n3A) -> (i32)  : i32 {
          %mul3A_386 = arith.muli %while3A_384, %while3A_371 : i32
          %add3A_387 = arith.addi %while3A_372, %mul3A_386 : i32
          %eq3A_388 = vector.broadcast %add3A_387 : i32 to vector<16xi32>
          %eq3A_389 = arith.cmpi eq, %iota3A, %eq3A_388 : vector<16xi32>
          %jit3A_390 = arith.constant 0 : i32
          %broadcast_in_dim3A_391 = vector.broadcast %jit3A_390 : i32 to vector<16xi32>
          %select_n3A_392 = arith.select %eq3A_389, %get3A_353, %broadcast_in_dim3A_391 : vector<16xi1>, vector<16xi32>
          %reduce_sum3A = arith.constant true
          %reduce_sum3A_393 = vector.broadcast %reduce_sum3A : i1 to vector<16xi1>
          %reduce_sum3A_394 = tpu.scan <sum>, %select_n3A_392 masked %reduce_sum3A_393 : vector<16xi32>, vector<16xi1> -> vector<16xi32>
          %reduce_sum3A_395 = vector.extract %reduce_sum3A_394[15] : i32 from vector<16xi32>
          %and3A = arith.constant 511 : i32
          %and3A_396 = arith.andi %reduce_sum3A_395, %and3A : i32
          %shift_right_arithmetic3A_397 = arith.constant 15 : i32
          %shift_right_arithmetic3A_398 = arith.shrsi %reduce_sum3A_395, %shift_right_arithmetic3A_397 : i32
          %broadcast_in_dim3A_399 = vector.broadcast %and3A_396 : i32 to vector<16xi32>
          %add3A_400 = arith.constant 0 : i32
          %add3A_401 = vector.broadcast %add3A_400 : i32 to vector<16xi32>
          %add3A_402 = arith.addi %iota3A, %add3A_401 : vector<16xi32>
          %gather3A = tpu.vector_load_idx %arg11[%add3A_402, %broadcast_in_dim3A_399] : memref<64x64xf32, #tpu.memory_space<vmem>>[vector<16xi32>, vector<16xi32>], vector<16xf32>,
          %swap3A_403 = arith.index_cast %while3A_385 : i32 to index
          %swap3A_404 = arith.constant 0 : index
          %swap3A_405 = tpu.vector_load %arg12[%swap3A_403, %swap3A_404] {strides = array<i32>} : memref<128x128xf32, #tpu.memory_space<vmem>>, vector<16xf32>,
          tpu.vector_store %arg12[%swap3A_403, %swap3A_404], %gather3A {strides = array<i32>} : memref<128x128xf32, #tpu.memory_space<vmem>>, vector<16xf32>,
          %add3A_406 = arith.constant 16 : i32
          %add3A_407 = vector.broadcast %add3A_406 : i32 to vector<16xi32>
          %add3A_408 = arith.addi %iota3A, %add3A_407 : vector<16xi32>
          %gather3A_409 = tpu.vector_load_idx %arg11[%add3A_408, %broadcast_in_dim3A_399] : memref<64x64xf32, #tpu.memory_space<vmem>>[vector<16xi32>, vector<16xi32>], vector<16xf32>,
          %swap3A_410 = arith.index_cast %while3A_385 : i32 to index
          %swap3A_411 = arith.constant 16 : index
          %swap3A_412 = tpu.vector_load %arg12[%swap3A_410, %swap3A_411] {strides = array<i32>} : memref<128x128xf32, #tpu.memory_space<vmem>>, vector<16xf32>,
          tpu.vector_store %arg12[%swap3A_410, %swap3A_411], %gather3A_409 {strides = array<i32>} : memref<128x128xf32, #tpu.memory_space<vmem>>, vector<16xf32>,
          %add3A_413 = arith.constant 32 : i32
          %add3A_414 = vector.broadcast %add3A_413 : i32 to vector<16xi32>
          %add3A_415 = arith.addi %iota3A, %add3A_414 : vector<16xi32>
          %gather3A_416 = tpu.vector_load_idx %arg11[%add3A_415, %broadcast_in_dim3A_399] : memref<64x64xf32, #tpu.memory_space<vmem>>[vector<16xi32>, vector<16xi32>], vector<16xf32>,
          %swap3A_417 = arith.index_cast %while3A_385 : i32 to index
          %swap3A_418 = arith.constant 32 : index
          %swap3A_419 = tpu.vector_load %arg12[%swap3A_417, %swap3A_418] {strides = array<i32>} : memref<128x128xf32, #tpu.memory_space<vmem>>, vector<16xf32>,
          tpu.vector_store %arg12[%swap3A_417, %swap3A_418], %gather3A_416 {strides = array<i32>} : memref<128x128xf32, #tpu.memory_space<vmem>>, vector<16xf32>,
          %add3A_420 = arith.constant 48 : i32
          %add3A_421 = vector.broadcast %add3A_420 : i32 to vector<16xi32>
          %add3A_422 = arith.addi %iota3A, %add3A_421 : vector<16xi32>
          %gather3A_423 = tpu.vector_load_idx %arg11[%add3A_422, %broadcast_in_dim3A_399] : memref<64x64xf32, #tpu.memory_space<vmem>>[vector<16xi32>, vector<16xi32>], vector<16xf32>,
          %swap3A_424 = arith.index_cast %while3A_385 : i32 to index
          %swap3A_425 = arith.constant 48 : index
          %swap3A_426 = tpu.vector_load %arg12[%swap3A_424, %swap3A_425] {strides = array<i32>} : memref<128x128xf32, #tpu.memory_space<vmem>>, vector<16xf32>,
          tpu.vector_store %arg12[%swap3A_424, %swap3A_425], %gather3A_423 {strides = array<i32>} : memref<128x128xf32, #tpu.memory_space<vmem>>, vector<16xf32>,
          %shift_right_arithmetic3A_427 = arith.constant 4 : i32
          %shift_right_arithmetic3A_428 = arith.shrsi %while3A_385, %shift_right_arithmetic3A_427 : i32
          %get3A_429 = arith.index_cast %shift_right_arithmetic3A_428 : i32 to index
          %get3A_430 = arith.constant 0 : index
          %get3A_431 = tpu.vector_load %arg13[%get3A_429, %get3A_430] {strides = array<i32>} : memref<8x16xi32, #tpu.memory_space<vmem>>, vector<16xi32>,
          %and3A_432 = arith.constant 15 : i32
          %and3A_433 = arith.andi %while3A_385, %and3A_432 : i32
          %eq3A_434 = vector.broadcast %and3A_433 : i32 to vector<16xi32>
          %eq3A_435 = arith.cmpi eq, %iota3A, %eq3A_434 : vector<16xi32>
          %broadcast_in_dim3A_436 = vector.broadcast %shift_right_arithmetic3A_398 : i32 to vector<16xi32>
          %select_n3A_437 = arith.select %eq3A_435, %broadcast_in_dim3A_436, %get3A_431 : vector<16xi1>, vector<16xi32>
          %swap3A_438 = arith.index_cast %shift_right_arithmetic3A_428 : i32 to index
          %swap3A_439 = arith.constant 0 : index
          %swap3A_440 = tpu.vector_load %arg13[%swap3A_438, %swap3A_439] {strides = array<i32>} : memref<8x16xi32, #tpu.memory_space<vmem>>, vector<16xi32>,
          tpu.vector_store %arg13[%swap3A_438, %swap3A_439], %select_n3A_437 {strides = array<i32>} : memref<8x16xi32, #tpu.memory_space<vmem>>, vector<16xi32>,
          %add3A_441 = arith.constant 1 : i32
          %add3A_442 = arith.addi %while3A_385, %add3A_441 : i32
          scf.yield %add3A_442 : i32
        }
        %while3A_382 = arith.constant 1 : i32
        %while3A_383 = scf.for %while3A_384 = %while3A_379 to %while3A_375 step %while3A_382 iter_args(%while3A_385 = %while3A_381) -> (i32)  : i32 {
          %mul3A_386 = arith.muli %while3A_384, %while3A_371 : i32
          %add3A_387 = arith.addi %while3A_372, %mul3A_386 : i32
          %eq3A_388 = vector.broadcast %add3A_387 : i32 to vector<16xi32>
          %eq3A_389 = arith.cmpi eq, %iota3A, %eq3A_388 : vector<16xi32>
          %jit3A_390 = arith.constant 0 : i32
          %broadcast_in_dim3A_391 = vector.broadcast %jit3A_390 : i32 to vector<16xi32>
          %select_n3A_392 = arith.select %eq3A_389, %get3A_353, %broadcast_in_dim3A_391 : vector<16xi1>, vector<16xi32>
          %reduce_sum3A = arith.constant true
          %reduce_sum3A_393 = vector.broadcast %reduce_sum3A : i1 to vector<16xi1>
          %reduce_sum3A_394 = tpu.scan <sum>, %select_n3A_392 masked %reduce_sum3A_393 : vector<16xi32>, vector<16xi1> -> vector<16xi32>
          %reduce_sum3A_395 = vector.extract %reduce_sum3A_394[15] : i32 from vector<16xi32>
          %and3A = arith.constant 511 : i32
          %and3A_396 = arith.andi %reduce_sum3A_395, %and3A : i32
          %shift_right_arithmetic3A_397 = arith.constant 15 : i32
          %shift_right_arithmetic3A_398 = arith.shrsi %reduce_sum3A_395, %shift_right_arithmetic3A_397 : i32
          %broadcast_in_dim3A_399 = vector.broadcast %and3A_396 : i32 to vector<16xi32>
          %add3A_400 = arith.constant 0 : i32
          %add3A_401 = vector.broadcast %add3A_400 : i32 to vector<16xi32>
          %add3A_402 = arith.addi %iota3A, %add3A_401 : vector<16xi32>
          %gather3A = tpu.vector_load_idx %arg11[%add3A_402, %broadcast_in_dim3A_399] : memref<64x64xf32, #tpu.memory_space<vmem>>[vector<16xi32>, vector<16xi32>], vector<16xf32>,
          %swap3A_403 = arith.index_cast %while3A_385 : i32 to index
          %swap3A_404 = arith.constant 0 : index
          %swap3A_405 = tpu.vector_load %arg12[%swap3A_403, %swap3A_404] {strides = array<i32>} : memref<128x128xf32, #tpu.memory_space<vmem>>, vector<16xf32>,
          tpu.vector_store %arg12[%swap3A_403, %swap3A_404], %gather3A {strides = array<i32>} : memref<128x128xf32, #tpu.memory_space<vmem>>, vector<16xf32>,
          %add3A_406 = arith.constant 16 : i32
          %add3A_407 = vector.broadcast %add3A_406 : i32 to vector<16xi32>
          %add3A_408 = arith.addi %iota3A, %add3A_407 : vector<16xi32>
          %gather3A_409 = tpu.vector_load_idx %arg11[%add3A_408, %broadcast_in_dim3A_399] : memref<64x64xf32, #tpu.memory_space<vmem>>[vector<16xi32>, vector<16xi32>], vector<16xf32>,
          %swap3A_410 = arith.index_cast %while3A_385 : i32 to index
          %swap3A_411 = arith.constant 16 : index
          %swap3A_412 = tpu.vector_load %arg12[%swap3A_410, %swap3A_411] {strides = array<i32>} : memref<128x128xf32, #tpu.memory_space<vmem>>, vector<16xf32>,
          tpu.vector_store %arg12[%swap3A_410, %swap3A_411], %gather3A_409 {strides = array<i32>} : memref<128x128xf32, #tpu.memory_space<vmem>>, vector<16xf32>,
          %add3A_413 = arith.constant 32 : i32
          %add3A_414 = vector.broadcast %add3A_413 : i32 to vector<16xi32>
          %add3A_415 = arith.addi %iota3A, %add3A_414 : vector<16xi32>
          %gather3A_416 = tpu.vector_load_idx %arg11[%add3A_415, %broadcast_in_dim3A_399] : memref<64x64xf32, #tpu.memory_space<vmem>>[vector<16xi32>, vector<16xi32>], vector<16xf32>,
          %swap3A_417 = arith.index_cast %while3A_385 : i32 to index
          %swap3A_418 = arith.constant 32 : index
          %swap3A_419 = tpu.vector_load %arg12[%swap3A_417, %swap3A_418] {strides = array<i32>} : memref<128x128xf32, #tpu.memory_space<vmem>>, vector<16xf32>,
          tpu.vector_store %arg12[%swap3A_417, %swap3A_418], %gather3A_416 {strides = array<i32>} : memref<128x128xf32, #tpu.memory_space<vmem>>, vector<16xf32>,
          %add3A_420 = arith.constant 48 : i32
          %add3A_421 = vector.broadcast %add3A_420 : i32 to vector<16xi32>
          %add3A_422 = arith.addi %iota3A, %add3A_421 : vector<16xi32>
          %gather3A_423 = tpu.vector_load_idx %arg11[%add3A_422, %broadcast_in_dim3A_399] : memref<64x64xf32, #tpu.memory_space<vmem>>[vector<16xi32>, vector<16xi32>], vector<16xf32>,
          %swap3A_424 = arith.index_cast %while3A_385 : i32 to index
          %swap3A_425 = arith.constant 48 : index
          %swap3A_426 = tpu.vector_load %arg12[%swap3A_424, %swap3A_425] {strides = array<i32>} : memref<128x128xf32, #tpu.memory_space<vmem>>, vector<16xf32>,
          tpu.vector_store %arg12[%swap3A_424, %swap3A_425], %gather3A_423 {strides = array<i32>} : memref<128x128xf32, #tpu.memory_space<vmem>>, vector<16xf32>,
          %shift_right_arithmetic3A_427 = arith.constant 4 : i32
          %shift_right_arithmetic3A_428 = arith.shrsi %while3A_385, %shift_right_arithmetic3A_427 : i32
          %get3A_429 = arith.index_cast %shift_right_arithmetic3A_428 : i32 to index
          %get3A_430 = arith.constant 0 : index
          %get3A_431 = tpu.vector_load %arg13[%get3A_429, %get3A_430] {strides = array<i32>} : memref<8x16xi32, #tpu.memory_space<vmem>>, vector<16xi32>,
          %and3A_432 = arith.constant 15 : i32
          %and3A_433 = arith.andi %while3A_385, %and3A_432 : i32
          %eq3A_434 = vector.broadcast %and3A_433 : i32 to vector<16xi32>
          %eq3A_435 = arith.cmpi eq, %iota3A, %eq3A_434 : vector<16xi32>
          %broadcast_in_dim3A_436 = vector.broadcast %shift_right_arithmetic3A_398 : i32 to vector<16xi32>
          %select_n3A_437 = arith.select %eq3A_435, %broadcast_in_dim3A_436, %get3A_431 : vector<16xi1>, vector<16xi32>
          %swap3A_438 = arith.index_cast %shift_right_arithmetic3A_428 : i32 to index
          %swap3A_439 = arith.constant 0 : index
          %swap3A_440 = tpu.vector_load %arg13[%swap3A_438, %swap3A_439] {strides = array<i32>} : memref<8x16xi32, #tpu.memory_space<vmem>>, vector<16xi32>,
          tpu.vector_store %arg13[%swap3A_438, %swap3A_439], %select_n3A_437 {strides = array<i32>} : memref<8x16xi32, #tpu.memory_space<vmem>>, vector<16xi32>,
          %add3A_441 = arith.constant 1 : i32
          %add3A_442 = arith.addi %while3A_385, %add3A_441 : i32
          scf.yield %add3A_442 : i32
        }
        scf.yield %while3A_383 : i32
      }
      scf.yield %while3A_346 : i32
    } else {
      scf.yield %scan3A_94 : i32
    }
    %dma_start3A_110 = arith.constant 0 : i32
    %dma_start3A_111 = arith.constant 0 : i32
    %dma_start3A_112 = arith.constant 0 : i32
    %dma_start3A_113 = tpu.memref_slice %arg12[%dma_start3A_111, %dma_start3A_112] : memref<128x128xf32, #tpu.memory_space<vmem>> -> memref<16x128xf32, #tpu.memory_space<vmem>>
    %dma_start3A_114 = arith.constant 0 : i32
    %dma_start3A_115 = tpu.memref_slice %arg13[%dma_start3A_110, %dma_start3A_114] : memref<8x16xi32, #tpu.memory_space<vmem>> -> memref<1x16xi32, #tpu.memory_space<vmem>>
    %dma_start3A_116 = tpu.memref_squeeze %dma_start3A_115 : memref<1x16xi32, #tpu.memory_space<vmem>> -> memref<16xi32, #tpu.memory_space<vmem>>
    %dma_start3A_117 = arith.constant 0 : i32
    %dma_start3A_118 = arith.constant 0 : i32
    %dma_start3A_119 = tpu.memref_slice %arg5[%dma_start3A_117, %dma_start3A_118] : memref<16392x128xf32, #tpu.memory_space<hbm>> -> memref<16392x128xf32, #tpu.memory_space<hbm>>
    tpu.enqueue_indirect_dma source(%dma_start3A_113 : memref<16x128xf32, #tpu.memory_space<vmem>>) target(%dma_start3A_119 : memref<16392x128xf32, #tpu.memory_space<hbm>>) offsets(%dma_start3A_116 : memref<16xi32, #tpu.memory_space<vmem>>) semaphore(%arg14 : memref<!tpu.dma_semaphore, #tpu.memory_space<semaphore_mem>>)
    %dma_start3A_120 = arith.constant 1 : i32
    %dma_start3A_121 = arith.constant 16 : i32
    %dma_start3A_122 = arith.constant 0 : i32
    %dma_start3A_123 = tpu.memref_slice %arg12[%dma_start3A_121, %dma_start3A_122] : memref<128x128xf32, #tpu.memory_space<vmem>> -> memref<16x128xf32, #tpu.memory_space<vmem>>
    %dma_start3A_124 = arith.constant 0 : i32
    %dma_start3A_125 = tpu.memref_slice %arg13[%dma_start3A_120, %dma_start3A_124] : memref<8x16xi32, #tpu.memory_space<vmem>> -> memref<1x16xi32, #tpu.memory_space<vmem>>
    %dma_start3A_126 = tpu.memref_squeeze %dma_start3A_125 : memref<1x16xi32, #tpu.memory_space<vmem>> -> memref<16xi32, #tpu.memory_space<vmem>>
    %dma_start3A_127 = arith.constant 0 : i32
    %dma_start3A_128 = arith.constant 0 : i32
    %dma_start3A_129 = tpu.memref_slice %arg5[%dma_start3A_127, %dma_start3A_128] : memref<16392x128xf32, #tpu.memory_space<hbm>> -> memref<16392x128xf32, #tpu.memory_space<hbm>>
    tpu.enqueue_indirect_dma source(%dma_start3A_123 : memref<16x128xf32, #tpu.memory_space<vmem>>) target(%dma_start3A_129 : memref<16392x128xf32, #tpu.memory_space<hbm>>) offsets(%dma_start3A_126 : memref<16xi32, #tpu.memory_space<vmem>>) semaphore(%arg14 : memref<!tpu.dma_semaphore, #tpu.memory_space<semaphore_mem>>)
    %dma_start3A_130 = arith.constant 2 : i32
    %dma_start3A_131 = arith.constant 32 : i32
    %dma_start3A_132 = arith.constant 0 : i32
    %dma_start3A_133 = tpu.memref_slice %arg12[%dma_start3A_131, %dma_start3A_132] : memref<128x128xf32, #tpu.memory_space<vmem>> -> memref<16x128xf32, #tpu.memory_space<vmem>>
    %dma_start3A_134 = arith.constant 0 : i32
    %dma_start3A_135 = tpu.memref_slice %arg13[%dma_start3A_130, %dma_start3A_134] : memref<8x16xi32, #tpu.memory_space<vmem>> -> memref<1x16xi32, #tpu.memory_space<vmem>>
    %dma_start3A_136 = tpu.memref_squeeze %dma_start3A_135 : memref<1x16xi32, #tpu.memory_space<vmem>> -> memref<16xi32, #tpu.memory_space<vmem>>
    %dma_start3A_137 = arith.constant 0 : i32
    %dma_start3A_138 = arith.constant 0 : i32
    %dma_start3A_139 = tpu.memref_slice %arg5[%dma_start3A_137, %dma_start3A_138] : memref<16392x128xf32, #tpu.memory_space<hbm>> -> memref<16392x128xf32, #tpu.memory_space<hbm>>
    tpu.enqueue_indirect_dma source(%dma_start3A_133 : memref<16x128xf32, #tpu.memory_space<vmem>>) target(%dma_start3A_139 : memref<16392x128xf32, #tpu.memory_space<hbm>>) offsets(%dma_start3A_136 : memref<16xi32, #tpu.memory_space<vmem>>) semaphore(%arg14 : memref<!tpu.dma_semaphore, #tpu.memory_space<semaphore_mem>>)
    %dma_start3A_140 = arith.constant 3 : i32
    %dma_start3A_141 = arith.constant 48 : i32
    %dma_start3A_142 = arith.constant 0 : i32
    %dma_start3A_143 = tpu.memref_slice %arg12[%dma_start3A_141, %dma_start3A_142] : memref<128x128xf32, #tpu.memory_space<vmem>> -> memref<16x128xf32, #tpu.memory_space<vmem>>
    %dma_start3A_144 = arith.constant 0 : i32
    %dma_start3A_145 = tpu.memref_slice %arg13[%dma_start3A_140, %dma_start3A_144] : memref<8x16xi32, #tpu.memory_space<vmem>> -> memref<1x16xi32, #tpu.memory_space<vmem>>
    %dma_start3A_146 = tpu.memref_squeeze %dma_start3A_145 : memref<1x16xi32, #tpu.memory_space<vmem>> -> memref<16xi32, #tpu.memory_space<vmem>>
    %dma_start3A_147 = arith.constant 0 : i32
    %dma_start3A_148 = arith.constant 0 : i32
    %dma_start3A_149 = tpu.memref_slice %arg5[%dma_start3A_147, %dma_start3A_148] : memref<16392x128xf32, #tpu.memory_space<hbm>> -> memref<16392x128xf32, #tpu.memory_space<hbm>>
    tpu.enqueue_indirect_dma source(%dma_start3A_143 : memref<16x128xf32, #tpu.memory_space<vmem>>) target(%dma_start3A_149 : memref<16392x128xf32, #tpu.memory_space<hbm>>) offsets(%dma_start3A_146 : memref<16xi32, #tpu.memory_space<vmem>>) semaphore(%arg14 : memref<!tpu.dma_semaphore, #tpu.memory_space<semaphore_mem>>)
    %dma_start3A_150 = arith.constant 4 : i32
    %dma_start3A_151 = arith.constant 64 : i32
    %dma_start3A_152 = arith.constant 0 : i32
    %dma_start3A_153 = tpu.memref_slice %arg12[%dma_start3A_151, %dma_start3A_152] : memref<128x128xf32, #tpu.memory_space<vmem>> -> memref<16x128xf32, #tpu.memory_space<vmem>>
    %dma_start3A_154 = arith.constant 0 : i32
    %dma_start3A_155 = tpu.memref_slice %arg13[%dma_start3A_150, %dma_start3A_154] : memref<8x16xi32, #tpu.memory_space<vmem>> -> memref<1x16xi32, #tpu.memory_space<vmem>>
    %dma_start3A_156 = tpu.memref_squeeze %dma_start3A_155 : memref<1x16xi32, #tpu.memory_space<vmem>> -> memref<16xi32, #tpu.memory_space<vmem>>
    %dma_start3A_157 = arith.constant 0 : i32
    %dma_start3A_158 = arith.constant 0 : i32
    %dma_start3A_159 = tpu.memref_slice %arg5[%dma_start3A_157, %dma_start3A_158] : memref<16392x128xf32, #tpu.memory_space<hbm>> -> memref<16392x128xf32, #tpu.memory_space<hbm>>
    tpu.enqueue_indirect_dma source(%dma_start3A_153 : memref<16x128xf32, #tpu.memory_space<vmem>>) target(%dma_start3A_159 : memref<16392x128xf32, #tpu.memory_space<hbm>>) offsets(%dma_start3A_156 : memref<16xi32, #tpu.memory_space<vmem>>) semaphore(%arg14 : memref<!tpu.dma_semaphore, #tpu.memory_space<semaphore_mem>>)
    %dma_start3A_160 = arith.constant 5 : i32
    %dma_start3A_161 = arith.constant 80 : i32
    %dma_start3A_162 = arith.constant 0 : i32
    %dma_start3A_163 = tpu.memref_slice %arg12[%dma_start3A_161, %dma_start3A_162] : memref<128x128xf32, #tpu.memory_space<vmem>> -> memref<16x128xf32, #tpu.memory_space<vmem>>
    %dma_start3A_164 = arith.constant 0 : i32
    %dma_start3A_165 = tpu.memref_slice %arg13[%dma_start3A_160, %dma_start3A_164] : memref<8x16xi32, #tpu.memory_space<vmem>> -> memref<1x16xi32, #tpu.memory_space<vmem>>
    %dma_start3A_166 = tpu.memref_squeeze %dma_start3A_165 : memref<1x16xi32, #tpu.memory_space<vmem>> -> memref<16xi32, #tpu.memory_space<vmem>>
    %dma_start3A_167 = arith.constant 0 : i32
    %dma_start3A_168 = arith.constant 0 : i32
    %dma_start3A_169 = tpu.memref_slice %arg5[%dma_start3A_167, %dma_start3A_168] : memref<16392x128xf32, #tpu.memory_space<hbm>> -> memref<16392x128xf32, #tpu.memory_space<hbm>>
    tpu.enqueue_indirect_dma source(%dma_start3A_163 : memref<16x128xf32, #tpu.memory_space<vmem>>) target(%dma_start3A_169 : memref<16392x128xf32, #tpu.memory_space<hbm>>) offsets(%dma_start3A_166 : memref<16xi32, #tpu.memory_space<vmem>>) semaphore(%arg14 : memref<!tpu.dma_semaphore, #tpu.memory_space<semaphore_mem>>)
    %dma_start3A_170 = arith.constant 6 : i32
    %dma_start3A_171 = arith.constant 96 : i32
    %dma_start3A_172 = arith.constant 0 : i32
    %dma_start3A_173 = tpu.memref_slice %arg12[%dma_start3A_171, %dma_start3A_172] : memref<128x128xf32, #tpu.memory_space<vmem>> -> memref<16x128xf32, #tpu.memory_space<vmem>>
    %dma_start3A_174 = arith.constant 0 : i32
    %dma_start3A_175 = tpu.memref_slice %arg13[%dma_start3A_170, %dma_start3A_174] : memref<8x16xi32, #tpu.memory_space<vmem>> -> memref<1x16xi32, #tpu.memory_space<vmem>>
    %dma_start3A_176 = tpu.memref_squeeze %dma_start3A_175 : memref<1x16xi32, #tpu.memory_space<vmem>> -> memref<16xi32, #tpu.memory_space<vmem>>
    %dma_start3A_177 = arith.constant 0 : i32
    %dma_start3A_178 = arith.constant 0 : i32
    %dma_start3A_179 = tpu.memref_slice %arg5[%dma_start3A_177, %dma_start3A_178] : memref<16392x128xf32, #tpu.memory_space<hbm>> -> memref<16392x128xf32, #tpu.memory_space<hbm>>
    tpu.enqueue_indirect_dma source(%dma_start3A_173 : memref<16x128xf32, #tpu.memory_space<vmem>>) target(%dma_start3A_179 : memref<16392x128xf32, #tpu.memory_space<hbm>>) offsets(%dma_start3A_176 : memref<16xi32, #tpu.memory_space<vmem>>) semaphore(%arg14 : memref<!tpu.dma_semaphore, #tpu.memory_space<semaphore_mem>>)
    %dma_start3A_180 = arith.constant 7 : i32
    %dma_start3A_181 = arith.constant 112 : i32
    %dma_start3A_182 = arith.constant 0 : i32
    %dma_start3A_183 = tpu.memref_slice %arg12[%dma_start3A_181, %dma_start3A_182] : memref<128x128xf32, #tpu.memory_space<vmem>> -> memref<16x128xf32, #tpu.memory_space<vmem>>
    %dma_start3A_184 = arith.constant 0 : i32
    %dma_start3A_185 = tpu.memref_slice %arg13[%dma_start3A_180, %dma_start3A_184] : memref<8x16xi32, #tpu.memory_space<vmem>> -> memref<1x16xi32, #tpu.memory_space<vmem>>
    %dma_start3A_186 = tpu.memref_squeeze %dma_start3A_185 : memref<1x16xi32, #tpu.memory_space<vmem>> -> memref<16xi32, #tpu.memory_space<vmem>>
    %dma_start3A_187 = arith.constant 0 : i32
    %dma_start3A_188 = arith.constant 0 : i32
    %dma_start3A_189 = tpu.memref_slice %arg5[%dma_start3A_187, %dma_start3A_188] : memref<16392x128xf32, #tpu.memory_space<hbm>> -> memref<16392x128xf32, #tpu.memory_space<hbm>>
    tpu.enqueue_indirect_dma source(%dma_start3A_183 : memref<16x128xf32, #tpu.memory_space<vmem>>) target(%dma_start3A_189 : memref<16392x128xf32, #tpu.memory_space<hbm>>) offsets(%dma_start3A_186 : memref<16xi32, #tpu.memory_space<vmem>>) semaphore(%arg14 : memref<!tpu.dma_semaphore, #tpu.memory_space<semaphore_mem>>)
    %dma_wait3A_190 = arith.constant 0 : i32
    %dma_wait3A_191 = arith.constant 0 : i32
    %dma_wait3A_192 = arith.constant 0 : i32
    %dma_wait3A_193 = tpu.memref_slice %arg12[%dma_wait3A_191, %dma_wait3A_192] : memref<128x128xf32, #tpu.memory_space<vmem>> -> memref<16x128xf32, #tpu.memory_space<vmem>>
    %dma_wait3A_194 = arith.constant 0 : i32
    %dma_wait3A_195 = tpu.memref_slice %arg13[%dma_wait3A_190, %dma_wait3A_194] : memref<8x16xi32, #tpu.memory_space<vmem>> -> memref<1x16xi32, #tpu.memory_space<vmem>>
    %dma_wait3A_196 = tpu.memref_squeeze %dma_wait3A_195 : memref<1x16xi32, #tpu.memory_space<vmem>> -> memref<16xi32, #tpu.memory_space<vmem>>
    %dma_wait3A_197 = arith.constant 0 : i32
    %dma_wait3A_198 = arith.constant 0 : i32
    %dma_wait3A_199 = tpu.memref_slice %arg5[%dma_wait3A_197, %dma_wait3A_198] : memref<16392x128xf32, #tpu.memory_space<hbm>> -> memref<16392x128xf32, #tpu.memory_space<hbm>>
    tpu.wait_indirect_dma semaphore(%arg14 : memref<!tpu.dma_semaphore, #tpu.memory_space<semaphore_mem>>) src(%dma_wait3A_193 : memref<16x128xf32, #tpu.memory_space<vmem>>) dst(%dma_wait3A_199 : memref<16392x128xf32, #tpu.memory_space<hbm>>)
    %dma_wait3A_200 = arith.constant 1 : i32
    %dma_wait3A_201 = arith.constant 16 : i32
    %dma_wait3A_202 = arith.constant 0 : i32
    %dma_wait3A_203 = tpu.memref_slice %arg12[%dma_wait3A_201, %dma_wait3A_202] : memref<128x128xf32, #tpu.memory_space<vmem>> -> memref<16x128xf32, #tpu.memory_space<vmem>>
    %dma_wait3A_204 = arith.constant 0 : i32
    %dma_wait3A_205 = tpu.memref_slice %arg13[%dma_wait3A_200, %dma_wait3A_204] : memref<8x16xi32, #tpu.memory_space<vmem>> -> memref<1x16xi32, #tpu.memory_space<vmem>>
    %dma_wait3A_206 = tpu.memref_squeeze %dma_wait3A_205 : memref<1x16xi32, #tpu.memory_space<vmem>> -> memref<16xi32, #tpu.memory_space<vmem>>
    %dma_wait3A_207 = arith.constant 0 : i32
    %dma_wait3A_208 = arith.constant 0 : i32
    %dma_wait3A_209 = tpu.memref_slice %arg5[%dma_wait3A_207, %dma_wait3A_208] : memref<16392x128xf32, #tpu.memory_space<hbm>> -> memref<16392x128xf32, #tpu.memory_space<hbm>>
    tpu.wait_indirect_dma semaphore(%arg14 : memref<!tpu.dma_semaphore, #tpu.memory_space<semaphore_mem>>) src(%dma_wait3A_203 : memref<16x128xf32, #tpu.memory_space<vmem>>) dst(%dma_wait3A_209 : memref<16392x128xf32, #tpu.memory_space<hbm>>)
    %dma_wait3A_210 = arith.constant 2 : i32
    %dma_wait3A_211 = arith.constant 32 : i32
    %dma_wait3A_212 = arith.constant 0 : i32
    %dma_wait3A_213 = tpu.memref_slice %arg12[%dma_wait3A_211, %dma_wait3A_212] : memref<128x128xf32, #tpu.memory_space<vmem>> -> memref<16x128xf32, #tpu.memory_space<vmem>>
    %dma_wait3A_214 = arith.constant 0 : i32
    %dma_wait3A_215 = tpu.memref_slice %arg13[%dma_wait3A_210, %dma_wait3A_214] : memref<8x16xi32, #tpu.memory_space<vmem>> -> memref<1x16xi32, #tpu.memory_space<vmem>>
    %dma_wait3A_216 = tpu.memref_squeeze %dma_wait3A_215 : memref<1x16xi32, #tpu.memory_space<vmem>> -> memref<16xi32, #tpu.memory_space<vmem>>
    %dma_wait3A_217 = arith.constant 0 : i32
    %dma_wait3A_218 = arith.constant 0 : i32
    %dma_wait3A_219 = tpu.memref_slice %arg5[%dma_wait3A_217, %dma_wait3A_218] : memref<16392x128xf32, #tpu.memory_space<hbm>> -> memref<16392x128xf32, #tpu.memory_space<hbm>>
    tpu.wait_indirect_dma semaphore(%arg14 : memref<!tpu.dma_semaphore, #tpu.memory_space<semaphore_mem>>) src(%dma_wait3A_213 : memref<16x128xf32, #tpu.memory_space<vmem>>) dst(%dma_wait3A_219 : memref<16392x128xf32, #tpu.memory_space<hbm>>)
    %dma_wait3A_220 = arith.constant 3 : i32
    %dma_wait3A_221 = arith.constant 48 : i32
    %dma_wait3A_222 = arith.constant 0 : i32
    %dma_wait3A_223 = tpu.memref_slice %arg12[%dma_wait3A_221, %dma_wait3A_222] : memref<128x128xf32, #tpu.memory_space<vmem>> -> memref<16x128xf32, #tpu.memory_space<vmem>>
    %dma_wait3A_224 = arith.constant 0 : i32
    %dma_wait3A_225 = tpu.memref_slice %arg13[%dma_wait3A_220, %dma_wait3A_224] : memref<8x16xi32, #tpu.memory_space<vmem>> -> memref<1x16xi32, #tpu.memory_space<vmem>>
    %dma_wait3A_226 = tpu.memref_squeeze %dma_wait3A_225 : memref<1x16xi32, #tpu.memory_space<vmem>> -> memref<16xi32, #tpu.memory_space<vmem>>
    %dma_wait3A_227 = arith.constant 0 : i32
    %dma_wait3A_228 = arith.constant 0 : i32
    %dma_wait3A_229 = tpu.memref_slice %arg5[%dma_wait3A_227, %dma_wait3A_228] : memref<16392x128xf32, #tpu.memory_space<hbm>> -> memref<16392x128xf32, #tpu.memory_space<hbm>>
    tpu.wait_indirect_dma semaphore(%arg14 : memref<!tpu.dma_semaphore, #tpu.memory_space<semaphore_mem>>) src(%dma_wait3A_223 : memref<16x128xf32, #tpu.memory_space<vmem>>) dst(%dma_wait3A_229 : memref<16392x128xf32, #tpu.memory_space<hbm>>)
    %dma_wait3A_230 = arith.constant 4 : i32
    %dma_wait3A_231 = arith.constant 64 : i32
    %dma_wait3A_232 = arith.constant 0 : i32
    %dma_wait3A_233 = tpu.memref_slice %arg12[%dma_wait3A_231, %dma_wait3A_232] : memref<128x128xf32, #tpu.memory_space<vmem>> -> memref<16x128xf32, #tpu.memory_space<vmem>>
    %dma_wait3A_234 = arith.constant 0 : i32
    %dma_wait3A_235 = tpu.memref_slice %arg13[%dma_wait3A_230, %dma_wait3A_234] : memref<8x16xi32, #tpu.memory_space<vmem>> -> memref<1x16xi32, #tpu.memory_space<vmem>>
    %dma_wait3A_236 = tpu.memref_squeeze %dma_wait3A_235 : memref<1x16xi32, #tpu.memory_space<vmem>> -> memref<16xi32, #tpu.memory_space<vmem>>
    %dma_wait3A_237 = arith.constant 0 : i32
    %dma_wait3A_238 = arith.constant 0 : i32
    %dma_wait3A_239 = tpu.memref_slice %arg5[%dma_wait3A_237, %dma_wait3A_238] : memref<16392x128xf32, #tpu.memory_space<hbm>> -> memref<16392x128xf32, #tpu.memory_space<hbm>>
    tpu.wait_indirect_dma semaphore(%arg14 : memref<!tpu.dma_semaphore, #tpu.memory_space<semaphore_mem>>) src(%dma_wait3A_233 : memref<16x128xf32, #tpu.memory_space<vmem>>) dst(%dma_wait3A_239 : memref<16392x128xf32, #tpu.memory_space<hbm>>)
    %dma_wait3A_240 = arith.constant 5 : i32
    %dma_wait3A_241 = arith.constant 80 : i32
    %dma_wait3A_242 = arith.constant 0 : i32
    %dma_wait3A_243 = tpu.memref_slice %arg12[%dma_wait3A_241, %dma_wait3A_242] : memref<128x128xf32, #tpu.memory_space<vmem>> -> memref<16x128xf32, #tpu.memory_space<vmem>>
    %dma_wait3A_244 = arith.constant 0 : i32
    %dma_wait3A_245 = tpu.memref_slice %arg13[%dma_wait3A_240, %dma_wait3A_244] : memref<8x16xi32, #tpu.memory_space<vmem>> -> memref<1x16xi32, #tpu.memory_space<vmem>>
    %dma_wait3A_246 = tpu.memref_squeeze %dma_wait3A_245 : memref<1x16xi32, #tpu.memory_space<vmem>> -> memref<16xi32, #tpu.memory_space<vmem>>
    %dma_wait3A_247 = arith.constant 0 : i32
    %dma_wait3A_248 = arith.constant 0 : i32
    %dma_wait3A_249 = tpu.memref_slice %arg5[%dma_wait3A_247, %dma_wait3A_248] : memref<16392x128xf32, #tpu.memory_space<hbm>> -> memref<16392x128xf32, #tpu.memory_space<hbm>>
    tpu.wait_indirect_dma semaphore(%arg14 : memref<!tpu.dma_semaphore, #tpu.memory_space<semaphore_mem>>) src(%dma_wait3A_243 : memref<16x128xf32, #tpu.memory_space<vmem>>) dst(%dma_wait3A_249 : memref<16392x128xf32, #tpu.memory_space<hbm>>)
    %dma_wait3A_250 = arith.constant 6 : i32
    %dma_wait3A_251 = arith.constant 96 : i32
    %dma_wait3A_252 = arith.constant 0 : i32
    %dma_wait3A_253 = tpu.memref_slice %arg12[%dma_wait3A_251, %dma_wait3A_252] : memref<128x128xf32, #tpu.memory_space<vmem>> -> memref<16x128xf32, #tpu.memory_space<vmem>>
    %dma_wait3A_254 = arith.constant 0 : i32
    %dma_wait3A_255 = tpu.memref_slice %arg13[%dma_wait3A_250, %dma_wait3A_254] : memref<8x16xi32, #tpu.memory_space<vmem>> -> memref<1x16xi32, #tpu.memory_space<vmem>>
    %dma_wait3A_256 = tpu.memref_squeeze %dma_wait3A_255 : memref<1x16xi32, #tpu.memory_space<vmem>> -> memref<16xi32, #tpu.memory_space<vmem>>
    %dma_wait3A_257 = arith.constant 0 : i32
    %dma_wait3A_258 = arith.constant 0 : i32
    %dma_wait3A_259 = tpu.memref_slice %arg5[%dma_wait3A_257, %dma_wait3A_258] : memref<16392x128xf32, #tpu.memory_space<hbm>> -> memref<16392x128xf32, #tpu.memory_space<hbm>>
    tpu.wait_indirect_dma semaphore(%arg14 : memref<!tpu.dma_semaphore, #tpu.memory_space<semaphore_mem>>) src(%dma_wait3A_253 : memref<16x128xf32, #tpu.memory_space<vmem>>) dst(%dma_wait3A_259 : memref<16392x128xf32, #tpu.memory_space<hbm>>)
    %dma_wait3A_260 = arith.constant 7 : i32
    %dma_wait3A_261 = arith.constant 112 : i32
    %dma_wait3A_262 = arith.constant 0 : i32
    %dma_wait3A_263 = tpu.memref_slice %arg12[%dma_wait3A_261, %dma_wait3A_262] : memref<128x128xf32, #tpu.memory_space<vmem>> -> memref<16x128xf32, #tpu.memory_space<vmem>>
    %dma_wait3A_264 = arith.constant 0 : i32
    %dma_wait3A_265 = tpu.memref_slice %arg13[%dma_wait3A_260, %dma_wait3A_264] : memref<8x16xi32, #tpu.memory_space<vmem>> -> memref<1x16xi32, #tpu.memory_space<vmem>>
    %dma_wait3A_266 = tpu.memref_squeeze %dma_wait3A_265 : memref<1x16xi32, #tpu.memory_space<vmem>> -> memref<16xi32, #tpu.memory_space<vmem>>
    %dma_wait3A_267 = arith.constant 0 : i32
    %dma_wait3A_268 = arith.constant 0 : i32
    %dma_wait3A_269 = tpu.memref_slice %arg5[%dma_wait3A_267, %dma_wait3A_268] : memref<16392x128xf32, #tpu.memory_space<hbm>> -> memref<16392x128xf32, #tpu.memory_space<hbm>>
    tpu.wait_indirect_dma semaphore(%arg14 : memref<!tpu.dma_semaphore, #tpu.memory_space<semaphore_mem>>) src(%dma_wait3A_263 : memref<16x128xf32, #tpu.memory_space<vmem>>) dst(%dma_wait3A_269 : memref<16392x128xf32, #tpu.memory_space<hbm>>)
    %swap3A_270 = arith.constant 0 : i32
    %swap3A_271 = arith.index_cast %swap3A_270 : i32 to index
    %swap3A_272 = arith.constant 0 : index
    %swap3A_273 = tpu.vector_load %arg13[%swap3A_271, %swap3A_272] {strides = array<i32>} : memref<8x16xi32, #tpu.memory_space<vmem>>, vector<16xi32>,
    tpu.vector_store %arg13[%swap3A_271, %swap3A_272], %broadcast_in_dim3A_3 {strides = array<i32>} : memref<8x16xi32, #tpu.memory_space<vmem>>, vector<16xi32>,
    %swap3A_274 = arith.constant 1 : i32
    %swap3A_275 = arith.index_cast %swap3A_274 : i32 to index
    %swap3A_276 = arith.constant 0 : index
    %swap3A_277 = tpu.vector_load %arg13[%swap3A_275, %swap3A_276] {strides = array<i32>} : memref<8x16xi32, #tpu.memory_space<vmem>>, vector<16xi32>,
    tpu.vector_store %arg13[%swap3A_275, %swap3A_276], %broadcast_in_dim3A_3 {strides = array<i32>} : memref<8x16xi32, #tpu.memory_space<vmem>>, vector<16xi32>,
    %swap3A_278 = arith.constant 2 : i32
    %swap3A_279 = arith.index_cast %swap3A_278 : i32 to index
    %swap3A_280 = arith.constant 0 : index
    %swap3A_281 = tpu.vector_load %arg13[%swap3A_279, %swap3A_280] {strides = array<i32>} : memref<8x16xi32, #tpu.memory_space<vmem>>, vector<16xi32>,
    tpu.vector_store %arg13[%swap3A_279, %swap3A_280], %broadcast_in_dim3A_3 {strides = array<i32>} : memref<8x16xi32, #tpu.memory_space<vmem>>, vector<16xi32>,
    %swap3A_282 = arith.constant 3 : i32
    %swap3A_283 = arith.index_cast %swap3A_282 : i32 to index
    %swap3A_284 = arith.constant 0 : index
    %swap3A_285 = tpu.vector_load %arg13[%swap3A_283, %swap3A_284] {strides = array<i32>} : memref<8x16xi32, #tpu.memory_space<vmem>>, vector<16xi32>,
    tpu.vector_store %arg13[%swap3A_283, %swap3A_284], %broadcast_in_dim3A_3 {strides = array<i32>} : memref<8x16xi32, #tpu.memory_space<vmem>>, vector<16xi32>,
    %swap3A_286 = arith.constant 4 : i32
    %swap3A_287 = arith.index_cast %swap3A_286 : i32 to index
    %swap3A_288 = arith.constant 0 : index
    %swap3A_289 = tpu.vector_load %arg13[%swap3A_287, %swap3A_288] {strides = array<i32>} : memref<8x16xi32, #tpu.memory_space<vmem>>, vector<16xi32>,
    tpu.vector_store %arg13[%swap3A_287, %swap3A_288], %broadcast_in_dim3A_3 {strides = array<i32>} : memref<8x16xi32, #tpu.memory_space<vmem>>, vector<16xi32>,
    %swap3A_290 = arith.constant 5 : i32
    %swap3A_291 = arith.index_cast %swap3A_290 : i32 to index
    %swap3A_292 = arith.constant 0 : index
    %swap3A_293 = tpu.vector_load %arg13[%swap3A_291, %swap3A_292] {strides = array<i32>} : memref<8x16xi32, #tpu.memory_space<vmem>>, vector<16xi32>,
    tpu.vector_store %arg13[%swap3A_291, %swap3A_292], %broadcast_in_dim3A_3 {strides = array<i32>} : memref<8x16xi32, #tpu.memory_space<vmem>>, vector<16xi32>,
    %swap3A_294 = arith.constant 6 : i32
    %swap3A_295 = arith.index_cast %swap3A_294 : i32 to index
    %swap3A_296 = arith.constant 0 : index
    %swap3A_297 = tpu.vector_load %arg13[%swap3A_295, %swap3A_296] {strides = array<i32>} : memref<8x16xi32, #tpu.memory_space<vmem>>, vector<16xi32>,
    tpu.vector_store %arg13[%swap3A_295, %swap3A_296], %broadcast_in_dim3A_3 {strides = array<i32>} : memref<8x16xi32, #tpu.memory_space<vmem>>, vector<16xi32>,
    %swap3A_298 = arith.constant 7 : i32
    %swap3A_299 = arith.index_cast %swap3A_298 : i32 to index
    %swap3A_300 = arith.constant 0 : index
    %swap3A_301 = tpu.vector_load %arg13[%swap3A_299, %swap3A_300] {strides = array<i32>} : memref<8x16xi32, #tpu.memory_space<vmem>>, vector<16xi32>,
    tpu.vector_store %arg13[%swap3A_299, %swap3A_300], %broadcast_in_dim3A_3 {strides = array<i32>} : memref<8x16xi32, #tpu.memory_space<vmem>>, vector<16xi32>,
    return
  }
}

module attributes {stable_mosaic.version = 14 : i64} {
  func.func @_tc_body(%arg0: i32, %arg1: memref<2048x128xf32, #tpu.memory_space<vmem>>, %arg2: memref<4x2048xf32, #tpu.memory_space<vmem>>, %arg3: memref<32x4xf32, #tpu.memory_space<vmem>>, %arg4: memref<32x1xf32, #tpu.memory_space<vmem>>, %arg5: memref<64x64xf32, #tpu.memory_space<vmem>>, %arg6: memref<64x32xf32, #tpu.memory_space<vmem>>, %arg7: memref<64x1xf32, #tpu.memory_space<vmem>>, %arg8: memref<64x2048xf32, #tpu.memory_space<vmem>>) attributes {dimension_semantics = [#tpu.dimension_semantics<arbitrary>], iteration_bounds = array<i64: 8>, scalar_prefetch = 0 : i64, scratch_operands = 0 : i64, tpu.core_type = #tpu.core_type<tc>, window_params = [{transform_indices = @transform_0, window_bounds = array<i64: 2048, 128>}, {transform_indices = @transform_1, window_bounds = array<i64: 4, 2048>}, {pipeline_mode = #tpu.pipeline_mode<synchronous>, transform_indices = @transform_2, window_bounds = array<i64: 32, 4>}, {pipeline_mode = #tpu.pipeline_mode<synchronous>, transform_indices = @transform_3, window_bounds = array<i64: 32, 1>}, {pipeline_mode = #tpu.pipeline_mode<synchronous>, transform_indices = @transform_4, window_bounds = array<i64: 64, 64>}, {pipeline_mode = #tpu.pipeline_mode<synchronous>, transform_indices = @transform_5, window_bounds = array<i64: 64, 32>}, {pipeline_mode = #tpu.pipeline_mode<synchronous>, transform_indices = @transform_6, window_bounds = array<i64: 64, 1>}, {transform_indices = @transform_7, window_bounds = array<i64: 64, 2048>}]} {
    %get3A = arith.constant 0 : index
    %get3A_0 = arith.constant 0 : index
    %get3A_1 = vector.load %arg3[%get3A, %get3A_0] : memref<32x4xf32, #tpu.memory_space<vmem>>, vector<32x4xf32>
    %get3A_2 = arith.constant 0 : index
    %get3A_3 = arith.constant 0 : index
    %get3A_4 = vector.load %arg2[%get3A_2, %get3A_3] : memref<4x2048xf32, #tpu.memory_space<vmem>>, vector<4x2048xf32>
    %dot_general3A = arith.constant dense<0.000000e+00> : vector<32x2048xf32>
    %dot_general3A_5 = tpu.matmul %get3A_1, %get3A_4, %dot_general3A {dimension_numbers = #tpu.dot_dimension_numbers<[1], [0], [0], [1], [0, 0, 1, 1], [], []>, transpose_lhs_hint = false} : vector<32x4xf32>, vector<4x2048xf32>, vector<32x2048xf32> -> vector<32x2048xf32>
    %get3A_6 = arith.constant 0 : index
    %get3A_7 = arith.constant 0 : index
    %get3A_8 = vector.load %arg4[%get3A_6, %get3A_7] : memref<32x1xf32, #tpu.memory_space<vmem>>, vector<32x1xf32>
    %add3A = vector.broadcast %get3A_8 : vector<32x1xf32> to vector<32x2048xf32>
    %add3A_9 = arith.addf %dot_general3A_5, %add3A : vector<32x2048xf32>
    %get3A_10 = arith.constant 0 : index
    %get3A_11 = arith.constant 0 : index
    %get3A_12 = vector.load %arg1[%get3A_10, %get3A_11] : memref<2048x128xf32, #tpu.memory_space<vmem>>, vector<2048x128xf32>
    %slice3A = vector.extract_strided_slice %get3A_12 {offsets = [0, 0], sizes = [2048, 64], strides = [1, 1]} : vector<2048x128xf32> to vector<2048x64xf32>
    %get3A_13 = arith.constant 0 : index
    %get3A_14 = arith.constant 0 : index
    %get3A_15 = vector.load %arg5[%get3A_13, %get3A_14] : memref<64x64xf32, #tpu.memory_space<vmem>>, vector<64x64xf32>
    %dot_general3A_16 = arith.constant dense<0.000000e+00> : vector<64x2048xf32>
    %dot_general3A_17 = tpu.matmul %get3A_15, %slice3A, %dot_general3A_16 {dimension_numbers = #tpu.dot_dimension_numbers<[1], [1], [0], [0], [0, 0, 1, 0], [], []>, transpose_lhs_hint = false} : vector<64x64xf32>, vector<2048x64xf32>, vector<64x2048xf32> -> vector<64x2048xf32>
    %get3A_18 = arith.constant 0 : index
    %get3A_19 = arith.constant 0 : index
    %get3A_20 = vector.load %arg6[%get3A_18, %get3A_19] : memref<64x32xf32, #tpu.memory_space<vmem>>, vector<64x32xf32>
    %dot_general3A_21 = arith.constant dense<0.000000e+00> : vector<64x2048xf32>
    %dot_general3A_22 = tpu.matmul %get3A_20, %add3A_9, %dot_general3A_21 {dimension_numbers = #tpu.dot_dimension_numbers<[1], [0], [0], [1], [0, 0, 1, 1], [], []>, transpose_lhs_hint = false} : vector<64x32xf32>, vector<32x2048xf32>, vector<64x2048xf32> -> vector<64x2048xf32>
    %add3A_23 = arith.addf %dot_general3A_17, %dot_general3A_22 : vector<64x2048xf32>
    %get3A_24 = arith.constant 0 : index
    %get3A_25 = arith.constant 0 : index
    %get3A_26 = vector.load %arg7[%get3A_24, %get3A_25] : memref<64x1xf32, #tpu.memory_space<vmem>>, vector<64x1xf32>
    %add3A_27 = vector.broadcast %get3A_26 : vector<64x1xf32> to vector<64x2048xf32>
    %add3A_28 = arith.addf %add3A_23, %add3A_27 : vector<64x2048xf32>
    %tanh3A = math.tanh %add3A_28 : vector<64x2048xf32>
    %swap3A = arith.constant 0 : index
    %swap3A_29 = arith.constant 0 : index
    %swap3A_30 = vector.load %arg8[%swap3A, %swap3A_29] : memref<64x2048xf32, #tpu.memory_space<vmem>>, vector<64x2048xf32>
    tpu.vector_store %arg8[%swap3A, %swap3A_29], %tanh3A {strides = array<i32>} : memref<64x2048xf32, #tpu.memory_space<vmem>>, vector<64x2048xf32>,
    return
  }
  func.func @transform_0(%arg0: i32) -> (i32, i32) {
    %c0_i32 = arith.constant 0 : i32
    %c0_i32_0 = arith.constant 0 : i32
    return %arg0, %c0_i32 : i32, i32
  }
  func.func @transform_1(%arg0: i32) -> (i32, i32) {
    %c0_i32 = arith.constant 0 : i32
    %c0_i32_0 = arith.constant 0 : i32
    return %c0_i32, %arg0 : i32, i32
  }
  func.func @transform_2(%arg0: i32) -> (i32, i32) {
    %c0_i32 = arith.constant 0 : i32
    %c0_i32_0 = arith.constant 0 : i32
    %c0_i32_1 = arith.constant 0 : i32
    return %c0_i32, %c0_i32_0 : i32, i32
  }
  func.func @transform_3(%arg0: i32) -> (i32, i32) {
    %c0_i32 = arith.constant 0 : i32
    %c0_i32_0 = arith.constant 0 : i32
    %c0_i32_1 = arith.constant 0 : i32
    return %c0_i32, %c0_i32_0 : i32, i32
  }
  func.func @transform_4(%arg0: i32) -> (i32, i32) {
    %c0_i32 = arith.constant 0 : i32
    %c0_i32_0 = arith.constant 0 : i32
    %c0_i32_1 = arith.constant 0 : i32
    return %c0_i32, %c0_i32_0 : i32, i32
  }
  func.func @transform_5(%arg0: i32) -> (i32, i32) {
    %c0_i32 = arith.constant 0 : i32
    %c0_i32_0 = arith.constant 0 : i32
    %c0_i32_1 = arith.constant 0 : i32
    return %c0_i32, %c0_i32_0 : i32, i32
  }
  func.func @transform_6(%arg0: i32) -> (i32, i32) {
    %c0_i32 = arith.constant 0 : i32
    %c0_i32_0 = arith.constant 0 : i32
    %c0_i32_1 = arith.constant 0 : i32
    return %c0_i32, %c0_i32_0 : i32, i32
  }
  func.func @transform_7(%arg0: i32) -> (i32, i32) {
    %c0_i32 = arith.constant 0 : i32
    %c0_i32_0 = arith.constant 0 : i32
    return %c0_i32, %arg0 : i32, i32
  }
}

</mosaic_0001>

<sc_bundles>
// kernel: kernel.4.cloned.1.call-start
scs
__scs_entry_jumppad:
0x0: {  	(pc) =	sbr.rel $0x88, $3  }
0x1: {  	(tag) =	ssettag $0x0;
	lr =	simm.s32 $0x1  }
0x2: {  	[smem:$0x3F9A] =	sst lr;
	_ =	strace $0xD0000000  }
0x3: {  	_ = 	snop  }
0x4: {  	_ = 	snop  }
0x5: {  	_ = 	snop  }
0x6: {  	_ = 	snop  }
0x7: {  	_ = 	snop  }
__scs_overlays_trampoline_lowered:
0x8: {  	[smem:$0x3FA9] =	sst s0  }
0x9: {  	[smem:$0x3FAA] =	sst s1  }
0xa: {  	[smem:$0x3FAB] =	sst s2  }
0xb: {  	[smem:$0x3FAC] =	sst s3  }
0xc: {  	[smem:$0x3FAD] =	sst s4  }
0xd: {  	[smem:$0x3FAE] =	sst s5  }
0xe: {  	[smem:$0x3FAF] =	sst s6  }
0xf: {  	[smem:$0x3FB0] =	sst s7  }
0x10: {  	[smem:$0x3FB1] =	sst s8  }
0x11: {  	[smem:$0x3FB2] =	sst s9;
	s0 =	simm.s32 @!p0 $0x0  }
0x12: {  	s1 =	sld [smem:$0x3F98];
	s0 =	simm.s32 @p0 $0x1  }
0x13: {  	[smem:$0x3FB3] =	sst s0;
	s0 =	simm.s32 @!p1 $0x0  }
0x14: {  	s2 =	sld [smem:$0x3F97];
	s0 =	simm.s32 @p1 $0x1  }
0x15: {  	[smem:$0x3FB4] =	sst s0;
	s0 =	simm.s32 @!p2 $0x0  }
0x16: {  	s3 =	sld [smem:$0x3FDB];
	s0 =	simm.s32 @p2 $0x1  }
0x17: {  	s4 =	simm.s32 $0x1BF5;
	[smem:$0x3FB6] =	sst s0  }
0x18: {  	s0 =	sld [smem:$0x3F99];
	_ =	swait.ge [sflag:s4], $0x0  }
0x19: {  	s7 =	sld [smem:$0x3F9A]  }
0x1a: {  	s8 =	sadd.s32 $0xFFFFE003, lr  }
0x1b: {  	s9 =	sadd.s32 $0xFFFFFEF7, lr;
	s5 =	simm.s32 $0xFFFFFFFF;
	p2 =	slt.u32 s8, $0xFFFFF086  }
0x1c: {  	p1 =	slt.u32 s9, $0xF7A;
	s5 =	simm.s32 @!p2 $0x0  }
0x1d: {  	s5 =	simm.s32 @p1 $0x1;
	p0 =	seq.s32 s7, s2  }
0x1e: {  	s7 =	smul.u32 @!p0 $0xF7A, s2;
	p2 =	seq.s32 @!p0 s5, $0x0  }
0x1f: {  	s9 =	smul.u32 $0xF7A, s1;
	s8 =	simm.s32 @!p0 $0x1BF5;
	p2 =	por !p2, p0  }
0x20: {  	[sflag:s8] =	ssyncset.s32 @!p0 $0xFFFFF086;
	s6 =	sadd.s32 @!p0 s3, s7;
	s7 =	simm.s32 @!p0 $0x108  }
0x21: {  	s3 =	sadd.s32 s3, s9;
	s6 =	sadd.s32 @!p0 $0x88, s6;
	s7 =	simm.s32 @p2 $0x1082  }
0x22: {  	[simem:s7], [sflag:s8] =	dma.local @!p0 [hbm:s6], $0xF7A  }
0x23: {  	s9 =	sor.u32 $0xD0000000, s2;
	s6 =	simm.s32 $0x108;
	_ =	swait.ge @!p0 [sflag:s8], $0x0  }
0x24: {  	s3 =	sadd.s32 $0x88, s3;
	s6 =	simm.s32 @!p1 $0x1082;
	[sflag:s4] =	ssyncset.s32 $0xFFFFF086  }
0x25: {  	[simem:s6], [sflag:s4] =	dma.local [hbm:s3], $0xF7A  }
0x26: {  	[smem:$0x3F9A] =	sst s1;
	(tag) =	ssettag s2;
	_ =	strace s9  }
0x27: {  	s1 =	sld [smem:$0x3FAA]  }
0x28: {  	s2 =	sld [smem:$0x3FAB]  }
0x29: {  	s4 =	sld [smem:$0x3FAD]  }
0x2a: {  	p0 =	seq.s32 s5, $0x0;
	s5 =	sld [smem:$0x3FAE]  }
0x2b: {  	s6 =	sld [smem:$0x3FAF]  }
0x2c: {  	s7 =	sld [smem:$0x3FB0]  }
0x2d: {  	s3 =	simm.s32 $0x108;
	s8 =	sld [smem:$0x3FB1]  }
0x2e: {  	s3 =	simm.s32 @!p0 $0x1082;
	s9 =	sld [smem:$0x3FB2]  }
0x2f: {  	lr =	sadd.s32 s0, s3;
	s0 =	sld [smem:$0x3FA9]  }
0x30: {  	s3 =	sld [smem:$0x3FAC]  }
0x31: {  	[smem:$0x3FB5] =	sst s10  }
0x32: {  	s10 =	sld [smem:$0x3FB3];
	_ =	sdelay $0x3  }
0x33: {  	p0 =	seq.s32 s10, $0x1;
	s10 =	sld [smem:$0x3FB5];
	_ =	sdelay $0x3  }
0x34: {  	[smem:$0x3FB5] =	sst s10  }
0x35: {  	s10 =	sld [smem:$0x3FB4];
	_ =	sdelay $0x3  }
0x36: {  	p1 =	seq.s32 s10, $0x1;
	s10 =	sld [smem:$0x3FB5];
	_ =	sdelay $0x3  }
0x37: {  	[smem:$0x3FB5] =	sst s10  }
0x38: {  	s10 =	sld [smem:$0x3FB6]  }
0x39: {  	_ = 	snop;
	(pc) =	sbr.ind lr, $3  }
0x3a: {  	_ = 	snop  }
0x3b: {  	_ = 	snop  }
0x3c: {  	p2 =	seq.s32 s10, $0x1;
	s10 =	sld [smem:$0x3FB5]  }
0x3d: {  	_ =	shalt  }
0x3e: {  	_ =	shalt  }
0x3f: {  	_ =	shalt  }
0x40: {  	_ =	shalt  }
0x41: {  	_ =	shalt  }
0x42: {  	_ =	shalt  }
0x43: {  	_ =	shalt  }
0x44: {  	_ =	shalt  }
0x45: {  	_ =	shalt  }
0x46: {  	_ =	shalt  }
0x47: {  	_ =	shalt  }
0x48: {  	_ =	shalt  }
0x49: {  	_ =	shalt  }
0x4a: {  	_ =	shalt  }
0x4b: {  	_ =	shalt  }
0x4c: {  	_ =	shalt  }
0x4d: {  	_ =	shalt  }
0x4e: {  	_ =	shalt  }
0x4f: {  	_ =	shalt  }
0x50: {  	_ =	shalt  }
0x51: {  	_ =	shalt  }
0x52: {  	_ =	shalt  }
0x53: {  	_ =	shalt  }
0x54: {  	_ =	shalt  }
0x55: {  	_ =	shalt  }
0x56: {  	_ =	shalt  }
0x57: {  	_ =	shalt  }
0x58: {  	_ =	shalt  }
0x59: {  	_ =	shalt  }
0x5a: {  	_ =	shalt  }
0x5b: {  	_ =	shalt  }
0x5c: {  	_ =	shalt  }
0x5d: {  	_ =	shalt  }
0x5e: {  	_ =	shalt  }
0x5f: {  	_ =	shalt  }
0x60: {  	_ =	shalt  }
0x61: {  	_ =	shalt  }
0x62: {  	_ =	shalt  }
0x63: {  	_ =	shalt  }
0x64: {  	_ =	shalt  }
0x65: {  	_ =	shalt  }
0x66: {  	_ =	shalt  }
0x67: {  	_ =	shalt  }
0x68: {  	_ =	shalt  }
0x69: {  	_ =	shalt  }
0x6a: {  	_ =	shalt  }
0x6b: {  	_ =	shalt  }
0x6c: {  	_ =	shalt  }
0x6d: {  	_ =	shalt  }
0x6e: {  	_ =	shalt  }
0x6f: {  	_ =	shalt  }
0x70: {  	_ =	shalt  }
0x71: {  	_ =	shalt  }
0x72: {  	_ =	shalt  }
0x73: {  	_ =	shalt  }
0x74: {  	_ =	shalt  }
0x75: {  	_ =	shalt  }
0x76: {  	_ =	shalt  }
0x77: {  	_ =	shalt  }
0x78: {  	_ =	shalt  }
0x79: {  	_ =	shalt  }
0x7a: {  	_ =	shalt  }
0x7b: {  	_ =	shalt  }
0x7c: {  	_ =	shalt  }
0x7d: {  	_ =	shalt  }
0x7e: {  	_ =	shalt  }
0x7f: {  	_ =	shalt  }
0x80: {  	_ =	shalt  }
0x81: {  	_ =	shalt  }
0x82: {  	_ =	shalt  }
0x83: {  	_ =	shalt  }
0x84: {  	_ =	shalt  }
0x85: {  	_ =	shalt  }
0x86: {  	_ =	shalt  }
0x87: {  	_ =	shalt  }
.Lfunc_end0:
.L_simem_size_0:
called_computation_lowered:
.L_overlay_start_0:
0x88: {  	s2 =	sld [smem:$0x3FD9]  }
0x89: {  	s3 =	sld [smem:$0x3FFE];
	_ =	sdelay $0x1  }
0x8a: {  	s1 =	srdreg.scid  }
0x8b: {  	s0 =	sand.u32 $0x1, s1  }
0x8c: {  	s17 =	sshll.u32 s0, $0xA;
	s2 =	sadd.s32 s3, s2  }
0x8d: {  	s2 =	sadd.s32 s2, s17  }
0x8e: {  	[smem:$0x3FC1] =	sst s2  }
0x8f: {  	_ = 	snop  }
0x90: {  	s2 =	sld [smem:$0x3FC9]  }
0x91: {  	s18 =	sld [smem:$0x3FC7]  }
0x92: {  	s4 =	sld [smem:$0x3FD0];
	(tm) =	ssettm $0x1  }
0x93: {  	s5 =	sld [smem:$0x3FFB];
	_ =	sdelay $0x3  }
0x94: {  	_ =	strace s5  }
0x95: {  	s5 =	sld [smem:$0x3FFC];
	_ =	sdelay $0x3  }
0x96: {  	_ =	strace s5  }
0x97: {  	s5 =	sld [smem:$0x3FFD];
	_ =	sdelay $0x3  }
0x98: {  	_ =	strace s5  }
0x99: {  	_ =	strace $0x8FFFFFFF  }
0x9a: {  	s19 =	sld [smem:$0x3FDB];
	_ =	sdelay $0x1  }
0x9b: {  	s6 =	simm.s32 $_scs_section_size  }
0x9c: {  	s7 =	simm.s32 $_size__tile_overlayer_lowered;
	s8 =	simm.s32 $_tile_overlayer_lowered  }
0x9d: {  	s22 =	simm.s32 $0x1BFF;
	s21 =	sshll.u32 s8, $0x1;
	s5 =	sadd.s32 s6, s19  }
0x9e: {  	s9 =	simm.s32 $0x0;
	s20 =	sshll.u32 s7, $0x1;
	s7 =	sadd.s32 s21, s5  }
0x9f: {  	[timem:s9], [sflag:s22] =	dma.local [hbm:s7], s20  }
0xa0: {  	_ =	swait.ge [sflag:s22], s20  }
0xa1: {  	s6 =	ssub.s32 $0x0, s20;
	[sflag:s22] =	ssyncset.done $0x0  }
0xa2: {  	[sflag:s22] =	ssyncadd.s32 s6;
	_ =	sdelay $0x1  }
0xa3: {  	s23 =	simm.s32 $0x1B8B  }
0xa4: {  	_ =	swait.ge [sflag:s23], $0x1  }
0xa5: {  	[sflag:s23] =	ssyncset.done $0x0  }
0xa6: {  	s25 =	simm.s32 $0x1B8E;
	s24 =	sld [smem:$0x3FFE];
	[sflag:s23] =	ssyncadd.s32 $0xFFFFFFFF  }
0xa7: {  	s26 =	simm.s32 $execute0_lowered;
	[smem:$0x3FD2] =	sst s25  }
0xa8: {  	s7 =	sshll.u32 s26, $0x1;
	_ =	strace $0x80000046;
	[dreg:$0x1] =	wrdreg $0xFFFFFFFF  }
0xa9: {  	s28 =	simm.s32 $_size_execute0_lowered;
	s5 =	sadd.s32 s5, s7;
	[dreg:$0x0] =	wrdreg $0x0  }
0xaa: {  	s7 =	sshll.u32 s28, $0x1;
	[dreg:$0x2] =	wrdreg s5  }
0xab: {  	[dreg:$0x3] =	wrdreg s7  }
0xac: {  	[dreg:$0x4] =	wrdreg $0xC0  }
0xad: {  	_ =	task [dreg:s9], $0x5FFFF  }
0xae: {  	[dreg:$0x1] =	wrdreg $0xFFFFFFFF  }
0xaf: {  	[dreg:$0x0] =	wrdreg $0x60  }
0xb0: {  	[dreg:$0x2] =	wrdreg s2  }
0xb1: {  	[dreg:$0x3] =	wrdreg s18  }
0xb2: {  	[dreg:$0x4] =	wrdreg s4  }
0xb3: {  	[dreg:$0x5] =	wrdreg s24  }
0xb4: {  	[dreg:$0x6] =	wrdreg $0x9  }
0xb5: {  	_ =	task.clear_ibuf [dreg:s9], $0x7FFFF;
	_ =	strace $0x90000046  }
0xb6: {  	s29 =	simm.s32 $0x9;
	_ =	strace $0x80000048  }
0xb7: {  	_ =	swait.ge [sflag:s29], $0x1  }
0xb8: {  	[sflag:s29] =	ssyncadd.s32 $0xFFFFFFFF  }
0xb9: {  	_ =	strace $0x90000048  }
0xba: {  	_ =	sfence  }
0xbb: {  	s30 =	sld [smem:$0x0];
	_ =	sdelay $0x2  }
0xbc: {  	s31 =	sshll.u32 s1, $0xD;
	s1 =	sshrl.u32 s1, $0x2  }
0xbd: {  	s3 =	sand.u32 $0x4000, s31;
	s1 =	sadd.s32 s1, s30  }
0xbe: {  	s0 =	sor.u32 s3, s0;
	s1 =	sshll.u32 s1, $0x11  }
0xbf: {  	s0 =	sor.u32 s1, s0  }
0xc0: {  	s0 =	sadd.s32 $0x8F2B, s0  }
0xc1: {  	[sflag:s0] =	ssyncadd.remote.s32 $0x1  }
0xc2: {  	_ =	sfence.sel $0xFFFF  }
0xc3: {  	[dreg:$0x0] =	wrdreg $0xFFFFFFFF;
	(pc) =	sbr.abs _section_cstart, $3  }
0xc4: {  	[dreg:$0x1] =	wrdreg $0xFFFFFFFF  }
0xc5: {  	_ =	task.clear_ibuf [dreg:s9], $0x2FFFF;
	_ =	strace $0x9FFFFFFF  }
0xc6: {  	(tm) =	ssettm $0x7FFFFFFF  }
0xc7: {  	_ =	shalt  }
tec
execute0_lowered:
.L_overlay_start_1:
0x0: {  	(tag) =	ssettag $0x1  }
0x1: {  	v0 =	vimm.s32 $0x1380  }
0x2: {  	vm14 =	vcmask $0x300;
	vm13 =	vcmask $0x704;
	vm12 =	vcmask $0xB08  }
0x3: {  	vm11 =	vcmask $0xF0C;
	vm10 =	vcmask $0x1310;
	vm9 =	vcmask $0x1714  }
0x4: {  	vm8 =	vcmask $0x1B18;
	vm7 =	vcmask $0x1F1C;
	vm5 =	vcmask $0x2320  }
0x5: {  	vm6 =	vcmask $0x2724;
	vm4 =	vcmask $0x2B28;
	vm3 =	vcmask $0x2F2C  }
0x6: {  	vm2 =	vcmask $0x3330;
	vm1 =	vcmask $0x3734;
	vm0 =	vcmask $0x3B38  }
0x7: {  	v6 =	vimm.s32 $0x3380;
	v7 =	vimm.s32 $0x5380;
	v8 =	vimm.s32 $0x7380  }
0x8: {  	v0 =	vsel vm14, $0x0, v0;
	v6 =	vsel vm14, $0x2000, v6;
	v7 =	vsel vm14, $0x4000, v7  }
0x9: {  	v8 =	vsel vm14, $0x6000, v8;
	v0 =	vsel vm13, $0x80, v0;
	v6 =	vsel vm13, $0x2080, v6  }
0xa: {  	v7 =	vsel vm13, $0x4080, v7;
	v8 =	vsel vm13, $0x6080, v8;
	v0 =	vsel vm12, $0x100, v0  }
0xb: {  	v6 =	vsel vm12, $0x2100, v6;
	v7 =	vsel vm12, $0x4100, v7;
	v8 =	vsel vm12, $0x6100, v8  }
0xc: {  	v0 =	vsel vm11, $0x180, v0;
	v6 =	vsel vm11, $0x2180, v6;
	v7 =	vsel vm11, $0x4180, v7  }
0xd: {  	v8 =	vsel vm11, $0x6180, v8;
	v0 =	vsel vm10, $0x200, v0;
	v6 =	vsel vm10, $0x2200, v6  }
0xe: {  	v7 =	vsel vm10, $0x4200, v7;
	v8 =	vsel vm10, $0x6200, v8;
	v0 =	vsel vm9, $0x280, v0  }
0xf: {  	v6 =	vsel vm9, $0x2280, v6;
	v7 =	vsel vm9, $0x4280, v7;
	v8 =	vsel vm9, $0x6280, v8  }
0x10: {  	s0 =	srdreg.scid;
	v0 =	vsel vm8, $0x300, v0;
	v6 =	vsel vm8, $0x2300, v6;
	v7 =	vsel vm8, $0x4300, v7  }
0x11: {  	s2 =	stileid.u32;
	s5 =	rddreg [dreg:$0x0];
	v8 =	vsel vm8, $0x6300, v8;
	v0 =	vsel vm7, $0x380, v0;
	v6 =	vsel vm7, $0x2380, v6  }
0x12: {  	s3 =	rddreg [dreg:$0x3];
	s1 =	sand.u32 $0x1, s0;
	s24 =	sshll.u32 s2, $0x1;
	v7 =	vsel vm7, $0x4380, v7;
	v8 =	vsel vm7, $0x6380, v8;
	v0 =	vsel vm5, $0x1000, v0  }
0x13: {  	s7 =	simm.s32 $0x0;
	s15 =	simm.s32 $0x1000;
	s0 =	sor.u32 s1, s24;
	v6 =	vsel vm5, $0x3000, v6;
	v7 =	vsel vm5, $0x5000, v7;
	v8 =	vsel vm5, $0x7000, v8  }
0x14: {  	s17 =	simm.s32 $0x7A1400;
	s18 =	simm.s32 $0x9100;
	s19 =	simm.s32 $0x11100;
	v1 =	vsel vm6, $0x1080, v0;
	v0 =	vmov s0;
	v6 =	vsel vm6, $0x3080, v6  }
0x15: {  	s21 =	simm.s32 $0x2;
	s23 =	simm.s32 $0x19100;
	s2 =	rddreg [dreg:$0x1];
	v7 =	vsel vm6, $0x5080, v7;
	v8 =	vsel vm6, $0x7080, v8;
	v2 =	vsel vm4, $0x1100, v1  }
0x16: {  	[smem:$0x7FF] =	sst s7;
	s28 =	sadd.s32 $0x200, s5;
	s29 =	sadd.s32 $0x400, s5;
	v1 =	vimm.s32 $0x4000;
	v6 =	vsel vm4, $0x3100, v6;
	v7 =	vsel vm4, $0x5100, v7  }
0x17: {  	s22 =	simm.s32 $0x3;
	_ =	strace $0x80000047;
	[dreg:$0x8] =	wrdreg s28;
	v8 =	vsel vm4, $0x7100, v8;
	v3 =	vsel vm3, $0x1180, v2;
	v2 =	vimm.s32 $0x7FFFFFFF  }
0x18: {  	s6 =	sadd.s32 $0x1000, s3;
	s30 =	sadd.s32 $0x600, s5;
	[dreg:$0x9] =	wrdreg s29;
	v6 =	vsel vm3, $0x3180, v6;
	v7 =	vsel vm3, $0x5180, v7;
	v8 =	vsel vm3, $0x7180, v8  }
0x19: {  	s5 =	simm.s32 $0x4;
	s1 =	ssub.s32 $0x2, s1;
	[dreg:$0xa] =	wrdreg s30;
	v4 =	vsel vm2, $0x1200, v3;
	v3 =	vlaneseq.u32;
	v6 =	vsel vm2, $0x3200, v6  }
.Ltmp0:
0x1a: {  	s4 =	sshll.u32 s0, $0x9;
	s31 =	ssub.s32 $0x7A1, s0;
	v5 =	vsel vm1, $0x1280, v4;
	v4 =	vmul.u32 $0x8000, v3;
	v9 =	vsel vm1, $0x3280, v6;
	(pc) =	sbr.rel .LBB2_1-.Ltmp0, $4  }
0x1b: {  	s25 =	sshrl.u32 s1, $0x1;
	s4 =	sadd.s32 s2, s4;
	[dreg:$0xb] =	wrdreg s31;
	v6 =	vsel vm2, $0x5200, v7;
	v7 =	vsel vm2, $0x7200, v8;
	v5 =	vsel vm0, $0x1300, v5  }
0x1c: {  	s1 =	ssub.s32 s1, s25;
	[dreg:$0x6] =	wrdreg s4;
	s26 =	sadd.s32 $0x4000, s4;
	v8 =	vsel vm1, $0x5280, v6;
	v10 =	vsel vm1, $0x7280, v7;
	v6 =	vmul.u32 $0x80, v3  }
0x1d: {  	s12 =	sor.u32 $0x40, s0;
	s1 =	smax.u32 s1, $0x1;
	[dreg:$0x7] =	wrdreg s26;
	v7 =	vsel vm0, $0x3300, v9;
	v8 =	vsel vm0, $0x5300, v8;
	v9 =	vsel vm0, $0x7300, v10  }
0x1e: {  	s14 =	sor.u32 $0x60, s0;
	p0 =	sne.s32 s0, $0x1;
	[dreg:$0xc] =	wrdreg s1;
	v10 =	vor.u32 $0x800, v6;
	v11 =	vor.u32 $0x1000, v6;
	v12 =	vor.u32 $0x1800, v6  }
.LBB2_63:
0x1f: {  	s0 =	simm.s32 $0x10;
	s1 =	simm.s32 $0x1F100;
	s3 =	simm.s32 $0x1B100  }
0x20: {  	[hbm4b:s6+s0] =	stream.indirect.scatter [tilespmem:s3], [sflag:$0x1], $0x80, s1, s0, $0xb8;
	[tilespmem:$0x1F500] =	vst v63  }
0x21: {  	s5 =	simm.s32 $0x1F180;
	s7 =	simm.s32 $0x1B900  }
0x22: {  	[hbm4b:s6+s0] =	stream.indirect.scatter [tilespmem:s7], [sflag:$0x1], $0x80, s5, s0, $0xb8;
	[tilespmem:$0x1F500] =	vst v63  }
0x23: {  	s8 =	simm.s32 $0x1F200;
	s9 =	simm.s32 $0x1C100  }
0x24: {  	[hbm4b:s6+s0] =	stream.indirect.scatter [tilespmem:s9], [sflag:$0x1], $0x80, s8, s0, $0xb8;
	[tilespmem:$0x1F500] =	vst v63  }
0x25: {  	s10 =	simm.s32 $0x1F280;
	s11 =	simm.s32 $0x1C900  }
0x26: {  	[hbm4b:s6+s0] =	stream.indirect.scatter [tilespmem:s11], [sflag:$0x1], $0x80, s10, s0, $0xb8;
	[tilespmem:$0x1F500] =	vst v63  }
0x27: {  	s13 =	simm.s32 $0x1F300;
	s16 =	simm.s32 $0x1D100  }
0x28: {  	[hbm4b:s6+s0] =	stream.indirect.scatter [tilespmem:s16], [sflag:$0x1], $0x80, s13, s0, $0xb8;
	[tilespmem:$0x1F500] =	vst v63  }
0x29: {  	s20 =	simm.s32 $0x1F380;
	s24 =	simm.s32 $0x1D900  }
0x2a: {  	[hbm4b:s6+s0] =	stream.indirect.scatter [tilespmem:s24], [sflag:$0x1], $0x80, s20, s0, $0xb8;
	[tilespmem:$0x1F500] =	vst v63  }
0x2b: {  	s25 =	simm.s32 $0x1F400;
	s26 =	simm.s32 $0x1E100  }
0x2c: {  	[hbm4b:s6+s0] =	stream.indirect.scatter [tilespmem:s26], [sflag:$0x1], $0x80, s25, s0, $0xb8;
	[tilespmem:$0x1F500] =	vst v63  }
0x2d: {  	s28 =	simm.s32 $0x1F480;
	s29 =	simm.s32 $0x1E900;
	s30 =	simm.s32 $0x1  }
0x2e: {  	[hbm4b:s6+s0] =	stream.indirect.scatter [tilespmem:s29], [sflag:$0x1], $0x80, s28, s0, $0xb8;
	[tilespmem:$0x1F500] =	vst v63  }
0x2f: {  	_ =	swait.ge [sflag:s30], $0x800  }
0x30: {  	[sflag:s30] =	ssyncset.done $0x0  }
0x31: {  	[sflag:s30] =	ssyncadd.s32 $0xFFFFF800  }
0x32: {  	_ =	swait.ge [sflag:s30], $0x800  }
0x33: {  	[sflag:s30] =	ssyncset.done $0x0  }
0x34: {  	[sflag:s30] =	ssyncadd.s32 $0xFFFFF800  }
0x35: {  	_ =	swait.ge [sflag:s30], $0x800  }
0x36: {  	[sflag:s30] =	ssyncset.done $0x0  }
0x37: {  	[sflag:s30] =	ssyncadd.s32 $0xFFFFF800  }
0x38: {  	_ =	swait.ge [sflag:s30], $0x800  }
0x39: {  	[sflag:s30] =	ssyncset.done $0x0  }
0x3a: {  	[sflag:s30] =	ssyncadd.s32 $0xFFFFF800  }
0x3b: {  	_ =	swait.ge [sflag:s30], $0x800  }
0x3c: {  	[sflag:s30] =	ssyncset.done $0x0  }
0x3d: {  	[sflag:s30] =	ssyncadd.s32 $0xFFFFF800  }
0x3e: {  	_ =	swait.ge [sflag:s30], $0x800  }
0x3f: {  	[sflag:s30] =	ssyncset.done $0x0  }
0x40: {  	[sflag:s30] =	ssyncadd.s32 $0xFFFFF800  }
0x41: {  	_ =	swait.ge [sflag:s30], $0x800  }
0x42: {  	[sflag:s30] =	ssyncset.done $0x0  }
0x43: {  	[sflag:s30] =	ssyncadd.s32 $0xFFFFF800  }
0x44: {  	_ =	swait.ge [sflag:s30], $0x800  }
0x45: {  	[sflag:s30] =	ssyncset.done $0x0  }
0x46: {  	[sflag:s30] =	ssyncadd.s32 $0xFFFFF800  }
0x47: {  	s7 =	rddreg [dreg:$0x5];
	[tilespmem:$0x1F100] =	vst v1  }
0x48: {  	s31 =	rddreg [dreg:$0xc];
	s7 =	sadd.s32 $0x1, s7;
	[tilespmem:$0x1F180] =	vst v1  }
0x49: {  	[tilespmem:$0x1F200] =	vst v1;
	p1 =	sne.s32 s7, s31  }
.Ltmp1:
0x4a: {  	[tilespmem:$0x1F280] =	vst v1;
	(pc) =	sbr.rel @!p1 .LBB2_64-.Ltmp1, $4  }
0x4b: {  	[tilespmem:$0x1F300] =	vst v1  }
0x4c: {  	[tilespmem:$0x1F380] =	vst v1  }
0x4d: {  	[tilespmem:$0x1F400] =	vst v1  }
0x4e: {  	s5 =	simm.s32 $0x4;
	[tilespmem:$0x1F480] =	vst v1  }
.LBB2_1:
0x4f: {  	s0 =	rddreg [dreg:$0x6]  }
0x50: {  	[tilespmem:s18], [sflag:$0x2] =	stream.strided.gather [hbm4b:s0+s15], $0x8000, s17, s15, $0x38;
	[tilespmem:$0x1F500] =	vst v63  }
0x51: {  	s31 =	rddreg [dreg:$0x7]  }
0x52: {  	[tilespmem:s19], [sflag:$0x3] =	stream.strided.gather [hbm4b:s31+s15], $0x8000, s17, s15, $0x38;
	[tilespmem:$0x1F500] =	vst v63  }
0x53: {  	[tilespmem:$0x1F100] =	vst v1  }
0x54: {  	[tilespmem:$0x1F180] =	vst v1  }
0x55: {  	[tilespmem:$0x1F200] =	vst v1  }
0x56: {  	[tilespmem:$0x1F280] =	vst v1  }
0x57: {  	[tilespmem:$0x1F300] =	vst v1  }
0x58: {  	[tilespmem:$0x1F380] =	vst v1  }
0x59: {  	[tilespmem:$0x1F400] =	vst v1  }
0x5a: {  	s1 =	simm.s32 $0x0;
	s0 =	simm.s32 $0x40;
	[tilespmem:$0x1F480] =	vst v1  }
.LBB2_2:
0x5b: {  	p1 =	sne.s32 s0, $0x10000;
	[tilespmem:s1+$0x1000] =	vst v2;
	s1 =	smov.u32 s0;
	s0 =	sadd.s32 $0x40, s0  }
.Ltmp2:
0x5c: {  	(pc) =	sbr.rel @p1 .LBB2_2-.Ltmp2, $2  }
0x5d: {  	_ =	sdelay $0x2  }
0x5e: {  	s1 =	sshra.s32 s1, $0x2  }
0x5f: {  	[tilespmem:s1+$0x1000] =	vst v2;
	s1 =	simm.s32 $0x0;
	s0 =	rddreg [dreg:$0x0]  }
0x60: {  	[tilespmem:s1], [sflag:$0x4] =	stream.linear.gather [hbm4b:s0+s1], $0x1000, $0x38;
	[tilespmem:$0x1F500] =	vst v63  }
0x61: {  	_ =	swait.ge [sflag:s5], $0x1000  }
0x62: {  	[sflag:s5] =	ssyncset.done $0x0  }
0x63: {  	[sflag:s5] =	ssyncadd.s32 $0xFFFFF000  }
0x64: {  	v13 =	vld [tilespmem:s1+$0x0];
	_ =	sdelay $0x4  }
0x65: {  	v14 =	vshrl.u32 v13, $0x9  }
0x66: {  	v14 =	vand.u32 $0x1F, v14  }
0x67: {  	vm0 =	veq.s32 v14, v0  }
0x68: {  	v14 =	vmpcnt.ones.xlane vm0  }
0x69: {  	v15 =	vmov s1  }
0x6a: {  	v15 =	vshll.u32 v15, $0xF;
	(v2sf) =	vpush v14, $0x0  }
0x6b: {  	v15 =	vor.u32 v4, v15;
	v14 =	vshra.s32 v13, $0x5;
	v13 =	vand.u32 $0x1FF, v13  }
0x6c: {  	v14 =	vand.u32 $0xFFFFFE00, v14;
	v13 =	vor.u32 v15, v13  }
0x6d: {  	v13 =	vor.u32 v14, v13  }
0x6e: {  	s0 =	simm.s32 $0x10;
	[tilespmem:s1+$0x1000] =	vst.msk vm0, v13  }
0x6f: {  	v13 =	vld [tilespmem:s0+$0x0];
	_ =	sdelay $0x4  }
0x70: {  	v14 =	vshrl.u32 v13, $0x9  }
0x71: {  	v15 =	vmov s0;
	v14 =	vand.u32 $0x1F, v14  }
0x72: {  	v15 =	vshll.u32 v15, $0xF;
	v16 =	vshra.s32 v13, $0x5;
	vm0 =	veq.s32 v14, v0  }
0x73: {  	v13 =	vand.u32 $0x1FF, v13;
	v14 =	vor.u32 v4, v15;
	v15 =	vmpcnt.ones.xlane vm0  }
0x74: {  	v13 =	vor.u32 v14, v13;
	v14 =	vand.u32 $0xFFFFFE00, v16  }
0x75: {  	s3 =	simm.s32 $0x20;
	v13 =	vor.u32 v14, v13;
	(v2sf) =	vpush v15, $0x0;
	s4 =	spop (v2sf)  }
.LBB2_4:
0x76: {  	p1 =	sne.s32 s3, $0xFF0  }
0x77: {  	s1 =	sadd.s32 s1, s4;
	s4 =	smov.u32 s3;
	s3 =	sadd.s32 $0x10, s3  }
0x78: {  	s0 =	sadd.s32 $0x10, s0;
	[tilespmem:s1+$0x1000] =	vst.msk vm0, v13  }
0x79: {  	v13 =	vld [tilespmem:s0+$0x0];
	_ =	sdelay $0x2  }
0x7a: {  	v14 =	vmov s4  }
0x7b: {  	v14 =	vshll.u32 v14, $0xF  }
0x7c: {  	v15 =	vshrl.u32 v13, $0x9;
	v16 =	vshra.s32 v13, $0x5;
	v13 =	vand.u32 $0x1FF, v13  }
0x7d: {  	v14 =	vor.u32 v4, v14;
	v15 =	vand.u32 $0x1F, v15;
	v16 =	vand.u32 $0xFFFFFE00, v16  }
.Ltmp3:
0x7e: {  	v13 =	vor.u32 v14, v13;
	vm0 =	veq.s32 v15, v0;
	(pc) =	sbr.rel @p1 .LBB2_4-.Ltmp3, $3  }
0x7f: {  	v13 =	vor.u32 v16, v13;
	v14 =	vmpcnt.ones.xlane vm0;
	_ =	sdelay $0x1  }
0x80: {  	(v2sf) =	vpush v14, $0x0  }
0x81: {  	s4 =	spop (v2sf)  }
0x82: {  	_ =	sdelay $0x9  }
0x83: {  	s0 =	sadd.s32 s1, s4  }
0x84: {  	s3 =	simm.s32 $0x0;
	s29 =	rddreg [dreg:$0x8];
	[tilespmem:s0+$0x1000] =	vst.msk vm0, v13  }
0x85: {  	[tilespmem:s3], [sflag:$0x4] =	stream.linear.gather [hbm4b:s29+s3], $0x1000, $0x38;
	[tilespmem:$0x1F500] =	vst v63  }
0x86: {  	s28 =	spop (v2sf)  }
0x87: {  	_ =	swait.ge [sflag:s5], $0x1000  }
0x88: {  	[sflag:s5] =	ssyncset.done $0x0  }
0x89: {  	[sflag:s5] =	ssyncadd.s32 $0xFFFFF000  }
0x8a: {  	v13 =	vld [tilespmem:s3+$0x0];
	_ =	sdelay $0x4  }
0x8b: {  	v14 =	vshrl.u32 v13, $0x9  }
0x8c: {  	v14 =	vand.u32 $0x1F, v14  }
0x8d: {  	vm0 =	veq.s32 v14, v0  }
0x8e: {  	s30 =	simm.s32 $0x1000;
	v14 =	vmpcnt.ones.xlane vm0  }
0x8f: {  	v15 =	vmov s30  }
0x90: {  	v15 =	vshll.u32 v15, $0xF;
	(v2sf) =	vpush v14, $0x0  }
0x91: {  	v15 =	vor.u32 v4, v15;
	v14 =	vshra.s32 v13, $0x5;
	v13 =	vand.u32 $0x1FF, v13  }
0x92: {  	v14 =	vand.u32 $0xFFFFFE00, v14;
	v13 =	vor.u32 v15, v13  }
0x93: {  	s1 =	sadd.s32 s0, s28;
	v13 =	vor.u32 v14, v13  }
0x94: {  	s0 =	simm.s32 $0x10;
	[tilespmem:s1+$0x1000] =	vst.msk vm0, v13  }
0x95: {  	v13 =	vld [tilespmem:s0+$0x0];
	_ =	sdelay $0x4  }
0x96: {  	s31 =	simm.s32 $0x1010;
	v14 =	vshrl.u32 v13, $0x9  }
0x97: {  	v15 =	vmov s31;
	v14 =	vand.u32 $0x1F, v14  }
0x98: {  	v15 =	vshll.u32 v15, $0xF;
	v16 =	vshra.s32 v13, $0x5;
	vm0 =	veq.s32 v14, v0  }
0x99: {  	v13 =	vand.u32 $0x1FF, v13;
	v14 =	vor.u32 v4, v15;
	v15 =	vmpcnt.ones.xlane vm0  }
0x9a: {  	v13 =	vor.u32 v14, v13;
	v14 =	vand.u32 $0xFFFFFE00, v16  }
0x9b: {  	s3 =	simm.s32 $0x1020;
	v13 =	vor.u32 v14, v13;
	(v2sf) =	vpush v15, $0x0;
	s4 =	spop (v2sf)  }
.LBB2_6:
0x9c: {  	p1 =	sne.s32 s3, $0x1FF0  }
0x9d: {  	s1 =	sadd.s32 s1, s4;
	s4 =	smov.u32 s3;
	s3 =	sadd.s32 $0x10, s3  }
0x9e: {  	s0 =	sadd.s32 $0x10, s0;
	[tilespmem:s1+$0x1000] =	vst.msk vm0, v13  }
0x9f: {  	v13 =	vld [tilespmem:s0+$0x0];
	_ =	sdelay $0x2  }
0xa0: {  	v14 =	vmov s4  }
0xa1: {  	v14 =	vshll.u32 v14, $0xF  }
0xa2: {  	v15 =	vshrl.u32 v13, $0x9;
	v16 =	vshra.s32 v13, $0x5;
	v13 =	vand.u32 $0x1FF, v13  }
0xa3: {  	v14 =	vor.u32 v4, v14;
	v15 =	vand.u32 $0x1F, v15;
	v16 =	vand.u32 $0xFFFFFE00, v16  }
.Ltmp4:
0xa4: {  	v13 =	vor.u32 v14, v13;
	vm0 =	veq.s32 v15, v0;
	(pc) =	sbr.rel @p1 .LBB2_6-.Ltmp4, $3  }
0xa5: {  	v13 =	vor.u32 v16, v13;
	v14 =	vmpcnt.ones.xlane vm0;
	_ =	sdelay $0x1  }
0xa6: {  	(v2sf) =	vpush v14, $0x0  }
0xa7: {  	s4 =	spop (v2sf)  }
0xa8: {  	_ =	sdelay $0x9  }
0xa9: {  	s0 =	sadd.s32 s1, s4  }
0xaa: {  	s3 =	simm.s32 $0x0;
	s29 =	rddreg [dreg:$0x9];
	[tilespmem:s0+$0x1000] =	vst.msk vm0, v13  }
0xab: {  	[tilespmem:s3], [sflag:$0x4] =	stream.linear.gather [hbm4b:s29+s3], $0x1000, $0x38;
	[tilespmem:$0x1F500] =	vst v63  }
0xac: {  	s28 =	spop (v2sf)  }
0xad: {  	_ =	swait.ge [sflag:s5], $0x1000  }
0xae: {  	[sflag:s5] =	ssyncset.done $0x0  }
0xaf: {  	[sflag:s5] =	ssyncadd.s32 $0xFFFFF000  }
0xb0: {  	v13 =	vld [tilespmem:s3+$0x0];
	_ =	sdelay $0x4  }
0xb1: {  	v14 =	vshrl.u32 v13, $0x9  }
0xb2: {  	v14 =	vand.u32 $0x1F, v14  }
0xb3: {  	vm0 =	veq.s32 v14, v0  }
0xb4: {  	s30 =	simm.s32 $0x2000;
	v14 =	vmpcnt.ones.xlane vm0  }
0xb5: {  	v15 =	vmov s30  }
0xb6: {  	v15 =	vshll.u32 v15, $0xF;
	(v2sf) =	vpush v14, $0x0  }
0xb7: {  	v15 =	vor.u32 v4, v15;
	v14 =	vshra.s32 v13, $0x5;
	v13 =	vand.u32 $0x1FF, v13  }
0xb8: {  	v14 =	vand.u32 $0xFFFFFE00, v14;
	v13 =	vor.u32 v15, v13  }
0xb9: {  	s1 =	sadd.s32 s0, s28;
	v13 =	vor.u32 v14, v13  }
0xba: {  	s0 =	simm.s32 $0x10;
	[tilespmem:s1+$0x1000] =	vst.msk vm0, v13  }
0xbb: {  	v13 =	vld [tilespmem:s0+$0x0];
	_ =	sdelay $0x4  }
0xbc: {  	s31 =	simm.s32 $0x2010;
	v14 =	vshrl.u32 v13, $0x9  }
0xbd: {  	v15 =	vmov s31;
	v14 =	vand.u32 $0x1F, v14  }
0xbe: {  	v15 =	vshll.u32 v15, $0xF;
	v16 =	vshra.s32 v13, $0x5;
	vm0 =	veq.s32 v14, v0  }
0xbf: {  	v13 =	vand.u32 $0x1FF, v13;
	v14 =	vor.u32 v4, v15;
	v15 =	vmpcnt.ones.xlane vm0  }
0xc0: {  	v13 =	vor.u32 v14, v13;
	v14 =	vand.u32 $0xFFFFFE00, v16  }
0xc1: {  	s3 =	simm.s32 $0x2020;
	v13 =	vor.u32 v14, v13;
	(v2sf) =	vpush v15, $0x0;
	s4 =	spop (v2sf)  }
.LBB2_8:
0xc2: {  	p1 =	sne.s32 s3, $0x2FF0  }
0xc3: {  	s1 =	sadd.s32 s1, s4;
	s4 =	smov.u32 s3;
	s3 =	sadd.s32 $0x10, s3  }
0xc4: {  	s0 =	sadd.s32 $0x10, s0;
	[tilespmem:s1+$0x1000] =	vst.msk vm0, v13  }
0xc5: {  	v13 =	vld [tilespmem:s0+$0x0];
	_ =	sdelay $0x2  }
0xc6: {  	v14 =	vmov s4  }
0xc7: {  	v14 =	vshll.u32 v14, $0xF  }
0xc8: {  	v15 =	vshrl.u32 v13, $0x9;
	v16 =	vshra.s32 v13, $0x5;
	v13 =	vand.u32 $0x1FF, v13  }
0xc9: {  	v14 =	vor.u32 v4, v14;
	v15 =	vand.u32 $0x1F, v15;
	v16 =	vand.u32 $0xFFFFFE00, v16  }
.Ltmp5:
0xca: {  	v13 =	vor.u32 v14, v13;
	vm0 =	veq.s32 v15, v0;
	(pc) =	sbr.rel @p1 .LBB2_8-.Ltmp5, $3  }
0xcb: {  	v13 =	vor.u32 v16, v13;
	v14 =	vmpcnt.ones.xlane vm0;
	_ =	sdelay $0x1  }
0xcc: {  	(v2sf) =	vpush v14, $0x0  }
0xcd: {  	s4 =	spop (v2sf)  }
0xce: {  	_ =	sdelay $0x9  }
0xcf: {  	s0 =	sadd.s32 s1, s4  }
0xd0: {  	s3 =	simm.s32 $0x0;
	s29 =	rddreg [dreg:$0xa];
	[tilespmem:s0+$0x1000] =	vst.msk vm0, v13  }
0xd1: {  	[tilespmem:s3], [sflag:$0x4] =	stream.linear.gather [hbm4b:s29+s3], $0x1000, $0x38;
	[tilespmem:$0x1F500] =	vst v63  }
0xd2: {  	[dreg:$0x5] =	wrdreg s7;
	s28 =	spop (v2sf)  }
0xd3: {  	_ =	swait.ge [sflag:s5], $0x1000  }
0xd4: {  	[sflag:s5] =	ssyncset.done $0x0  }
0xd5: {  	[sflag:s5] =	ssyncadd.s32 $0xFFFFF000  }
0xd6: {  	v13 =	vld [tilespmem:s3+$0x0];
	_ =	sdelay $0x4  }
0xd7: {  	v14 =	vshrl.u32 v13, $0x9  }
0xd8: {  	v14 =	vand.u32 $0x1F, v14  }
0xd9: {  	vm0 =	veq.s32 v14, v0  }
0xda: {  	s30 =	simm.s32 $0x3000;
	v14 =	vmpcnt.ones.xlane vm0  }
0xdb: {  	v15 =	vmov s30  }
0xdc: {  	v15 =	vshll.u32 v15, $0xF;
	(v2sf) =	vpush v14, $0x0  }
0xdd: {  	v15 =	vor.u32 v4, v15;
	v14 =	vshra.s32 v13, $0x5;
	v13 =	vand.u32 $0x1FF, v13  }
0xde: {  	v14 =	vand.u32 $0xFFFFFE00, v14;
	v13 =	vor.u32 v15, v13  }
0xdf: {  	s1 =	sadd.s32 s0, s28;
	v13 =	vor.u32 v14, v13  }
0xe0: {  	s0 =	simm.s32 $0x10;
	[tilespmem:s1+$0x1000] =	vst.msk vm0, v13  }
0xe1: {  	v13 =	vld [tilespmem:s0+$0x0];
	_ =	sdelay $0x4  }
0xe2: {  	s31 =	simm.s32 $0x3010;
	v14 =	vshrl.u32 v13, $0x9  }
0xe3: {  	v15 =	vmov s31;
	v14 =	vand.u32 $0x1F, v14  }
0xe4: {  	v15 =	vshll.u32 v15, $0xF;
	v16 =	vshra.s32 v13, $0x5;
	vm0 =	veq.s32 v14, v0  }
0xe5: {  	v13 =	vand.u32 $0x1FF, v13;
	v14 =	vor.u32 v4, v15;
	v15 =	vmpcnt.ones.xlane vm0  }
0xe6: {  	v13 =	vor.u32 v14, v13;
	v14 =	vand.u32 $0xFFFFFE00, v16  }
0xe7: {  	s3 =	simm.s32 $0x3020;
	v13 =	vor.u32 v14, v13;
	(v2sf) =	vpush v15, $0x0;
	s4 =	spop (v2sf)  }
.LBB2_10:
0xe8: {  	p1 =	sne.s32 s3, $0x3FF0  }
0xe9: {  	s1 =	sadd.s32 s1, s4;
	s4 =	smov.u32 s3;
	s3 =	sadd.s32 $0x10, s3  }
0xea: {  	s0 =	sadd.s32 $0x10, s0;
	[tilespmem:s1+$0x1000] =	vst.msk vm0, v13  }
0xeb: {  	v13 =	vld [tilespmem:s0+$0x0];
	_ =	sdelay $0x2  }
0xec: {  	v14 =	vmov s4  }
0xed: {  	v14 =	vshll.u32 v14, $0xF  }
0xee: {  	v15 =	vshrl.u32 v13, $0x9;
	v16 =	vshra.s32 v13, $0x5;
	v13 =	vand.u32 $0x1FF, v13  }
0xef: {  	v14 =	vor.u32 v4, v14;
	v15 =	vand.u32 $0x1F, v15;
	v16 =	vand.u32 $0xFFFFFE00, v16  }
.Ltmp6:
0xf0: {  	v13 =	vor.u32 v14, v13;
	vm0 =	veq.s32 v15, v0;
	(pc) =	sbr.rel @p1 .LBB2_10-.Ltmp6, $3  }
0xf1: {  	v13 =	vor.u32 v16, v13;
	v14 =	vmpcnt.ones.xlane vm0;
	_ =	sdelay $0x1  }
0xf2: {  	(v2sf) =	vpush v14, $0x0  }
0xf3: {  	s4 =	spop (v2sf)  }
0xf4: {  	_ =	sdelay $0xc  }
.Ltmp7:
0xf5: {  	s0 =	sadd.s32 s1, s4;
	s31 =	spop (v2sf);
	(pc) =	sbr.rel .LBB2_12-.Ltmp7, $4  }
0xf6: {  	s1 =	sadd.s32 s0, s31  }
0xf7: {  	s1 =	sadd.s32 $0xF, s1  }
0xf8: {  	s25 =	sshra.s32 s1, $0x4  }
0xf9: {  	s3 =	simm.s32 $0x0;
	s26 =	simm.s32 $0x0;
	[tilespmem:s0+$0x1000] =	vst.msk vm0, v13;
	p1 =	slt.s32 s25, $0x1  }
.LBB2_46:
0xfa: {  	s26 =	sadd.s32 $0x1, s26  }
0xfb: {  	p2 =	sne.s32 s26, $0x1F  }
.Ltmp8:
0xfc: {  	s0 =	sadd.s32 s14, s29;
	(pc) =	sbr.rel @!p2 .LBB2_47-.Ltmp8, $4  }
0xfd: {  	s0 =	sshll.u32 s0, $0x9  }
0xfe: {  	s0 =	smin.u32 s0, $0xF4000  }
0xff: {  	s0 =	sadd.s32 s2, s0  }
0x100: {  	[tilespmem:s19], [sflag:$0x3] =	stream.strided.gather [hbm4b:s0+s15], $0x8000, s17, s15, $0x38;
	[tilespmem:$0x1F500] =	vst v63  }
.LBB2_12:
.Ltmp9:
0x101: {  	(pc) =	sbr.rel @p1 .LBB2_19-.Ltmp9, $2  }
0x102: {  	_ =	sdelay $0x2  }
0x103: {  	s28 =	sshll.u32 s26, $0x1;
	p2 =	sne.s32 s25, $0x1;
	s4 =	simm.s32 $0x0  }
.Ltmp10:
0x104: {  	(pc) =	sbr.rel @!p2 .LBB2_14-.Ltmp10, $3  }
0x105: {  	_ =	sdelay $0x1  }
0x106: {  	s0 =	simm.s32 $0x1000  }
0x107: {  	v13 =	vmov s28;
	s1 =	simm.s32 $0x0;
	p3 =	por $0x0, $0x0;
	v14 =	vld [tilespmem:s0+$0x0];
	s0 =	sadd.s32 $0xFFFFFFFF, s25  }
0x108: {  	_ =	sdelay $0x3  }
0x109: {  	v15 =	vshrl.u32 v14, $0x9  }
0x10a: {  	v15 =	vand.u32 $0x3F, v15  }
0x10b: {  	vm0 =	veq.s32 v15, v13  }
0x10c: {  	v15 =	vmpcnt.ones.xlane vm0;
	_ =	sdelay $0x1  }
0x10d: {  	(v2sf) =	vpush v15, $0x0  }
0x10e: {  	p4 =	sne.s32 s0, $0x1  }
.Ltmp11:
0x10f: {  	_ = 	snop;
	(pc) =	sbr.rel @!p4 .LBB2_16-.Ltmp11, $3  }
0x110: {  	_ =	sdelay $0x1  }
0x111: {  	s4 =	simm.s32 $0x1010;
	[tilespmem:s1+$0x5080] =	vst.msk vm0, v14  }
0x112: {  	s5 =	sadd.s32 $0xFFFFFFFF, s0;
	p3 =	por $0x1, $0x1;
	s0 =	simm.s32 $0x0;
	v14 =	vld [tilespmem:s4+$0x0]  }
.LBB2_17:
0x113: {  	p4 =	sne.s32 s5, $0x1;
	_ =	sdelay $0x3  }
0x114: {  	v15 =	vshrl.u32 v14, $0x9  }
0x115: {  	v15 =	vand.u32 $0x3F, v15  }
0x116: {  	vm0 =	veq.s32 v15, v13  }
0x117: {  	v15 =	vmpcnt.ones.xlane vm0  }
0x118: {  	s7 =	spop (v2sf)  }
0x119: {  	(v2sf) =	vpush v15, $0x0;
	s0 =	sadd.s32 s0, s7  }
0x11a: {  	[tilespmem:s0+$0x5080] =	vst.msk vm0, v14  }
.Ltmp12:
0x11b: {  	(pc) =	sbr.rel @p4 .LBB2_17-.Ltmp12, $3  }
0x11c: {  	_ =	sdelay $0x1  }
0x11d: {  	s4 =	sadd.s32 $0x10, s4  }
0x11e: {  	s5 =	sadd.s32 $0xFFFFFFFF, s5;
	v14 =	vld [tilespmem:s4+$0x0]  }
.LBB2_18:
0x11f: {  	_ =	sdelay $0x3  }
0x120: {  	v15 =	vshrl.u32 v14, $0x9  }
0x121: {  	v15 =	vand.u32 $0x3F, v15  }
0x122: {  	vm0 =	veq.s32 v15, v13  }
0x123: {  	v13 =	vmpcnt.ones.xlane vm0;
	_ =	sdelay $0x1  }
0x124: {  	(v2sf) =	vpush v13, $0x0;
	_ =	sdelay $0xc  }
0x125: {  	s4 =	spop @p3 (v2sf)  }
0x126: {  	s0 =	sadd.s32 @p3 s0, s4  }
0x127: {  	s1 =	smov.u32 @p3 s0;
	s31 =	spop (v2sf)  }
0x128: {  	[tilespmem:s1+$0x5080] =	vst.msk vm0, v14;
	s4 =	sadd.s32 s1, s31  }
.LBB2_19:
0x129: {  	s0 =	sadd.s32 $0xF, s4  }
0x12a: {  	s30 =	sshra.s32 s0, $0x4  }
0x12b: {  	p3 =	slt.s32 s30, $0x1  }
.Ltmp13:
0x12c: {  	_ = 	snop;
	(pc) =	sbr.rel @!p3 .LBB2_20-.Ltmp13, $4  }
0x12d: {  	_ = 	snop  }
0x12e: {  	_ =	swait.ge [sflag:s21], $0x8000  }
0x12f: {  	[sflag:s21] =	ssyncset.done $0x0  }
0x130: {  	s31 =	simm.s32 $0x0;
	s29 =	smov.u32 s4;
	[sflag:s21] =	ssyncadd.s32 $0xFFFF8000  }
.LBB2_29:
0x131: {  	s29 =	sshll.u32 s26, $0x6  }
.Ltmp14:
0x132: {  	s0 =	sadd.s32 s12, s29;
	(pc) =	sbr.rel @p1 .LBB2_36-.Ltmp14, $4  }
0x133: {  	s0 =	sshll.u32 s0, $0x9  }
0x134: {  	s0 =	smin.u32 s0, $0xF4000  }
0x135: {  	s30 =	simm.s32 $0x0;
	s31 =	simm.s32 $0x0;
	s0 =	sadd.s32 s2, s0  }
0x136: {  	[tilespmem:s18], [sflag:$0x2] =	stream.strided.gather [hbm4b:s0+s15], $0x8000, s17, s15, $0x38;
	[tilespmem:$0x1F500] =	vst v63  }
.Ltmp15:
0x137: {  	s0 =	sor.u32 $0x1, s28;
	(pc) =	sbr.rel @!p2 .LBB2_31-.Ltmp15, $4  }
0x138: {  	s4 =	rddreg [dreg:$0xb];
	s1 =	sshll.u32 s0, $0x5  }
0x139: {  	p3 =	slt.u32 s1, s4  }
0x13a: {  	s31 =	simm.s32 $0x1000;
	s0 =	simm.s32 @!p3 $0x3E  }
0x13b: {  	v14 =	vld [tilespmem:s31+$0x0];
	s1 =	simm.s32 $0x0;
	p3 =	por $0x0, $0x0;
	v13 =	vmov s0;
	s0 =	sadd.s32 $0xFFFFFFFF, s25  }
0x13c: {  	_ =	sdelay $0x3  }
0x13d: {  	v15 =	vshrl.u32 v14, $0x9  }
0x13e: {  	v15 =	vand.u32 $0x3F, v15  }
0x13f: {  	vm0 =	veq.s32 v15, v13  }
0x140: {  	v15 =	vmpcnt.ones.xlane vm0;
	_ =	sdelay $0x1  }
0x141: {  	(v2sf) =	vpush v15, $0x0  }
0x142: {  	p2 =	sne.s32 s0, $0x1  }
.Ltmp16:
0x143: {  	_ = 	snop;
	(pc) =	sbr.rel @!p2 .LBB2_33-.Ltmp16, $3  }
0x144: {  	_ =	sdelay $0x1  }
0x145: {  	s4 =	simm.s32 $0x1010;
	[tilespmem:s1+$0x5080] =	vst.msk vm0, v14  }
0x146: {  	s5 =	sadd.s32 $0xFFFFFFFF, s0;
	p3 =	por $0x1, $0x1;
	s0 =	simm.s32 $0x0;
	v14 =	vld [tilespmem:s4+$0x0]  }
.LBB2_34:
0x147: {  	p2 =	sne.s32 s5, $0x1;
	_ =	sdelay $0x3  }
0x148: {  	v15 =	vshrl.u32 v14, $0x9  }
0x149: {  	v15 =	vand.u32 $0x3F, v15  }
0x14a: {  	vm0 =	veq.s32 v15, v13  }
0x14b: {  	v15 =	vmpcnt.ones.xlane vm0  }
0x14c: {  	s7 =	spop (v2sf)  }
0x14d: {  	(v2sf) =	vpush v15, $0x0;
	s0 =	sadd.s32 s0, s7  }
0x14e: {  	[tilespmem:s0+$0x5080] =	vst.msk vm0, v14  }
.Ltmp17:
0x14f: {  	(pc) =	sbr.rel @p2 .LBB2_34-.Ltmp17, $3  }
0x150: {  	_ =	sdelay $0x1  }
0x151: {  	s4 =	sadd.s32 $0x10, s4  }
0x152: {  	s5 =	sadd.s32 $0xFFFFFFFF, s5;
	v14 =	vld [tilespmem:s4+$0x0]  }
.LBB2_35:
0x153: {  	_ =	sdelay $0x3  }
0x154: {  	v15 =	vshrl.u32 v14, $0x9  }
0x155: {  	v15 =	vand.u32 $0x3F, v15  }
0x156: {  	vm0 =	veq.s32 v15, v13  }
0x157: {  	v13 =	vmpcnt.ones.xlane vm0;
	_ =	sdelay $0x1  }
0x158: {  	(v2sf) =	vpush v13, $0x0;
	_ =	sdelay $0xc  }
0x159: {  	s4 =	spop @p3 (v2sf)  }
0x15a: {  	s0 =	sadd.s32 @p3 s0, s4  }
0x15b: {  	s1 =	smov.u32 @p3 s0;
	s28 =	spop (v2sf)  }
0x15c: {  	[tilespmem:s1+$0x5080] =	vst.msk vm0, v14;
	s31 =	sadd.s32 s1, s28  }
.LBB2_36:
0x15d: {  	s0 =	sadd.s32 $0xF, s31  }
0x15e: {  	s28 =	sshra.s32 s0, $0x4  }
0x15f: {  	p2 =	slt.s32 s28, $0x1  }
.Ltmp18:
0x160: {  	_ = 	snop;
	(pc) =	sbr.rel @!p2 .LBB2_37-.Ltmp18, $4  }
.Ltmp19:
0x161: {  	_ = 	snop;
	(pc) =	sbr.rel @p2 .LBB2_46-.Ltmp19, $4  }
0x162: {  	_ =	swait.ge [sflag:s22], $0x8000  }
0x163: {  	[sflag:s22] =	ssyncset.done $0x0  }
0x164: {  	s4 =	smov.u32 s31;
	[sflag:s22] =	ssyncadd.s32 $0xFFFF8000  }
0x165: {  	_ = 	snop  }
.LBB2_22:
0x166: {  	s10 =	simm.s32 $0x1;
	s8 =	smov.u32 s24;
	s1 =	smov.u32 s7  }
.LBB2_27:
0x167: {  	_ =	sdelay $0x2  }
0x168: {  	[tilespmem:s5+$0x1F100] =	vst @p3 v16  }
0x169: {  	v13 =	vld.idx.msk [tilespmem:v15+s18+$0x0], $0xffff  }
0x16a: {  	v15 =	vor.u32 v7, v14;
	_ =	sdelay $0x1  }
0x16b: {  	s5 =	sadd.s32 @p3 $0x80, s8  }
0x16c: {  	s24 =	smov.u32 @p3 s5  }
0x16d: {  	[tilespmem:s24+$0xFFFFFFE0] =	vst v13  }
0x16e: {  	v13 =	vld.idx.msk [tilespmem:v15+s18+$0x0], $0xffff  }
0x16f: {  	v15 =	vor.u32 v8, v14;
	_ =	sdelay $0x3  }
0x170: {  	[tilespmem:s24+$0xFFFFFFF0] =	vst v13  }
0x171: {  	v13 =	vld.idx.msk [tilespmem:v15+s18+$0x0], $0xffff  }
0x172: {  	v14 =	vor.u32 v9, v14;
	_ =	sdelay $0x3  }
0x173: {  	[tilespmem:s24+$0x0] =	vst v13  }
0x174: {  	v13 =	vld.idx.msk [tilespmem:v14+s18+$0x0], $0xffff;
	_ =	sdelay $0x2  }
0x175: {  	s1 =	sadd.s32 @p3 $0x8, s1  }
0x176: {  	s7 =	smov.u32 @p3 s1  }
0x177: {  	s1 =	sand.u32 $0xFFFFFF80, s7;
	[tilespmem:s24+$0x10] =	vst v13  }
0x178: {  	v13 =	vld [tilespmem:s1+$0x1F100]  }
0x179: {  	s0 =	sadd.s32 s0, s3  }
0x17a: {  	s0 =	sand.u32 $0xF, s0  }
0x17b: {  	v14 =	vmov s0  }
0x17c: {  	vm0 =	veq.s32 v14, v3;
	s24 =	sshra.s32 s20, $0xF  }
0x17d: {  	v13 =	vsel vm0, s24, v13  }
0x17e: {  	s3 =	sadd.s32 s10, s3;
	[tilespmem:s1+$0x1F100] =	vst v13  }
.LBB2_28:
0x17f: {  	s31 =	sadd.s32 $0x1, s31  }
0x180: {  	p3 =	sne.s32 s31, s30  }
.Ltmp20:
0x181: {  	_ = 	snop;
	(pc) =	sbr.rel @!p3 .LBB2_29-.Ltmp20, $2  }
0x182: {  	_ =	sdelay $0x2  }
0x183: {  	s29 =	sadd.s32 $0xFFFFFFF0, s29  }
.LBB2_20:
0x184: {  	s0 =	sshll.u32 s31, $0x4;
	p3 =	slt.s32 s3, $0x71  }
0x185: {  	s1 =	simm.s32 @!p3 $0x10;
	s5 =	simm.s32 @!p3 $0x1F100;
	s7 =	simm.s32 @!p3 $0x1B100  }
0x186: {  	v13 =	vld [tilespmem:s0+$0x5080];
	[hbm4b:s6+s1] =	stream.indirect.scatter @!p3 [tilespmem:s7], [sflag:$0x1], $0x80, s5, s1, $0xb8  }
0x187: {  	s5 =	simm.s32 @!p3 $0x1F180;
	s7 =	simm.s32 @!p3 $0x1B900  }
0x188: {  	[hbm4b:s6+s1] =	stream.indirect.scatter @!p3 [tilespmem:s7], [sflag:$0x1], $0x80, s5, s1, $0xb8;
	[tilespmem:$0x1F500] =	vst v63  }
0x189: {  	s5 =	simm.s32 @!p3 $0x1F200;
	s7 =	simm.s32 @!p3 $0x1C100  }
0x18a: {  	[hbm4b:s6+s1] =	stream.indirect.scatter @!p3 [tilespmem:s7], [sflag:$0x1], $0x80, s5, s1, $0xb8;
	[tilespmem:$0x1F500] =	vst v63  }
0x18b: {  	s5 =	simm.s32 @!p3 $0x1F280;
	s7 =	simm.s32 @!p3 $0x1C900  }
0x18c: {  	[hbm4b:s6+s1] =	stream.indirect.scatter @!p3 [tilespmem:s7], [sflag:$0x1], $0x80, s5, s1, $0xb8;
	[tilespmem:$0x1F500] =	vst v63  }
0x18d: {  	s5 =	simm.s32 @!p3 $0x1F300;
	s7 =	simm.s32 @!p3 $0x1D100  }
0x18e: {  	[hbm4b:s6+s1] =	stream.indirect.scatter @!p3 [tilespmem:s7], [sflag:$0x1], $0x80, s5, s1, $0xb8;
	[tilespmem:$0x1F500] =	vst v63  }
0x18f: {  	s5 =	simm.s32 @!p3 $0x1F380;
	s7 =	simm.s32 @!p3 $0x1D900  }
0x190: {  	[hbm4b:s6+s1] =	stream.indirect.scatter @!p3 [tilespmem:s7], [sflag:$0x1], $0x80, s5, s1, $0xb8;
	[tilespmem:$0x1F500] =	vst v63  }
0x191: {  	s5 =	simm.s32 @!p3 $0x1F400;
	s7 =	simm.s32 @!p3 $0x1E100  }
0x192: {  	[hbm4b:s6+s1] =	stream.indirect.scatter @!p3 [tilespmem:s7], [sflag:$0x1], $0x80, s5, s1, $0xb8;
	[tilespmem:$0x1F500] =	vst v63  }
0x193: {  	s5 =	simm.s32 @!p3 $0x1F480;
	s7 =	simm.s32 @!p3 $0x1E900  }
0x194: {  	[hbm4b:s6+s1] =	stream.indirect.scatter @!p3 [tilespmem:s7], [sflag:$0x1], $0x80, s5, s1, $0xb8;
	[tilespmem:$0x1F500] =	vst v63  }
0x195: {  	s1 =	simm.s32 @!p3 $0x1  }
0x196: {  	_ =	swait.ge @!p3 [sflag:s1], $0x800  }
0x197: {  	[sflag:s1] =	ssyncset.done @!p3 $0x0  }
0x198: {  	[sflag:s1] =	ssyncadd.s32 @!p3 $0xFFFFF800  }
0x199: {  	_ =	swait.ge @!p3 [sflag:s1], $0x800  }
0x19a: {  	[sflag:s1] =	ssyncset.done @!p3 $0x0  }
0x19b: {  	[sflag:s1] =	ssyncadd.s32 @!p3 $0xFFFFF800  }
0x19c: {  	_ =	swait.ge @!p3 [sflag:s1], $0x800  }
0x19d: {  	[sflag:s1] =	ssyncset.done @!p3 $0x0  }
0x19e: {  	[sflag:s1] =	ssyncadd.s32 @!p3 $0xFFFFF800  }
0x19f: {  	_ =	swait.ge @!p3 [sflag:s1], $0x800  }
0x1a0: {  	[sflag:s1] =	ssyncset.done @!p3 $0x0  }
0x1a1: {  	[sflag:s1] =	ssyncadd.s32 @!p3 $0xFFFFF800  }
0x1a2: {  	_ =	swait.ge @!p3 [sflag:s1], $0x800  }
0x1a3: {  	[sflag:s1] =	ssyncset.done @!p3 $0x0  }
0x1a4: {  	[sflag:s1] =	ssyncadd.s32 @!p3 $0xFFFFF800  }
0x1a5: {  	_ =	swait.ge @!p3 [sflag:s1], $0x800  }
0x1a6: {  	[sflag:s1] =	ssyncset.done @!p3 $0x0  }
0x1a7: {  	[sflag:s1] =	ssyncadd.s32 @!p3 $0xFFFFF800  }
0x1a8: {  	_ =	swait.ge @!p3 [sflag:s1], $0x800  }
0x1a9: {  	[sflag:s1] =	ssyncset.done @!p3 $0x0  }
0x1aa: {  	[sflag:s1] =	ssyncadd.s32 @!p3 $0xFFFFF800  }
0x1ab: {  	_ =	swait.ge @!p3 [sflag:s1], $0x800  }
0x1ac: {  	[sflag:s1] =	ssyncset.done @!p3 $0x0  }
0x1ad: {  	v14 =	vimm.s32 @!p3 $0x4000;
	[sflag:s1] =	ssyncadd.s32 @!p3 $0xFFFFF800  }
0x1ae: {  	[tilespmem:$0x1F100] =	vst @!p3 v14  }
0x1af: {  	s0 =	ssub.s32 s4, s0;
	[tilespmem:$0x1F180] =	vst @!p3 v14  }
0x1b0: {  	p4 =	slt.s32 s0, $0x1;
	[tilespmem:$0x1F200] =	vst @!p3 v14  }
.Ltmp21:
0x1b1: {  	[tilespmem:$0x1F280] =	vst @!p3 v14;
	(pc) =	sbr.rel @p4 .LBB2_28-.Ltmp21, $4  }
0x1b2: {  	[tilespmem:$0x1F300] =	vst @!p3 v14  }
0x1b3: {  	[tilespmem:$0x1F380] =	vst @!p3 v14  }
0x1b4: {  	[tilespmem:$0x1F400] =	vst @!p3 v14  }
0x1b5: {  	s3 =	simm.s32 @!p3 $0x0;
	[tilespmem:$0x1F480] =	vst @!p3 v14  }
0x1b6: {  	s0 =	simm.s32 $0x0  }
0x1b7: {  	v14 =	vmov s0  }
0x1b8: {  	vm0 =	veq.s32 v14, v3  }
0x1b9: {  	v14 =	vnsel vm0, $0x0, v13  }
0x1ba: {  	(xrf0) =	vadd.scan.msk.s32 $0xffff, v14;
	_ =	sdelay $0x5  }
0x1bb: {  	v14, _, _ =	vpop (xrf0)  }
0x1bc: {  	(v2sf) =	vpush v14, $0xF;
	_ =	sdelay $0xc  }
0x1bd: {  	p3 =	sgt.s32 s29, $0x1;
	s5 =	smov.u32 s29  }
0x1be: {  	s5 =	simm.s32 @!p3 $0x1  }
0x1bf: {  	s9 =	smin.u32 s5, $0x10;
	s20 =	spop (v2sf)  }
0x1c0: {  	p4 =	sne.s32 s9, $0x1;
	s1 =	sand.u32 $0x1FF, s20  }
.Ltmp22:
0x1c1: {  	v14 =	vmov s1;
	(pc) =	sbr.rel @!p4 .LBB2_22-.Ltmp22, $4  }
0x1c2: {  	v15 =	vshll.u32 v14, $0x3  }
0x1c3: {  	s24 =	sshll.u32 s3, $0x9;
	v14 =	vand.u32 $0x7F, v14;
	v15 =	vand.u32 $0xC00, v15  }
0x1c4: {  	s7 =	sshll.u32 s3, $0x3;
	s1 =	sshra.s32 s24, $0x2;
	v14 =	vor.u32 v14, v15  }
0x1c5: {  	s11 =	simm.s32 $0x1;
	p3 =	por $0x0, $0x0;
	s24 =	sadd.s32 $0x1B120, s1;
	v15 =	vor.u32 v5, v14  }
0x1c6: {  	_ = 	snop  }
0x1c7: {  	v16 =	vmov s11  }
0x1c8: {  	vm0 =	veq.s32 v16, v3  }
0x1c9: {  	v16 =	vnsel vm0, $0x0, v13  }
0x1ca: {  	v15 =	vld.idx.msk [tilespmem:v15+s18+$0x0], $0xffff;
	(xrf0) =	vadd.scan.msk.s32 $0xffff, v16  }
0x1cb: {  	v16 =	vor.u32 v7, v14;
	_ =	sdelay $0x3  }
0x1cc: {  	[tilespmem:s24+$0xFFFFFFE0] =	vst v15  }
0x1cd: {  	v15 =	vld.idx.msk [tilespmem:v16+s18+$0x0], $0xffff;
	v16, _, _ =	vpop (xrf0)  }
0x1ce: {  	(v2sf) =	vpush v16, $0xF  }
0x1cf: {  	v17 =	vor.u32 v8, v14;
	_ =	sdelay $0x3  }
0x1d0: {  	[tilespmem:s24+$0xFFFFFFF0] =	vst v15  }
0x1d1: {  	v15 =	vld.idx.msk [tilespmem:v17+s18+$0x0], $0xffff  }
0x1d2: {  	v14 =	vor.u32 v9, v14;
	_ =	sdelay $0x3  }
0x1d3: {  	[tilespmem:s24+$0x0] =	vst v15  }
0x1d4: {  	v14 =	vld.idx.msk [tilespmem:v14+s18+$0x0], $0xffff;
	_ =	sdelay $0x2  }
0x1d5: {  	s16 =	spop (v2sf)  }
0x1d6: {  	s0 =	sand.u32 $0x1FF, s16  }
0x1d7: {  	[tilespmem:s24+$0x10] =	vst v14;
	v14 =	vmov s0  }
0x1d8: {  	s5 =	sand.u32 $0xFFFFFF80, s7;
	v15 =	vshll.u32 v14, $0x3  }
0x1d9: {  	p4 =	sne.s32 s9, $0x2;
	v16 =	vld [tilespmem:s5+$0x1F100];
	v14 =	vand.u32 $0x7F, v14;
	v15 =	vand.u32 $0xC00, v15  }
.Ltmp23:
0x1da: {  	s13 =	sadd.s32 $0x0, s3;
	v14 =	vor.u32 v14, v15;
	(pc) =	sbr.rel @!p4 .LBB2_24-.Ltmp23, $4  }
0x1db: {  	s0 =	sand.u32 $0xF, s13;
	v15 =	vor.u32 v5, v14  }
0x1dc: {  	v17 =	vmov s0  }
0x1dd: {  	s20 =	sshra.s32 s20, $0xF;
	s10 =	simm.s32 $0x2;
	vm15 =	veq.s32 v17, v3  }
0x1de: {  	p3 =	por $0x1, $0x1;
	s8 =	smov.u32 s24;
	s1 =	smov.u32 s7;
	v16 =	vsel vm15, s20, v16  }
.LBB2_25:
0x1df: {  	v17 =	vmov s10;
	[tilespmem:s5+$0x1F100] =	vst v16;
	s0 =	smov.u32 s10;
	s10 =	sadd.s32 $0x1, s10  }
0x1e0: {  	vm0 =	veq.s32 v17, v3;
	p4 =	sne.s32 s9, s10;
	v15 =	vld.idx.msk [tilespmem:v15+s18+$0x0], $0xffff  }
0x1e1: {  	v16 =	vnsel vm0, $0x0, v13  }
0x1e2: {  	(xrf0) =	vadd.scan.msk.s32 $0xffff, v16;
	v16 =	vor.u32 v7, v14;
	_ =	sdelay $0x2  }
0x1e3: {  	s8 =	sadd.s32 $0x80, s8  }
0x1e4: {  	[tilespmem:s8+$0xFFFFFFE0] =	vst v15  }
0x1e5: {  	v15 =	vld.idx.msk [tilespmem:v16+s18+$0x0], $0xffff  }
0x1e6: {  	v16, _, _ =	vpop (xrf0)  }
0x1e7: {  	(v2sf) =	vpush v16, $0xF;
	v16 =	vor.u32 v8, v14;
	_ =	sdelay $0x3  }
0x1e8: {  	[tilespmem:s8+$0xFFFFFFF0] =	vst v15  }
0x1e9: {  	v15 =	vld.idx.msk [tilespmem:v16+s18+$0x0], $0xffff;
	_ =	sdelay $0x1  }
0x1ea: {  	v14 =	vor.u32 v9, v14;
	_ =	sdelay $0x3  }
0x1eb: {  	[tilespmem:s8+$0x0] =	vst v15  }
0x1ec: {  	v14 =	vld.idx.msk [tilespmem:v14+s18+$0x0], $0xffff;
	_ =	sdelay $0x2  }
0x1ed: {  	s20 =	spop (v2sf)  }
0x1ee: {  	s5 =	sand.u32 $0x1FF, s20  }
0x1ef: {  	s1 =	sadd.s32 $0x8, s1;
	v15 =	vmov s5  }
0x1f0: {  	s5 =	sand.u32 $0xFFFFFF80, s1;
	v16 =	vshll.u32 v15, $0x3;
	[tilespmem:s8+$0x10] =	vst v14  }
0x1f1: {  	v14 =	vand.u32 $0x7F, v15;
	v15 =	vand.u32 $0xC00, v16;
	v16 =	vld [tilespmem:s5+$0x1F100]  }
.Ltmp24:
0x1f2: {  	s13 =	sadd.s32 s11, s3;
	s11 =	smov.u32 s0;
	v14 =	vor.u32 v14, v15;
	(pc) =	sbr.rel @p4 .LBB2_25-.Ltmp24, $4  }
0x1f3: {  	s0 =	sand.u32 $0xF, s13;
	v15 =	vor.u32 v5, v14  }
0x1f4: {  	v17 =	vmov s0  }
0x1f5: {  	s0 =	sshra.s32 s16, $0xF;
	vm0 =	veq.s32 v17, v3;
	s16 =	smov.u32 s20  }
0x1f6: {  	v16 =	vsel vm0, s0, v16  }
.Ltmp25:
0x1f7: {  	(pc) =	sbr.rel .LBB2_27-.Ltmp25, $2  }
0x1f8: {  	_ =	sdelay $0x2  }
0x1f9: {  	s0 =	smov.u32 s11;
	s20 =	smov.u32 s16  }
.LBB2_24:
.Ltmp26:
0x1fa: {  	(pc) =	sbr.rel .LBB2_27-.Ltmp26, $3  }
0x1fb: {  	_ =	sdelay $0x1  }
0x1fc: {  	s8 =	smov.u32 s24  }
0x1fd: {  	s1 =	smov.u32 s7;
	s0 =	simm.s32 $0x1;
	s20 =	smov.u32 s16  }
.LBB2_39:
0x1fe: {  	s10 =	simm.s32 $0x1;
	s24 =	smov.u32 s8;
	s7 =	smov.u32 s1  }
.LBB2_44:
0x1ff: {  	_ =	sdelay $0x2  }
0x200: {  	[tilespmem:s5+$0x1F100] =	vst @p2 v16  }
0x201: {  	v13 =	vld.idx.msk [tilespmem:v15+s19+$0x0], $0xffff  }
0x202: {  	v15 =	vor.u32 v7, v14;
	_ =	sdelay $0x1  }
0x203: {  	s5 =	sadd.s32 @p2 $0x80, s24  }
0x204: {  	s8 =	smov.u32 @p2 s5  }
0x205: {  	[tilespmem:s8+$0xFFFFFFE0] =	vst v13  }
0x206: {  	v13 =	vld.idx.msk [tilespmem:v15+s19+$0x0], $0xffff  }
0x207: {  	v15 =	vor.u32 v8, v14;
	_ =	sdelay $0x3  }
0x208: {  	[tilespmem:s8+$0xFFFFFFF0] =	vst v13  }
0x209: {  	v13 =	vld.idx.msk [tilespmem:v15+s19+$0x0], $0xffff  }
0x20a: {  	v14 =	vor.u32 v9, v14;
	_ =	sdelay $0x3  }
0x20b: {  	[tilespmem:s8+$0x0] =	vst v13  }
0x20c: {  	v13 =	vld.idx.msk [tilespmem:v14+s19+$0x0], $0xffff;
	_ =	sdelay $0x2  }
0x20d: {  	s5 =	sadd.s32 @p2 $0x8, s7  }
0x20e: {  	s1 =	smov.u32 @p2 s5  }
0x20f: {  	s1 =	sand.u32 $0xFFFFFF80, s1;
	[tilespmem:s8+$0x10] =	vst v13  }
0x210: {  	v13 =	vld [tilespmem:s1+$0x1F100]  }
0x211: {  	s0 =	sadd.s32 s0, s3  }
0x212: {  	s0 =	sand.u32 $0xF, s0  }
0x213: {  	v14 =	vmov s0  }
0x214: {  	s24 =	sshra.s32 s20, $0xF;
	vm0 =	veq.s32 v14, v3  }
0x215: {  	v13 =	vsel vm0, s24, v13  }
0x216: {  	s3 =	sadd.s32 s10, s3;
	[tilespmem:s1+$0x1F100] =	vst v13  }
.LBB2_45:
0x217: {  	s30 =	sadd.s32 $0x1, s30  }
0x218: {  	p2 =	sne.s32 s30, s28  }
.Ltmp27:
0x219: {  	_ = 	snop;
	(pc) =	sbr.rel @!p2 .LBB2_46-.Ltmp27, $2  }
0x21a: {  	_ =	sdelay $0x2  }
0x21b: {  	s4 =	sadd.s32 $0xFFFFFFF0, s4  }
.LBB2_37:
0x21c: {  	s0 =	sshll.u32 s30, $0x4;
	p2 =	slt.s32 s3, $0x71  }
0x21d: {  	s1 =	simm.s32 @!p2 $0x10;
	s5 =	simm.s32 @!p2 $0x1F100;
	s7 =	simm.s32 @!p2 $0x1B100  }
0x21e: {  	v13 =	vld [tilespmem:s0+$0x5080];
	[hbm4b:s6+s1] =	stream.indirect.scatter @!p2 [tilespmem:s7], [sflag:$0x1], $0x80, s5, s1, $0xb8  }
0x21f: {  	s5 =	simm.s32 @!p2 $0x1F180;
	s7 =	simm.s32 @!p2 $0x1B900  }
0x220: {  	[hbm4b:s6+s1] =	stream.indirect.scatter @!p2 [tilespmem:s7], [sflag:$0x1], $0x80, s5, s1, $0xb8;
	[tilespmem:$0x1F500] =	vst v63  }
0x221: {  	s5 =	simm.s32 @!p2 $0x1F200;
	s7 =	simm.s32 @!p2 $0x1C100  }
0x222: {  	[hbm4b:s6+s1] =	stream.indirect.scatter @!p2 [tilespmem:s7], [sflag:$0x1], $0x80, s5, s1, $0xb8;
	[tilespmem:$0x1F500] =	vst v63  }
0x223: {  	s5 =	simm.s32 @!p2 $0x1F280;
	s7 =	simm.s32 @!p2 $0x1C900  }
0x224: {  	[hbm4b:s6+s1] =	stream.indirect.scatter @!p2 [tilespmem:s7], [sflag:$0x1], $0x80, s5, s1, $0xb8;
	[tilespmem:$0x1F500] =	vst v63  }
0x225: {  	s5 =	simm.s32 @!p2 $0x1F300;
	s7 =	simm.s32 @!p2 $0x1D100  }
0x226: {  	[hbm4b:s6+s1] =	stream.indirect.scatter @!p2 [tilespmem:s7], [sflag:$0x1], $0x80, s5, s1, $0xb8;
	[tilespmem:$0x1F500] =	vst v63  }
0x227: {  	s5 =	simm.s32 @!p2 $0x1F380;
	s7 =	simm.s32 @!p2 $0x1D900  }
0x228: {  	[hbm4b:s6+s1] =	stream.indirect.scatter @!p2 [tilespmem:s7], [sflag:$0x1], $0x80, s5, s1, $0xb8;
	[tilespmem:$0x1F500] =	vst v63  }
0x229: {  	s5 =	simm.s32 @!p2 $0x1F400;
	s7 =	simm.s32 @!p2 $0x1E100  }
0x22a: {  	[hbm4b:s6+s1] =	stream.indirect.scatter @!p2 [tilespmem:s7], [sflag:$0x1], $0x80, s5, s1, $0xb8;
	[tilespmem:$0x1F500] =	vst v63  }
0x22b: {  	s5 =	simm.s32 @!p2 $0x1F480;
	s7 =	simm.s32 @!p2 $0x1E900  }
0x22c: {  	[hbm4b:s6+s1] =	stream.indirect.scatter @!p2 [tilespmem:s7], [sflag:$0x1], $0x80, s5, s1, $0xb8;
	[tilespmem:$0x1F500] =	vst v63  }
0x22d: {  	s1 =	simm.s32 @!p2 $0x1  }
0x22e: {  	_ =	swait.ge @!p2 [sflag:s1], $0x800  }
0x22f: {  	[sflag:s1] =	ssyncset.done @!p2 $0x0  }
0x230: {  	[sflag:s1] =	ssyncadd.s32 @!p2 $0xFFFFF800  }
0x231: {  	_ =	swait.ge @!p2 [sflag:s1], $0x800  }
0x232: {  	[sflag:s1] =	ssyncset.done @!p2 $0x0  }
0x233: {  	[sflag:s1] =	ssyncadd.s32 @!p2 $0xFFFFF800  }
0x234: {  	_ =	swait.ge @!p2 [sflag:s1], $0x800  }
0x235: {  	[sflag:s1] =	ssyncset.done @!p2 $0x0  }
0x236: {  	[sflag:s1] =	ssyncadd.s32 @!p2 $0xFFFFF800  }
0x237: {  	_ =	swait.ge @!p2 [sflag:s1], $0x800  }
0x238: {  	[sflag:s1] =	ssyncset.done @!p2 $0x0  }
0x239: {  	[sflag:s1] =	ssyncadd.s32 @!p2 $0xFFFFF800  }
0x23a: {  	_ =	swait.ge @!p2 [sflag:s1], $0x800  }
0x23b: {  	[sflag:s1] =	ssyncset.done @!p2 $0x0  }
0x23c: {  	[sflag:s1] =	ssyncadd.s32 @!p2 $0xFFFFF800  }
0x23d: {  	_ =	swait.ge @!p2 [sflag:s1], $0x800  }
0x23e: {  	[sflag:s1] =	ssyncset.done @!p2 $0x0  }
0x23f: {  	[sflag:s1] =	ssyncadd.s32 @!p2 $0xFFFFF800  }
0x240: {  	_ =	swait.ge @!p2 [sflag:s1], $0x800  }
0x241: {  	[sflag:s1] =	ssyncset.done @!p2 $0x0  }
0x242: {  	[sflag:s1] =	ssyncadd.s32 @!p2 $0xFFFFF800  }
0x243: {  	_ =	swait.ge @!p2 [sflag:s1], $0x800  }
0x244: {  	[sflag:s1] =	ssyncset.done @!p2 $0x0  }
0x245: {  	v14 =	vimm.s32 @!p2 $0x4000;
	[sflag:s1] =	ssyncadd.s32 @!p2 $0xFFFFF800  }
0x246: {  	[tilespmem:$0x1F100] =	vst @!p2 v14  }
0x247: {  	s0 =	ssub.s32 s31, s0;
	[tilespmem:$0x1F180] =	vst @!p2 v14  }
0x248: {  	p3 =	slt.s32 s0, $0x1;
	[tilespmem:$0x1F200] =	vst @!p2 v14  }
.Ltmp28:
0x249: {  	[tilespmem:$0x1F280] =	vst @!p2 v14;
	(pc) =	sbr.rel @p3 .LBB2_45-.Ltmp28, $4  }
0x24a: {  	[tilespmem:$0x1F300] =	vst @!p2 v14  }
0x24b: {  	[tilespmem:$0x1F380] =	vst @!p2 v14  }
0x24c: {  	[tilespmem:$0x1F400] =	vst @!p2 v14  }
0x24d: {  	s3 =	simm.s32 @!p2 $0x0;
	[tilespmem:$0x1F480] =	vst @!p2 v14  }
0x24e: {  	s0 =	simm.s32 $0x0  }
0x24f: {  	v14 =	vmov s0  }
0x250: {  	vm0 =	veq.s32 v14, v3  }
0x251: {  	v14 =	vnsel vm0, $0x0, v13  }
0x252: {  	(xrf0) =	vadd.scan.msk.s32 $0xffff, v14;
	_ =	sdelay $0x5  }
0x253: {  	v14, _, _ =	vpop (xrf0)  }
0x254: {  	(v2sf) =	vpush v14, $0xF;
	_ =	sdelay $0xc  }
0x255: {  	p2 =	sgt.s32 s4, $0x1;
	s5 =	smov.u32 s4  }
0x256: {  	s5 =	simm.s32 @!p2 $0x1  }
0x257: {  	s9 =	smin.u32 s5, $0x10;
	s20 =	spop (v2sf)  }
0x258: {  	p3 =	sne.s32 s9, $0x1;
	s1 =	sand.u32 $0x1FF, s20  }
.Ltmp29:
0x259: {  	v14 =	vmov s1;
	(pc) =	sbr.rel @!p3 .LBB2_39-.Ltmp29, $4  }
0x25a: {  	v15 =	vshll.u32 v14, $0x3  }
0x25b: {  	s24 =	sshll.u32 s3, $0x9;
	v14 =	vand.u32 $0x7F, v14;
	v15 =	vand.u32 $0xC00, v15  }
0x25c: {  	s11 =	simm.s32 $0x1;
	s5 =	sshra.s32 s24, $0x2;
	v14 =	vor.u32 v14, v15  }
0x25d: {  	p2 =	por $0x0, $0x0;
	s8 =	sadd.s32 $0x1B120, s5;
	s1 =	sshll.u32 s3, $0x3;
	v15 =	vor.u32 v5, v14  }
0x25e: {  	_ = 	snop  }
0x25f: {  	v16 =	vmov s11  }
0x260: {  	vm0 =	veq.s32 v16, v3  }
0x261: {  	v16 =	vnsel vm0, $0x0, v13  }
0x262: {  	v15 =	vld.idx.msk [tilespmem:v15+s19+$0x0], $0xffff;
	(xrf0) =	vadd.scan.msk.s32 $0xffff, v16  }
0x263: {  	v16 =	vor.u32 v7, v14;
	_ =	sdelay $0x3  }
0x264: {  	[tilespmem:s8+$0xFFFFFFE0] =	vst v15  }
0x265: {  	v15 =	vld.idx.msk [tilespmem:v16+s19+$0x0], $0xffff;
	v16, _, _ =	vpop (xrf0)  }
0x266: {  	(v2sf) =	vpush v16, $0xF  }
0x267: {  	v17 =	vor.u32 v8, v14;
	_ =	sdelay $0x3  }
0x268: {  	[tilespmem:s8+$0xFFFFFFF0] =	vst v15  }
0x269: {  	v15 =	vld.idx.msk [tilespmem:v17+s19+$0x0], $0xffff  }
0x26a: {  	v14 =	vor.u32 v9, v14;
	_ =	sdelay $0x3  }
0x26b: {  	[tilespmem:s8+$0x0] =	vst v15  }
0x26c: {  	v14 =	vld.idx.msk [tilespmem:v14+s19+$0x0], $0xffff;
	_ =	sdelay $0x2  }
0x26d: {  	s16 =	spop (v2sf)  }
0x26e: {  	s0 =	sand.u32 $0x1FF, s16  }
0x26f: {  	[tilespmem:s8+$0x10] =	vst v14;
	v14 =	vmov s0  }
0x270: {  	s5 =	sand.u32 $0xFFFFFF80, s1;
	v15 =	vshll.u32 v14, $0x3  }
0x271: {  	p3 =	sne.s32 s9, $0x2;
	v16 =	vld [tilespmem:s5+$0x1F100];
	v14 =	vand.u32 $0x7F, v14;
	v15 =	vand.u32 $0xC00, v15  }
.Ltmp30:
0x272: {  	s13 =	sadd.s32 $0x0, s3;
	v14 =	vor.u32 v14, v15;
	(pc) =	sbr.rel @!p3 .LBB2_41-.Ltmp30, $4  }
0x273: {  	s0 =	sand.u32 $0xF, s13;
	v15 =	vor.u32 v5, v14  }
0x274: {  	v17 =	vmov s0  }
0x275: {  	s24 =	sshra.s32 s20, $0xF;
	s10 =	simm.s32 $0x2;
	vm15 =	veq.s32 v17, v3  }
0x276: {  	p2 =	por $0x1, $0x1;
	s7 =	smov.u32 s1;
	v16 =	vsel vm15, s24, v16;
	s24 =	smov.u32 s8  }
.LBB2_42:
0x277: {  	v17 =	vmov s10;
	[tilespmem:s5+$0x1F100] =	vst v16;
	s0 =	smov.u32 s10;
	s10 =	sadd.s32 $0x1, s10  }
0x278: {  	vm0 =	veq.s32 v17, v3;
	p3 =	sne.s32 s9, s10;
	v15 =	vld.idx.msk [tilespmem:v15+s19+$0x0], $0xffff  }
0x279: {  	v16 =	vnsel vm0, $0x0, v13  }
0x27a: {  	(xrf0) =	vadd.scan.msk.s32 $0xffff, v16;
	v16 =	vor.u32 v7, v14;
	_ =	sdelay $0x2  }
0x27b: {  	s24 =	sadd.s32 $0x80, s24  }
0x27c: {  	[tilespmem:s24+$0xFFFFFFE0] =	vst v15  }
0x27d: {  	v15 =	vld.idx.msk [tilespmem:v16+s19+$0x0], $0xffff  }
0x27e: {  	v16, _, _ =	vpop (xrf0)  }
0x27f: {  	(v2sf) =	vpush v16, $0xF;
	v16 =	vor.u32 v8, v14;
	_ =	sdelay $0x3  }
0x280: {  	[tilespmem:s24+$0xFFFFFFF0] =	vst v15  }
0x281: {  	v15 =	vld.idx.msk [tilespmem:v16+s19+$0x0], $0xffff;
	_ =	sdelay $0x1  }
0x282: {  	v14 =	vor.u32 v9, v14;
	_ =	sdelay $0x3  }
0x283: {  	[tilespmem:s24+$0x0] =	vst v15  }
0x284: {  	v14 =	vld.idx.msk [tilespmem:v14+s19+$0x0], $0xffff;
	_ =	sdelay $0x2  }
0x285: {  	s13 =	spop (v2sf)  }
0x286: {  	s5 =	sand.u32 $0x1FF, s13  }
0x287: {  	s7 =	sadd.s32 $0x8, s7;
	v15 =	vmov s5  }
0x288: {  	s5 =	sand.u32 $0xFFFFFF80, s7;
	v16 =	vshll.u32 v15, $0x3;
	[tilespmem:s24+$0x10] =	vst v14  }
0x289: {  	v14 =	vand.u32 $0x7F, v15;
	v15 =	vand.u32 $0xC00, v16;
	v16 =	vld [tilespmem:s5+$0x1F100]  }
.Ltmp31:
0x28a: {  	s20 =	sadd.s32 s11, s3;
	s11 =	smov.u32 s0;
	v14 =	vor.u32 v14, v15;
	(pc) =	sbr.rel @p3 .LBB2_42-.Ltmp31, $4  }
0x28b: {  	s0 =	sand.u32 $0xF, s20;
	v15 =	vor.u32 v5, v14  }
0x28c: {  	v17 =	vmov s0  }
0x28d: {  	s0 =	sshra.s32 s16, $0xF;
	vm0 =	veq.s32 v17, v3;
	s16 =	smov.u32 s13  }
0x28e: {  	v16 =	vsel vm0, s0, v16  }
.Ltmp32:
0x28f: {  	(pc) =	sbr.rel .LBB2_44-.Ltmp32, $2  }
0x290: {  	_ =	sdelay $0x2  }
0x291: {  	s0 =	smov.u32 s11;
	s20 =	smov.u32 s16  }
.LBB2_41:
.Ltmp33:
0x292: {  	(pc) =	sbr.rel .LBB2_44-.Ltmp33, $3  }
0x293: {  	_ =	sdelay $0x1  }
0x294: {  	s24 =	smov.u32 s8  }
0x295: {  	s7 =	smov.u32 s1;
	s0 =	simm.s32 $0x1;
	s20 =	smov.u32 s16  }
.LBB2_14:
.Ltmp34:
0x296: {  	(pc) =	sbr.rel .LBB2_18-.Ltmp34, $2  }
0x297: {  	_ =	sdelay $0x2  }
0x298: {  	s0 =	simm.s32 $0x0  }
.LBB2_31:
.Ltmp35:
0x299: {  	(pc) =	sbr.rel .LBB2_35-.Ltmp35, $2  }
0x29a: {  	_ =	sdelay $0x2  }
0x29b: {  	s0 =	simm.s32 $0x0  }
.LBB2_16:
.Ltmp36:
0x29c: {  	(pc) =	sbr.rel .LBB2_18-.Ltmp36, $2  }
0x29d: {  	_ =	sdelay $0x2  }
0x29e: {  	s0 =	simm.s32 $0x0  }
.LBB2_33:
.Ltmp37:
0x29f: {  	(pc) =	sbr.rel .LBB2_35-.Ltmp37, $2  }
0x2a0: {  	_ =	sdelay $0x2  }
0x2a1: {  	s0 =	simm.s32 $0x0  }
.LBB2_47:
0x2a2: {  	_ =	swait.ge [sflag:s21], $0x8000  }
0x2a3: {  	[sflag:s21] =	ssyncset.done $0x0  }
0x2a4: {  	[sflag:s21] =	ssyncadd.s32 $0xFFFF8000  }
0x2a5: {  	_ =	swait.ge [sflag:s22], $0x8000  }
0x2a6: {  	[sflag:s22] =	ssyncset.done $0x0  }
0x2a7: {  	s1 =	simm.s32 @!p0 $0x0;
	p1 =	slt.s32 @!p0 s25, $0x1;
	[sflag:s22] =	ssyncadd.s32 $0xFFFF8000  }
0x2a8: {  	s0 =	simm.s32 @!p0 $0x19100;
	p1 =	por p0, p1;
	s4 =	rddreg [dreg:$0x2]  }
0x2a9: {  	[tilespmem:s0], [sflag:$0x4] =	stream.linear.gather @!p0 [hbm4b:s4+s1], $0x2000, $0x38;
	[tilespmem:$0x1F500] =	vst v63  }
.Ltmp38:
0x2aa: {  	_ = 	snop;
	(pc) =	sbr.rel @p1 .LBB2_63-.Ltmp38, $4  }
0x2ab: {  	s0 =	simm.s32 @!p0 $0x4  }
0x2ac: {  	_ =	swait.ge @!p0 [sflag:s0], $0x2000  }
0x2ad: {  	[sflag:s0] =	ssyncset.done @!p0 $0x0  }
0x2ae: {  	[sflag:s0] =	ssyncadd.s32 @!p0 $0xFFFFE000;
	s0 =	simm.s32 @!p0 $0x1000  }
0x2af: {  	p2 =	sne.s32 s25, $0x1  }
.Ltmp39:
0x2b0: {  	_ = 	snop;
	(pc) =	sbr.rel @!p2 .LBB2_49-.Ltmp39, $2  }
0x2b1: {  	_ =	sdelay $0x2  }
0x2b2: {  	v13 =	vld [tilespmem:s0+$0x0];
	s5 =	sadd.s32 $0xFFFFFFFF, s25;
	p1 =	por $0x0, $0x0  }
0x2b3: {  	_ =	sdelay $0x3  }
0x2b4: {  	v14 =	vand.u32 $0x7E00, v13  }
0x2b5: {  	vm0 =	veq.s32 v14, $0x7A00  }
0x2b6: {  	v14 =	vmpcnt.ones.xlane vm0;
	_ =	sdelay $0x1  }
0x2b7: {  	(v2sf) =	vpush v14, $0x0;
	_ =	sdelay $0x1  }
0x2b8: {  	p2 =	sne.s32 s5, $0x1  }
.Ltmp40:
0x2b9: {  	_ = 	snop;
	(pc) =	sbr.rel @!p2 .LBB2_51-.Ltmp40, $3  }
0x2ba: {  	_ =	sdelay $0x1  }
0x2bb: {  	s4 =	sadd.s32 $0x10, s0;
	[tilespmem:s1+$0x5080] =	vst.msk vm0, v13  }
0x2bc: {  	s5 =	sadd.s32 $0xFFFFFFFF, s5;
	p1 =	por $0x1, $0x1;
	s0 =	simm.s32 @!p0 $0x0;
	v13 =	vld [tilespmem:s4+$0x0]  }
.LBB2_52:
0x2bd: {  	p2 =	sne.s32 s5, $0x1;
	_ =	sdelay $0x3  }
0x2be: {  	v14 =	vand.u32 $0x7E00, v13  }
0x2bf: {  	vm0 =	veq.s32 v14, $0x7A00  }
0x2c0: {  	v14 =	vmpcnt.ones.xlane vm0  }
0x2c1: {  	s7 =	spop (v2sf)  }
0x2c2: {  	(v2sf) =	vpush v14, $0x0;
	s0 =	sadd.s32 s0, s7  }
0x2c3: {  	[tilespmem:s0+$0x5080] =	vst.msk vm0, v13;
	_ =	sdelay $0x1  }
.Ltmp41:
0x2c4: {  	(pc) =	sbr.rel @p2 .LBB2_52-.Ltmp41, $3  }
0x2c5: {  	_ =	sdelay $0x1  }
0x2c6: {  	s4 =	sadd.s32 $0x10, s4  }
0x2c7: {  	s5 =	sadd.s32 $0xFFFFFFFF, s5;
	v13 =	vld [tilespmem:s4+$0x0]  }
.LBB2_53:
0x2c8: {  	_ =	sdelay $0x3  }
0x2c9: {  	v14 =	vand.u32 $0x7E00, v13  }
0x2ca: {  	vm0 =	veq.s32 v14, $0x7A00  }
0x2cb: {  	v14 =	vmpcnt.ones.xlane vm0;
	_ =	sdelay $0x1  }
0x2cc: {  	(v2sf) =	vpush v14, $0x0;
	_ =	sdelay $0xc  }
0x2cd: {  	s4 =	spop @p1 (v2sf)  }
0x2ce: {  	s0 =	sadd.s32 @p1 s0, s4  }
0x2cf: {  	s1 =	smov.u32 @p1 s0;
	s31 =	spop (v2sf)  }
0x2d0: {  	s4 =	sadd.s32 s1, s31  }
0x2d1: {  	s0 =	sadd.s32 $0xF, s4  }
0x2d2: {  	s25 =	sshra.s32 s0, $0x4  }
0x2d3: {  	p1 =	slt.s32 s25, $0x1  }
.Ltmp42:
0x2d4: {  	_ = 	snop;
	(pc) =	sbr.rel @!p1 .LBB2_54-.Ltmp42, $4  }
.Ltmp43:
0x2d5: {  	_ = 	snop;
	(pc) =	sbr.rel @p1 .LBB2_63-.Ltmp43, $4  }
0x2d6: {  	_ = 	snop  }
0x2d7: {  	_ = 	snop  }
0x2d8: {  	s26 =	simm.s32 $0x0;
	[tilespmem:s1+$0x5080] =	vst.msk vm0, v13;
	s28 =	smov.u32 s4  }
0x2d9: {  	_ = 	snop  }
.LBB2_56:
0x2da: {  	s11 =	simm.s32 $0x1;
	s7 =	smov.u32 s8  }
.LBB2_61:
0x2db: {  	_ =	sdelay $0x2  }
0x2dc: {  	[tilespmem:s1+$0x0] =	vst v14  }
0x2dd: {  	v13 =	vld.idx.msk [tilespmem:v15+s23+$0x0], $0xffff;
	_ =	sdelay $0x2  }
0x2de: {  	s5 =	sadd.s32 @p1 $0x8, s7  }
0x2df: {  	s8 =	smov.u32 @p1 s5  }
0x2e0: {  	s30 =	sand.u32 $0xFFFFFF80, s8;
	[tilespmem:s1+$0x10] =	vst v13  }
0x2e1: {  	v13 =	vld [tilespmem:s30+$0x1F100]  }
0x2e2: {  	s0 =	sadd.s32 s0, s3  }
0x2e3: {  	s0 =	sand.u32 $0xF, s0  }
0x2e4: {  	v14 =	vmov s0;
	s31 =	spop (v2sf)  }
0x2e5: {  	vm0 =	veq.s32 v14, v3;
	s0 =	sshra.s32 s31, $0xF  }
0x2e6: {  	v13 =	vsel vm0, s0, v13  }
0x2e7: {  	s3 =	sadd.s32 s11, s3;
	[tilespmem:s30+$0x1F100] =	vst v13  }
.LBB2_62:
0x2e8: {  	s26 =	sadd.s32 $0x1, s26  }
0x2e9: {  	p1 =	sne.s32 s26, s25  }
.Ltmp44:
0x2ea: {  	_ = 	snop;
	(pc) =	sbr.rel @!p1 .LBB2_63-.Ltmp44, $2  }
0x2eb: {  	_ =	sdelay $0x2  }
0x2ec: {  	s28 =	sadd.s32 $0xFFFFFFF0, s28  }
.LBB2_54:
0x2ed: {  	s0 =	sshll.u32 s26, $0x4;
	p1 =	slt.s32 s3, $0x71  }
0x2ee: {  	s1 =	simm.s32 @!p1 $0x10;
	s5 =	simm.s32 @!p1 $0x1F100;
	s7 =	simm.s32 @!p1 $0x1B100  }
0x2ef: {  	v13 =	vld [tilespmem:s0+$0x5080];
	[hbm4b:s6+s1] =	stream.indirect.scatter @!p1 [tilespmem:s7], [sflag:$0x1], $0x80, s5, s1, $0xb8  }
0x2f0: {  	s5 =	simm.s32 @!p1 $0x1F180;
	s7 =	simm.s32 @!p1 $0x1B900  }
0x2f1: {  	[hbm4b:s6+s1] =	stream.indirect.scatter @!p1 [tilespmem:s7], [sflag:$0x1], $0x80, s5, s1, $0xb8;
	[tilespmem:$0x1F500] =	vst v63  }
0x2f2: {  	s5 =	simm.s32 @!p1 $0x1F200;
	s7 =	simm.s32 @!p1 $0x1C100  }
0x2f3: {  	[hbm4b:s6+s1] =	stream.indirect.scatter @!p1 [tilespmem:s7], [sflag:$0x1], $0x80, s5, s1, $0xb8;
	[tilespmem:$0x1F500] =	vst v63  }
0x2f4: {  	s5 =	simm.s32 @!p1 $0x1F280;
	s7 =	simm.s32 @!p1 $0x1C900  }
0x2f5: {  	[hbm4b:s6+s1] =	stream.indirect.scatter @!p1 [tilespmem:s7], [sflag:$0x1], $0x80, s5, s1, $0xb8;
	[tilespmem:$0x1F500] =	vst v63  }
0x2f6: {  	s5 =	simm.s32 @!p1 $0x1F300;
	s7 =	simm.s32 @!p1 $0x1D100  }
0x2f7: {  	[hbm4b:s6+s1] =	stream.indirect.scatter @!p1 [tilespmem:s7], [sflag:$0x1], $0x80, s5, s1, $0xb8;
	[tilespmem:$0x1F500] =	vst v63  }
0x2f8: {  	s5 =	simm.s32 @!p1 $0x1F380;
	s7 =	simm.s32 @!p1 $0x1D900  }
0x2f9: {  	[hbm4b:s6+s1] =	stream.indirect.scatter @!p1 [tilespmem:s7], [sflag:$0x1], $0x80, s5, s1, $0xb8;
	[tilespmem:$0x1F500] =	vst v63  }
0x2fa: {  	s5 =	simm.s32 @!p1 $0x1F400;
	s7 =	simm.s32 @!p1 $0x1E100  }
0x2fb: {  	[hbm4b:s6+s1] =	stream.indirect.scatter @!p1 [tilespmem:s7], [sflag:$0x1], $0x80, s5, s1, $0xb8;
	[tilespmem:$0x1F500] =	vst v63  }
0x2fc: {  	s5 =	simm.s32 @!p1 $0x1F480;
	s7 =	simm.s32 @!p1 $0x1E900  }
0x2fd: {  	[hbm4b:s6+s1] =	stream.indirect.scatter @!p1 [tilespmem:s7], [sflag:$0x1], $0x80, s5, s1, $0xb8;
	[tilespmem:$0x1F500] =	vst v63  }
0x2fe: {  	s1 =	simm.s32 @!p1 $0x1  }
0x2ff: {  	_ =	swait.ge @!p1 [sflag:s1], $0x800  }
0x300: {  	[sflag:s1] =	ssyncset.done @!p1 $0x0  }
0x301: {  	[sflag:s1] =	ssyncadd.s32 @!p1 $0xFFFFF800  }
0x302: {  	_ =	swait.ge @!p1 [sflag:s1], $0x800  }
0x303: {  	[sflag:s1] =	ssyncset.done @!p1 $0x0  }
0x304: {  	[sflag:s1] =	ssyncadd.s32 @!p1 $0xFFFFF800  }
0x305: {  	_ =	swait.ge @!p1 [sflag:s1], $0x800  }
0x306: {  	[sflag:s1] =	ssyncset.done @!p1 $0x0  }
0x307: {  	[sflag:s1] =	ssyncadd.s32 @!p1 $0xFFFFF800  }
0x308: {  	_ =	swait.ge @!p1 [sflag:s1], $0x800  }
0x309: {  	[sflag:s1] =	ssyncset.done @!p1 $0x0  }
0x30a: {  	[sflag:s1] =	ssyncadd.s32 @!p1 $0xFFFFF800  }
0x30b: {  	_ =	swait.ge @!p1 [sflag:s1], $0x800  }
0x30c: {  	[sflag:s1] =	ssyncset.done @!p1 $0x0  }
0x30d: {  	[sflag:s1] =	ssyncadd.s32 @!p1 $0xFFFFF800  }
0x30e: {  	_ =	swait.ge @!p1 [sflag:s1], $0x800  }
0x30f: {  	[sflag:s1] =	ssyncset.done @!p1 $0x0  }
0x310: {  	[sflag:s1] =	ssyncadd.s32 @!p1 $0xFFFFF800  }
0x311: {  	_ =	swait.ge @!p1 [sflag:s1], $0x800  }
0x312: {  	[sflag:s1] =	ssyncset.done @!p1 $0x0  }
0x313: {  	[sflag:s1] =	ssyncadd.s32 @!p1 $0xFFFFF800  }
0x314: {  	_ =	swait.ge @!p1 [sflag:s1], $0x800  }
0x315: {  	[sflag:s1] =	ssyncset.done @!p1 $0x0  }
0x316: {  	v14 =	vimm.s32 @!p1 $0x4000;
	[sflag:s1] =	ssyncadd.s32 @!p1 $0xFFFFF800  }
0x317: {  	[tilespmem:$0x1F100] =	vst @!p1 v14  }
0x318: {  	s0 =	ssub.s32 s4, s0;
	[tilespmem:$0x1F180] =	vst @!p1 v14  }
0x319: {  	p2 =	slt.s32 s0, $0x1;
	[tilespmem:$0x1F200] =	vst @!p1 v14  }
.Ltmp45:
0x31a: {  	[tilespmem:$0x1F280] =	vst @!p1 v14;
	(pc) =	sbr.rel @p2 .LBB2_62-.Ltmp45, $4  }
0x31b: {  	[tilespmem:$0x1F300] =	vst @!p1 v14  }
0x31c: {  	[tilespmem:$0x1F380] =	vst @!p1 v14  }
0x31d: {  	[tilespmem:$0x1F400] =	vst @!p1 v14  }
0x31e: {  	s3 =	simm.s32 @!p1 $0x0;
	[tilespmem:$0x1F480] =	vst @!p1 v14  }
0x31f: {  	s0 =	simm.s32 $0x0  }
0x320: {  	v14 =	vmov s0  }
0x321: {  	vm0 =	veq.s32 v14, v3  }
0x322: {  	v14 =	vnsel vm0, $0x0, v13  }
0x323: {  	(xrf0) =	vadd.scan.msk.s32 $0xffff, v14;
	_ =	sdelay $0x5  }
0x324: {  	v16, _, _ =	vpop (xrf0)  }
0x325: {  	v14 =	vand.u32 $0x1FF, v16  }
0x326: {  	v15 =	vbroadcast v14, $0xF;
	_ =	sdelay $0x1  }
0x327: {  	v14 =	vadd.s32 v6, v15;
	_ =	sdelay $0x4  }
0x328: {  	v14 =	vld.idx.msk [tilespmem:v14+s23+$0x0], $0xffff  }
0x329: {  	v17 =	vadd.s32 v10, v15  }
0x32a: {  	s1 =	sshll.u32 s3, $0x9  }
0x32b: {  	s1 =	sshra.s32 s1, $0x2  }
0x32c: {  	s1 =	sadd.s32 $0x1B120, s1  }
0x32d: {  	p1 =	sgt.s32 s28, $0x1;
	s5 =	smov.u32 s28;
	[tilespmem:s1+$0xFFFFFFE0] =	vst v14  }
0x32e: {  	s5 =	simm.s32 @!p1 $0x1;
	v14 =	vld.idx.msk [tilespmem:v17+s23+$0x0], $0xffff  }
0x32f: {  	s9 =	smin.u32 s5, $0x10;
	v17 =	vadd.s32 v11, v15  }
0x330: {  	p2 =	sne.s32 s9, $0x1  }
.Ltmp46:
0x331: {  	_ = 	snop;
	(pc) =	sbr.rel @!p2 .LBB2_56-.Ltmp46, $4  }
0x332: {  	_ = 	snop  }
0x333: {  	[tilespmem:s1+$0xFFFFFFF0] =	vst v14  }
0x334: {  	(v2sf) =	vpush v16, $0xF;
	v14 =	vld.idx.msk [tilespmem:v17+s23+$0x0], $0xffff  }
0x335: {  	s8 =	sshll.u32 s3, $0x3;
	s10 =	simm.s32 $0x1;
	p1 =	por $0x0, $0x0;
	v15 =	vadd.s32 v12, v15  }
0x336: {  	v16 =	vmov s10  }
0x337: {  	vm0 =	veq.s32 v16, v3  }
0x338: {  	v16 =	vnsel vm0, $0x0, v13  }
0x339: {  	(xrf0) =	vadd.scan.msk.s32 $0xffff, v16  }
0x33a: {  	[tilespmem:s1+$0x0] =	vst v14  }
0x33b: {  	v14 =	vld.idx.msk [tilespmem:v15+s23+$0x0], $0xffff;
	_ =	sdelay $0x3  }
0x33c: {  	v16, _, _ =	vpop (xrf0)  }
0x33d: {  	s0 =	sand.u32 $0xFFFFFF80, s8;
	[tilespmem:s1+$0x10] =	vst v14;
	v15 =	vand.u32 $0x1FF, v16  }
0x33e: {  	v14 =	vld [tilespmem:s0+$0x1F100];
	v15 =	vbroadcast v15, $0xF  }
0x33f: {  	s5 =	sadd.s32 $0x0, s3  }
0x340: {  	s5 =	sand.u32 $0xF, s5;
	v17 =	vadd.s32 v6, v15  }
0x341: {  	v18 =	vmov s5;
	s31 =	spop (v2sf)  }
0x342: {  	vm15 =	veq.s32 v18, v3;
	s5 =	sshra.s32 s31, $0xF  }
0x343: {  	v14 =	vsel vm15, s5, v14  }
0x344: {  	[tilespmem:s0+$0x1F100] =	vst v14  }
0x345: {  	v14 =	vld.idx.msk [tilespmem:v17+s23+$0x0], $0xffff  }
0x346: {  	v17 =	vadd.s32 v10, v15;
	_ =	sdelay $0x2  }
0x347: {  	s1 =	sadd.s32 $0x80, s1  }
0x348: {  	[tilespmem:s1+$0xFFFFFFE0] =	vst v14  }
0x349: {  	v14 =	vld.idx.msk [tilespmem:v17+s23+$0x0], $0xffff  }
0x34a: {  	v17 =	vadd.s32 v11, v15  }
0x34b: {  	p2 =	sne.s32 s9, $0x2  }
.Ltmp47:
0x34c: {  	_ = 	snop;
	(pc) =	sbr.rel @!p2 .LBB2_58-.Ltmp47, $4  }
0x34d: {  	_ = 	snop  }
0x34e: {  	[tilespmem:s1+$0xFFFFFFF0] =	vst v14  }
0x34f: {  	(v2sf) =	vpush v16, $0xF;
	v14 =	vld.idx.msk [tilespmem:v17+s23+$0x0], $0xffff  }
0x350: {  	s11 =	simm.s32 $0x2;
	p1 =	por $0x1, $0x1;
	s7 =	smov.u32 s8;
	v15 =	vadd.s32 v12, v15  }
.LBB2_59:
0x351: {  	v16 =	vmov s11;
	s0 =	smov.u32 s11;
	s11 =	sadd.s32 $0x1, s11  }
0x352: {  	vm0 =	veq.s32 v16, v3;
	p2 =	sne.s32 s9, s11  }
0x353: {  	v16 =	vnsel vm0, $0x0, v13  }
0x354: {  	(xrf0) =	vadd.scan.msk.s32 $0xffff, v16;
	[tilespmem:s1+$0x0] =	vst v14  }
0x355: {  	v14 =	vld.idx.msk [tilespmem:v15+s23+$0x0], $0xffff;
	_ =	sdelay $0x4  }
0x356: {  	s7 =	sadd.s32 $0x8, s7;
	v16, _, _ =	vpop (xrf0)  }
0x357: {  	s5 =	sand.u32 $0xFFFFFF80, s7;
	v15 =	vand.u32 $0x1FF, v16;
	[tilespmem:s1+$0x10] =	vst v14  }
0x358: {  	v15 =	vbroadcast v15, $0xF;
	v14 =	vld [tilespmem:s5+$0x1F100]  }
0x359: {  	s13 =	sadd.s32 s10, s3;
	s10 =	smov.u32 s0  }
0x35a: {  	s0 =	sand.u32 $0xF, s13;
	v17 =	vadd.s32 v6, v15  }
0x35b: {  	v18 =	vmov s0;
	s0 =	spop (v2sf)  }
0x35c: {  	vm0 =	veq.s32 v18, v3;
	s0 =	sshra.s32 s0, $0xF  }
0x35d: {  	v14 =	vsel vm0, s0, v14  }
0x35e: {  	[tilespmem:s5+$0x1F100] =	vst v14  }
0x35f: {  	v14 =	vld.idx.msk [tilespmem:v17+s23+$0x0], $0xffff;
	_ =	sdelay $0x1  }
0x360: {  	v17 =	vadd.s32 v10, v15;
	_ =	sdelay $0x2  }
0x361: {  	s1 =	sadd.s32 $0x80, s1  }
0x362: {  	[tilespmem:s1+$0xFFFFFFE0] =	vst v14  }
0x363: {  	v14 =	vld.idx.msk [tilespmem:v17+s23+$0x0], $0xffff;
	_ =	sdelay $0x1  }
0x364: {  	v17 =	vadd.s32 v11, v15;
	_ =	sdelay $0x2  }
.Ltmp48:
0x365: {  	(pc) =	sbr.rel @p2 .LBB2_59-.Ltmp48, $3  }
0x366: {  	[tilespmem:s1+$0xFFFFFFF0] =	vst v14  }
0x367: {  	v14 =	vld.idx.msk [tilespmem:v17+s23+$0x0], $0xffff;
	_ =	sdelay $0x1  }
0x368: {  	v15 =	vadd.s32 v12, v15;
	(v2sf) =	vpush v16, $0xF  }
.Ltmp49:
0x369: {  	(pc) =	sbr.rel .LBB2_61-.Ltmp49, $2  }
0x36a: {  	_ =	sdelay $0x2  }
0x36b: {  	s0 =	smov.u32 s10  }
.LBB2_58:
.Ltmp50:
0x36c: {  	(pc) =	sbr.rel .LBB2_61-.Ltmp50, $2  }
0x36d: {  	_ =	sdelay $0x2  }
0x36e: {  	s7 =	smov.u32 s8;
	s0 =	simm.s32 $0x1  }
.LBB2_49:
.Ltmp51:
0x36f: {  	(pc) =	sbr.rel .LBB2_53-.Ltmp51, $2  }
0x370: {  	_ =	sdelay $0x2  }
0x371: {  	s0 =	simm.s32 @!p0 $0x0  }
.LBB2_51:
.Ltmp52:
0x372: {  	(pc) =	sbr.rel .LBB2_53-.Ltmp52, $2  }
0x373: {  	_ =	sdelay $0x2  }
0x374: {  	s0 =	simm.s32 @!p0 $0x0  }
.LBB2_64:
0x375: {  	_ =	sfence.sel $0x180000  }
0x376: {  	[bflag:$0x0] =	sbarrier.arrive $0xFFFF  }
0x377: {  	_ =	strace $0x90000047  }
0x378: {  	s0 =	stileid.u32;
	[bflag:$0x2] =	sbarrier.arrive $0xFFFF  }
0x379: {  	p0 =	sne.s32 s0, $0x0;
	s0 =	rddreg [dreg:$0x4]  }
0x37a: {  	s0 =	sadd.s32 @!p0 $0x100000, s0  }
0x37b: {  	[sflag:s0] =	ssyncadd.tile.s32 @!p0 $0x1;
	_ =	shalt  }
.Lfunc_end2:
_tile_overlayer_lowered:
.L_overlay_start_2:
0x37c: {  	(tag) =	ssettag $0x2  }
0x37d: {  	s0 =	rddreg [dreg:$0x0];
	s2 =	stileid.u32  }
0x37e: {  	s1 =	rddreg [dreg:$0x1];
	p0 =	sne.s32 s2, $0x0  }
0x37f: {  	s3 =	rddreg [dreg:$0x2];
	[bflag:$0x3] =	sbarrier.arrive $0xFFFF;
	s2 =	simm.s32 @!p0 $0x1C04  }
0x380: {  	[timem:s3], [sflag:s2] =	dma.local @!p0 [hbm:s0], s1  }
0x381: {  	s0 =	simm.s32 @!p0 $0x4  }
0x382: {  	_ =	swait.ge @!p0 [sflag:s0], s1  }
0x383: {  	s1 =	ssub.s32 @!p0 $0x0, s1;
	[sflag:s0] =	ssyncset.done @!p0 $0x0  }
0x384: {  	[sflag:s0] =	ssyncadd.s32 @!p0 s1  }
0x385: {  	[bflag:$0x3] =	sbarrier.arrive $0xFFFF  }
0x386: {  	_ =	shalt  }

</sc_bundles>
